<compile_context>
chip_gen: v7x
topology: tpu7x:2x2x1
jax: 0.10.2.dev20260603
libtpu: 0.0.44.dev20260713+nightly
codegen_flags: <defaults>
</compile_context>

<pallas_src>
import functools

import jax
import jax.numpy as jnp
from jax import lax
from jax.experimental import pallas as pl
from jax.experimental.pallas import tpu as pltpu
from jax.experimental.pallas import tpu_sc as plsc

_BINS = 1024
_WIDTH = 128
_NC = 2
_NS = 16
_NW = _NC * _NS
_LANES = 16
_C = 128
_SC_ROWS = 256
_GPS = _SC_ROWS // _C
_NBUF = 3


def _sc_body(xt_hbm, table_hbm, out_hbm, table_sh, *bufs):
    xb = bufs[0:3]
    idxb = bufs[3:6]
    rows = bufs[6:9]
    xsem = bufs[9:12]
    gsem = bufs[12:15]
    ssem = bufs[15:18]
    seq, n_tot = xt_hbm.shape
    n_per_w = n_tot // _NW
    b_per_w = seq * n_per_w
    n_sc = b_per_w // _SC_ROWS
    spp = n_per_w // _SC_ROWS
    sid = lax.axis_index("s")
    wid = sid * _NC + lax.axis_index("c")
    ncol = wid * n_per_w

    rows_per_sub = _BINS // _NS
    pltpu.sync_copy(table_hbm.at[pl.ds(sid * rows_per_sub, rows_per_sub)],
                    table_sh.at[pl.ds(sid * rows_per_sub, rows_per_sub)])

    @pl.when(sid == 0)
    def _last_row():
        pltpu.sync_copy(table_hbm.at[pl.ds(_BINS, 1)],
                        table_sh.at[pl.ds(_BINS, 1)])

    def src_slice(i):
        return xt_hbm.at[pl.ds(i // spp, 1),
                         pl.ds(ncol + (i % spp) * _SC_ROWS, _SC_ROWS)]

    def xload_start(i, b):
        pltpu.async_copy(src_slice(i), xb[b], xsem[b])

    def xload_wait(i, b):
        pltpu.make_async_copy(src_slice(i), xb[b], xsem[b]).wait()

    def quantize(b):
        for m in range(_SC_ROWS // _LANES):
            xv = xb[b][0, pl.ds(m * _LANES, _LANES)]
            q = (xv * float(_BINS)).astype(jnp.int32)
            idxb[b][pl.ds(m * _LANES, _LANES)] = jnp.clip(q, 0, _BINS - 1)

    def out_start(i):
        return (i // spp) * n_tot + ncol + (i % spp) * _SC_ROWS

    def gather_start(i, b):
        del i
        for j in range(_GPS):
            pltpu.async_copy(table_sh.at[idxb[b].at[pl.ds(j * _C, _C)]],
                             rows[b].at[pl.ds(j * _C, _C)], gsem[b])

    def gather_wait(i, b):
        del i
        for j in range(_GPS):
            pltpu.make_async_copy(table_sh.at[idxb[b].at[pl.ds(j * _C, _C)]],
                                  rows[b].at[pl.ds(j * _C, _C)],
                                  gsem[b]).wait()

    def scatter_start(i, b):
        for j in range(_GPS):
            pltpu.async_copy(
                rows[b].at[pl.ds(j * _C, _C)],
                out_hbm.at[pl.ds(out_start(i) + j * _C, _C)], ssem[b])

    def scatter_wait(i, b):
        for j in range(_GPS):
            pltpu.make_async_copy(
                rows[b].at[pl.ds(j * _C, _C)],
                out_hbm.at[pl.ds(out_start(i) + j * _C, _C)],
                ssem[b]).wait()

    xload_start(0, 0)
    xload_start(1, 1)
    xload_wait(0, 0)
    quantize(0)
    plsc.subcore_barrier()
    gather_start(0, 0)

    xload_start(2, 2)
    xload_wait(1, 1)
    quantize(1)
    gather_start(1, 1)
    gather_wait(0, 0)
    scatter_start(0, 0)

    xload_start(3, 0)
    xload_wait(2, 2)
    quantize(2)
    gather_start(2, 2)
    gather_wait(1, 1)
    scatter_start(1, 1)

    @pl.loop(2, n_sc - 2, step=_NBUF)
    def _main(g):
        for db in range(_NBUF):
            i = g + db
            m0 = (2 + db) % _NBUF
            m1 = (2 + db + 1) % _NBUF
            m2 = (2 + db + 2) % _NBUF
            scatter_wait(i - 2, m1)
            xload_start(i + 2, m2)
            xload_wait(i + 1, m1)
            quantize(m1)
            gather_start(i + 1, m1)
            gather_wait(i, m0)
            scatter_start(i, m0)

    i = n_sc - 2
    scatter_wait(i - 2, 0)
    xload_wait(i + 1, 0)
    quantize(0)
    gather_start(i + 1, 0)
    gather_wait(i, 2)
    scatter_start(i, 2)

    i = n_sc - 1
    scatter_wait(i - 2, 1)
    gather_wait(i, 0)
    scatter_start(i, 0)

    scatter_wait(n_sc - 2, 2)
    scatter_wait(n_sc - 1, 0)


def kernel(x, embed_table):
    n, s = x.shape
    b = n * s
    mesh = plsc.VectorSubcoreMesh(core_axis_name="c", subcore_axis_name="s")

    call = functools.partial(
        pl.kernel,
        mesh=mesh,
        out_type=jax.ShapeDtypeStruct((b, _WIDTH), jnp.float32),
        compiler_params=pltpu.CompilerParams(use_tc_tiling_on_sc=True),
        scratch_types=(
            [pltpu.VMEM_SHARED((_BINS + 1, _WIDTH), jnp.float32)]
            + [pltpu.VMEM((1, _SC_ROWS), jnp.float32) for _ in range(3)]
            + [pltpu.VMEM((_SC_ROWS,), jnp.int32) for _ in range(3)]
            + [pltpu.VMEM((_SC_ROWS, _WIDTH), jnp.float32) for _ in range(3)]
            + [pltpu.SemaphoreType.DMA for _ in range(9)]
        ),
    )(_sc_body)

    out = call(x.T, embed_table)
    return out.reshape(s, n, _WIDTH).transpose(1, 0, 2)

# --- scband reference (transcript-rebuilt; emitter-appended) ---
"""Pipeline reference for scband-binned-embedding-4552665333948 (READ-ONLY COPY).

The authoritative reference and input builder live on the scoring server;
editing this copy changes nothing except your own understanding.
"""

import jax, jax.numpy as jnp
import numpy as np

VMIN = 0.0
VMAX = 1.0
BINS = 1024
WIDTH = 128

def setup_inputs(seed: int = 0) -> dict:
    key = jax.random.key(seed)
    k1, k2 = jax.random.split(key)
    x = jax.random.uniform(k1, (16384, 50), dtype=jnp.float32)
    embed_table = jax.random.normal(k2, (BINS + 1, WIDTH), dtype=jnp.float32)
    return {"x": x, "embed_table": embed_table}

def reference(x, embed_table):
    # quantize: qx = ((x - vmin) / (vmax - vmin) * bins).to(long), clamp to [0, bins-1]
    scaled = (x - VMIN) / (VMAX - VMIN) * BINS
    # torch long-cast truncates toward zero; values are >= 0 after clamp anyway
    safe = jnp.nan_to_num(scaled, nan=0.0)
    qx = jnp.clip(safe.astype(jnp.int32), 0, BINS - 1)
    # NaN inputs map to the extra bin index `bins`
    qx = jnp.where(jnp.isnan(x), BINS, qx)
    # embedding lookup (gather rows)
    return jnp.take(embed_table, qx, axis=0)

if __name__ == "__main__":
    import jax
    _d = setup_inputs()
    print(jax.jit(kernel)(*tuple(_d.values())))

</pallas_src>

<mosaic_0001>
#map = affine_map<(d0, d1) -> (0, 0)>
module attributes {stable_mosaic.version = 14 : i64} {
  func.func @_sc_body(%arg0: i32, %arg1: i32, %arg2: memref<50x16384xf32, #tpu.memory_space<hbm>>, %arg3: memref<1025x128xf32, #tpu.memory_space<hbm>>, %arg4: memref<819200x128xf32, #tpu.memory_space<hbm>>, %arg5: memref<1025x128xf32, #tpu.memory_space<vmem_shared>>, %arg6: memref<1x256xf32, #tpu.memory_space<vmem>>, %arg7: memref<1x256xf32, #tpu.memory_space<vmem>>, %arg8: memref<1x256xf32, #tpu.memory_space<vmem>>, %arg9: memref<256xi32, #tpu.memory_space<vmem>>, %arg10: memref<256xi32, #tpu.memory_space<vmem>>, %arg11: memref<256xi32, #tpu.memory_space<vmem>>, %arg12: memref<256x128xf32, #tpu.memory_space<vmem>>, %arg13: memref<256x128xf32, #tpu.memory_space<vmem>>, %arg14: memref<256x128xf32, #tpu.memory_space<vmem>>, %arg15: memref<!tpu.dma_semaphore, #tpu.memory_space<semaphore_mem>>, %arg16: memref<!tpu.dma_semaphore, #tpu.memory_space<semaphore_mem>>, %arg17: memref<!tpu.dma_semaphore, #tpu.memory_space<semaphore_mem>>, %arg18: memref<!tpu.dma_semaphore, #tpu.memory_space<semaphore_mem>>, %arg19: memref<!tpu.dma_semaphore, #tpu.memory_space<semaphore_mem>>, %arg20: memref<!tpu.dma_semaphore, #tpu.memory_space<semaphore_mem>>, %arg21: memref<!tpu.dma_semaphore, #tpu.memory_space<semaphore_mem>>, %arg22: memref<!tpu.dma_semaphore, #tpu.memory_space<semaphore_mem>>, %arg23: memref<!tpu.dma_semaphore, #tpu.memory_space<semaphore_mem>>) attributes {dimension_semantics = [#tpu.dimension_semantics<core_parallel>, #tpu.dimension_semantics<subcore_parallel>], iteration_bounds = array<i64: 2, 16>, scalar_prefetch = 0 : i64, scratch_operands = 19 : i64, tpu.core_type = #tpu.core_type<sc_vector_subcore>, window_params = [{transform_indices = #map}, {transform_indices = #map}, {transform_indices = #map}]} {
    %mul3A = arith.constant 2 : i32
    %mul3A_0 = arith.muli %arg1, %mul3A : i32
    %add3A = arith.addi %mul3A_0, %arg0 : i32
    %mul3A_1 = arith.constant 512 : i32
    %mul3A_2 = arith.muli %add3A, %mul3A_1 : i32
    %mul3A_3 = arith.constant 64 : i32
    %mul3A_4 = arith.muli %arg1, %mul3A_3 : i32
    %mul3A_5 = arith.constant 64 : i32
    %mul3A_6 = arith.muli %arg1, %mul3A_5 : i32
    "tpu.region"() ({
      %run_scoped3A = tpu.sem_alloc : memref<!tpu.dma_semaphore, #tpu.memory_space<semaphore_mem>>
      %dma_start3A_1654 = arith.constant 0 : i32
      %dma_start3A_1655 = tpu.memref_slice %arg5[%mul3A_6, %dma_start3A_1654] : memref<1025x128xf32, #tpu.memory_space<vmem_shared>> -> memref<64x128xf32, #tpu.memory_space<vmem_shared>>
      %dma_start3A_1656 = arith.constant 0 : i32
      %dma_start3A_1657 = tpu.memref_slice %arg3[%mul3A_4, %dma_start3A_1656] : memref<1025x128xf32, #tpu.memory_space<hbm>> -> memref<64x128xf32, #tpu.memory_space<hbm>>
      tpu.enqueue_dma source(%dma_start3A_1657 : memref<64x128xf32, #tpu.memory_space<hbm>>) target(%dma_start3A_1655 : memref<64x128xf32, #tpu.memory_space<vmem_shared>>) target_semaphore(%run_scoped3A : memref<!tpu.dma_semaphore, #tpu.memory_space<semaphore_mem>>)
      %dma_wait3A_1658 = arith.constant 0 : i32
      %dma_wait3A_1659 = tpu.memref_slice %arg5[%mul3A_6, %dma_wait3A_1658] : memref<1025x128xf32, #tpu.memory_space<vmem_shared>> -> memref<64x128xf32, #tpu.memory_space<vmem_shared>>
      %dma_wait3A_1660 = arith.constant 0 : i32
      %dma_wait3A_1661 = tpu.memref_slice %arg3[%mul3A_4, %dma_wait3A_1660] : memref<1025x128xf32, #tpu.memory_space<hbm>> -> memref<64x128xf32, #tpu.memory_space<hbm>>
      tpu.wait_dma2 semaphore(%run_scoped3A : memref<!tpu.dma_semaphore, #tpu.memory_space<semaphore_mem>>) src(%dma_wait3A_1661 : memref<64x128xf32, #tpu.memory_space<hbm>>) dst(%dma_wait3A_1659 : memref<64x128xf32, #tpu.memory_space<vmem_shared>>)
      tpu.yield
    }) : () -> ()
    %eq3A = arith.constant 0 : i32
    %eq3A_7 = arith.cmpi eq, %arg1, %eq3A : i32
    %convert_element_type3A = arith.extui %eq3A_7 : i1 to i32
    %cond3A = arith.constant 0 : i32
    %cond3A_8 = arith.cmpi ne, %convert_element_type3A, %cond3A : i32
    scf.if %cond3A_8 {
      "tpu.region"() ({
        %run_scoped3A = tpu.sem_alloc : memref<!tpu.dma_semaphore, #tpu.memory_space<semaphore_mem>>
        %dma_start3A_1654 = arith.constant 1024 : i32
        %dma_start3A_1655 = arith.constant 0 : i32
        %dma_start3A_1656 = tpu.memref_slice %arg5[%dma_start3A_1654, %dma_start3A_1655] : memref<1025x128xf32, #tpu.memory_space<vmem_shared>> -> memref<1x128xf32, #tpu.memory_space<vmem_shared>>
        %dma_start3A_1657 = arith.constant 1024 : i32
        %dma_start3A_1658 = arith.constant 0 : i32
        %dma_start3A_1659 = tpu.memref_slice %arg3[%dma_start3A_1657, %dma_start3A_1658] : memref<1025x128xf32, #tpu.memory_space<hbm>> -> memref<1x128xf32, #tpu.memory_space<hbm>>
        tpu.enqueue_dma source(%dma_start3A_1659 : memref<1x128xf32, #tpu.memory_space<hbm>>) target(%dma_start3A_1656 : memref<1x128xf32, #tpu.memory_space<vmem_shared>>) target_semaphore(%run_scoped3A : memref<!tpu.dma_semaphore, #tpu.memory_space<semaphore_mem>>)
        %dma_wait3A_1660 = arith.constant 1024 : i32
        %dma_wait3A_1661 = arith.constant 0 : i32
        %dma_wait3A_1662 = tpu.memref_slice %arg5[%dma_wait3A_1660, %dma_wait3A_1661] : memref<1025x128xf32, #tpu.memory_space<vmem_shared>> -> memref<1x128xf32, #tpu.memory_space<vmem_shared>>
        %dma_wait3A_1663 = arith.constant 1024 : i32
        %dma_wait3A_1664 = arith.constant 0 : i32
        %dma_wait3A_1665 = tpu.memref_slice %arg3[%dma_wait3A_1663, %dma_wait3A_1664] : memref<1025x128xf32, #tpu.memory_space<hbm>> -> memref<1x128xf32, #tpu.memory_space<hbm>>
        tpu.wait_dma2 semaphore(%run_scoped3A : memref<!tpu.dma_semaphore, #tpu.memory_space<semaphore_mem>>) src(%dma_wait3A_1665 : memref<1x128xf32, #tpu.memory_space<hbm>>) dst(%dma_wait3A_1662 : memref<1x128xf32, #tpu.memory_space<vmem_shared>>)
        tpu.yield
      }) : () -> ()
    } else {
    }
    %add3A_9 = arith.constant 0 : i32
    %add3A_10 = arith.addi %mul3A_2, %add3A_9 : i32
    %dma_start3A = arith.constant 0 : i32
    %dma_start3A_11 = tpu.memref_slice %arg2[%dma_start3A, %add3A_10] : memref<50x16384xf32, #tpu.memory_space<hbm>> -> memref<1x256xf32, #tpu.memory_space<hbm>>
    %dma_start3A_12 = arith.constant 0 : i32
    %dma_start3A_13 = tpu.memref_slice %arg2[%dma_start3A_12, %add3A_10] : memref<50x16384xf32, #tpu.memory_space<hbm>> -> memref<1x256xf32, #tpu.memory_space<hbm>>
    tpu.enqueue_dma source(%dma_start3A_13 : memref<1x256xf32, #tpu.memory_space<hbm>>) target(%arg6 : memref<1x256xf32, #tpu.memory_space<vmem>>) target_semaphore(%arg15 : memref<!tpu.dma_semaphore, #tpu.memory_space<semaphore_mem>>)
    %add3A_14 = arith.constant 256 : i32
    %add3A_15 = arith.addi %mul3A_2, %add3A_14 : i32
    %dma_start3A_16 = arith.constant 0 : i32
    %dma_start3A_17 = tpu.memref_slice %arg2[%dma_start3A_16, %add3A_15] : memref<50x16384xf32, #tpu.memory_space<hbm>> -> memref<1x256xf32, #tpu.memory_space<hbm>>
    %dma_start3A_18 = arith.constant 0 : i32
    %dma_start3A_19 = tpu.memref_slice %arg2[%dma_start3A_18, %add3A_15] : memref<50x16384xf32, #tpu.memory_space<hbm>> -> memref<1x256xf32, #tpu.memory_space<hbm>>
    tpu.enqueue_dma source(%dma_start3A_19 : memref<1x256xf32, #tpu.memory_space<hbm>>) target(%arg7 : memref<1x256xf32, #tpu.memory_space<vmem>>) target_semaphore(%arg16 : memref<!tpu.dma_semaphore, #tpu.memory_space<semaphore_mem>>)
    %add3A_20 = arith.constant 0 : i32
    %add3A_21 = arith.addi %mul3A_2, %add3A_20 : i32
    %dma_wait3A = arith.constant 0 : i32
    %dma_wait3A_22 = tpu.memref_slice %arg2[%dma_wait3A, %add3A_21] : memref<50x16384xf32, #tpu.memory_space<hbm>> -> memref<1x256xf32, #tpu.memory_space<hbm>>
    %dma_wait3A_23 = arith.constant 0 : i32
    %dma_wait3A_24 = tpu.memref_slice %arg2[%dma_wait3A_23, %add3A_21] : memref<50x16384xf32, #tpu.memory_space<hbm>> -> memref<1x256xf32, #tpu.memory_space<hbm>>
    tpu.wait_dma2 semaphore(%arg15 : memref<!tpu.dma_semaphore, #tpu.memory_space<semaphore_mem>>) src(%dma_wait3A_24 : memref<1x256xf32, #tpu.memory_space<hbm>>) dst(%arg6 : memref<1x256xf32, #tpu.memory_space<vmem>>)
    %get3A = arith.constant 0 : i32
    %get3A_25 = arith.index_cast %get3A : i32 to index
    %get3A_26 = arith.constant 0 : index
    %get3A_27 = tpu.vector_load %arg6[%get3A_25, %get3A_26] {strides = array<i32>} : memref<1x256xf32, #tpu.memory_space<vmem>>, vector<1x16xf32>,
    %get3A_28 = vector.shape_cast %get3A_27 : vector<1x16xf32> to vector<16xf32>
    %mul3A_29 = arith.constant 1.024000e+03 : f32
    %mul3A_30 = vector.broadcast %mul3A_29 : f32 to vector<16xf32>
    %mul3A_31 = arith.mulf %get3A_28, %mul3A_30 : vector<16xf32>
    %convert_element_type3A_32 = arith.fptosi %mul3A_31 : vector<16xf32> to vector<16xi32>
    %jit3A = arith.constant 0 : i32
    %jit3A_33 = arith.constant 1023 : i32
    %max3A = vector.broadcast %jit3A : i32 to vector<16xi32>
    %max3A_34 = arith.maxsi %max3A, %convert_element_type3A_32 : vector<16xi32>
    %min3A = vector.broadcast %jit3A_33 : i32 to vector<16xi32>
    %min3A_35 = arith.minsi %min3A, %max3A_34 : vector<16xi32>
    %swap3A = arith.constant 0 : index
    %swap3A_36 = tpu.vector_load %arg9[%swap3A] {strides = array<i32>} : memref<256xi32, #tpu.memory_space<vmem>>, vector<16xi32>,
    %swap3A_37 = vector.shape_cast %swap3A_36 : vector<16xi32> to vector<16xi32>
    %swap3A_38 = vector.shape_cast %min3A_35 : vector<16xi32> to vector<16xi32>
    tpu.vector_store %arg9[%swap3A], %swap3A_38 {strides = array<i32>} : memref<256xi32, #tpu.memory_space<vmem>>, vector<16xi32>,
    %get3A_39 = arith.constant 0 : i32
    %get3A_40 = arith.index_cast %get3A_39 : i32 to index
    %get3A_41 = arith.constant 16 : index
    %get3A_42 = tpu.vector_load %arg6[%get3A_40, %get3A_41] {strides = array<i32>} : memref<1x256xf32, #tpu.memory_space<vmem>>, vector<1x16xf32>,
    %get3A_43 = vector.shape_cast %get3A_42 : vector<1x16xf32> to vector<16xf32>
    %mul3A_44 = arith.constant 1.024000e+03 : f32
    %mul3A_45 = vector.broadcast %mul3A_44 : f32 to vector<16xf32>
    %mul3A_46 = arith.mulf %get3A_43, %mul3A_45 : vector<16xf32>
    %convert_element_type3A_47 = arith.fptosi %mul3A_46 : vector<16xf32> to vector<16xi32>
    %jit3A_48 = arith.constant 0 : i32
    %jit3A_49 = arith.constant 1023 : i32
    %max3A_50 = vector.broadcast %jit3A_48 : i32 to vector<16xi32>
    %max3A_51 = arith.maxsi %max3A_50, %convert_element_type3A_47 : vector<16xi32>
    %min3A_52 = vector.broadcast %jit3A_49 : i32 to vector<16xi32>
    %min3A_53 = arith.minsi %min3A_52, %max3A_51 : vector<16xi32>
    %swap3A_54 = arith.constant 16 : index
    %swap3A_55 = tpu.vector_load %arg9[%swap3A_54] {strides = array<i32>} : memref<256xi32, #tpu.memory_space<vmem>>, vector<16xi32>,
    %swap3A_56 = vector.shape_cast %swap3A_55 : vector<16xi32> to vector<16xi32>
    %swap3A_57 = vector.shape_cast %min3A_53 : vector<16xi32> to vector<16xi32>
    tpu.vector_store %arg9[%swap3A_54], %swap3A_57 {strides = array<i32>} : memref<256xi32, #tpu.memory_space<vmem>>, vector<16xi32>,
    %get3A_58 = arith.constant 0 : i32
    %get3A_59 = arith.index_cast %get3A_58 : i32 to index
    %get3A_60 = arith.constant 32 : index
    %get3A_61 = tpu.vector_load %arg6[%get3A_59, %get3A_60] {strides = array<i32>} : memref<1x256xf32, #tpu.memory_space<vmem>>, vector<1x16xf32>,
    %get3A_62 = vector.shape_cast %get3A_61 : vector<1x16xf32> to vector<16xf32>
    %mul3A_63 = arith.constant 1.024000e+03 : f32
    %mul3A_64 = vector.broadcast %mul3A_63 : f32 to vector<16xf32>
    %mul3A_65 = arith.mulf %get3A_62, %mul3A_64 : vector<16xf32>
    %convert_element_type3A_66 = arith.fptosi %mul3A_65 : vector<16xf32> to vector<16xi32>
    %jit3A_67 = arith.constant 0 : i32
    %jit3A_68 = arith.constant 1023 : i32
    %max3A_69 = vector.broadcast %jit3A_67 : i32 to vector<16xi32>
    %max3A_70 = arith.maxsi %max3A_69, %convert_element_type3A_66 : vector<16xi32>
    %min3A_71 = vector.broadcast %jit3A_68 : i32 to vector<16xi32>
    %min3A_72 = arith.minsi %min3A_71, %max3A_70 : vector<16xi32>
    %swap3A_73 = arith.constant 32 : index
    %swap3A_74 = tpu.vector_load %arg9[%swap3A_73] {strides = array<i32>} : memref<256xi32, #tpu.memory_space<vmem>>, vector<16xi32>,
    %swap3A_75 = vector.shape_cast %swap3A_74 : vector<16xi32> to vector<16xi32>
    %swap3A_76 = vector.shape_cast %min3A_72 : vector<16xi32> to vector<16xi32>
    tpu.vector_store %arg9[%swap3A_73], %swap3A_76 {strides = array<i32>} : memref<256xi32, #tpu.memory_space<vmem>>, vector<16xi32>,
    %get3A_77 = arith.constant 0 : i32
    %get3A_78 = arith.index_cast %get3A_77 : i32 to index
    %get3A_79 = arith.constant 48 : index
    %get3A_80 = tpu.vector_load %arg6[%get3A_78, %get3A_79] {strides = array<i32>} : memref<1x256xf32, #tpu.memory_space<vmem>>, vector<1x16xf32>,
    %get3A_81 = vector.shape_cast %get3A_80 : vector<1x16xf32> to vector<16xf32>
    %mul3A_82 = arith.constant 1.024000e+03 : f32
    %mul3A_83 = vector.broadcast %mul3A_82 : f32 to vector<16xf32>
    %mul3A_84 = arith.mulf %get3A_81, %mul3A_83 : vector<16xf32>
    %convert_element_type3A_85 = arith.fptosi %mul3A_84 : vector<16xf32> to vector<16xi32>
    %jit3A_86 = arith.constant 0 : i32
    %jit3A_87 = arith.constant 1023 : i32
    %max3A_88 = vector.broadcast %jit3A_86 : i32 to vector<16xi32>
    %max3A_89 = arith.maxsi %max3A_88, %convert_element_type3A_85 : vector<16xi32>
    %min3A_90 = vector.broadcast %jit3A_87 : i32 to vector<16xi32>
    %min3A_91 = arith.minsi %min3A_90, %max3A_89 : vector<16xi32>
    %swap3A_92 = arith.constant 48 : index
    %swap3A_93 = tpu.vector_load %arg9[%swap3A_92] {strides = array<i32>} : memref<256xi32, #tpu.memory_space<vmem>>, vector<16xi32>,
    %swap3A_94 = vector.shape_cast %swap3A_93 : vector<16xi32> to vector<16xi32>
    %swap3A_95 = vector.shape_cast %min3A_91 : vector<16xi32> to vector<16xi32>
    tpu.vector_store %arg9[%swap3A_92], %swap3A_95 {strides = array<i32>} : memref<256xi32, #tpu.memory_space<vmem>>, vector<16xi32>,
    %get3A_96 = arith.constant 0 : i32
    %get3A_97 = arith.index_cast %get3A_96 : i32 to index
    %get3A_98 = arith.constant 64 : index
    %get3A_99 = tpu.vector_load %arg6[%get3A_97, %get3A_98] {strides = array<i32>} : memref<1x256xf32, #tpu.memory_space<vmem>>, vector<1x16xf32>,
    %get3A_100 = vector.shape_cast %get3A_99 : vector<1x16xf32> to vector<16xf32>
    %mul3A_101 = arith.constant 1.024000e+03 : f32
    %mul3A_102 = vector.broadcast %mul3A_101 : f32 to vector<16xf32>
    %mul3A_103 = arith.mulf %get3A_100, %mul3A_102 : vector<16xf32>
    %convert_element_type3A_104 = arith.fptosi %mul3A_103 : vector<16xf32> to vector<16xi32>
    %jit3A_105 = arith.constant 0 : i32
    %jit3A_106 = arith.constant 1023 : i32
    %max3A_107 = vector.broadcast %jit3A_105 : i32 to vector<16xi32>
    %max3A_108 = arith.maxsi %max3A_107, %convert_element_type3A_104 : vector<16xi32>
    %min3A_109 = vector.broadcast %jit3A_106 : i32 to vector<16xi32>
    %min3A_110 = arith.minsi %min3A_109, %max3A_108 : vector<16xi32>
    %swap3A_111 = arith.constant 64 : index
    %swap3A_112 = tpu.vector_load %arg9[%swap3A_111] {strides = array<i32>} : memref<256xi32, #tpu.memory_space<vmem>>, vector<16xi32>,
    %swap3A_113 = vector.shape_cast %swap3A_112 : vector<16xi32> to vector<16xi32>
    %swap3A_114 = vector.shape_cast %min3A_110 : vector<16xi32> to vector<16xi32>
    tpu.vector_store %arg9[%swap3A_111], %swap3A_114 {strides = array<i32>} : memref<256xi32, #tpu.memory_space<vmem>>, vector<16xi32>,
    %get3A_115 = arith.constant 0 : i32
    %get3A_116 = arith.index_cast %get3A_115 : i32 to index
    %get3A_117 = arith.constant 80 : index
    %get3A_118 = tpu.vector_load %arg6[%get3A_116, %get3A_117] {strides = array<i32>} : memref<1x256xf32, #tpu.memory_space<vmem>>, vector<1x16xf32>,
    %get3A_119 = vector.shape_cast %get3A_118 : vector<1x16xf32> to vector<16xf32>
    %mul3A_120 = arith.constant 1.024000e+03 : f32
    %mul3A_121 = vector.broadcast %mul3A_120 : f32 to vector<16xf32>
    %mul3A_122 = arith.mulf %get3A_119, %mul3A_121 : vector<16xf32>
    %convert_element_type3A_123 = arith.fptosi %mul3A_122 : vector<16xf32> to vector<16xi32>
    %jit3A_124 = arith.constant 0 : i32
    %jit3A_125 = arith.constant 1023 : i32
    %max3A_126 = vector.broadcast %jit3A_124 : i32 to vector<16xi32>
    %max3A_127 = arith.maxsi %max3A_126, %convert_element_type3A_123 : vector<16xi32>
    %min3A_128 = vector.broadcast %jit3A_125 : i32 to vector<16xi32>
    %min3A_129 = arith.minsi %min3A_128, %max3A_127 : vector<16xi32>
    %swap3A_130 = arith.constant 80 : index
    %swap3A_131 = tpu.vector_load %arg9[%swap3A_130] {strides = array<i32>} : memref<256xi32, #tpu.memory_space<vmem>>, vector<16xi32>,
    %swap3A_132 = vector.shape_cast %swap3A_131 : vector<16xi32> to vector<16xi32>
    %swap3A_133 = vector.shape_cast %min3A_129 : vector<16xi32> to vector<16xi32>
    tpu.vector_store %arg9[%swap3A_130], %swap3A_133 {strides = array<i32>} : memref<256xi32, #tpu.memory_space<vmem>>, vector<16xi32>,
    %get3A_134 = arith.constant 0 : i32
    %get3A_135 = arith.index_cast %get3A_134 : i32 to index
    %get3A_136 = arith.constant 96 : index
    %get3A_137 = tpu.vector_load %arg6[%get3A_135, %get3A_136] {strides = array<i32>} : memref<1x256xf32, #tpu.memory_space<vmem>>, vector<1x16xf32>,
    %get3A_138 = vector.shape_cast %get3A_137 : vector<1x16xf32> to vector<16xf32>
    %mul3A_139 = arith.constant 1.024000e+03 : f32
    %mul3A_140 = vector.broadcast %mul3A_139 : f32 to vector<16xf32>
    %mul3A_141 = arith.mulf %get3A_138, %mul3A_140 : vector<16xf32>
    %convert_element_type3A_142 = arith.fptosi %mul3A_141 : vector<16xf32> to vector<16xi32>
    %jit3A_143 = arith.constant 0 : i32
    %jit3A_144 = arith.constant 1023 : i32
    %max3A_145 = vector.broadcast %jit3A_143 : i32 to vector<16xi32>
    %max3A_146 = arith.maxsi %max3A_145, %convert_element_type3A_142 : vector<16xi32>
    %min3A_147 = vector.broadcast %jit3A_144 : i32 to vector<16xi32>
    %min3A_148 = arith.minsi %min3A_147, %max3A_146 : vector<16xi32>
    %swap3A_149 = arith.constant 96 : index
    %swap3A_150 = tpu.vector_load %arg9[%swap3A_149] {strides = array<i32>} : memref<256xi32, #tpu.memory_space<vmem>>, vector<16xi32>,
    %swap3A_151 = vector.shape_cast %swap3A_150 : vector<16xi32> to vector<16xi32>
    %swap3A_152 = vector.shape_cast %min3A_148 : vector<16xi32> to vector<16xi32>
    tpu.vector_store %arg9[%swap3A_149], %swap3A_152 {strides = array<i32>} : memref<256xi32, #tpu.memory_space<vmem>>, vector<16xi32>,
    %get3A_153 = arith.constant 0 : i32
    %get3A_154 = arith.index_cast %get3A_153 : i32 to index
    %get3A_155 = arith.constant 112 : index
    %get3A_156 = tpu.vector_load %arg6[%get3A_154, %get3A_155] {strides = array<i32>} : memref<1x256xf32, #tpu.memory_space<vmem>>, vector<1x16xf32>,
    %get3A_157 = vector.shape_cast %get3A_156 : vector<1x16xf32> to vector<16xf32>
    %mul3A_158 = arith.constant 1.024000e+03 : f32
    %mul3A_159 = vector.broadcast %mul3A_158 : f32 to vector<16xf32>
    %mul3A_160 = arith.mulf %get3A_157, %mul3A_159 : vector<16xf32>
    %convert_element_type3A_161 = arith.fptosi %mul3A_160 : vector<16xf32> to vector<16xi32>
    %jit3A_162 = arith.constant 0 : i32
    %jit3A_163 = arith.constant 1023 : i32
    %max3A_164 = vector.broadcast %jit3A_162 : i32 to vector<16xi32>
    %max3A_165 = arith.maxsi %max3A_164, %convert_element_type3A_161 : vector<16xi32>
    %min3A_166 = vector.broadcast %jit3A_163 : i32 to vector<16xi32>
    %min3A_167 = arith.minsi %min3A_166, %max3A_165 : vector<16xi32>
    %swap3A_168 = arith.constant 112 : index
    %swap3A_169 = tpu.vector_load %arg9[%swap3A_168] {strides = array<i32>} : memref<256xi32, #tpu.memory_space<vmem>>, vector<16xi32>,
    %swap3A_170 = vector.shape_cast %swap3A_169 : vector<16xi32> to vector<16xi32>
    %swap3A_171 = vector.shape_cast %min3A_167 : vector<16xi32> to vector<16xi32>
    tpu.vector_store %arg9[%swap3A_168], %swap3A_171 {strides = array<i32>} : memref<256xi32, #tpu.memory_space<vmem>>, vector<16xi32>,
    %get3A_172 = arith.constant 0 : i32
    %get3A_173 = arith.index_cast %get3A_172 : i32 to index
    %get3A_174 = arith.constant 128 : index
    %get3A_175 = tpu.vector_load %arg6[%get3A_173, %get3A_174] {strides = array<i32>} : memref<1x256xf32, #tpu.memory_space<vmem>>, vector<1x16xf32>,
    %get3A_176 = vector.shape_cast %get3A_175 : vector<1x16xf32> to vector<16xf32>
    %mul3A_177 = arith.constant 1.024000e+03 : f32
    %mul3A_178 = vector.broadcast %mul3A_177 : f32 to vector<16xf32>
    %mul3A_179 = arith.mulf %get3A_176, %mul3A_178 : vector<16xf32>
    %convert_element_type3A_180 = arith.fptosi %mul3A_179 : vector<16xf32> to vector<16xi32>
    %jit3A_181 = arith.constant 0 : i32
    %jit3A_182 = arith.constant 1023 : i32
    %max3A_183 = vector.broadcast %jit3A_181 : i32 to vector<16xi32>
    %max3A_184 = arith.maxsi %max3A_183, %convert_element_type3A_180 : vector<16xi32>
    %min3A_185 = vector.broadcast %jit3A_182 : i32 to vector<16xi32>
    %min3A_186 = arith.minsi %min3A_185, %max3A_184 : vector<16xi32>
    %swap3A_187 = arith.constant 128 : index
    %swap3A_188 = tpu.vector_load %arg9[%swap3A_187] {strides = array<i32>} : memref<256xi32, #tpu.memory_space<vmem>>, vector<16xi32>,
    %swap3A_189 = vector.shape_cast %swap3A_188 : vector<16xi32> to vector<16xi32>
    %swap3A_190 = vector.shape_cast %min3A_186 : vector<16xi32> to vector<16xi32>
    tpu.vector_store %arg9[%swap3A_187], %swap3A_190 {strides = array<i32>} : memref<256xi32, #tpu.memory_space<vmem>>, vector<16xi32>,
    %get3A_191 = arith.constant 0 : i32
    %get3A_192 = arith.index_cast %get3A_191 : i32 to index
    %get3A_193 = arith.constant 144 : index
    %get3A_194 = tpu.vector_load %arg6[%get3A_192, %get3A_193] {strides = array<i32>} : memref<1x256xf32, #tpu.memory_space<vmem>>, vector<1x16xf32>,
    %get3A_195 = vector.shape_cast %get3A_194 : vector<1x16xf32> to vector<16xf32>
    %mul3A_196 = arith.constant 1.024000e+03 : f32
    %mul3A_197 = vector.broadcast %mul3A_196 : f32 to vector<16xf32>
    %mul3A_198 = arith.mulf %get3A_195, %mul3A_197 : vector<16xf32>
    %convert_element_type3A_199 = arith.fptosi %mul3A_198 : vector<16xf32> to vector<16xi32>
    %jit3A_200 = arith.constant 0 : i32
    %jit3A_201 = arith.constant 1023 : i32
    %max3A_202 = vector.broadcast %jit3A_200 : i32 to vector<16xi32>
    %max3A_203 = arith.maxsi %max3A_202, %convert_element_type3A_199 : vector<16xi32>
    %min3A_204 = vector.broadcast %jit3A_201 : i32 to vector<16xi32>
    %min3A_205 = arith.minsi %min3A_204, %max3A_203 : vector<16xi32>
    %swap3A_206 = arith.constant 144 : index
    %swap3A_207 = tpu.vector_load %arg9[%swap3A_206] {strides = array<i32>} : memref<256xi32, #tpu.memory_space<vmem>>, vector<16xi32>,
    %swap3A_208 = vector.shape_cast %swap3A_207 : vector<16xi32> to vector<16xi32>
    %swap3A_209 = vector.shape_cast %min3A_205 : vector<16xi32> to vector<16xi32>
    tpu.vector_store %arg9[%swap3A_206], %swap3A_209 {strides = array<i32>} : memref<256xi32, #tpu.memory_space<vmem>>, vector<16xi32>,
    %get3A_210 = arith.constant 0 : i32
    %get3A_211 = arith.index_cast %get3A_210 : i32 to index
    %get3A_212 = arith.constant 160 : index
    %get3A_213 = tpu.vector_load %arg6[%get3A_211, %get3A_212] {strides = array<i32>} : memref<1x256xf32, #tpu.memory_space<vmem>>, vector<1x16xf32>,
    %get3A_214 = vector.shape_cast %get3A_213 : vector<1x16xf32> to vector<16xf32>
    %mul3A_215 = arith.constant 1.024000e+03 : f32
    %mul3A_216 = vector.broadcast %mul3A_215 : f32 to vector<16xf32>
    %mul3A_217 = arith.mulf %get3A_214, %mul3A_216 : vector<16xf32>
    %convert_element_type3A_218 = arith.fptosi %mul3A_217 : vector<16xf32> to vector<16xi32>
    %jit3A_219 = arith.constant 0 : i32
    %jit3A_220 = arith.constant 1023 : i32
    %max3A_221 = vector.broadcast %jit3A_219 : i32 to vector<16xi32>
    %max3A_222 = arith.maxsi %max3A_221, %convert_element_type3A_218 : vector<16xi32>
    %min3A_223 = vector.broadcast %jit3A_220 : i32 to vector<16xi32>
    %min3A_224 = arith.minsi %min3A_223, %max3A_222 : vector<16xi32>
    %swap3A_225 = arith.constant 160 : index
    %swap3A_226 = tpu.vector_load %arg9[%swap3A_225] {strides = array<i32>} : memref<256xi32, #tpu.memory_space<vmem>>, vector<16xi32>,
    %swap3A_227 = vector.shape_cast %swap3A_226 : vector<16xi32> to vector<16xi32>
    %swap3A_228 = vector.shape_cast %min3A_224 : vector<16xi32> to vector<16xi32>
    tpu.vector_store %arg9[%swap3A_225], %swap3A_228 {strides = array<i32>} : memref<256xi32, #tpu.memory_space<vmem>>, vector<16xi32>,
    %get3A_229 = arith.constant 0 : i32
    %get3A_230 = arith.index_cast %get3A_229 : i32 to index
    %get3A_231 = arith.constant 176 : index
    %get3A_232 = tpu.vector_load %arg6[%get3A_230, %get3A_231] {strides = array<i32>} : memref<1x256xf32, #tpu.memory_space<vmem>>, vector<1x16xf32>,
    %get3A_233 = vector.shape_cast %get3A_232 : vector<1x16xf32> to vector<16xf32>
    %mul3A_234 = arith.constant 1.024000e+03 : f32
    %mul3A_235 = vector.broadcast %mul3A_234 : f32 to vector<16xf32>
    %mul3A_236 = arith.mulf %get3A_233, %mul3A_235 : vector<16xf32>
    %convert_element_type3A_237 = arith.fptosi %mul3A_236 : vector<16xf32> to vector<16xi32>
    %jit3A_238 = arith.constant 0 : i32
    %jit3A_239 = arith.constant 1023 : i32
    %max3A_240 = vector.broadcast %jit3A_238 : i32 to vector<16xi32>
    %max3A_241 = arith.maxsi %max3A_240, %convert_element_type3A_237 : vector<16xi32>
    %min3A_242 = vector.broadcast %jit3A_239 : i32 to vector<16xi32>
    %min3A_243 = arith.minsi %min3A_242, %max3A_241 : vector<16xi32>
    %swap3A_244 = arith.constant 176 : index
    %swap3A_245 = tpu.vector_load %arg9[%swap3A_244] {strides = array<i32>} : memref<256xi32, #tpu.memory_space<vmem>>, vector<16xi32>,
    %swap3A_246 = vector.shape_cast %swap3A_245 : vector<16xi32> to vector<16xi32>
    %swap3A_247 = vector.shape_cast %min3A_243 : vector<16xi32> to vector<16xi32>
    tpu.vector_store %arg9[%swap3A_244], %swap3A_247 {strides = array<i32>} : memref<256xi32, #tpu.memory_space<vmem>>, vector<16xi32>,
    %get3A_248 = arith.constant 0 : i32
    %get3A_249 = arith.index_cast %get3A_248 : i32 to index
    %get3A_250 = arith.constant 192 : index
    %get3A_251 = tpu.vector_load %arg6[%get3A_249, %get3A_250] {strides = array<i32>} : memref<1x256xf32, #tpu.memory_space<vmem>>, vector<1x16xf32>,
    %get3A_252 = vector.shape_cast %get3A_251 : vector<1x16xf32> to vector<16xf32>
    %mul3A_253 = arith.constant 1.024000e+03 : f32
    %mul3A_254 = vector.broadcast %mul3A_253 : f32 to vector<16xf32>
    %mul3A_255 = arith.mulf %get3A_252, %mul3A_254 : vector<16xf32>
    %convert_element_type3A_256 = arith.fptosi %mul3A_255 : vector<16xf32> to vector<16xi32>
    %jit3A_257 = arith.constant 0 : i32
    %jit3A_258 = arith.constant 1023 : i32
    %max3A_259 = vector.broadcast %jit3A_257 : i32 to vector<16xi32>
    %max3A_260 = arith.maxsi %max3A_259, %convert_element_type3A_256 : vector<16xi32>
    %min3A_261 = vector.broadcast %jit3A_258 : i32 to vector<16xi32>
    %min3A_262 = arith.minsi %min3A_261, %max3A_260 : vector<16xi32>
    %swap3A_263 = arith.constant 192 : index
    %swap3A_264 = tpu.vector_load %arg9[%swap3A_263] {strides = array<i32>} : memref<256xi32, #tpu.memory_space<vmem>>, vector<16xi32>,
    %swap3A_265 = vector.shape_cast %swap3A_264 : vector<16xi32> to vector<16xi32>
    %swap3A_266 = vector.shape_cast %min3A_262 : vector<16xi32> to vector<16xi32>
    tpu.vector_store %arg9[%swap3A_263], %swap3A_266 {strides = array<i32>} : memref<256xi32, #tpu.memory_space<vmem>>, vector<16xi32>,
    %get3A_267 = arith.constant 0 : i32
    %get3A_268 = arith.index_cast %get3A_267 : i32 to index
    %get3A_269 = arith.constant 208 : index
    %get3A_270 = tpu.vector_load %arg6[%get3A_268, %get3A_269] {strides = array<i32>} : memref<1x256xf32, #tpu.memory_space<vmem>>, vector<1x16xf32>,
    %get3A_271 = vector.shape_cast %get3A_270 : vector<1x16xf32> to vector<16xf32>
    %mul3A_272 = arith.constant 1.024000e+03 : f32
    %mul3A_273 = vector.broadcast %mul3A_272 : f32 to vector<16xf32>
    %mul3A_274 = arith.mulf %get3A_271, %mul3A_273 : vector<16xf32>
    %convert_element_type3A_275 = arith.fptosi %mul3A_274 : vector<16xf32> to vector<16xi32>
    %jit3A_276 = arith.constant 0 : i32
    %jit3A_277 = arith.constant 1023 : i32
    %max3A_278 = vector.broadcast %jit3A_276 : i32 to vector<16xi32>
    %max3A_279 = arith.maxsi %max3A_278, %convert_element_type3A_275 : vector<16xi32>
    %min3A_280 = vector.broadcast %jit3A_277 : i32 to vector<16xi32>
    %min3A_281 = arith.minsi %min3A_280, %max3A_279 : vector<16xi32>
    %swap3A_282 = arith.constant 208 : index
    %swap3A_283 = tpu.vector_load %arg9[%swap3A_282] {strides = array<i32>} : memref<256xi32, #tpu.memory_space<vmem>>, vector<16xi32>,
    %swap3A_284 = vector.shape_cast %swap3A_283 : vector<16xi32> to vector<16xi32>
    %swap3A_285 = vector.shape_cast %min3A_281 : vector<16xi32> to vector<16xi32>
    tpu.vector_store %arg9[%swap3A_282], %swap3A_285 {strides = array<i32>} : memref<256xi32, #tpu.memory_space<vmem>>, vector<16xi32>,
    %get3A_286 = arith.constant 0 : i32
    %get3A_287 = arith.index_cast %get3A_286 : i32 to index
    %get3A_288 = arith.constant 224 : index
    %get3A_289 = tpu.vector_load %arg6[%get3A_287, %get3A_288] {strides = array<i32>} : memref<1x256xf32, #tpu.memory_space<vmem>>, vector<1x16xf32>,
    %get3A_290 = vector.shape_cast %get3A_289 : vector<1x16xf32> to vector<16xf32>
    %mul3A_291 = arith.constant 1.024000e+03 : f32
    %mul3A_292 = vector.broadcast %mul3A_291 : f32 to vector<16xf32>
    %mul3A_293 = arith.mulf %get3A_290, %mul3A_292 : vector<16xf32>
    %convert_element_type3A_294 = arith.fptosi %mul3A_293 : vector<16xf32> to vector<16xi32>
    %jit3A_295 = arith.constant 0 : i32
    %jit3A_296 = arith.constant 1023 : i32
    %max3A_297 = vector.broadcast %jit3A_295 : i32 to vector<16xi32>
    %max3A_298 = arith.maxsi %max3A_297, %convert_element_type3A_294 : vector<16xi32>
    %min3A_299 = vector.broadcast %jit3A_296 : i32 to vector<16xi32>
    %min3A_300 = arith.minsi %min3A_299, %max3A_298 : vector<16xi32>
    %swap3A_301 = arith.constant 224 : index
    %swap3A_302 = tpu.vector_load %arg9[%swap3A_301] {strides = array<i32>} : memref<256xi32, #tpu.memory_space<vmem>>, vector<16xi32>,
    %swap3A_303 = vector.shape_cast %swap3A_302 : vector<16xi32> to vector<16xi32>
    %swap3A_304 = vector.shape_cast %min3A_300 : vector<16xi32> to vector<16xi32>
    tpu.vector_store %arg9[%swap3A_301], %swap3A_304 {strides = array<i32>} : memref<256xi32, #tpu.memory_space<vmem>>, vector<16xi32>,
    %get3A_305 = arith.constant 0 : i32
    %get3A_306 = arith.index_cast %get3A_305 : i32 to index
    %get3A_307 = arith.constant 240 : index
    %get3A_308 = tpu.vector_load %arg6[%get3A_306, %get3A_307] {strides = array<i32>} : memref<1x256xf32, #tpu.memory_space<vmem>>, vector<1x16xf32>,
    %get3A_309 = vector.shape_cast %get3A_308 : vector<1x16xf32> to vector<16xf32>
    %mul3A_310 = arith.constant 1.024000e+03 : f32
    %mul3A_311 = vector.broadcast %mul3A_310 : f32 to vector<16xf32>
    %mul3A_312 = arith.mulf %get3A_309, %mul3A_311 : vector<16xf32>
    %convert_element_type3A_313 = arith.fptosi %mul3A_312 : vector<16xf32> to vector<16xi32>
    %jit3A_314 = arith.constant 0 : i32
    %jit3A_315 = arith.constant 1023 : i32
    %max3A_316 = vector.broadcast %jit3A_314 : i32 to vector<16xi32>
    %max3A_317 = arith.maxsi %max3A_316, %convert_element_type3A_313 : vector<16xi32>
    %min3A_318 = vector.broadcast %jit3A_315 : i32 to vector<16xi32>
    %min3A_319 = arith.minsi %min3A_318, %max3A_317 : vector<16xi32>
    %swap3A_320 = arith.constant 240 : index
    %swap3A_321 = tpu.vector_load %arg9[%swap3A_320] {strides = array<i32>} : memref<256xi32, #tpu.memory_space<vmem>>, vector<16xi32>,
    %swap3A_322 = vector.shape_cast %swap3A_321 : vector<16xi32> to vector<16xi32>
    %swap3A_323 = vector.shape_cast %min3A_319 : vector<16xi32> to vector<16xi32>
    tpu.vector_store %arg9[%swap3A_320], %swap3A_323 {strides = array<i32>} : memref<256xi32, #tpu.memory_space<vmem>>, vector<16xi32>,
    %barrier3A = arith.constant 0 : index
    tpu.barrier barrier_id(%barrier3A)
    %dma_start3A_324 = arith.constant 0 : i32
    %dma_start3A_325 = arith.constant 0 : i32
    %dma_start3A_326 = tpu.memref_slice %arg12[%dma_start3A_324, %dma_start3A_325] : memref<256x128xf32, #tpu.memory_space<vmem>> -> memref<128x128xf32, #tpu.memory_space<vmem>>
    %dma_start3A_327 = arith.constant 0 : i32
    %dma_start3A_328 = tpu.memref_slice %arg9[%dma_start3A_327] : memref<256xi32, #tpu.memory_space<vmem>> -> memref<128xi32, #tpu.memory_space<vmem>>
    %dma_start3A_329 = arith.constant 0 : i32
    %dma_start3A_330 = arith.constant 0 : i32
    %dma_start3A_331 = tpu.memref_slice %arg5[%dma_start3A_329, %dma_start3A_330] : memref<1025x128xf32, #tpu.memory_space<vmem_shared>> -> memref<1025x128xf32, #tpu.memory_space<vmem_shared>>
    tpu.enqueue_indirect_dma source(%dma_start3A_331 : memref<1025x128xf32, #tpu.memory_space<vmem_shared>>) target(%dma_start3A_326 : memref<128x128xf32, #tpu.memory_space<vmem>>) offsets(%dma_start3A_328 : memref<128xi32, #tpu.memory_space<vmem>>) semaphore(%arg18 : memref<!tpu.dma_semaphore, #tpu.memory_space<semaphore_mem>>)
    %dma_start3A_332 = arith.constant 128 : i32
    %dma_start3A_333 = arith.constant 0 : i32
    %dma_start3A_334 = tpu.memref_slice %arg12[%dma_start3A_332, %dma_start3A_333] : memref<256x128xf32, #tpu.memory_space<vmem>> -> memref<128x128xf32, #tpu.memory_space<vmem>>
    %dma_start3A_335 = arith.constant 128 : i32
    %dma_start3A_336 = tpu.memref_slice %arg9[%dma_start3A_335] : memref<256xi32, #tpu.memory_space<vmem>> -> memref<128xi32, #tpu.memory_space<vmem>>
    %dma_start3A_337 = arith.constant 0 : i32
    %dma_start3A_338 = arith.constant 0 : i32
    %dma_start3A_339 = tpu.memref_slice %arg5[%dma_start3A_337, %dma_start3A_338] : memref<1025x128xf32, #tpu.memory_space<vmem_shared>> -> memref<1025x128xf32, #tpu.memory_space<vmem_shared>>
    tpu.enqueue_indirect_dma source(%dma_start3A_339 : memref<1025x128xf32, #tpu.memory_space<vmem_shared>>) target(%dma_start3A_334 : memref<128x128xf32, #tpu.memory_space<vmem>>) offsets(%dma_start3A_336 : memref<128xi32, #tpu.memory_space<vmem>>) semaphore(%arg18 : memref<!tpu.dma_semaphore, #tpu.memory_space<semaphore_mem>>)
    %add3A_340 = arith.constant 0 : i32
    %add3A_341 = arith.addi %mul3A_2, %add3A_340 : i32
    %dma_start3A_342 = arith.constant 1 : i32
    %dma_start3A_343 = tpu.memref_slice %arg2[%dma_start3A_342, %add3A_341] : memref<50x16384xf32, #tpu.memory_space<hbm>> -> memref<1x256xf32, #tpu.memory_space<hbm>>
    %dma_start3A_344 = arith.constant 1 : i32
    %dma_start3A_345 = tpu.memref_slice %arg2[%dma_start3A_344, %add3A_341] : memref<50x16384xf32, #tpu.memory_space<hbm>> -> memref<1x256xf32, #tpu.memory_space<hbm>>
    tpu.enqueue_dma source(%dma_start3A_345 : memref<1x256xf32, #tpu.memory_space<hbm>>) target(%arg8 : memref<1x256xf32, #tpu.memory_space<vmem>>) target_semaphore(%arg17 : memref<!tpu.dma_semaphore, #tpu.memory_space<semaphore_mem>>)
    %add3A_346 = arith.constant 256 : i32
    %add3A_347 = arith.addi %mul3A_2, %add3A_346 : i32
    %dma_wait3A_348 = arith.constant 0 : i32
    %dma_wait3A_349 = tpu.memref_slice %arg2[%dma_wait3A_348, %add3A_347] : memref<50x16384xf32, #tpu.memory_space<hbm>> -> memref<1x256xf32, #tpu.memory_space<hbm>>
    %dma_wait3A_350 = arith.constant 0 : i32
    %dma_wait3A_351 = tpu.memref_slice %arg2[%dma_wait3A_350, %add3A_347] : memref<50x16384xf32, #tpu.memory_space<hbm>> -> memref<1x256xf32, #tpu.memory_space<hbm>>
    tpu.wait_dma2 semaphore(%arg16 : memref<!tpu.dma_semaphore, #tpu.memory_space<semaphore_mem>>) src(%dma_wait3A_351 : memref<1x256xf32, #tpu.memory_space<hbm>>) dst(%arg7 : memref<1x256xf32, #tpu.memory_space<vmem>>)
    %get3A_352 = arith.constant 0 : i32
    %get3A_353 = arith.index_cast %get3A_352 : i32 to index
    %get3A_354 = arith.constant 0 : index
    %get3A_355 = tpu.vector_load %arg7[%get3A_353, %get3A_354] {strides = array<i32>} : memref<1x256xf32, #tpu.memory_space<vmem>>, vector<1x16xf32>,
    %get3A_356 = vector.shape_cast %get3A_355 : vector<1x16xf32> to vector<16xf32>
    %mul3A_357 = arith.constant 1.024000e+03 : f32
    %mul3A_358 = vector.broadcast %mul3A_357 : f32 to vector<16xf32>
    %mul3A_359 = arith.mulf %get3A_356, %mul3A_358 : vector<16xf32>
    %convert_element_type3A_360 = arith.fptosi %mul3A_359 : vector<16xf32> to vector<16xi32>
    %jit3A_361 = arith.constant 0 : i32
    %jit3A_362 = arith.constant 1023 : i32
    %max3A_363 = vector.broadcast %jit3A_361 : i32 to vector<16xi32>
    %max3A_364 = arith.maxsi %max3A_363, %convert_element_type3A_360 : vector<16xi32>
    %min3A_365 = vector.broadcast %jit3A_362 : i32 to vector<16xi32>
    %min3A_366 = arith.minsi %min3A_365, %max3A_364 : vector<16xi32>
    %swap3A_367 = arith.constant 0 : index
    %swap3A_368 = tpu.vector_load %arg10[%swap3A_367] {strides = array<i32>} : memref<256xi32, #tpu.memory_space<vmem>>, vector<16xi32>,
    %swap3A_369 = vector.shape_cast %swap3A_368 : vector<16xi32> to vector<16xi32>
    %swap3A_370 = vector.shape_cast %min3A_366 : vector<16xi32> to vector<16xi32>
    tpu.vector_store %arg10[%swap3A_367], %swap3A_370 {strides = array<i32>} : memref<256xi32, #tpu.memory_space<vmem>>, vector<16xi32>,
    %get3A_371 = arith.constant 0 : i32
    %get3A_372 = arith.index_cast %get3A_371 : i32 to index
    %get3A_373 = arith.constant 16 : index
    %get3A_374 = tpu.vector_load %arg7[%get3A_372, %get3A_373] {strides = array<i32>} : memref<1x256xf32, #tpu.memory_space<vmem>>, vector<1x16xf32>,
    %get3A_375 = vector.shape_cast %get3A_374 : vector<1x16xf32> to vector<16xf32>
    %mul3A_376 = arith.constant 1.024000e+03 : f32
    %mul3A_377 = vector.broadcast %mul3A_376 : f32 to vector<16xf32>
    %mul3A_378 = arith.mulf %get3A_375, %mul3A_377 : vector<16xf32>
    %convert_element_type3A_379 = arith.fptosi %mul3A_378 : vector<16xf32> to vector<16xi32>
    %jit3A_380 = arith.constant 0 : i32
    %jit3A_381 = arith.constant 1023 : i32
    %max3A_382 = vector.broadcast %jit3A_380 : i32 to vector<16xi32>
    %max3A_383 = arith.maxsi %max3A_382, %convert_element_type3A_379 : vector<16xi32>
    %min3A_384 = vector.broadcast %jit3A_381 : i32 to vector<16xi32>
    %min3A_385 = arith.minsi %min3A_384, %max3A_383 : vector<16xi32>
    %swap3A_386 = arith.constant 16 : index
    %swap3A_387 = tpu.vector_load %arg10[%swap3A_386] {strides = array<i32>} : memref<256xi32, #tpu.memory_space<vmem>>, vector<16xi32>,
    %swap3A_388 = vector.shape_cast %swap3A_387 : vector<16xi32> to vector<16xi32>
    %swap3A_389 = vector.shape_cast %min3A_385 : vector<16xi32> to vector<16xi32>
    tpu.vector_store %arg10[%swap3A_386], %swap3A_389 {strides = array<i32>} : memref<256xi32, #tpu.memory_space<vmem>>, vector<16xi32>,
    %get3A_390 = arith.constant 0 : i32
    %get3A_391 = arith.index_cast %get3A_390 : i32 to index
    %get3A_392 = arith.constant 32 : index
    %get3A_393 = tpu.vector_load %arg7[%get3A_391, %get3A_392] {strides = array<i32>} : memref<1x256xf32, #tpu.memory_space<vmem>>, vector<1x16xf32>,
    %get3A_394 = vector.shape_cast %get3A_393 : vector<1x16xf32> to vector<16xf32>
    %mul3A_395 = arith.constant 1.024000e+03 : f32
    %mul3A_396 = vector.broadcast %mul3A_395 : f32 to vector<16xf32>
    %mul3A_397 = arith.mulf %get3A_394, %mul3A_396 : vector<16xf32>
    %convert_element_type3A_398 = arith.fptosi %mul3A_397 : vector<16xf32> to vector<16xi32>
    %jit3A_399 = arith.constant 0 : i32
    %jit3A_400 = arith.constant 1023 : i32
    %max3A_401 = vector.broadcast %jit3A_399 : i32 to vector<16xi32>
    %max3A_402 = arith.maxsi %max3A_401, %convert_element_type3A_398 : vector<16xi32>
    %min3A_403 = vector.broadcast %jit3A_400 : i32 to vector<16xi32>
    %min3A_404 = arith.minsi %min3A_403, %max3A_402 : vector<16xi32>
    %swap3A_405 = arith.constant 32 : index
    %swap3A_406 = tpu.vector_load %arg10[%swap3A_405] {strides = array<i32>} : memref<256xi32, #tpu.memory_space<vmem>>, vector<16xi32>,
    %swap3A_407 = vector.shape_cast %swap3A_406 : vector<16xi32> to vector<16xi32>
    %swap3A_408 = vector.shape_cast %min3A_404 : vector<16xi32> to vector<16xi32>
    tpu.vector_store %arg10[%swap3A_405], %swap3A_408 {strides = array<i32>} : memref<256xi32, #tpu.memory_space<vmem>>, vector<16xi32>,
    %get3A_409 = arith.constant 0 : i32
    %get3A_410 = arith.index_cast %get3A_409 : i32 to index
    %get3A_411 = arith.constant 48 : index
    %get3A_412 = tpu.vector_load %arg7[%get3A_410, %get3A_411] {strides = array<i32>} : memref<1x256xf32, #tpu.memory_space<vmem>>, vector<1x16xf32>,
    %get3A_413 = vector.shape_cast %get3A_412 : vector<1x16xf32> to vector<16xf32>
    %mul3A_414 = arith.constant 1.024000e+03 : f32
    %mul3A_415 = vector.broadcast %mul3A_414 : f32 to vector<16xf32>
    %mul3A_416 = arith.mulf %get3A_413, %mul3A_415 : vector<16xf32>
    %convert_element_type3A_417 = arith.fptosi %mul3A_416 : vector<16xf32> to vector<16xi32>
    %jit3A_418 = arith.constant 0 : i32
    %jit3A_419 = arith.constant 1023 : i32
    %max3A_420 = vector.broadcast %jit3A_418 : i32 to vector<16xi32>
    %max3A_421 = arith.maxsi %max3A_420, %convert_element_type3A_417 : vector<16xi32>
    %min3A_422 = vector.broadcast %jit3A_419 : i32 to vector<16xi32>
    %min3A_423 = arith.minsi %min3A_422, %max3A_421 : vector<16xi32>
    %swap3A_424 = arith.constant 48 : index
    %swap3A_425 = tpu.vector_load %arg10[%swap3A_424] {strides = array<i32>} : memref<256xi32, #tpu.memory_space<vmem>>, vector<16xi32>,
    %swap3A_426 = vector.shape_cast %swap3A_425 : vector<16xi32> to vector<16xi32>
    %swap3A_427 = vector.shape_cast %min3A_423 : vector<16xi32> to vector<16xi32>
    tpu.vector_store %arg10[%swap3A_424], %swap3A_427 {strides = array<i32>} : memref<256xi32, #tpu.memory_space<vmem>>, vector<16xi32>,
    %get3A_428 = arith.constant 0 : i32
    %get3A_429 = arith.index_cast %get3A_428 : i32 to index
    %get3A_430 = arith.constant 64 : index
    %get3A_431 = tpu.vector_load %arg7[%get3A_429, %get3A_430] {strides = array<i32>} : memref<1x256xf32, #tpu.memory_space<vmem>>, vector<1x16xf32>,
    %get3A_432 = vector.shape_cast %get3A_431 : vector<1x16xf32> to vector<16xf32>
    %mul3A_433 = arith.constant 1.024000e+03 : f32
    %mul3A_434 = vector.broadcast %mul3A_433 : f32 to vector<16xf32>
    %mul3A_435 = arith.mulf %get3A_432, %mul3A_434 : vector<16xf32>
    %convert_element_type3A_436 = arith.fptosi %mul3A_435 : vector<16xf32> to vector<16xi32>
    %jit3A_437 = arith.constant 0 : i32
    %jit3A_438 = arith.constant 1023 : i32
    %max3A_439 = vector.broadcast %jit3A_437 : i32 to vector<16xi32>
    %max3A_440 = arith.maxsi %max3A_439, %convert_element_type3A_436 : vector<16xi32>
    %min3A_441 = vector.broadcast %jit3A_438 : i32 to vector<16xi32>
    %min3A_442 = arith.minsi %min3A_441, %max3A_440 : vector<16xi32>
    %swap3A_443 = arith.constant 64 : index
    %swap3A_444 = tpu.vector_load %arg10[%swap3A_443] {strides = array<i32>} : memref<256xi32, #tpu.memory_space<vmem>>, vector<16xi32>,
    %swap3A_445 = vector.shape_cast %swap3A_444 : vector<16xi32> to vector<16xi32>
    %swap3A_446 = vector.shape_cast %min3A_442 : vector<16xi32> to vector<16xi32>
    tpu.vector_store %arg10[%swap3A_443], %swap3A_446 {strides = array<i32>} : memref<256xi32, #tpu.memory_space<vmem>>, vector<16xi32>,
    %get3A_447 = arith.constant 0 : i32
    %get3A_448 = arith.index_cast %get3A_447 : i32 to index
    %get3A_449 = arith.constant 80 : index
    %get3A_450 = tpu.vector_load %arg7[%get3A_448, %get3A_449] {strides = array<i32>} : memref<1x256xf32, #tpu.memory_space<vmem>>, vector<1x16xf32>,
    %get3A_451 = vector.shape_cast %get3A_450 : vector<1x16xf32> to vector<16xf32>
    %mul3A_452 = arith.constant 1.024000e+03 : f32
    %mul3A_453 = vector.broadcast %mul3A_452 : f32 to vector<16xf32>
    %mul3A_454 = arith.mulf %get3A_451, %mul3A_453 : vector<16xf32>
    %convert_element_type3A_455 = arith.fptosi %mul3A_454 : vector<16xf32> to vector<16xi32>
    %jit3A_456 = arith.constant 0 : i32
    %jit3A_457 = arith.constant 1023 : i32
    %max3A_458 = vector.broadcast %jit3A_456 : i32 to vector<16xi32>
    %max3A_459 = arith.maxsi %max3A_458, %convert_element_type3A_455 : vector<16xi32>
    %min3A_460 = vector.broadcast %jit3A_457 : i32 to vector<16xi32>
    %min3A_461 = arith.minsi %min3A_460, %max3A_459 : vector<16xi32>
    %swap3A_462 = arith.constant 80 : index
    %swap3A_463 = tpu.vector_load %arg10[%swap3A_462] {strides = array<i32>} : memref<256xi32, #tpu.memory_space<vmem>>, vector<16xi32>,
    %swap3A_464 = vector.shape_cast %swap3A_463 : vector<16xi32> to vector<16xi32>
    %swap3A_465 = vector.shape_cast %min3A_461 : vector<16xi32> to vector<16xi32>
    tpu.vector_store %arg10[%swap3A_462], %swap3A_465 {strides = array<i32>} : memref<256xi32, #tpu.memory_space<vmem>>, vector<16xi32>,
    %get3A_466 = arith.constant 0 : i32
    %get3A_467 = arith.index_cast %get3A_466 : i32 to index
    %get3A_468 = arith.constant 96 : index
    %get3A_469 = tpu.vector_load %arg7[%get3A_467, %get3A_468] {strides = array<i32>} : memref<1x256xf32, #tpu.memory_space<vmem>>, vector<1x16xf32>,
    %get3A_470 = vector.shape_cast %get3A_469 : vector<1x16xf32> to vector<16xf32>
    %mul3A_471 = arith.constant 1.024000e+03 : f32
    %mul3A_472 = vector.broadcast %mul3A_471 : f32 to vector<16xf32>
    %mul3A_473 = arith.mulf %get3A_470, %mul3A_472 : vector<16xf32>
    %convert_element_type3A_474 = arith.fptosi %mul3A_473 : vector<16xf32> to vector<16xi32>
    %jit3A_475 = arith.constant 0 : i32
    %jit3A_476 = arith.constant 1023 : i32
    %max3A_477 = vector.broadcast %jit3A_475 : i32 to vector<16xi32>
    %max3A_478 = arith.maxsi %max3A_477, %convert_element_type3A_474 : vector<16xi32>
    %min3A_479 = vector.broadcast %jit3A_476 : i32 to vector<16xi32>
    %min3A_480 = arith.minsi %min3A_479, %max3A_478 : vector<16xi32>
    %swap3A_481 = arith.constant 96 : index
    %swap3A_482 = tpu.vector_load %arg10[%swap3A_481] {strides = array<i32>} : memref<256xi32, #tpu.memory_space<vmem>>, vector<16xi32>,
    %swap3A_483 = vector.shape_cast %swap3A_482 : vector<16xi32> to vector<16xi32>
    %swap3A_484 = vector.shape_cast %min3A_480 : vector<16xi32> to vector<16xi32>
    tpu.vector_store %arg10[%swap3A_481], %swap3A_484 {strides = array<i32>} : memref<256xi32, #tpu.memory_space<vmem>>, vector<16xi32>,
    %get3A_485 = arith.constant 0 : i32
    %get3A_486 = arith.index_cast %get3A_485 : i32 to index
    %get3A_487 = arith.constant 112 : index
    %get3A_488 = tpu.vector_load %arg7[%get3A_486, %get3A_487] {strides = array<i32>} : memref<1x256xf32, #tpu.memory_space<vmem>>, vector<1x16xf32>,
    %get3A_489 = vector.shape_cast %get3A_488 : vector<1x16xf32> to vector<16xf32>
    %mul3A_490 = arith.constant 1.024000e+03 : f32
    %mul3A_491 = vector.broadcast %mul3A_490 : f32 to vector<16xf32>
    %mul3A_492 = arith.mulf %get3A_489, %mul3A_491 : vector<16xf32>
    %convert_element_type3A_493 = arith.fptosi %mul3A_492 : vector<16xf32> to vector<16xi32>
    %jit3A_494 = arith.constant 0 : i32
    %jit3A_495 = arith.constant 1023 : i32
    %max3A_496 = vector.broadcast %jit3A_494 : i32 to vector<16xi32>
    %max3A_497 = arith.maxsi %max3A_496, %convert_element_type3A_493 : vector<16xi32>
    %min3A_498 = vector.broadcast %jit3A_495 : i32 to vector<16xi32>
    %min3A_499 = arith.minsi %min3A_498, %max3A_497 : vector<16xi32>
    %swap3A_500 = arith.constant 112 : index
    %swap3A_501 = tpu.vector_load %arg10[%swap3A_500] {strides = array<i32>} : memref<256xi32, #tpu.memory_space<vmem>>, vector<16xi32>,
    %swap3A_502 = vector.shape_cast %swap3A_501 : vector<16xi32> to vector<16xi32>
    %swap3A_503 = vector.shape_cast %min3A_499 : vector<16xi32> to vector<16xi32>
    tpu.vector_store %arg10[%swap3A_500], %swap3A_503 {strides = array<i32>} : memref<256xi32, #tpu.memory_space<vmem>>, vector<16xi32>,
    %get3A_504 = arith.constant 0 : i32
    %get3A_505 = arith.index_cast %get3A_504 : i32 to index
    %get3A_506 = arith.constant 128 : index
    %get3A_507 = tpu.vector_load %arg7[%get3A_505, %get3A_506] {strides = array<i32>} : memref<1x256xf32, #tpu.memory_space<vmem>>, vector<1x16xf32>,
    %get3A_508 = vector.shape_cast %get3A_507 : vector<1x16xf32> to vector<16xf32>
    %mul3A_509 = arith.constant 1.024000e+03 : f32
    %mul3A_510 = vector.broadcast %mul3A_509 : f32 to vector<16xf32>
    %mul3A_511 = arith.mulf %get3A_508, %mul3A_510 : vector<16xf32>
    %convert_element_type3A_512 = arith.fptosi %mul3A_511 : vector<16xf32> to vector<16xi32>
    %jit3A_513 = arith.constant 0 : i32
    %jit3A_514 = arith.constant 1023 : i32
    %max3A_515 = vector.broadcast %jit3A_513 : i32 to vector<16xi32>
    %max3A_516 = arith.maxsi %max3A_515, %convert_element_type3A_512 : vector<16xi32>
    %min3A_517 = vector.broadcast %jit3A_514 : i32 to vector<16xi32>
    %min3A_518 = arith.minsi %min3A_517, %max3A_516 : vector<16xi32>
    %swap3A_519 = arith.constant 128 : index
    %swap3A_520 = tpu.vector_load %arg10[%swap3A_519] {strides = array<i32>} : memref<256xi32, #tpu.memory_space<vmem>>, vector<16xi32>,
    %swap3A_521 = vector.shape_cast %swap3A_520 : vector<16xi32> to vector<16xi32>
    %swap3A_522 = vector.shape_cast %min3A_518 : vector<16xi32> to vector<16xi32>
    tpu.vector_store %arg10[%swap3A_519], %swap3A_522 {strides = array<i32>} : memref<256xi32, #tpu.memory_space<vmem>>, vector<16xi32>,
    %get3A_523 = arith.constant 0 : i32
    %get3A_524 = arith.index_cast %get3A_523 : i32 to index
    %get3A_525 = arith.constant 144 : index
    %get3A_526 = tpu.vector_load %arg7[%get3A_524, %get3A_525] {strides = array<i32>} : memref<1x256xf32, #tpu.memory_space<vmem>>, vector<1x16xf32>,
    %get3A_527 = vector.shape_cast %get3A_526 : vector<1x16xf32> to vector<16xf32>
    %mul3A_528 = arith.constant 1.024000e+03 : f32
    %mul3A_529 = vector.broadcast %mul3A_528 : f32 to vector<16xf32>
    %mul3A_530 = arith.mulf %get3A_527, %mul3A_529 : vector<16xf32>
    %convert_element_type3A_531 = arith.fptosi %mul3A_530 : vector<16xf32> to vector<16xi32>
    %jit3A_532 = arith.constant 0 : i32
    %jit3A_533 = arith.constant 1023 : i32
    %max3A_534 = vector.broadcast %jit3A_532 : i32 to vector<16xi32>
    %max3A_535 = arith.maxsi %max3A_534, %convert_element_type3A_531 : vector<16xi32>
    %min3A_536 = vector.broadcast %jit3A_533 : i32 to vector<16xi32>
    %min3A_537 = arith.minsi %min3A_536, %max3A_535 : vector<16xi32>
    %swap3A_538 = arith.constant 144 : index
    %swap3A_539 = tpu.vector_load %arg10[%swap3A_538] {strides = array<i32>} : memref<256xi32, #tpu.memory_space<vmem>>, vector<16xi32>,
    %swap3A_540 = vector.shape_cast %swap3A_539 : vector<16xi32> to vector<16xi32>
    %swap3A_541 = vector.shape_cast %min3A_537 : vector<16xi32> to vector<16xi32>
    tpu.vector_store %arg10[%swap3A_538], %swap3A_541 {strides = array<i32>} : memref<256xi32, #tpu.memory_space<vmem>>, vector<16xi32>,
    %get3A_542 = arith.constant 0 : i32
    %get3A_543 = arith.index_cast %get3A_542 : i32 to index
    %get3A_544 = arith.constant 160 : index
    %get3A_545 = tpu.vector_load %arg7[%get3A_543, %get3A_544] {strides = array<i32>} : memref<1x256xf32, #tpu.memory_space<vmem>>, vector<1x16xf32>,
    %get3A_546 = vector.shape_cast %get3A_545 : vector<1x16xf32> to vector<16xf32>
    %mul3A_547 = arith.constant 1.024000e+03 : f32
    %mul3A_548 = vector.broadcast %mul3A_547 : f32 to vector<16xf32>
    %mul3A_549 = arith.mulf %get3A_546, %mul3A_548 : vector<16xf32>
    %convert_element_type3A_550 = arith.fptosi %mul3A_549 : vector<16xf32> to vector<16xi32>
    %jit3A_551 = arith.constant 0 : i32
    %jit3A_552 = arith.constant 1023 : i32
    %max3A_553 = vector.broadcast %jit3A_551 : i32 to vector<16xi32>
    %max3A_554 = arith.maxsi %max3A_553, %convert_element_type3A_550 : vector<16xi32>
    %min3A_555 = vector.broadcast %jit3A_552 : i32 to vector<16xi32>
    %min3A_556 = arith.minsi %min3A_555, %max3A_554 : vector<16xi32>
    %swap3A_557 = arith.constant 160 : index
    %swap3A_558 = tpu.vector_load %arg10[%swap3A_557] {strides = array<i32>} : memref<256xi32, #tpu.memory_space<vmem>>, vector<16xi32>,
    %swap3A_559 = vector.shape_cast %swap3A_558 : vector<16xi32> to vector<16xi32>
    %swap3A_560 = vector.shape_cast %min3A_556 : vector<16xi32> to vector<16xi32>
    tpu.vector_store %arg10[%swap3A_557], %swap3A_560 {strides = array<i32>} : memref<256xi32, #tpu.memory_space<vmem>>, vector<16xi32>,
    %get3A_561 = arith.constant 0 : i32
    %get3A_562 = arith.index_cast %get3A_561 : i32 to index
    %get3A_563 = arith.constant 176 : index
    %get3A_564 = tpu.vector_load %arg7[%get3A_562, %get3A_563] {strides = array<i32>} : memref<1x256xf32, #tpu.memory_space<vmem>>, vector<1x16xf32>,
    %get3A_565 = vector.shape_cast %get3A_564 : vector<1x16xf32> to vector<16xf32>
    %mul3A_566 = arith.constant 1.024000e+03 : f32
    %mul3A_567 = vector.broadcast %mul3A_566 : f32 to vector<16xf32>
    %mul3A_568 = arith.mulf %get3A_565, %mul3A_567 : vector<16xf32>
    %convert_element_type3A_569 = arith.fptosi %mul3A_568 : vector<16xf32> to vector<16xi32>
    %jit3A_570 = arith.constant 0 : i32
    %jit3A_571 = arith.constant 1023 : i32
    %max3A_572 = vector.broadcast %jit3A_570 : i32 to vector<16xi32>
    %max3A_573 = arith.maxsi %max3A_572, %convert_element_type3A_569 : vector<16xi32>
    %min3A_574 = vector.broadcast %jit3A_571 : i32 to vector<16xi32>
    %min3A_575 = arith.minsi %min3A_574, %max3A_573 : vector<16xi32>
    %swap3A_576 = arith.constant 176 : index
    %swap3A_577 = tpu.vector_load %arg10[%swap3A_576] {strides = array<i32>} : memref<256xi32, #tpu.memory_space<vmem>>, vector<16xi32>,
    %swap3A_578 = vector.shape_cast %swap3A_577 : vector<16xi32> to vector<16xi32>
    %swap3A_579 = vector.shape_cast %min3A_575 : vector<16xi32> to vector<16xi32>
    tpu.vector_store %arg10[%swap3A_576], %swap3A_579 {strides = array<i32>} : memref<256xi32, #tpu.memory_space<vmem>>, vector<16xi32>,
    %get3A_580 = arith.constant 0 : i32
    %get3A_581 = arith.index_cast %get3A_580 : i32 to index
    %get3A_582 = arith.constant 192 : index
    %get3A_583 = tpu.vector_load %arg7[%get3A_581, %get3A_582] {strides = array<i32>} : memref<1x256xf32, #tpu.memory_space<vmem>>, vector<1x16xf32>,
    %get3A_584 = vector.shape_cast %get3A_583 : vector<1x16xf32> to vector<16xf32>
    %mul3A_585 = arith.constant 1.024000e+03 : f32
    %mul3A_586 = vector.broadcast %mul3A_585 : f32 to vector<16xf32>
    %mul3A_587 = arith.mulf %get3A_584, %mul3A_586 : vector<16xf32>
    %convert_element_type3A_588 = arith.fptosi %mul3A_587 : vector<16xf32> to vector<16xi32>
    %jit3A_589 = arith.constant 0 : i32
    %jit3A_590 = arith.constant 1023 : i32
    %max3A_591 = vector.broadcast %jit3A_589 : i32 to vector<16xi32>
    %max3A_592 = arith.maxsi %max3A_591, %convert_element_type3A_588 : vector<16xi32>
    %min3A_593 = vector.broadcast %jit3A_590 : i32 to vector<16xi32>
    %min3A_594 = arith.minsi %min3A_593, %max3A_592 : vector<16xi32>
    %swap3A_595 = arith.constant 192 : index
    %swap3A_596 = tpu.vector_load %arg10[%swap3A_595] {strides = array<i32>} : memref<256xi32, #tpu.memory_space<vmem>>, vector<16xi32>,
    %swap3A_597 = vector.shape_cast %swap3A_596 : vector<16xi32> to vector<16xi32>
    %swap3A_598 = vector.shape_cast %min3A_594 : vector<16xi32> to vector<16xi32>
    tpu.vector_store %arg10[%swap3A_595], %swap3A_598 {strides = array<i32>} : memref<256xi32, #tpu.memory_space<vmem>>, vector<16xi32>,
    %get3A_599 = arith.constant 0 : i32
    %get3A_600 = arith.index_cast %get3A_599 : i32 to index
    %get3A_601 = arith.constant 208 : index
    %get3A_602 = tpu.vector_load %arg7[%get3A_600, %get3A_601] {strides = array<i32>} : memref<1x256xf32, #tpu.memory_space<vmem>>, vector<1x16xf32>,
    %get3A_603 = vector.shape_cast %get3A_602 : vector<1x16xf32> to vector<16xf32>
    %mul3A_604 = arith.constant 1.024000e+03 : f32
    %mul3A_605 = vector.broadcast %mul3A_604 : f32 to vector<16xf32>
    %mul3A_606 = arith.mulf %get3A_603, %mul3A_605 : vector<16xf32>
    %convert_element_type3A_607 = arith.fptosi %mul3A_606 : vector<16xf32> to vector<16xi32>
    %jit3A_608 = arith.constant 0 : i32
    %jit3A_609 = arith.constant 1023 : i32
    %max3A_610 = vector.broadcast %jit3A_608 : i32 to vector<16xi32>
    %max3A_611 = arith.maxsi %max3A_610, %convert_element_type3A_607 : vector<16xi32>
    %min3A_612 = vector.broadcast %jit3A_609 : i32 to vector<16xi32>
    %min3A_613 = arith.minsi %min3A_612, %max3A_611 : vector<16xi32>
    %swap3A_614 = arith.constant 208 : index
    %swap3A_615 = tpu.vector_load %arg10[%swap3A_614] {strides = array<i32>} : memref<256xi32, #tpu.memory_space<vmem>>, vector<16xi32>,
    %swap3A_616 = vector.shape_cast %swap3A_615 : vector<16xi32> to vector<16xi32>
    %swap3A_617 = vector.shape_cast %min3A_613 : vector<16xi32> to vector<16xi32>
    tpu.vector_store %arg10[%swap3A_614], %swap3A_617 {strides = array<i32>} : memref<256xi32, #tpu.memory_space<vmem>>, vector<16xi32>,
    %get3A_618 = arith.constant 0 : i32
    %get3A_619 = arith.index_cast %get3A_618 : i32 to index
    %get3A_620 = arith.constant 224 : index
    %get3A_621 = tpu.vector_load %arg7[%get3A_619, %get3A_620] {strides = array<i32>} : memref<1x256xf32, #tpu.memory_space<vmem>>, vector<1x16xf32>,
    %get3A_622 = vector.shape_cast %get3A_621 : vector<1x16xf32> to vector<16xf32>
    %mul3A_623 = arith.constant 1.024000e+03 : f32
    %mul3A_624 = vector.broadcast %mul3A_623 : f32 to vector<16xf32>
    %mul3A_625 = arith.mulf %get3A_622, %mul3A_624 : vector<16xf32>
    %convert_element_type3A_626 = arith.fptosi %mul3A_625 : vector<16xf32> to vector<16xi32>
    %jit3A_627 = arith.constant 0 : i32
    %jit3A_628 = arith.constant 1023 : i32
    %max3A_629 = vector.broadcast %jit3A_627 : i32 to vector<16xi32>
    %max3A_630 = arith.maxsi %max3A_629, %convert_element_type3A_626 : vector<16xi32>
    %min3A_631 = vector.broadcast %jit3A_628 : i32 to vector<16xi32>
    %min3A_632 = arith.minsi %min3A_631, %max3A_630 : vector<16xi32>
    %swap3A_633 = arith.constant 224 : index
    %swap3A_634 = tpu.vector_load %arg10[%swap3A_633] {strides = array<i32>} : memref<256xi32, #tpu.memory_space<vmem>>, vector<16xi32>,
    %swap3A_635 = vector.shape_cast %swap3A_634 : vector<16xi32> to vector<16xi32>
    %swap3A_636 = vector.shape_cast %min3A_632 : vector<16xi32> to vector<16xi32>
    tpu.vector_store %arg10[%swap3A_633], %swap3A_636 {strides = array<i32>} : memref<256xi32, #tpu.memory_space<vmem>>, vector<16xi32>,
    %get3A_637 = arith.constant 0 : i32
    %get3A_638 = arith.index_cast %get3A_637 : i32 to index
    %get3A_639 = arith.constant 240 : index
    %get3A_640 = tpu.vector_load %arg7[%get3A_638, %get3A_639] {strides = array<i32>} : memref<1x256xf32, #tpu.memory_space<vmem>>, vector<1x16xf32>,
    %get3A_641 = vector.shape_cast %get3A_640 : vector<1x16xf32> to vector<16xf32>
    %mul3A_642 = arith.constant 1.024000e+03 : f32
    %mul3A_643 = vector.broadcast %mul3A_642 : f32 to vector<16xf32>
    %mul3A_644 = arith.mulf %get3A_641, %mul3A_643 : vector<16xf32>
    %convert_element_type3A_645 = arith.fptosi %mul3A_644 : vector<16xf32> to vector<16xi32>
    %jit3A_646 = arith.constant 0 : i32
    %jit3A_647 = arith.constant 1023 : i32
    %max3A_648 = vector.broadcast %jit3A_646 : i32 to vector<16xi32>
    %max3A_649 = arith.maxsi %max3A_648, %convert_element_type3A_645 : vector<16xi32>
    %min3A_650 = vector.broadcast %jit3A_647 : i32 to vector<16xi32>
    %min3A_651 = arith.minsi %min3A_650, %max3A_649 : vector<16xi32>
    %swap3A_652 = arith.constant 240 : index
    %swap3A_653 = tpu.vector_load %arg10[%swap3A_652] {strides = array<i32>} : memref<256xi32, #tpu.memory_space<vmem>>, vector<16xi32>,
    %swap3A_654 = vector.shape_cast %swap3A_653 : vector<16xi32> to vector<16xi32>
    %swap3A_655 = vector.shape_cast %min3A_651 : vector<16xi32> to vector<16xi32>
    tpu.vector_store %arg10[%swap3A_652], %swap3A_655 {strides = array<i32>} : memref<256xi32, #tpu.memory_space<vmem>>, vector<16xi32>,
    %dma_start3A_656 = arith.constant 0 : i32
    %dma_start3A_657 = arith.constant 0 : i32
    %dma_start3A_658 = tpu.memref_slice %arg13[%dma_start3A_656, %dma_start3A_657] : memref<256x128xf32, #tpu.memory_space<vmem>> -> memref<128x128xf32, #tpu.memory_space<vmem>>
    %dma_start3A_659 = arith.constant 0 : i32
    %dma_start3A_660 = tpu.memref_slice %arg10[%dma_start3A_659] : memref<256xi32, #tpu.memory_space<vmem>> -> memref<128xi32, #tpu.memory_space<vmem>>
    %dma_start3A_661 = arith.constant 0 : i32
    %dma_start3A_662 = arith.constant 0 : i32
    %dma_start3A_663 = tpu.memref_slice %arg5[%dma_start3A_661, %dma_start3A_662] : memref<1025x128xf32, #tpu.memory_space<vmem_shared>> -> memref<1025x128xf32, #tpu.memory_space<vmem_shared>>
    tpu.enqueue_indirect_dma source(%dma_start3A_663 : memref<1025x128xf32, #tpu.memory_space<vmem_shared>>) target(%dma_start3A_658 : memref<128x128xf32, #tpu.memory_space<vmem>>) offsets(%dma_start3A_660 : memref<128xi32, #tpu.memory_space<vmem>>) semaphore(%arg19 : memref<!tpu.dma_semaphore, #tpu.memory_space<semaphore_mem>>)
    %dma_start3A_664 = arith.constant 128 : i32
    %dma_start3A_665 = arith.constant 0 : i32
    %dma_start3A_666 = tpu.memref_slice %arg13[%dma_start3A_664, %dma_start3A_665] : memref<256x128xf32, #tpu.memory_space<vmem>> -> memref<128x128xf32, #tpu.memory_space<vmem>>
    %dma_start3A_667 = arith.constant 128 : i32
    %dma_start3A_668 = tpu.memref_slice %arg10[%dma_start3A_667] : memref<256xi32, #tpu.memory_space<vmem>> -> memref<128xi32, #tpu.memory_space<vmem>>
    %dma_start3A_669 = arith.constant 0 : i32
    %dma_start3A_670 = arith.constant 0 : i32
    %dma_start3A_671 = tpu.memref_slice %arg5[%dma_start3A_669, %dma_start3A_670] : memref<1025x128xf32, #tpu.memory_space<vmem_shared>> -> memref<1025x128xf32, #tpu.memory_space<vmem_shared>>
    tpu.enqueue_indirect_dma source(%dma_start3A_671 : memref<1025x128xf32, #tpu.memory_space<vmem_shared>>) target(%dma_start3A_666 : memref<128x128xf32, #tpu.memory_space<vmem>>) offsets(%dma_start3A_668 : memref<128xi32, #tpu.memory_space<vmem>>) semaphore(%arg19 : memref<!tpu.dma_semaphore, #tpu.memory_space<semaphore_mem>>)
    %dma_wait3A_672 = arith.constant 0 : i32
    %dma_wait3A_673 = arith.constant 0 : i32
    %dma_wait3A_674 = tpu.memref_slice %arg12[%dma_wait3A_672, %dma_wait3A_673] : memref<256x128xf32, #tpu.memory_space<vmem>> -> memref<128x128xf32, #tpu.memory_space<vmem>>
    %dma_wait3A_675 = arith.constant 0 : i32
    %dma_wait3A_676 = tpu.memref_slice %arg9[%dma_wait3A_675] : memref<256xi32, #tpu.memory_space<vmem>> -> memref<128xi32, #tpu.memory_space<vmem>>
    %dma_wait3A_677 = arith.constant 0 : i32
    %dma_wait3A_678 = arith.constant 0 : i32
    %dma_wait3A_679 = tpu.memref_slice %arg5[%dma_wait3A_677, %dma_wait3A_678] : memref<1025x128xf32, #tpu.memory_space<vmem_shared>> -> memref<1025x128xf32, #tpu.memory_space<vmem_shared>>
    tpu.wait_indirect_dma semaphore(%arg18 : memref<!tpu.dma_semaphore, #tpu.memory_space<semaphore_mem>>) src(%dma_wait3A_679 : memref<1025x128xf32, #tpu.memory_space<vmem_shared>>) dst(%dma_wait3A_674 : memref<128x128xf32, #tpu.memory_space<vmem>>)
    %dma_wait3A_680 = arith.constant 128 : i32
    %dma_wait3A_681 = arith.constant 0 : i32
    %dma_wait3A_682 = tpu.memref_slice %arg12[%dma_wait3A_680, %dma_wait3A_681] : memref<256x128xf32, #tpu.memory_space<vmem>> -> memref<128x128xf32, #tpu.memory_space<vmem>>
    %dma_wait3A_683 = arith.constant 128 : i32
    %dma_wait3A_684 = tpu.memref_slice %arg9[%dma_wait3A_683] : memref<256xi32, #tpu.memory_space<vmem>> -> memref<128xi32, #tpu.memory_space<vmem>>
    %dma_wait3A_685 = arith.constant 0 : i32
    %dma_wait3A_686 = arith.constant 0 : i32
    %dma_wait3A_687 = tpu.memref_slice %arg5[%dma_wait3A_685, %dma_wait3A_686] : memref<1025x128xf32, #tpu.memory_space<vmem_shared>> -> memref<1025x128xf32, #tpu.memory_space<vmem_shared>>
    tpu.wait_indirect_dma semaphore(%arg18 : memref<!tpu.dma_semaphore, #tpu.memory_space<semaphore_mem>>) src(%dma_wait3A_687 : memref<1025x128xf32, #tpu.memory_space<vmem_shared>>) dst(%dma_wait3A_682 : memref<128x128xf32, #tpu.memory_space<vmem>>)
    %add3A_688 = arith.constant 0 : i32
    %add3A_689 = arith.addi %add3A_688, %mul3A_2 : i32
    %add3A_690 = arith.constant 0 : i32
    %add3A_691 = arith.addi %add3A_689, %add3A_690 : i32
    %add3A_692 = arith.constant 0 : i32
    %add3A_693 = arith.addi %add3A_691, %add3A_692 : i32
    %dma_start3A_694 = arith.constant 0 : i32
    %dma_start3A_695 = arith.constant 0 : i32
    %dma_start3A_696 = tpu.memref_slice %arg12[%dma_start3A_694, %dma_start3A_695] : memref<256x128xf32, #tpu.memory_space<vmem>> -> memref<128x128xf32, #tpu.memory_space<vmem>>
    %dma_start3A_697 = arith.constant 0 : i32
    %dma_start3A_698 = tpu.memref_slice %arg4[%add3A_693, %dma_start3A_697] : memref<819200x128xf32, #tpu.memory_space<hbm>> -> memref<128x128xf32, #tpu.memory_space<hbm>>
    %dma_start3A_699 = arith.constant 0 : i32
    %dma_start3A_700 = tpu.memref_slice %arg4[%add3A_693, %dma_start3A_699] : memref<819200x128xf32, #tpu.memory_space<hbm>> -> memref<128x128xf32, #tpu.memory_space<hbm>>
    %dma_start3A_701 = arith.constant 0 : i32
    %dma_start3A_702 = arith.constant 0 : i32
    %dma_start3A_703 = tpu.memref_slice %arg12[%dma_start3A_701, %dma_start3A_702] : memref<256x128xf32, #tpu.memory_space<vmem>> -> memref<128x128xf32, #tpu.memory_space<vmem>>
    tpu.enqueue_dma source(%dma_start3A_703 : memref<128x128xf32, #tpu.memory_space<vmem>>) target(%dma_start3A_700 : memref<128x128xf32, #tpu.memory_space<hbm>>) target_semaphore(%arg21 : memref<!tpu.dma_semaphore, #tpu.memory_space<semaphore_mem>>)
    %add3A_704 = arith.constant 0 : i32
    %add3A_705 = arith.addi %add3A_704, %mul3A_2 : i32
    %add3A_706 = arith.constant 0 : i32
    %add3A_707 = arith.addi %add3A_705, %add3A_706 : i32
    %add3A_708 = arith.constant 128 : i32
    %add3A_709 = arith.addi %add3A_707, %add3A_708 : i32
    %dma_start3A_710 = arith.constant 128 : i32
    %dma_start3A_711 = arith.constant 0 : i32
    %dma_start3A_712 = tpu.memref_slice %arg12[%dma_start3A_710, %dma_start3A_711] : memref<256x128xf32, #tpu.memory_space<vmem>> -> memref<128x128xf32, #tpu.memory_space<vmem>>
    %dma_start3A_713 = arith.constant 0 : i32
    %dma_start3A_714 = tpu.memref_slice %arg4[%add3A_709, %dma_start3A_713] : memref<819200x128xf32, #tpu.memory_space<hbm>> -> memref<128x128xf32, #tpu.memory_space<hbm>>
    %dma_start3A_715 = arith.constant 0 : i32
    %dma_start3A_716 = tpu.memref_slice %arg4[%add3A_709, %dma_start3A_715] : memref<819200x128xf32, #tpu.memory_space<hbm>> -> memref<128x128xf32, #tpu.memory_space<hbm>>
    %dma_start3A_717 = arith.constant 128 : i32
    %dma_start3A_718 = arith.constant 0 : i32
    %dma_start3A_719 = tpu.memref_slice %arg12[%dma_start3A_717, %dma_start3A_718] : memref<256x128xf32, #tpu.memory_space<vmem>> -> memref<128x128xf32, #tpu.memory_space<vmem>>
    tpu.enqueue_dma source(%dma_start3A_719 : memref<128x128xf32, #tpu.memory_space<vmem>>) target(%dma_start3A_716 : memref<128x128xf32, #tpu.memory_space<hbm>>) target_semaphore(%arg21 : memref<!tpu.dma_semaphore, #tpu.memory_space<semaphore_mem>>)
    %add3A_720 = arith.constant 256 : i32
    %add3A_721 = arith.addi %mul3A_2, %add3A_720 : i32
    %dma_start3A_722 = arith.constant 1 : i32
    %dma_start3A_723 = tpu.memref_slice %arg2[%dma_start3A_722, %add3A_721] : memref<50x16384xf32, #tpu.memory_space<hbm>> -> memref<1x256xf32, #tpu.memory_space<hbm>>
    %dma_start3A_724 = arith.constant 1 : i32
    %dma_start3A_725 = tpu.memref_slice %arg2[%dma_start3A_724, %add3A_721] : memref<50x16384xf32, #tpu.memory_space<hbm>> -> memref<1x256xf32, #tpu.memory_space<hbm>>
    tpu.enqueue_dma source(%dma_start3A_725 : memref<1x256xf32, #tpu.memory_space<hbm>>) target(%arg6 : memref<1x256xf32, #tpu.memory_space<vmem>>) target_semaphore(%arg15 : memref<!tpu.dma_semaphore, #tpu.memory_space<semaphore_mem>>)
    %add3A_726 = arith.constant 0 : i32
    %add3A_727 = arith.addi %mul3A_2, %add3A_726 : i32
    %dma_wait3A_728 = arith.constant 1 : i32
    %dma_wait3A_729 = tpu.memref_slice %arg2[%dma_wait3A_728, %add3A_727] : memref<50x16384xf32, #tpu.memory_space<hbm>> -> memref<1x256xf32, #tpu.memory_space<hbm>>
    %dma_wait3A_730 = arith.constant 1 : i32
    %dma_wait3A_731 = tpu.memref_slice %arg2[%dma_wait3A_730, %add3A_727] : memref<50x16384xf32, #tpu.memory_space<hbm>> -> memref<1x256xf32, #tpu.memory_space<hbm>>
    tpu.wait_dma2 semaphore(%arg17 : memref<!tpu.dma_semaphore, #tpu.memory_space<semaphore_mem>>) src(%dma_wait3A_731 : memref<1x256xf32, #tpu.memory_space<hbm>>) dst(%arg8 : memref<1x256xf32, #tpu.memory_space<vmem>>)
    %get3A_732 = arith.constant 0 : i32
    %get3A_733 = arith.index_cast %get3A_732 : i32 to index
    %get3A_734 = arith.constant 0 : index
    %get3A_735 = tpu.vector_load %arg8[%get3A_733, %get3A_734] {strides = array<i32>} : memref<1x256xf32, #tpu.memory_space<vmem>>, vector<1x16xf32>,
    %get3A_736 = vector.shape_cast %get3A_735 : vector<1x16xf32> to vector<16xf32>
    %mul3A_737 = arith.constant 1.024000e+03 : f32
    %mul3A_738 = vector.broadcast %mul3A_737 : f32 to vector<16xf32>
    %mul3A_739 = arith.mulf %get3A_736, %mul3A_738 : vector<16xf32>
    %convert_element_type3A_740 = arith.fptosi %mul3A_739 : vector<16xf32> to vector<16xi32>
    %jit3A_741 = arith.constant 0 : i32
    %jit3A_742 = arith.constant 1023 : i32
    %max3A_743 = vector.broadcast %jit3A_741 : i32 to vector<16xi32>
    %max3A_744 = arith.maxsi %max3A_743, %convert_element_type3A_740 : vector<16xi32>
    %min3A_745 = vector.broadcast %jit3A_742 : i32 to vector<16xi32>
    %min3A_746 = arith.minsi %min3A_745, %max3A_744 : vector<16xi32>
    %swap3A_747 = arith.constant 0 : index
    %swap3A_748 = tpu.vector_load %arg11[%swap3A_747] {strides = array<i32>} : memref<256xi32, #tpu.memory_space<vmem>>, vector<16xi32>,
    %swap3A_749 = vector.shape_cast %swap3A_748 : vector<16xi32> to vector<16xi32>
    %swap3A_750 = vector.shape_cast %min3A_746 : vector<16xi32> to vector<16xi32>
    tpu.vector_store %arg11[%swap3A_747], %swap3A_750 {strides = array<i32>} : memref<256xi32, #tpu.memory_space<vmem>>, vector<16xi32>,
    %get3A_751 = arith.constant 0 : i32
    %get3A_752 = arith.index_cast %get3A_751 : i32 to index
    %get3A_753 = arith.constant 16 : index
    %get3A_754 = tpu.vector_load %arg8[%get3A_752, %get3A_753] {strides = array<i32>} : memref<1x256xf32, #tpu.memory_space<vmem>>, vector<1x16xf32>,
    %get3A_755 = vector.shape_cast %get3A_754 : vector<1x16xf32> to vector<16xf32>
    %mul3A_756 = arith.constant 1.024000e+03 : f32
    %mul3A_757 = vector.broadcast %mul3A_756 : f32 to vector<16xf32>
    %mul3A_758 = arith.mulf %get3A_755, %mul3A_757 : vector<16xf32>
    %convert_element_type3A_759 = arith.fptosi %mul3A_758 : vector<16xf32> to vector<16xi32>
    %jit3A_760 = arith.constant 0 : i32
    %jit3A_761 = arith.constant 1023 : i32
    %max3A_762 = vector.broadcast %jit3A_760 : i32 to vector<16xi32>
    %max3A_763 = arith.maxsi %max3A_762, %convert_element_type3A_759 : vector<16xi32>
    %min3A_764 = vector.broadcast %jit3A_761 : i32 to vector<16xi32>
    %min3A_765 = arith.minsi %min3A_764, %max3A_763 : vector<16xi32>
    %swap3A_766 = arith.constant 16 : index
    %swap3A_767 = tpu.vector_load %arg11[%swap3A_766] {strides = array<i32>} : memref<256xi32, #tpu.memory_space<vmem>>, vector<16xi32>,
    %swap3A_768 = vector.shape_cast %swap3A_767 : vector<16xi32> to vector<16xi32>
    %swap3A_769 = vector.shape_cast %min3A_765 : vector<16xi32> to vector<16xi32>
    tpu.vector_store %arg11[%swap3A_766], %swap3A_769 {strides = array<i32>} : memref<256xi32, #tpu.memory_space<vmem>>, vector<16xi32>,
    %get3A_770 = arith.constant 0 : i32
    %get3A_771 = arith.index_cast %get3A_770 : i32 to index
    %get3A_772 = arith.constant 32 : index
    %get3A_773 = tpu.vector_load %arg8[%get3A_771, %get3A_772] {strides = array<i32>} : memref<1x256xf32, #tpu.memory_space<vmem>>, vector<1x16xf32>,
    %get3A_774 = vector.shape_cast %get3A_773 : vector<1x16xf32> to vector<16xf32>
    %mul3A_775 = arith.constant 1.024000e+03 : f32
    %mul3A_776 = vector.broadcast %mul3A_775 : f32 to vector<16xf32>
    %mul3A_777 = arith.mulf %get3A_774, %mul3A_776 : vector<16xf32>
    %convert_element_type3A_778 = arith.fptosi %mul3A_777 : vector<16xf32> to vector<16xi32>
    %jit3A_779 = arith.constant 0 : i32
    %jit3A_780 = arith.constant 1023 : i32
    %max3A_781 = vector.broadcast %jit3A_779 : i32 to vector<16xi32>
    %max3A_782 = arith.maxsi %max3A_781, %convert_element_type3A_778 : vector<16xi32>
    %min3A_783 = vector.broadcast %jit3A_780 : i32 to vector<16xi32>
    %min3A_784 = arith.minsi %min3A_783, %max3A_782 : vector<16xi32>
    %swap3A_785 = arith.constant 32 : index
    %swap3A_786 = tpu.vector_load %arg11[%swap3A_785] {strides = array<i32>} : memref<256xi32, #tpu.memory_space<vmem>>, vector<16xi32>,
    %swap3A_787 = vector.shape_cast %swap3A_786 : vector<16xi32> to vector<16xi32>
    %swap3A_788 = vector.shape_cast %min3A_784 : vector<16xi32> to vector<16xi32>
    tpu.vector_store %arg11[%swap3A_785], %swap3A_788 {strides = array<i32>} : memref<256xi32, #tpu.memory_space<vmem>>, vector<16xi32>,
    %get3A_789 = arith.constant 0 : i32
    %get3A_790 = arith.index_cast %get3A_789 : i32 to index
    %get3A_791 = arith.constant 48 : index
    %get3A_792 = tpu.vector_load %arg8[%get3A_790, %get3A_791] {strides = array<i32>} : memref<1x256xf32, #tpu.memory_space<vmem>>, vector<1x16xf32>,
    %get3A_793 = vector.shape_cast %get3A_792 : vector<1x16xf32> to vector<16xf32>
    %mul3A_794 = arith.constant 1.024000e+03 : f32
    %mul3A_795 = vector.broadcast %mul3A_794 : f32 to vector<16xf32>
    %mul3A_796 = arith.mulf %get3A_793, %mul3A_795 : vector<16xf32>
    %convert_element_type3A_797 = arith.fptosi %mul3A_796 : vector<16xf32> to vector<16xi32>
    %jit3A_798 = arith.constant 0 : i32
    %jit3A_799 = arith.constant 1023 : i32
    %max3A_800 = vector.broadcast %jit3A_798 : i32 to vector<16xi32>
    %max3A_801 = arith.maxsi %max3A_800, %convert_element_type3A_797 : vector<16xi32>
    %min3A_802 = vector.broadcast %jit3A_799 : i32 to vector<16xi32>
    %min3A_803 = arith.minsi %min3A_802, %max3A_801 : vector<16xi32>
    %swap3A_804 = arith.constant 48 : index
    %swap3A_805 = tpu.vector_load %arg11[%swap3A_804] {strides = array<i32>} : memref<256xi32, #tpu.memory_space<vmem>>, vector<16xi32>,
    %swap3A_806 = vector.shape_cast %swap3A_805 : vector<16xi32> to vector<16xi32>
    %swap3A_807 = vector.shape_cast %min3A_803 : vector<16xi32> to vector<16xi32>
    tpu.vector_store %arg11[%swap3A_804], %swap3A_807 {strides = array<i32>} : memref<256xi32, #tpu.memory_space<vmem>>, vector<16xi32>,
    %get3A_808 = arith.constant 0 : i32
    %get3A_809 = arith.index_cast %get3A_808 : i32 to index
    %get3A_810 = arith.constant 64 : index
    %get3A_811 = tpu.vector_load %arg8[%get3A_809, %get3A_810] {strides = array<i32>} : memref<1x256xf32, #tpu.memory_space<vmem>>, vector<1x16xf32>,
    %get3A_812 = vector.shape_cast %get3A_811 : vector<1x16xf32> to vector<16xf32>
    %mul3A_813 = arith.constant 1.024000e+03 : f32
    %mul3A_814 = vector.broadcast %mul3A_813 : f32 to vector<16xf32>
    %mul3A_815 = arith.mulf %get3A_812, %mul3A_814 : vector<16xf32>
    %convert_element_type3A_816 = arith.fptosi %mul3A_815 : vector<16xf32> to vector<16xi32>
    %jit3A_817 = arith.constant 0 : i32
    %jit3A_818 = arith.constant 1023 : i32
    %max3A_819 = vector.broadcast %jit3A_817 : i32 to vector<16xi32>
    %max3A_820 = arith.maxsi %max3A_819, %convert_element_type3A_816 : vector<16xi32>
    %min3A_821 = vector.broadcast %jit3A_818 : i32 to vector<16xi32>
    %min3A_822 = arith.minsi %min3A_821, %max3A_820 : vector<16xi32>
    %swap3A_823 = arith.constant 64 : index
    %swap3A_824 = tpu.vector_load %arg11[%swap3A_823] {strides = array<i32>} : memref<256xi32, #tpu.memory_space<vmem>>, vector<16xi32>,
    %swap3A_825 = vector.shape_cast %swap3A_824 : vector<16xi32> to vector<16xi32>
    %swap3A_826 = vector.shape_cast %min3A_822 : vector<16xi32> to vector<16xi32>
    tpu.vector_store %arg11[%swap3A_823], %swap3A_826 {strides = array<i32>} : memref<256xi32, #tpu.memory_space<vmem>>, vector<16xi32>,
    %get3A_827 = arith.constant 0 : i32
    %get3A_828 = arith.index_cast %get3A_827 : i32 to index
    %get3A_829 = arith.constant 80 : index
    %get3A_830 = tpu.vector_load %arg8[%get3A_828, %get3A_829] {strides = array<i32>} : memref<1x256xf32, #tpu.memory_space<vmem>>, vector<1x16xf32>,
    %get3A_831 = vector.shape_cast %get3A_830 : vector<1x16xf32> to vector<16xf32>
    %mul3A_832 = arith.constant 1.024000e+03 : f32
    %mul3A_833 = vector.broadcast %mul3A_832 : f32 to vector<16xf32>
    %mul3A_834 = arith.mulf %get3A_831, %mul3A_833 : vector<16xf32>
    %convert_element_type3A_835 = arith.fptosi %mul3A_834 : vector<16xf32> to vector<16xi32>
    %jit3A_836 = arith.constant 0 : i32
    %jit3A_837 = arith.constant 1023 : i32
    %max3A_838 = vector.broadcast %jit3A_836 : i32 to vector<16xi32>
    %max3A_839 = arith.maxsi %max3A_838, %convert_element_type3A_835 : vector<16xi32>
    %min3A_840 = vector.broadcast %jit3A_837 : i32 to vector<16xi32>
    %min3A_841 = arith.minsi %min3A_840, %max3A_839 : vector<16xi32>
    %swap3A_842 = arith.constant 80 : index
    %swap3A_843 = tpu.vector_load %arg11[%swap3A_842] {strides = array<i32>} : memref<256xi32, #tpu.memory_space<vmem>>, vector<16xi32>,
    %swap3A_844 = vector.shape_cast %swap3A_843 : vector<16xi32> to vector<16xi32>
    %swap3A_845 = vector.shape_cast %min3A_841 : vector<16xi32> to vector<16xi32>
    tpu.vector_store %arg11[%swap3A_842], %swap3A_845 {strides = array<i32>} : memref<256xi32, #tpu.memory_space<vmem>>, vector<16xi32>,
    %get3A_846 = arith.constant 0 : i32
    %get3A_847 = arith.index_cast %get3A_846 : i32 to index
    %get3A_848 = arith.constant 96 : index
    %get3A_849 = tpu.vector_load %arg8[%get3A_847, %get3A_848] {strides = array<i32>} : memref<1x256xf32, #tpu.memory_space<vmem>>, vector<1x16xf32>,
    %get3A_850 = vector.shape_cast %get3A_849 : vector<1x16xf32> to vector<16xf32>
    %mul3A_851 = arith.constant 1.024000e+03 : f32
    %mul3A_852 = vector.broadcast %mul3A_851 : f32 to vector<16xf32>
    %mul3A_853 = arith.mulf %get3A_850, %mul3A_852 : vector<16xf32>
    %convert_element_type3A_854 = arith.fptosi %mul3A_853 : vector<16xf32> to vector<16xi32>
    %jit3A_855 = arith.constant 0 : i32
    %jit3A_856 = arith.constant 1023 : i32
    %max3A_857 = vector.broadcast %jit3A_855 : i32 to vector<16xi32>
    %max3A_858 = arith.maxsi %max3A_857, %convert_element_type3A_854 : vector<16xi32>
    %min3A_859 = vector.broadcast %jit3A_856 : i32 to vector<16xi32>
    %min3A_860 = arith.minsi %min3A_859, %max3A_858 : vector<16xi32>
    %swap3A_861 = arith.constant 96 : index
    %swap3A_862 = tpu.vector_load %arg11[%swap3A_861] {strides = array<i32>} : memref<256xi32, #tpu.memory_space<vmem>>, vector<16xi32>,
    %swap3A_863 = vector.shape_cast %swap3A_862 : vector<16xi32> to vector<16xi32>
    %swap3A_864 = vector.shape_cast %min3A_860 : vector<16xi32> to vector<16xi32>
    tpu.vector_store %arg11[%swap3A_861], %swap3A_864 {strides = array<i32>} : memref<256xi32, #tpu.memory_space<vmem>>, vector<16xi32>,
    %get3A_865 = arith.constant 0 : i32
    %get3A_866 = arith.index_cast %get3A_865 : i32 to index
    %get3A_867 = arith.constant 112 : index
    %get3A_868 = tpu.vector_load %arg8[%get3A_866, %get3A_867] {strides = array<i32>} : memref<1x256xf32, #tpu.memory_space<vmem>>, vector<1x16xf32>,
    %get3A_869 = vector.shape_cast %get3A_868 : vector<1x16xf32> to vector<16xf32>
    %mul3A_870 = arith.constant 1.024000e+03 : f32
    %mul3A_871 = vector.broadcast %mul3A_870 : f32 to vector<16xf32>
    %mul3A_872 = arith.mulf %get3A_869, %mul3A_871 : vector<16xf32>
    %convert_element_type3A_873 = arith.fptosi %mul3A_872 : vector<16xf32> to vector<16xi32>
    %jit3A_874 = arith.constant 0 : i32
    %jit3A_875 = arith.constant 1023 : i32
    %max3A_876 = vector.broadcast %jit3A_874 : i32 to vector<16xi32>
    %max3A_877 = arith.maxsi %max3A_876, %convert_element_type3A_873 : vector<16xi32>
    %min3A_878 = vector.broadcast %jit3A_875 : i32 to vector<16xi32>
    %min3A_879 = arith.minsi %min3A_878, %max3A_877 : vector<16xi32>
    %swap3A_880 = arith.constant 112 : index
    %swap3A_881 = tpu.vector_load %arg11[%swap3A_880] {strides = array<i32>} : memref<256xi32, #tpu.memory_space<vmem>>, vector<16xi32>,
    %swap3A_882 = vector.shape_cast %swap3A_881 : vector<16xi32> to vector<16xi32>
    %swap3A_883 = vector.shape_cast %min3A_879 : vector<16xi32> to vector<16xi32>
    tpu.vector_store %arg11[%swap3A_880], %swap3A_883 {strides = array<i32>} : memref<256xi32, #tpu.memory_space<vmem>>, vector<16xi32>,
    %get3A_884 = arith.constant 0 : i32
    %get3A_885 = arith.index_cast %get3A_884 : i32 to index
    %get3A_886 = arith.constant 128 : index
    %get3A_887 = tpu.vector_load %arg8[%get3A_885, %get3A_886] {strides = array<i32>} : memref<1x256xf32, #tpu.memory_space<vmem>>, vector<1x16xf32>,
    %get3A_888 = vector.shape_cast %get3A_887 : vector<1x16xf32> to vector<16xf32>
    %mul3A_889 = arith.constant 1.024000e+03 : f32
    %mul3A_890 = vector.broadcast %mul3A_889 : f32 to vector<16xf32>
    %mul3A_891 = arith.mulf %get3A_888, %mul3A_890 : vector<16xf32>
    %convert_element_type3A_892 = arith.fptosi %mul3A_891 : vector<16xf32> to vector<16xi32>
    %jit3A_893 = arith.constant 0 : i32
    %jit3A_894 = arith.constant 1023 : i32
    %max3A_895 = vector.broadcast %jit3A_893 : i32 to vector<16xi32>
    %max3A_896 = arith.maxsi %max3A_895, %convert_element_type3A_892 : vector<16xi32>
    %min3A_897 = vector.broadcast %jit3A_894 : i32 to vector<16xi32>
    %min3A_898 = arith.minsi %min3A_897, %max3A_896 : vector<16xi32>
    %swap3A_899 = arith.constant 128 : index
    %swap3A_900 = tpu.vector_load %arg11[%swap3A_899] {strides = array<i32>} : memref<256xi32, #tpu.memory_space<vmem>>, vector<16xi32>,
    %swap3A_901 = vector.shape_cast %swap3A_900 : vector<16xi32> to vector<16xi32>
    %swap3A_902 = vector.shape_cast %min3A_898 : vector<16xi32> to vector<16xi32>
    tpu.vector_store %arg11[%swap3A_899], %swap3A_902 {strides = array<i32>} : memref<256xi32, #tpu.memory_space<vmem>>, vector<16xi32>,
    %get3A_903 = arith.constant 0 : i32
    %get3A_904 = arith.index_cast %get3A_903 : i32 to index
    %get3A_905 = arith.constant 144 : index
    %get3A_906 = tpu.vector_load %arg8[%get3A_904, %get3A_905] {strides = array<i32>} : memref<1x256xf32, #tpu.memory_space<vmem>>, vector<1x16xf32>,
    %get3A_907 = vector.shape_cast %get3A_906 : vector<1x16xf32> to vector<16xf32>
    %mul3A_908 = arith.constant 1.024000e+03 : f32
    %mul3A_909 = vector.broadcast %mul3A_908 : f32 to vector<16xf32>
    %mul3A_910 = arith.mulf %get3A_907, %mul3A_909 : vector<16xf32>
    %convert_element_type3A_911 = arith.fptosi %mul3A_910 : vector<16xf32> to vector<16xi32>
    %jit3A_912 = arith.constant 0 : i32
    %jit3A_913 = arith.constant 1023 : i32
    %max3A_914 = vector.broadcast %jit3A_912 : i32 to vector<16xi32>
    %max3A_915 = arith.maxsi %max3A_914, %convert_element_type3A_911 : vector<16xi32>
    %min3A_916 = vector.broadcast %jit3A_913 : i32 to vector<16xi32>
    %min3A_917 = arith.minsi %min3A_916, %max3A_915 : vector<16xi32>
    %swap3A_918 = arith.constant 144 : index
    %swap3A_919 = tpu.vector_load %arg11[%swap3A_918] {strides = array<i32>} : memref<256xi32, #tpu.memory_space<vmem>>, vector<16xi32>,
    %swap3A_920 = vector.shape_cast %swap3A_919 : vector<16xi32> to vector<16xi32>
    %swap3A_921 = vector.shape_cast %min3A_917 : vector<16xi32> to vector<16xi32>
    tpu.vector_store %arg11[%swap3A_918], %swap3A_921 {strides = array<i32>} : memref<256xi32, #tpu.memory_space<vmem>>, vector<16xi32>,
    %get3A_922 = arith.constant 0 : i32
    %get3A_923 = arith.index_cast %get3A_922 : i32 to index
    %get3A_924 = arith.constant 160 : index
    %get3A_925 = tpu.vector_load %arg8[%get3A_923, %get3A_924] {strides = array<i32>} : memref<1x256xf32, #tpu.memory_space<vmem>>, vector<1x16xf32>,
    %get3A_926 = vector.shape_cast %get3A_925 : vector<1x16xf32> to vector<16xf32>
    %mul3A_927 = arith.constant 1.024000e+03 : f32
    %mul3A_928 = vector.broadcast %mul3A_927 : f32 to vector<16xf32>
    %mul3A_929 = arith.mulf %get3A_926, %mul3A_928 : vector<16xf32>
    %convert_element_type3A_930 = arith.fptosi %mul3A_929 : vector<16xf32> to vector<16xi32>
    %jit3A_931 = arith.constant 0 : i32
    %jit3A_932 = arith.constant 1023 : i32
    %max3A_933 = vector.broadcast %jit3A_931 : i32 to vector<16xi32>
    %max3A_934 = arith.maxsi %max3A_933, %convert_element_type3A_930 : vector<16xi32>
    %min3A_935 = vector.broadcast %jit3A_932 : i32 to vector<16xi32>
    %min3A_936 = arith.minsi %min3A_935, %max3A_934 : vector<16xi32>
    %swap3A_937 = arith.constant 160 : index
    %swap3A_938 = tpu.vector_load %arg11[%swap3A_937] {strides = array<i32>} : memref<256xi32, #tpu.memory_space<vmem>>, vector<16xi32>,
    %swap3A_939 = vector.shape_cast %swap3A_938 : vector<16xi32> to vector<16xi32>
    %swap3A_940 = vector.shape_cast %min3A_936 : vector<16xi32> to vector<16xi32>
    tpu.vector_store %arg11[%swap3A_937], %swap3A_940 {strides = array<i32>} : memref<256xi32, #tpu.memory_space<vmem>>, vector<16xi32>,
    %get3A_941 = arith.constant 0 : i32
    %get3A_942 = arith.index_cast %get3A_941 : i32 to index
    %get3A_943 = arith.constant 176 : index
    %get3A_944 = tpu.vector_load %arg8[%get3A_942, %get3A_943] {strides = array<i32>} : memref<1x256xf32, #tpu.memory_space<vmem>>, vector<1x16xf32>,
    %get3A_945 = vector.shape_cast %get3A_944 : vector<1x16xf32> to vector<16xf32>
    %mul3A_946 = arith.constant 1.024000e+03 : f32
    %mul3A_947 = vector.broadcast %mul3A_946 : f32 to vector<16xf32>
    %mul3A_948 = arith.mulf %get3A_945, %mul3A_947 : vector<16xf32>
    %convert_element_type3A_949 = arith.fptosi %mul3A_948 : vector<16xf32> to vector<16xi32>
    %jit3A_950 = arith.constant 0 : i32
    %jit3A_951 = arith.constant 1023 : i32
    %max3A_952 = vector.broadcast %jit3A_950 : i32 to vector<16xi32>
    %max3A_953 = arith.maxsi %max3A_952, %convert_element_type3A_949 : vector<16xi32>
    %min3A_954 = vector.broadcast %jit3A_951 : i32 to vector<16xi32>
    %min3A_955 = arith.minsi %min3A_954, %max3A_953 : vector<16xi32>
    %swap3A_956 = arith.constant 176 : index
    %swap3A_957 = tpu.vector_load %arg11[%swap3A_956] {strides = array<i32>} : memref<256xi32, #tpu.memory_space<vmem>>, vector<16xi32>,
    %swap3A_958 = vector.shape_cast %swap3A_957 : vector<16xi32> to vector<16xi32>
    %swap3A_959 = vector.shape_cast %min3A_955 : vector<16xi32> to vector<16xi32>
    tpu.vector_store %arg11[%swap3A_956], %swap3A_959 {strides = array<i32>} : memref<256xi32, #tpu.memory_space<vmem>>, vector<16xi32>,
    %get3A_960 = arith.constant 0 : i32
    %get3A_961 = arith.index_cast %get3A_960 : i32 to index
    %get3A_962 = arith.constant 192 : index
    %get3A_963 = tpu.vector_load %arg8[%get3A_961, %get3A_962] {strides = array<i32>} : memref<1x256xf32, #tpu.memory_space<vmem>>, vector<1x16xf32>,
    %get3A_964 = vector.shape_cast %get3A_963 : vector<1x16xf32> to vector<16xf32>
    %mul3A_965 = arith.constant 1.024000e+03 : f32
    %mul3A_966 = vector.broadcast %mul3A_965 : f32 to vector<16xf32>
    %mul3A_967 = arith.mulf %get3A_964, %mul3A_966 : vector<16xf32>
    %convert_element_type3A_968 = arith.fptosi %mul3A_967 : vector<16xf32> to vector<16xi32>
    %jit3A_969 = arith.constant 0 : i32
    %jit3A_970 = arith.constant 1023 : i32
    %max3A_971 = vector.broadcast %jit3A_969 : i32 to vector<16xi32>
    %max3A_972 = arith.maxsi %max3A_971, %convert_element_type3A_968 : vector<16xi32>
    %min3A_973 = vector.broadcast %jit3A_970 : i32 to vector<16xi32>
    %min3A_974 = arith.minsi %min3A_973, %max3A_972 : vector<16xi32>
    %swap3A_975 = arith.constant 192 : index
    %swap3A_976 = tpu.vector_load %arg11[%swap3A_975] {strides = array<i32>} : memref<256xi32, #tpu.memory_space<vmem>>, vector<16xi32>,
    %swap3A_977 = vector.shape_cast %swap3A_976 : vector<16xi32> to vector<16xi32>
    %swap3A_978 = vector.shape_cast %min3A_974 : vector<16xi32> to vector<16xi32>
    tpu.vector_store %arg11[%swap3A_975], %swap3A_978 {strides = array<i32>} : memref<256xi32, #tpu.memory_space<vmem>>, vector<16xi32>,
    %get3A_979 = arith.constant 0 : i32
    %get3A_980 = arith.index_cast %get3A_979 : i32 to index
    %get3A_981 = arith.constant 208 : index
    %get3A_982 = tpu.vector_load %arg8[%get3A_980, %get3A_981] {strides = array<i32>} : memref<1x256xf32, #tpu.memory_space<vmem>>, vector<1x16xf32>,
    %get3A_983 = vector.shape_cast %get3A_982 : vector<1x16xf32> to vector<16xf32>
    %mul3A_984 = arith.constant 1.024000e+03 : f32
    %mul3A_985 = vector.broadcast %mul3A_984 : f32 to vector<16xf32>
    %mul3A_986 = arith.mulf %get3A_983, %mul3A_985 : vector<16xf32>
    %convert_element_type3A_987 = arith.fptosi %mul3A_986 : vector<16xf32> to vector<16xi32>
    %jit3A_988 = arith.constant 0 : i32
    %jit3A_989 = arith.constant 1023 : i32
    %max3A_990 = vector.broadcast %jit3A_988 : i32 to vector<16xi32>
    %max3A_991 = arith.maxsi %max3A_990, %convert_element_type3A_987 : vector<16xi32>
    %min3A_992 = vector.broadcast %jit3A_989 : i32 to vector<16xi32>
    %min3A_993 = arith.minsi %min3A_992, %max3A_991 : vector<16xi32>
    %swap3A_994 = arith.constant 208 : index
    %swap3A_995 = tpu.vector_load %arg11[%swap3A_994] {strides = array<i32>} : memref<256xi32, #tpu.memory_space<vmem>>, vector<16xi32>,
    %swap3A_996 = vector.shape_cast %swap3A_995 : vector<16xi32> to vector<16xi32>
    %swap3A_997 = vector.shape_cast %min3A_993 : vector<16xi32> to vector<16xi32>
    tpu.vector_store %arg11[%swap3A_994], %swap3A_997 {strides = array<i32>} : memref<256xi32, #tpu.memory_space<vmem>>, vector<16xi32>,
    %get3A_998 = arith.constant 0 : i32
    %get3A_999 = arith.index_cast %get3A_998 : i32 to index
    %get3A_1000 = arith.constant 224 : index
    %get3A_1001 = tpu.vector_load %arg8[%get3A_999, %get3A_1000] {strides = array<i32>} : memref<1x256xf32, #tpu.memory_space<vmem>>, vector<1x16xf32>,
    %get3A_1002 = vector.shape_cast %get3A_1001 : vector<1x16xf32> to vector<16xf32>
    %mul3A_1003 = arith.constant 1.024000e+03 : f32
    %mul3A_1004 = vector.broadcast %mul3A_1003 : f32 to vector<16xf32>
    %mul3A_1005 = arith.mulf %get3A_1002, %mul3A_1004 : vector<16xf32>
    %convert_element_type3A_1006 = arith.fptosi %mul3A_1005 : vector<16xf32> to vector<16xi32>
    %jit3A_1007 = arith.constant 0 : i32
    %jit3A_1008 = arith.constant 1023 : i32
    %max3A_1009 = vector.broadcast %jit3A_1007 : i32 to vector<16xi32>
    %max3A_1010 = arith.maxsi %max3A_1009, %convert_element_type3A_1006 : vector<16xi32>
    %min3A_1011 = vector.broadcast %jit3A_1008 : i32 to vector<16xi32>
    %min3A_1012 = arith.minsi %min3A_1011, %max3A_1010 : vector<16xi32>
    %swap3A_1013 = arith.constant 224 : index
    %swap3A_1014 = tpu.vector_load %arg11[%swap3A_1013] {strides = array<i32>} : memref<256xi32, #tpu.memory_space<vmem>>, vector<16xi32>,
    %swap3A_1015 = vector.shape_cast %swap3A_1014 : vector<16xi32> to vector<16xi32>
    %swap3A_1016 = vector.shape_cast %min3A_1012 : vector<16xi32> to vector<16xi32>
    tpu.vector_store %arg11[%swap3A_1013], %swap3A_1016 {strides = array<i32>} : memref<256xi32, #tpu.memory_space<vmem>>, vector<16xi32>,
    %get3A_1017 = arith.constant 0 : i32
    %get3A_1018 = arith.index_cast %get3A_1017 : i32 to index
    %get3A_1019 = arith.constant 240 : index
    %get3A_1020 = tpu.vector_load %arg8[%get3A_1018, %get3A_1019] {strides = array<i32>} : memref<1x256xf32, #tpu.memory_space<vmem>>, vector<1x16xf32>,
    %get3A_1021 = vector.shape_cast %get3A_1020 : vector<1x16xf32> to vector<16xf32>
    %mul3A_1022 = arith.constant 1.024000e+03 : f32
    %mul3A_1023 = vector.broadcast %mul3A_1022 : f32 to vector<16xf32>
    %mul3A_1024 = arith.mulf %get3A_1021, %mul3A_1023 : vector<16xf32>
    %convert_element_type3A_1025 = arith.fptosi %mul3A_1024 : vector<16xf32> to vector<16xi32>
    %jit3A_1026 = arith.constant 0 : i32
    %jit3A_1027 = arith.constant 1023 : i32
    %max3A_1028 = vector.broadcast %jit3A_1026 : i32 to vector<16xi32>
    %max3A_1029 = arith.maxsi %max3A_1028, %convert_element_type3A_1025 : vector<16xi32>
    %min3A_1030 = vector.broadcast %jit3A_1027 : i32 to vector<16xi32>
    %min3A_1031 = arith.minsi %min3A_1030, %max3A_1029 : vector<16xi32>
    %swap3A_1032 = arith.constant 240 : index
    %swap3A_1033 = tpu.vector_load %arg11[%swap3A_1032] {strides = array<i32>} : memref<256xi32, #tpu.memory_space<vmem>>, vector<16xi32>,
    %swap3A_1034 = vector.shape_cast %swap3A_1033 : vector<16xi32> to vector<16xi32>
    %swap3A_1035 = vector.shape_cast %min3A_1031 : vector<16xi32> to vector<16xi32>
    tpu.vector_store %arg11[%swap3A_1032], %swap3A_1035 {strides = array<i32>} : memref<256xi32, #tpu.memory_space<vmem>>, vector<16xi32>,
    %dma_start3A_1036 = arith.constant 0 : i32
    %dma_start3A_1037 = arith.constant 0 : i32
    %dma_start3A_1038 = tpu.memref_slice %arg14[%dma_start3A_1036, %dma_start3A_1037] : memref<256x128xf32, #tpu.memory_space<vmem>> -> memref<128x128xf32, #tpu.memory_space<vmem>>
    %dma_start3A_1039 = arith.constant 0 : i32
    %dma_start3A_1040 = tpu.memref_slice %arg11[%dma_start3A_1039] : memref<256xi32, #tpu.memory_space<vmem>> -> memref<128xi32, #tpu.memory_space<vmem>>
    %dma_start3A_1041 = arith.constant 0 : i32
    %dma_start3A_1042 = arith.constant 0 : i32
    %dma_start3A_1043 = tpu.memref_slice %arg5[%dma_start3A_1041, %dma_start3A_1042] : memref<1025x128xf32, #tpu.memory_space<vmem_shared>> -> memref<1025x128xf32, #tpu.memory_space<vmem_shared>>
    tpu.enqueue_indirect_dma source(%dma_start3A_1043 : memref<1025x128xf32, #tpu.memory_space<vmem_shared>>) target(%dma_start3A_1038 : memref<128x128xf32, #tpu.memory_space<vmem>>) offsets(%dma_start3A_1040 : memref<128xi32, #tpu.memory_space<vmem>>) semaphore(%arg20 : memref<!tpu.dma_semaphore, #tpu.memory_space<semaphore_mem>>)
    %dma_start3A_1044 = arith.constant 128 : i32
    %dma_start3A_1045 = arith.constant 0 : i32
    %dma_start3A_1046 = tpu.memref_slice %arg14[%dma_start3A_1044, %dma_start3A_1045] : memref<256x128xf32, #tpu.memory_space<vmem>> -> memref<128x128xf32, #tpu.memory_space<vmem>>
    %dma_start3A_1047 = arith.constant 128 : i32
    %dma_start3A_1048 = tpu.memref_slice %arg11[%dma_start3A_1047] : memref<256xi32, #tpu.memory_space<vmem>> -> memref<128xi32, #tpu.memory_space<vmem>>
    %dma_start3A_1049 = arith.constant 0 : i32
    %dma_start3A_1050 = arith.constant 0 : i32
    %dma_start3A_1051 = tpu.memref_slice %arg5[%dma_start3A_1049, %dma_start3A_1050] : memref<1025x128xf32, #tpu.memory_space<vmem_shared>> -> memref<1025x128xf32, #tpu.memory_space<vmem_shared>>
    tpu.enqueue_indirect_dma source(%dma_start3A_1051 : memref<1025x128xf32, #tpu.memory_space<vmem_shared>>) target(%dma_start3A_1046 : memref<128x128xf32, #tpu.memory_space<vmem>>) offsets(%dma_start3A_1048 : memref<128xi32, #tpu.memory_space<vmem>>) semaphore(%arg20 : memref<!tpu.dma_semaphore, #tpu.memory_space<semaphore_mem>>)
    %dma_wait3A_1052 = arith.constant 0 : i32
    %dma_wait3A_1053 = arith.constant 0 : i32
    %dma_wait3A_1054 = tpu.memref_slice %arg13[%dma_wait3A_1052, %dma_wait3A_1053] : memref<256x128xf32, #tpu.memory_space<vmem>> -> memref<128x128xf32, #tpu.memory_space<vmem>>
    %dma_wait3A_1055 = arith.constant 0 : i32
    %dma_wait3A_1056 = tpu.memref_slice %arg10[%dma_wait3A_1055] : memref<256xi32, #tpu.memory_space<vmem>> -> memref<128xi32, #tpu.memory_space<vmem>>
    %dma_wait3A_1057 = arith.constant 0 : i32
    %dma_wait3A_1058 = arith.constant 0 : i32
    %dma_wait3A_1059 = tpu.memref_slice %arg5[%dma_wait3A_1057, %dma_wait3A_1058] : memref<1025x128xf32, #tpu.memory_space<vmem_shared>> -> memref<1025x128xf32, #tpu.memory_space<vmem_shared>>
    tpu.wait_indirect_dma semaphore(%arg19 : memref<!tpu.dma_semaphore, #tpu.memory_space<semaphore_mem>>) src(%dma_wait3A_1059 : memref<1025x128xf32, #tpu.memory_space<vmem_shared>>) dst(%dma_wait3A_1054 : memref<128x128xf32, #tpu.memory_space<vmem>>)
    %dma_wait3A_1060 = arith.constant 128 : i32
    %dma_wait3A_1061 = arith.constant 0 : i32
    %dma_wait3A_1062 = tpu.memref_slice %arg13[%dma_wait3A_1060, %dma_wait3A_1061] : memref<256x128xf32, #tpu.memory_space<vmem>> -> memref<128x128xf32, #tpu.memory_space<vmem>>
    %dma_wait3A_1063 = arith.constant 128 : i32
    %dma_wait3A_1064 = tpu.memref_slice %arg10[%dma_wait3A_1063] : memref<256xi32, #tpu.memory_space<vmem>> -> memref<128xi32, #tpu.memory_space<vmem>>
    %dma_wait3A_1065 = arith.constant 0 : i32
    %dma_wait3A_1066 = arith.constant 0 : i32
    %dma_wait3A_1067 = tpu.memref_slice %arg5[%dma_wait3A_1065, %dma_wait3A_1066] : memref<1025x128xf32, #tpu.memory_space<vmem_shared>> -> memref<1025x128xf32, #tpu.memory_space<vmem_shared>>
    tpu.wait_indirect_dma semaphore(%arg19 : memref<!tpu.dma_semaphore, #tpu.memory_space<semaphore_mem>>) src(%dma_wait3A_1067 : memref<1025x128xf32, #tpu.memory_space<vmem_shared>>) dst(%dma_wait3A_1062 : memref<128x128xf32, #tpu.memory_space<vmem>>)
    %add3A_1068 = arith.constant 0 : i32
    %add3A_1069 = arith.addi %add3A_1068, %mul3A_2 : i32
    %add3A_1070 = arith.constant 256 : i32
    %add3A_1071 = arith.addi %add3A_1069, %add3A_1070 : i32
    %add3A_1072 = arith.constant 0 : i32
    %add3A_1073 = arith.addi %add3A_1071, %add3A_1072 : i32
    %dma_start3A_1074 = arith.constant 0 : i32
    %dma_start3A_1075 = arith.constant 0 : i32
    %dma_start3A_1076 = tpu.memref_slice %arg13[%dma_start3A_1074, %dma_start3A_1075] : memref<256x128xf32, #tpu.memory_space<vmem>> -> memref<128x128xf32, #tpu.memory_space<vmem>>
    %dma_start3A_1077 = arith.constant 0 : i32
    %dma_start3A_1078 = tpu.memref_slice %arg4[%add3A_1073, %dma_start3A_1077] : memref<819200x128xf32, #tpu.memory_space<hbm>> -> memref<128x128xf32, #tpu.memory_space<hbm>>
    %dma_start3A_1079 = arith.constant 0 : i32
    %dma_start3A_1080 = tpu.memref_slice %arg4[%add3A_1073, %dma_start3A_1079] : memref<819200x128xf32, #tpu.memory_space<hbm>> -> memref<128x128xf32, #tpu.memory_space<hbm>>
    %dma_start3A_1081 = arith.constant 0 : i32
    %dma_start3A_1082 = arith.constant 0 : i32
    %dma_start3A_1083 = tpu.memref_slice %arg13[%dma_start3A_1081, %dma_start3A_1082] : memref<256x128xf32, #tpu.memory_space<vmem>> -> memref<128x128xf32, #tpu.memory_space<vmem>>
    tpu.enqueue_dma source(%dma_start3A_1083 : memref<128x128xf32, #tpu.memory_space<vmem>>) target(%dma_start3A_1080 : memref<128x128xf32, #tpu.memory_space<hbm>>) target_semaphore(%arg22 : memref<!tpu.dma_semaphore, #tpu.memory_space<semaphore_mem>>)
    %add3A_1084 = arith.constant 0 : i32
    %add3A_1085 = arith.addi %add3A_1084, %mul3A_2 : i32
    %add3A_1086 = arith.constant 256 : i32
    %add3A_1087 = arith.addi %add3A_1085, %add3A_1086 : i32
    %add3A_1088 = arith.constant 128 : i32
    %add3A_1089 = arith.addi %add3A_1087, %add3A_1088 : i32
    %dma_start3A_1090 = arith.constant 128 : i32
    %dma_start3A_1091 = arith.constant 0 : i32
    %dma_start3A_1092 = tpu.memref_slice %arg13[%dma_start3A_1090, %dma_start3A_1091] : memref<256x128xf32, #tpu.memory_space<vmem>> -> memref<128x128xf32, #tpu.memory_space<vmem>>
    %dma_start3A_1093 = arith.constant 0 : i32
    %dma_start3A_1094 = tpu.memref_slice %arg4[%add3A_1089, %dma_start3A_1093] : memref<819200x128xf32, #tpu.memory_space<hbm>> -> memref<128x128xf32, #tpu.memory_space<hbm>>
    %dma_start3A_1095 = arith.constant 0 : i32
    %dma_start3A_1096 = tpu.memref_slice %arg4[%add3A_1089, %dma_start3A_1095] : memref<819200x128xf32, #tpu.memory_space<hbm>> -> memref<128x128xf32, #tpu.memory_space<hbm>>
    %dma_start3A_1097 = arith.constant 128 : i32
    %dma_start3A_1098 = arith.constant 0 : i32
    %dma_start3A_1099 = tpu.memref_slice %arg13[%dma_start3A_1097, %dma_start3A_1098] : memref<256x128xf32, #tpu.memory_space<vmem>> -> memref<128x128xf32, #tpu.memory_space<vmem>>
    tpu.enqueue_dma source(%dma_start3A_1099 : memref<128x128xf32, #tpu.memory_space<vmem>>) target(%dma_start3A_1096 : memref<128x128xf32, #tpu.memory_space<hbm>>) target_semaphore(%arg22 : memref<!tpu.dma_semaphore, #tpu.memory_space<semaphore_mem>>)
    %scan3A = arith.constant 0 : i32
    %scan3A_1100 = arith.constant 32 : i32
    %scan3A_1101 = arith.addi %scan3A, %scan3A_1100 : i32
    %scan3A_1102 = arith.constant 1 : i32
    scf.for %scan3A_1654 = %scan3A to %scan3A_1101 step %scan3A_1102  : i32 {
      %mul3A_1655 = arith.constant 3 : i32
      %mul3A_1656 = arith.muli %scan3A_1654, %mul3A_1655 : i32
      %add3A_1657 = arith.constant 2 : i32
      %add3A_1658 = arith.addi %add3A_1657, %mul3A_1656 : i32
      %add3A_1659 = arith.constant 0 : i32
      %add3A_1660 = arith.addi %add3A_1658, %add3A_1659 : i32
      %sub3A = arith.constant 2 : i32
      %sub3A_1661 = arith.subi %add3A_1660, %sub3A : i32
      %jit3A_1662 = arith.constant 2 : i32
      %div3A = arith.divsi %sub3A_1661, %jit3A_1662 : i32
      %sign3A = arith.constant 0 : i32
      %sign3A_1663 = arith.cmpi sgt, %sub3A_1661, %sign3A : i32
      %sign3A_1664 = arith.extui %sign3A_1663 : i1 to i32
      %sign3A_1665 = arith.constant 0 : i32
      %sign3A_1666 = arith.cmpi slt, %sub3A_1661, %sign3A_1665 : i32
      %sign3A_1667 = arith.extui %sign3A_1666 : i1 to i32
      %sign3A_1668 = arith.subi %sign3A_1664, %sign3A_1667 : i32
      %sign3A_1669 = arith.constant 0 : i32
      %sign3A_1670 = arith.cmpi sgt, %jit3A_1662, %sign3A_1669 : i32
      %sign3A_1671 = arith.extui %sign3A_1670 : i1 to i32
      %sign3A_1672 = arith.constant 0 : i32
      %sign3A_1673 = arith.cmpi slt, %jit3A_1662, %sign3A_1672 : i32
      %sign3A_1674 = arith.extui %sign3A_1673 : i1 to i32
      %sign3A_1675 = arith.subi %sign3A_1671, %sign3A_1674 : i32
      %ne3A = arith.cmpi ne, %sign3A_1668, %sign3A_1675 : i32
      %rem3A = arith.remsi %sub3A_1661, %jit3A_1662 : i32
      %ne3A_1676 = arith.constant 0 : i32
      %ne3A_1677 = arith.cmpi ne, %rem3A, %ne3A_1676 : i32
      %and3A = arith.andi %ne3A, %ne3A_1677 : i1
      %sub3A_1678 = arith.constant 1 : i32
      %sub3A_1679 = arith.subi %div3A, %sub3A_1678 : i32
      %select_n3A = arith.select %and3A, %sub3A_1679, %div3A : i32
      %mul3A_1680 = arith.constant 16384 : i32
      %mul3A_1681 = arith.muli %select_n3A, %mul3A_1680 : i32
      %add3A_1682 = arith.addi %mul3A_1681, %mul3A_2 : i32
      %jit3A_1683 = arith.constant 2 : i32
      %eq3A_1684 = arith.constant 0 : i32
      %eq3A_1685 = arith.cmpi eq, %jit3A_1683, %eq3A_1684 : i32
      %jit3A_1686 = arith.constant 1 : i32
      %select_n3A_1687 = arith.select %eq3A_1685, %jit3A_1686, %jit3A_1683 : i32
      %rem3A_1688 = arith.remsi %sub3A_1661, %select_n3A_1687 : i32
      %ne3A_1689 = arith.constant 0 : i32
      %ne3A_1690 = arith.cmpi ne, %rem3A_1688, %ne3A_1689 : i32
      %lt3A = arith.constant 0 : i32
      %lt3A_1691 = arith.cmpi slt, %rem3A_1688, %lt3A : i32
      %lt3A_1692 = arith.constant 0 : i32
      %lt3A_1693 = arith.cmpi slt, %select_n3A_1687, %lt3A_1692 : i32
      %ne3A_1694 = arith.xori %lt3A_1691, %lt3A_1693 : i1
      %and3A_1695 = arith.andi %ne3A_1694, %ne3A_1690 : i1
      %add3A_1696 = arith.addi %rem3A_1688, %select_n3A_1687 : i32
      %select_n3A_1697 = arith.select %and3A_1695, %add3A_1696, %rem3A_1688 : i32
      %mul3A_1698 = arith.constant 256 : i32
      %mul3A_1699 = arith.muli %select_n3A_1697, %mul3A_1698 : i32
      %add3A_1700 = arith.addi %add3A_1682, %mul3A_1699 : i32
      %add3A_1701 = arith.constant 0 : i32
      %add3A_1702 = arith.addi %add3A_1700, %add3A_1701 : i32
      %dma_wait3A_1703 = arith.constant 0 : i32
      %dma_wait3A_1704 = arith.constant 0 : i32
      %dma_wait3A_1705 = tpu.memref_slice %arg12[%dma_wait3A_1703, %dma_wait3A_1704] : memref<256x128xf32, #tpu.memory_space<vmem>> -> memref<128x128xf32, #tpu.memory_space<vmem>>
      %dma_wait3A_1706 = arith.constant 0 : i32
      %dma_wait3A_1707 = tpu.memref_slice %arg4[%add3A_1702, %dma_wait3A_1706] : memref<819200x128xf32, #tpu.memory_space<hbm>> -> memref<128x128xf32, #tpu.memory_space<hbm>>
      %dma_wait3A_1708 = arith.constant 0 : i32
      %dma_wait3A_1709 = tpu.memref_slice %arg4[%add3A_1702, %dma_wait3A_1708] : memref<819200x128xf32, #tpu.memory_space<hbm>> -> memref<128x128xf32, #tpu.memory_space<hbm>>
      %dma_wait3A_1710 = arith.constant 0 : i32
      %dma_wait3A_1711 = arith.constant 0 : i32
      %dma_wait3A_1712 = tpu.memref_slice %arg12[%dma_wait3A_1710, %dma_wait3A_1711] : memref<256x128xf32, #tpu.memory_space<vmem>> -> memref<128x128xf32, #tpu.memory_space<vmem>>
      tpu.wait_dma2 semaphore(%arg21 : memref<!tpu.dma_semaphore, #tpu.memory_space<semaphore_mem>>) src(%dma_wait3A_1712 : memref<128x128xf32, #tpu.memory_space<vmem>>) dst(%dma_wait3A_1709 : memref<128x128xf32, #tpu.memory_space<hbm>>)
      %jit3A_1713 = arith.constant 2 : i32
      %div3A_1714 = arith.divsi %sub3A_1661, %jit3A_1713 : i32
      %sign3A_1715 = arith.constant 0 : i32
      %sign3A_1716 = arith.cmpi sgt, %sub3A_1661, %sign3A_1715 : i32
      %sign3A_1717 = arith.extui %sign3A_1716 : i1 to i32
      %sign3A_1718 = arith.constant 0 : i32
      %sign3A_1719 = arith.cmpi slt, %sub3A_1661, %sign3A_1718 : i32
      %sign3A_1720 = arith.extui %sign3A_1719 : i1 to i32
      %sign3A_1721 = arith.subi %sign3A_1717, %sign3A_1720 : i32
      %sign3A_1722 = arith.constant 0 : i32
      %sign3A_1723 = arith.cmpi sgt, %jit3A_1713, %sign3A_1722 : i32
      %sign3A_1724 = arith.extui %sign3A_1723 : i1 to i32
      %sign3A_1725 = arith.constant 0 : i32
      %sign3A_1726 = arith.cmpi slt, %jit3A_1713, %sign3A_1725 : i32
      %sign3A_1727 = arith.extui %sign3A_1726 : i1 to i32
      %sign3A_1728 = arith.subi %sign3A_1724, %sign3A_1727 : i32
      %ne3A_1729 = arith.cmpi ne, %sign3A_1721, %sign3A_1728 : i32
      %rem3A_1730 = arith.remsi %sub3A_1661, %jit3A_1713 : i32
      %ne3A_1731 = arith.constant 0 : i32
      %ne3A_1732 = arith.cmpi ne, %rem3A_1730, %ne3A_1731 : i32
      %and3A_1733 = arith.andi %ne3A_1729, %ne3A_1732 : i1
      %sub3A_1734 = arith.constant 1 : i32
      %sub3A_1735 = arith.subi %div3A_1714, %sub3A_1734 : i32
      %select_n3A_1736 = arith.select %and3A_1733, %sub3A_1735, %div3A_1714 : i32
      %mul3A_1737 = arith.constant 16384 : i32
      %mul3A_1738 = arith.muli %select_n3A_1736, %mul3A_1737 : i32
      %add3A_1739 = arith.addi %mul3A_1738, %mul3A_2 : i32
      %jit3A_1740 = arith.constant 2 : i32
      %eq3A_1741 = arith.constant 0 : i32
      %eq3A_1742 = arith.cmpi eq, %jit3A_1740, %eq3A_1741 : i32
      %jit3A_1743 = arith.constant 1 : i32
      %select_n3A_1744 = arith.select %eq3A_1742, %jit3A_1743, %jit3A_1740 : i32
      %rem3A_1745 = arith.remsi %sub3A_1661, %select_n3A_1744 : i32
      %ne3A_1746 = arith.constant 0 : i32
      %ne3A_1747 = arith.cmpi ne, %rem3A_1745, %ne3A_1746 : i32
      %lt3A_1748 = arith.constant 0 : i32
      %lt3A_1749 = arith.cmpi slt, %rem3A_1745, %lt3A_1748 : i32
      %lt3A_1750 = arith.constant 0 : i32
      %lt3A_1751 = arith.cmpi slt, %select_n3A_1744, %lt3A_1750 : i32
      %ne3A_1752 = arith.xori %lt3A_1749, %lt3A_1751 : i1
      %and3A_1753 = arith.andi %ne3A_1752, %ne3A_1747 : i1
      %add3A_1754 = arith.addi %rem3A_1745, %select_n3A_1744 : i32
      %select_n3A_1755 = arith.select %and3A_1753, %add3A_1754, %rem3A_1745 : i32
      %mul3A_1756 = arith.constant 256 : i32
      %mul3A_1757 = arith.muli %select_n3A_1755, %mul3A_1756 : i32
      %add3A_1758 = arith.addi %add3A_1739, %mul3A_1757 : i32
      %add3A_1759 = arith.constant 128 : i32
      %add3A_1760 = arith.addi %add3A_1758, %add3A_1759 : i32
      %dma_wait3A_1761 = arith.constant 128 : i32
      %dma_wait3A_1762 = arith.constant 0 : i32
      %dma_wait3A_1763 = tpu.memref_slice %arg12[%dma_wait3A_1761, %dma_wait3A_1762] : memref<256x128xf32, #tpu.memory_space<vmem>> -> memref<128x128xf32, #tpu.memory_space<vmem>>
      %dma_wait3A_1764 = arith.constant 0 : i32
      %dma_wait3A_1765 = tpu.memref_slice %arg4[%add3A_1760, %dma_wait3A_1764] : memref<819200x128xf32, #tpu.memory_space<hbm>> -> memref<128x128xf32, #tpu.memory_space<hbm>>
      %dma_wait3A_1766 = arith.constant 0 : i32
      %dma_wait3A_1767 = tpu.memref_slice %arg4[%add3A_1760, %dma_wait3A_1766] : memref<819200x128xf32, #tpu.memory_space<hbm>> -> memref<128x128xf32, #tpu.memory_space<hbm>>
      %dma_wait3A_1768 = arith.constant 128 : i32
      %dma_wait3A_1769 = arith.constant 0 : i32
      %dma_wait3A_1770 = tpu.memref_slice %arg12[%dma_wait3A_1768, %dma_wait3A_1769] : memref<256x128xf32, #tpu.memory_space<vmem>> -> memref<128x128xf32, #tpu.memory_space<vmem>>
      tpu.wait_dma2 semaphore(%arg21 : memref<!tpu.dma_semaphore, #tpu.memory_space<semaphore_mem>>) src(%dma_wait3A_1770 : memref<128x128xf32, #tpu.memory_space<vmem>>) dst(%dma_wait3A_1767 : memref<128x128xf32, #tpu.memory_space<hbm>>)
      %add3A_1771 = arith.constant 2 : i32
      %add3A_1772 = arith.addi %add3A_1660, %add3A_1771 : i32
      %jit3A_1773 = arith.constant 2 : i32
      %div3A_1774 = arith.divsi %add3A_1772, %jit3A_1773 : i32
      %sign3A_1775 = arith.constant 0 : i32
      %sign3A_1776 = arith.cmpi sgt, %add3A_1772, %sign3A_1775 : i32
      %sign3A_1777 = arith.extui %sign3A_1776 : i1 to i32
      %sign3A_1778 = arith.constant 0 : i32
      %sign3A_1779 = arith.cmpi slt, %add3A_1772, %sign3A_1778 : i32
      %sign3A_1780 = arith.extui %sign3A_1779 : i1 to i32
      %sign3A_1781 = arith.subi %sign3A_1777, %sign3A_1780 : i32
      %sign3A_1782 = arith.constant 0 : i32
      %sign3A_1783 = arith.cmpi sgt, %jit3A_1773, %sign3A_1782 : i32
      %sign3A_1784 = arith.extui %sign3A_1783 : i1 to i32
      %sign3A_1785 = arith.constant 0 : i32
      %sign3A_1786 = arith.cmpi slt, %jit3A_1773, %sign3A_1785 : i32
      %sign3A_1787 = arith.extui %sign3A_1786 : i1 to i32
      %sign3A_1788 = arith.subi %sign3A_1784, %sign3A_1787 : i32
      %ne3A_1789 = arith.cmpi ne, %sign3A_1781, %sign3A_1788 : i32
      %rem3A_1790 = arith.remsi %add3A_1772, %jit3A_1773 : i32
      %ne3A_1791 = arith.constant 0 : i32
      %ne3A_1792 = arith.cmpi ne, %rem3A_1790, %ne3A_1791 : i32
      %and3A_1793 = arith.andi %ne3A_1789, %ne3A_1792 : i1
      %sub3A_1794 = arith.constant 1 : i32
      %sub3A_1795 = arith.subi %div3A_1774, %sub3A_1794 : i32
      %select_n3A_1796 = arith.select %and3A_1793, %sub3A_1795, %div3A_1774 : i32
      %jit3A_1797 = arith.constant 2 : i32
      %eq3A_1798 = arith.constant 0 : i32
      %eq3A_1799 = arith.cmpi eq, %jit3A_1797, %eq3A_1798 : i32
      %jit3A_1800 = arith.constant 1 : i32
      %select_n3A_1801 = arith.select %eq3A_1799, %jit3A_1800, %jit3A_1797 : i32
      %rem3A_1802 = arith.remsi %add3A_1772, %select_n3A_1801 : i32
      %ne3A_1803 = arith.constant 0 : i32
      %ne3A_1804 = arith.cmpi ne, %rem3A_1802, %ne3A_1803 : i32
      %lt3A_1805 = arith.constant 0 : i32
      %lt3A_1806 = arith.cmpi slt, %rem3A_1802, %lt3A_1805 : i32
      %lt3A_1807 = arith.constant 0 : i32
      %lt3A_1808 = arith.cmpi slt, %select_n3A_1801, %lt3A_1807 : i32
      %ne3A_1809 = arith.xori %lt3A_1806, %lt3A_1808 : i1
      %and3A_1810 = arith.andi %ne3A_1809, %ne3A_1804 : i1
      %add3A_1811 = arith.addi %rem3A_1802, %select_n3A_1801 : i32
      %select_n3A_1812 = arith.select %and3A_1810, %add3A_1811, %rem3A_1802 : i32
      %mul3A_1813 = arith.constant 256 : i32
      %mul3A_1814 = arith.muli %select_n3A_1812, %mul3A_1813 : i32
      %add3A_1815 = arith.addi %mul3A_2, %mul3A_1814 : i32
      %dma_start3A_1816 = tpu.memref_slice %arg2[%select_n3A_1796, %add3A_1815] : memref<50x16384xf32, #tpu.memory_space<hbm>> -> memref<1x256xf32, #tpu.memory_space<hbm>>
      %dma_start3A_1817 = tpu.memref_slice %arg2[%select_n3A_1796, %add3A_1815] : memref<50x16384xf32, #tpu.memory_space<hbm>> -> memref<1x256xf32, #tpu.memory_space<hbm>>
      tpu.enqueue_dma source(%dma_start3A_1817 : memref<1x256xf32, #tpu.memory_space<hbm>>) target(%arg7 : memref<1x256xf32, #tpu.memory_space<vmem>>) target_semaphore(%arg16 : memref<!tpu.dma_semaphore, #tpu.memory_space<semaphore_mem>>)
      %add3A_1818 = arith.constant 1 : i32
      %add3A_1819 = arith.addi %add3A_1660, %add3A_1818 : i32
      %jit3A_1820 = arith.constant 2 : i32
      %div3A_1821 = arith.divsi %add3A_1819, %jit3A_1820 : i32
      %sign3A_1822 = arith.constant 0 : i32
      %sign3A_1823 = arith.cmpi sgt, %add3A_1819, %sign3A_1822 : i32
      %sign3A_1824 = arith.extui %sign3A_1823 : i1 to i32
      %sign3A_1825 = arith.constant 0 : i32
      %sign3A_1826 = arith.cmpi slt, %add3A_1819, %sign3A_1825 : i32
      %sign3A_1827 = arith.extui %sign3A_1826 : i1 to i32
      %sign3A_1828 = arith.subi %sign3A_1824, %sign3A_1827 : i32
      %sign3A_1829 = arith.constant 0 : i32
      %sign3A_1830 = arith.cmpi sgt, %jit3A_1820, %sign3A_1829 : i32
      %sign3A_1831 = arith.extui %sign3A_1830 : i1 to i32
      %sign3A_1832 = arith.constant 0 : i32
      %sign3A_1833 = arith.cmpi slt, %jit3A_1820, %sign3A_1832 : i32
      %sign3A_1834 = arith.extui %sign3A_1833 : i1 to i32
      %sign3A_1835 = arith.subi %sign3A_1831, %sign3A_1834 : i32
      %ne3A_1836 = arith.cmpi ne, %sign3A_1828, %sign3A_1835 : i32
      %rem3A_1837 = arith.remsi %add3A_1819, %jit3A_1820 : i32
      %ne3A_1838 = arith.constant 0 : i32
      %ne3A_1839 = arith.cmpi ne, %rem3A_1837, %ne3A_1838 : i32
      %and3A_1840 = arith.andi %ne3A_1836, %ne3A_1839 : i1
      %sub3A_1841 = arith.constant 1 : i32
      %sub3A_1842 = arith.subi %div3A_1821, %sub3A_1841 : i32
      %select_n3A_1843 = arith.select %and3A_1840, %sub3A_1842, %div3A_1821 : i32
      %jit3A_1844 = arith.constant 2 : i32
      %eq3A_1845 = arith.constant 0 : i32
      %eq3A_1846 = arith.cmpi eq, %jit3A_1844, %eq3A_1845 : i32
      %jit3A_1847 = arith.constant 1 : i32
      %select_n3A_1848 = arith.select %eq3A_1846, %jit3A_1847, %jit3A_1844 : i32
      %rem3A_1849 = arith.remsi %add3A_1819, %select_n3A_1848 : i32
      %ne3A_1850 = arith.constant 0 : i32
      %ne3A_1851 = arith.cmpi ne, %rem3A_1849, %ne3A_1850 : i32
      %lt3A_1852 = arith.constant 0 : i32
      %lt3A_1853 = arith.cmpi slt, %rem3A_1849, %lt3A_1852 : i32
      %lt3A_1854 = arith.constant 0 : i32
      %lt3A_1855 = arith.cmpi slt, %select_n3A_1848, %lt3A_1854 : i32
      %ne3A_1856 = arith.xori %lt3A_1853, %lt3A_1855 : i1
      %and3A_1857 = arith.andi %ne3A_1856, %ne3A_1851 : i1
      %add3A_1858 = arith.addi %rem3A_1849, %select_n3A_1848 : i32
      %select_n3A_1859 = arith.select %and3A_1857, %add3A_1858, %rem3A_1849 : i32
      %mul3A_1860 = arith.constant 256 : i32
      %mul3A_1861 = arith.muli %select_n3A_1859, %mul3A_1860 : i32
      %add3A_1862 = arith.addi %mul3A_2, %mul3A_1861 : i32
      %dma_wait3A_1863 = tpu.memref_slice %arg2[%select_n3A_1843, %add3A_1862] : memref<50x16384xf32, #tpu.memory_space<hbm>> -> memref<1x256xf32, #tpu.memory_space<hbm>>
      %dma_wait3A_1864 = tpu.memref_slice %arg2[%select_n3A_1843, %add3A_1862] : memref<50x16384xf32, #tpu.memory_space<hbm>> -> memref<1x256xf32, #tpu.memory_space<hbm>>
      tpu.wait_dma2 semaphore(%arg15 : memref<!tpu.dma_semaphore, #tpu.memory_space<semaphore_mem>>) src(%dma_wait3A_1864 : memref<1x256xf32, #tpu.memory_space<hbm>>) dst(%arg6 : memref<1x256xf32, #tpu.memory_space<vmem>>)
      %get3A_1865 = arith.constant 0 : i32
      %get3A_1866 = arith.index_cast %get3A_1865 : i32 to index
      %get3A_1867 = arith.constant 0 : index
      %get3A_1868 = tpu.vector_load %arg6[%get3A_1866, %get3A_1867] {strides = array<i32>} : memref<1x256xf32, #tpu.memory_space<vmem>>, vector<1x16xf32>,
      %get3A_1869 = vector.shape_cast %get3A_1868 : vector<1x16xf32> to vector<16xf32>
      %mul3A_1870 = arith.constant 1.024000e+03 : f32
      %mul3A_1871 = vector.broadcast %mul3A_1870 : f32 to vector<16xf32>
      %mul3A_1872 = arith.mulf %get3A_1869, %mul3A_1871 : vector<16xf32>
      %convert_element_type3A_1873 = arith.fptosi %mul3A_1872 : vector<16xf32> to vector<16xi32>
      %jit3A_1874 = arith.constant 0 : i32
      %jit3A_1875 = arith.constant 1023 : i32
      %max3A_1876 = vector.broadcast %jit3A_1874 : i32 to vector<16xi32>
      %max3A_1877 = arith.maxsi %max3A_1876, %convert_element_type3A_1873 : vector<16xi32>
      %min3A_1878 = vector.broadcast %jit3A_1875 : i32 to vector<16xi32>
      %min3A_1879 = arith.minsi %min3A_1878, %max3A_1877 : vector<16xi32>
      %swap3A_1880 = arith.constant 0 : index
      %swap3A_1881 = tpu.vector_load %arg9[%swap3A_1880] {strides = array<i32>} : memref<256xi32, #tpu.memory_space<vmem>>, vector<16xi32>,
      %swap3A_1882 = vector.shape_cast %swap3A_1881 : vector<16xi32> to vector<16xi32>
      %swap3A_1883 = vector.shape_cast %min3A_1879 : vector<16xi32> to vector<16xi32>
      tpu.vector_store %arg9[%swap3A_1880], %swap3A_1883 {strides = array<i32>} : memref<256xi32, #tpu.memory_space<vmem>>, vector<16xi32>,
      %get3A_1884 = arith.constant 0 : i32
      %get3A_1885 = arith.index_cast %get3A_1884 : i32 to index
      %get3A_1886 = arith.constant 16 : index
      %get3A_1887 = tpu.vector_load %arg6[%get3A_1885, %get3A_1886] {strides = array<i32>} : memref<1x256xf32, #tpu.memory_space<vmem>>, vector<1x16xf32>,
      %get3A_1888 = vector.shape_cast %get3A_1887 : vector<1x16xf32> to vector<16xf32>
      %mul3A_1889 = arith.constant 1.024000e+03 : f32
      %mul3A_1890 = vector.broadcast %mul3A_1889 : f32 to vector<16xf32>
      %mul3A_1891 = arith.mulf %get3A_1888, %mul3A_1890 : vector<16xf32>
      %convert_element_type3A_1892 = arith.fptosi %mul3A_1891 : vector<16xf32> to vector<16xi32>
      %jit3A_1893 = arith.constant 0 : i32
      %jit3A_1894 = arith.constant 1023 : i32
      %max3A_1895 = vector.broadcast %jit3A_1893 : i32 to vector<16xi32>
      %max3A_1896 = arith.maxsi %max3A_1895, %convert_element_type3A_1892 : vector<16xi32>
      %min3A_1897 = vector.broadcast %jit3A_1894 : i32 to vector<16xi32>
      %min3A_1898 = arith.minsi %min3A_1897, %max3A_1896 : vector<16xi32>
      %swap3A_1899 = arith.constant 16 : index
      %swap3A_1900 = tpu.vector_load %arg9[%swap3A_1899] {strides = array<i32>} : memref<256xi32, #tpu.memory_space<vmem>>, vector<16xi32>,
      %swap3A_1901 = vector.shape_cast %swap3A_1900 : vector<16xi32> to vector<16xi32>
      %swap3A_1902 = vector.shape_cast %min3A_1898 : vector<16xi32> to vector<16xi32>
      tpu.vector_store %arg9[%swap3A_1899], %swap3A_1902 {strides = array<i32>} : memref<256xi32, #tpu.memory_space<vmem>>, vector<16xi32>,
      %get3A_1903 = arith.constant 0 : i32
      %get3A_1904 = arith.index_cast %get3A_1903 : i32 to index
      %get3A_1905 = arith.constant 32 : index
      %get3A_1906 = tpu.vector_load %arg6[%get3A_1904, %get3A_1905] {strides = array<i32>} : memref<1x256xf32, #tpu.memory_space<vmem>>, vector<1x16xf32>,
      %get3A_1907 = vector.shape_cast %get3A_1906 : vector<1x16xf32> to vector<16xf32>
      %mul3A_1908 = arith.constant 1.024000e+03 : f32
      %mul3A_1909 = vector.broadcast %mul3A_1908 : f32 to vector<16xf32>
      %mul3A_1910 = arith.mulf %get3A_1907, %mul3A_1909 : vector<16xf32>
      %convert_element_type3A_1911 = arith.fptosi %mul3A_1910 : vector<16xf32> to vector<16xi32>
      %jit3A_1912 = arith.constant 0 : i32
      %jit3A_1913 = arith.constant 1023 : i32
      %max3A_1914 = vector.broadcast %jit3A_1912 : i32 to vector<16xi32>
      %max3A_1915 = arith.maxsi %max3A_1914, %convert_element_type3A_1911 : vector<16xi32>
      %min3A_1916 = vector.broadcast %jit3A_1913 : i32 to vector<16xi32>
      %min3A_1917 = arith.minsi %min3A_1916, %max3A_1915 : vector<16xi32>
      %swap3A_1918 = arith.constant 32 : index
      %swap3A_1919 = tpu.vector_load %arg9[%swap3A_1918] {strides = array<i32>} : memref<256xi32, #tpu.memory_space<vmem>>, vector<16xi32>,
      %swap3A_1920 = vector.shape_cast %swap3A_1919 : vector<16xi32> to vector<16xi32>
      %swap3A_1921 = vector.shape_cast %min3A_1917 : vector<16xi32> to vector<16xi32>
      tpu.vector_store %arg9[%swap3A_1918], %swap3A_1921 {strides = array<i32>} : memref<256xi32, #tpu.memory_space<vmem>>, vector<16xi32>,
      %get3A_1922 = arith.constant 0 : i32
      %get3A_1923 = arith.index_cast %get3A_1922 : i32 to index
      %get3A_1924 = arith.constant 48 : index
      %get3A_1925 = tpu.vector_load %arg6[%get3A_1923, %get3A_1924] {strides = array<i32>} : memref<1x256xf32, #tpu.memory_space<vmem>>, vector<1x16xf32>,
      %get3A_1926 = vector.shape_cast %get3A_1925 : vector<1x16xf32> to vector<16xf32>
      %mul3A_1927 = arith.constant 1.024000e+03 : f32
      %mul3A_1928 = vector.broadcast %mul3A_1927 : f32 to vector<16xf32>
      %mul3A_1929 = arith.mulf %get3A_1926, %mul3A_1928 : vector<16xf32>
      %convert_element_type3A_1930 = arith.fptosi %mul3A_1929 : vector<16xf32> to vector<16xi32>
      %jit3A_1931 = arith.constant 0 : i32
      %jit3A_1932 = arith.constant 1023 : i32
      %max3A_1933 = vector.broadcast %jit3A_1931 : i32 to vector<16xi32>
      %max3A_1934 = arith.maxsi %max3A_1933, %convert_element_type3A_1930 : vector<16xi32>
      %min3A_1935 = vector.broadcast %jit3A_1932 : i32 to vector<16xi32>
      %min3A_1936 = arith.minsi %min3A_1935, %max3A_1934 : vector<16xi32>
      %swap3A_1937 = arith.constant 48 : index
      %swap3A_1938 = tpu.vector_load %arg9[%swap3A_1937] {strides = array<i32>} : memref<256xi32, #tpu.memory_space<vmem>>, vector<16xi32>,
      %swap3A_1939 = vector.shape_cast %swap3A_1938 : vector<16xi32> to vector<16xi32>
      %swap3A_1940 = vector.shape_cast %min3A_1936 : vector<16xi32> to vector<16xi32>
      tpu.vector_store %arg9[%swap3A_1937], %swap3A_1940 {strides = array<i32>} : memref<256xi32, #tpu.memory_space<vmem>>, vector<16xi32>,
      %get3A_1941 = arith.constant 0 : i32
      %get3A_1942 = arith.index_cast %get3A_1941 : i32 to index
      %get3A_1943 = arith.constant 64 : index
      %get3A_1944 = tpu.vector_load %arg6[%get3A_1942, %get3A_1943] {strides = array<i32>} : memref<1x256xf32, #tpu.memory_space<vmem>>, vector<1x16xf32>,
      %get3A_1945 = vector.shape_cast %get3A_1944 : vector<1x16xf32> to vector<16xf32>
      %mul3A_1946 = arith.constant 1.024000e+03 : f32
      %mul3A_1947 = vector.broadcast %mul3A_1946 : f32 to vector<16xf32>
      %mul3A_1948 = arith.mulf %get3A_1945, %mul3A_1947 : vector<16xf32>
      %convert_element_type3A_1949 = arith.fptosi %mul3A_1948 : vector<16xf32> to vector<16xi32>
      %jit3A_1950 = arith.constant 0 : i32
      %jit3A_1951 = arith.constant 1023 : i32
      %max3A_1952 = vector.broadcast %jit3A_1950 : i32 to vector<16xi32>
      %max3A_1953 = arith.maxsi %max3A_1952, %convert_element_type3A_1949 : vector<16xi32>
      %min3A_1954 = vector.broadcast %jit3A_1951 : i32 to vector<16xi32>
      %min3A_1955 = arith.minsi %min3A_1954, %max3A_1953 : vector<16xi32>
      %swap3A_1956 = arith.constant 64 : index
      %swap3A_1957 = tpu.vector_load %arg9[%swap3A_1956] {strides = array<i32>} : memref<256xi32, #tpu.memory_space<vmem>>, vector<16xi32>,
      %swap3A_1958 = vector.shape_cast %swap3A_1957 : vector<16xi32> to vector<16xi32>
      %swap3A_1959 = vector.shape_cast %min3A_1955 : vector<16xi32> to vector<16xi32>
      tpu.vector_store %arg9[%swap3A_1956], %swap3A_1959 {strides = array<i32>} : memref<256xi32, #tpu.memory_space<vmem>>, vector<16xi32>,
      %get3A_1960 = arith.constant 0 : i32
      %get3A_1961 = arith.index_cast %get3A_1960 : i32 to index
      %get3A_1962 = arith.constant 80 : index
      %get3A_1963 = tpu.vector_load %arg6[%get3A_1961, %get3A_1962] {strides = array<i32>} : memref<1x256xf32, #tpu.memory_space<vmem>>, vector<1x16xf32>,
      %get3A_1964 = vector.shape_cast %get3A_1963 : vector<1x16xf32> to vector<16xf32>
      %mul3A_1965 = arith.constant 1.024000e+03 : f32
      %mul3A_1966 = vector.broadcast %mul3A_1965 : f32 to vector<16xf32>
      %mul3A_1967 = arith.mulf %get3A_1964, %mul3A_1966 : vector<16xf32>
      %convert_element_type3A_1968 = arith.fptosi %mul3A_1967 : vector<16xf32> to vector<16xi32>
      %jit3A_1969 = arith.constant 0 : i32
      %jit3A_1970 = arith.constant 1023 : i32
      %max3A_1971 = vector.broadcast %jit3A_1969 : i32 to vector<16xi32>
      %max3A_1972 = arith.maxsi %max3A_1971, %convert_element_type3A_1968 : vector<16xi32>
      %min3A_1973 = vector.broadcast %jit3A_1970 : i32 to vector<16xi32>
      %min3A_1974 = arith.minsi %min3A_1973, %max3A_1972 : vector<16xi32>
      %swap3A_1975 = arith.constant 80 : index
      %swap3A_1976 = tpu.vector_load %arg9[%swap3A_1975] {strides = array<i32>} : memref<256xi32, #tpu.memory_space<vmem>>, vector<16xi32>,
      %swap3A_1977 = vector.shape_cast %swap3A_1976 : vector<16xi32> to vector<16xi32>
      %swap3A_1978 = vector.shape_cast %min3A_1974 : vector<16xi32> to vector<16xi32>
      tpu.vector_store %arg9[%swap3A_1975], %swap3A_1978 {strides = array<i32>} : memref<256xi32, #tpu.memory_space<vmem>>, vector<16xi32>,
      %get3A_1979 = arith.constant 0 : i32
      %get3A_1980 = arith.index_cast %get3A_1979 : i32 to index
      %get3A_1981 = arith.constant 96 : index
      %get3A_1982 = tpu.vector_load %arg6[%get3A_1980, %get3A_1981] {strides = array<i32>} : memref<1x256xf32, #tpu.memory_space<vmem>>, vector<1x16xf32>,
      %get3A_1983 = vector.shape_cast %get3A_1982 : vector<1x16xf32> to vector<16xf32>
      %mul3A_1984 = arith.constant 1.024000e+03 : f32
      %mul3A_1985 = vector.broadcast %mul3A_1984 : f32 to vector<16xf32>
      %mul3A_1986 = arith.mulf %get3A_1983, %mul3A_1985 : vector<16xf32>
      %convert_element_type3A_1987 = arith.fptosi %mul3A_1986 : vector<16xf32> to vector<16xi32>
      %jit3A_1988 = arith.constant 0 : i32
      %jit3A_1989 = arith.constant 1023 : i32
      %max3A_1990 = vector.broadcast %jit3A_1988 : i32 to vector<16xi32>
      %max3A_1991 = arith.maxsi %max3A_1990, %convert_element_type3A_1987 : vector<16xi32>
      %min3A_1992 = vector.broadcast %jit3A_1989 : i32 to vector<16xi32>
      %min3A_1993 = arith.minsi %min3A_1992, %max3A_1991 : vector<16xi32>
      %swap3A_1994 = arith.constant 96 : index
      %swap3A_1995 = tpu.vector_load %arg9[%swap3A_1994] {strides = array<i32>} : memref<256xi32, #tpu.memory_space<vmem>>, vector<16xi32>,
      %swap3A_1996 = vector.shape_cast %swap3A_1995 : vector<16xi32> to vector<16xi32>
      %swap3A_1997 = vector.shape_cast %min3A_1993 : vector<16xi32> to vector<16xi32>
      tpu.vector_store %arg9[%swap3A_1994], %swap3A_1997 {strides = array<i32>} : memref<256xi32, #tpu.memory_space<vmem>>, vector<16xi32>,
      %get3A_1998 = arith.constant 0 : i32
      %get3A_1999 = arith.index_cast %get3A_1998 : i32 to index
      %get3A_2000 = arith.constant 112 : index
      %get3A_2001 = tpu.vector_load %arg6[%get3A_1999, %get3A_2000] {strides = array<i32>} : memref<1x256xf32, #tpu.memory_space<vmem>>, vector<1x16xf32>,
      %get3A_2002 = vector.shape_cast %get3A_2001 : vector<1x16xf32> to vector<16xf32>
      %mul3A_2003 = arith.constant 1.024000e+03 : f32
      %mul3A_2004 = vector.broadcast %mul3A_2003 : f32 to vector<16xf32>
      %mul3A_2005 = arith.mulf %get3A_2002, %mul3A_2004 : vector<16xf32>
      %convert_element_type3A_2006 = arith.fptosi %mul3A_2005 : vector<16xf32> to vector<16xi32>
      %jit3A_2007 = arith.constant 0 : i32
      %jit3A_2008 = arith.constant 1023 : i32
      %max3A_2009 = vector.broadcast %jit3A_2007 : i32 to vector<16xi32>
      %max3A_2010 = arith.maxsi %max3A_2009, %convert_element_type3A_2006 : vector<16xi32>
      %min3A_2011 = vector.broadcast %jit3A_2008 : i32 to vector<16xi32>
      %min3A_2012 = arith.minsi %min3A_2011, %max3A_2010 : vector<16xi32>
      %swap3A_2013 = arith.constant 112 : index
      %swap3A_2014 = tpu.vector_load %arg9[%swap3A_2013] {strides = array<i32>} : memref<256xi32, #tpu.memory_space<vmem>>, vector<16xi32>,
      %swap3A_2015 = vector.shape_cast %swap3A_2014 : vector<16xi32> to vector<16xi32>
      %swap3A_2016 = vector.shape_cast %min3A_2012 : vector<16xi32> to vector<16xi32>
      tpu.vector_store %arg9[%swap3A_2013], %swap3A_2016 {strides = array<i32>} : memref<256xi32, #tpu.memory_space<vmem>>, vector<16xi32>,
      %get3A_2017 = arith.constant 0 : i32
      %get3A_2018 = arith.index_cast %get3A_2017 : i32 to index
      %get3A_2019 = arith.constant 128 : index
      %get3A_2020 = tpu.vector_load %arg6[%get3A_2018, %get3A_2019] {strides = array<i32>} : memref<1x256xf32, #tpu.memory_space<vmem>>, vector<1x16xf32>,
      %get3A_2021 = vector.shape_cast %get3A_2020 : vector<1x16xf32> to vector<16xf32>
      %mul3A_2022 = arith.constant 1.024000e+03 : f32
      %mul3A_2023 = vector.broadcast %mul3A_2022 : f32 to vector<16xf32>
      %mul3A_2024 = arith.mulf %get3A_2021, %mul3A_2023 : vector<16xf32>
      %convert_element_type3A_2025 = arith.fptosi %mul3A_2024 : vector<16xf32> to vector<16xi32>
      %jit3A_2026 = arith.constant 0 : i32
      %jit3A_2027 = arith.constant 1023 : i32
      %max3A_2028 = vector.broadcast %jit3A_2026 : i32 to vector<16xi32>
      %max3A_2029 = arith.maxsi %max3A_2028, %convert_element_type3A_2025 : vector<16xi32>
      %min3A_2030 = vector.broadcast %jit3A_2027 : i32 to vector<16xi32>
      %min3A_2031 = arith.minsi %min3A_2030, %max3A_2029 : vector<16xi32>
      %swap3A_2032 = arith.constant 128 : index
      %swap3A_2033 = tpu.vector_load %arg9[%swap3A_2032] {strides = array<i32>} : memref<256xi32, #tpu.memory_space<vmem>>, vector<16xi32>,
      %swap3A_2034 = vector.shape_cast %swap3A_2033 : vector<16xi32> to vector<16xi32>
      %swap3A_2035 = vector.shape_cast %min3A_2031 : vector<16xi32> to vector<16xi32>
      tpu.vector_store %arg9[%swap3A_2032], %swap3A_2035 {strides = array<i32>} : memref<256xi32, #tpu.memory_space<vmem>>, vector<16xi32>,
      %get3A_2036 = arith.constant 0 : i32
      %get3A_2037 = arith.index_cast %get3A_2036 : i32 to index
      %get3A_2038 = arith.constant 144 : index
      %get3A_2039 = tpu.vector_load %arg6[%get3A_2037, %get3A_2038] {strides = array<i32>} : memref<1x256xf32, #tpu.memory_space<vmem>>, vector<1x16xf32>,
      %get3A_2040 = vector.shape_cast %get3A_2039 : vector<1x16xf32> to vector<16xf32>
      %mul3A_2041 = arith.constant 1.024000e+03 : f32
      %mul3A_2042 = vector.broadcast %mul3A_2041 : f32 to vector<16xf32>
      %mul3A_2043 = arith.mulf %get3A_2040, %mul3A_2042 : vector<16xf32>
      %convert_element_type3A_2044 = arith.fptosi %mul3A_2043 : vector<16xf32> to vector<16xi32>
      %jit3A_2045 = arith.constant 0 : i32
      %jit3A_2046 = arith.constant 1023 : i32
      %max3A_2047 = vector.broadcast %jit3A_2045 : i32 to vector<16xi32>
      %max3A_2048 = arith.maxsi %max3A_2047, %convert_element_type3A_2044 : vector<16xi32>
      %min3A_2049 = vector.broadcast %jit3A_2046 : i32 to vector<16xi32>
      %min3A_2050 = arith.minsi %min3A_2049, %max3A_2048 : vector<16xi32>
      %swap3A_2051 = arith.constant 144 : index
      %swap3A_2052 = tpu.vector_load %arg9[%swap3A_2051] {strides = array<i32>} : memref<256xi32, #tpu.memory_space<vmem>>, vector<16xi32>,
      %swap3A_2053 = vector.shape_cast %swap3A_2052 : vector<16xi32> to vector<16xi32>
      %swap3A_2054 = vector.shape_cast %min3A_2050 : vector<16xi32> to vector<16xi32>
      tpu.vector_store %arg9[%swap3A_2051], %swap3A_2054 {strides = array<i32>} : memref<256xi32, #tpu.memory_space<vmem>>, vector<16xi32>,
      %get3A_2055 = arith.constant 0 : i32
      %get3A_2056 = arith.index_cast %get3A_2055 : i32 to index
      %get3A_2057 = arith.constant 160 : index
      %get3A_2058 = tpu.vector_load %arg6[%get3A_2056, %get3A_2057] {strides = array<i32>} : memref<1x256xf32, #tpu.memory_space<vmem>>, vector<1x16xf32>,
      %get3A_2059 = vector.shape_cast %get3A_2058 : vector<1x16xf32> to vector<16xf32>
      %mul3A_2060 = arith.constant 1.024000e+03 : f32
      %mul3A_2061 = vector.broadcast %mul3A_2060 : f32 to vector<16xf32>
      %mul3A_2062 = arith.mulf %get3A_2059, %mul3A_2061 : vector<16xf32>
      %convert_element_type3A_2063 = arith.fptosi %mul3A_2062 : vector<16xf32> to vector<16xi32>
      %jit3A_2064 = arith.constant 0 : i32
      %jit3A_2065 = arith.constant 1023 : i32
      %max3A_2066 = vector.broadcast %jit3A_2064 : i32 to vector<16xi32>
      %max3A_2067 = arith.maxsi %max3A_2066, %convert_element_type3A_2063 : vector<16xi32>
      %min3A_2068 = vector.broadcast %jit3A_2065 : i32 to vector<16xi32>
      %min3A_2069 = arith.minsi %min3A_2068, %max3A_2067 : vector<16xi32>
      %swap3A_2070 = arith.constant 160 : index
      %swap3A_2071 = tpu.vector_load %arg9[%swap3A_2070] {strides = array<i32>} : memref<256xi32, #tpu.memory_space<vmem>>, vector<16xi32>,
      %swap3A_2072 = vector.shape_cast %swap3A_2071 : vector<16xi32> to vector<16xi32>
      %swap3A_2073 = vector.shape_cast %min3A_2069 : vector<16xi32> to vector<16xi32>
      tpu.vector_store %arg9[%swap3A_2070], %swap3A_2073 {strides = array<i32>} : memref<256xi32, #tpu.memory_space<vmem>>, vector<16xi32>,
      %get3A_2074 = arith.constant 0 : i32
      %get3A_2075 = arith.index_cast %get3A_2074 : i32 to index
      %get3A_2076 = arith.constant 176 : index
      %get3A_2077 = tpu.vector_load %arg6[%get3A_2075, %get3A_2076] {strides = array<i32>} : memref<1x256xf32, #tpu.memory_space<vmem>>, vector<1x16xf32>,
      %get3A_2078 = vector.shape_cast %get3A_2077 : vector<1x16xf32> to vector<16xf32>
      %mul3A_2079 = arith.constant 1.024000e+03 : f32
      %mul3A_2080 = vector.broadcast %mul3A_2079 : f32 to vector<16xf32>
      %mul3A_2081 = arith.mulf %get3A_2078, %mul3A_2080 : vector<16xf32>
      %convert_element_type3A_2082 = arith.fptosi %mul3A_2081 : vector<16xf32> to vector<16xi32>
      %jit3A_2083 = arith.constant 0 : i32
      %jit3A_2084 = arith.constant 1023 : i32
      %max3A_2085 = vector.broadcast %jit3A_2083 : i32 to vector<16xi32>
      %max3A_2086 = arith.maxsi %max3A_2085, %convert_element_type3A_2082 : vector<16xi32>
      %min3A_2087 = vector.broadcast %jit3A_2084 : i32 to vector<16xi32>
      %min3A_2088 = arith.minsi %min3A_2087, %max3A_2086 : vector<16xi32>
      %swap3A_2089 = arith.constant 176 : index
      %swap3A_2090 = tpu.vector_load %arg9[%swap3A_2089] {strides = array<i32>} : memref<256xi32, #tpu.memory_space<vmem>>, vector<16xi32>,
      %swap3A_2091 = vector.shape_cast %swap3A_2090 : vector<16xi32> to vector<16xi32>
      %swap3A_2092 = vector.shape_cast %min3A_2088 : vector<16xi32> to vector<16xi32>
      tpu.vector_store %arg9[%swap3A_2089], %swap3A_2092 {strides = array<i32>} : memref<256xi32, #tpu.memory_space<vmem>>, vector<16xi32>,
      %get3A_2093 = arith.constant 0 : i32
      %get3A_2094 = arith.index_cast %get3A_2093 : i32 to index
      %get3A_2095 = arith.constant 192 : index
      %get3A_2096 = tpu.vector_load %arg6[%get3A_2094, %get3A_2095] {strides = array<i32>} : memref<1x256xf32, #tpu.memory_space<vmem>>, vector<1x16xf32>,
      %get3A_2097 = vector.shape_cast %get3A_2096 : vector<1x16xf32> to vector<16xf32>
      %mul3A_2098 = arith.constant 1.024000e+03 : f32
      %mul3A_2099 = vector.broadcast %mul3A_2098 : f32 to vector<16xf32>
      %mul3A_2100 = arith.mulf %get3A_2097, %mul3A_2099 : vector<16xf32>
      %convert_element_type3A_2101 = arith.fptosi %mul3A_2100 : vector<16xf32> to vector<16xi32>
      %jit3A_2102 = arith.constant 0 : i32
      %jit3A_2103 = arith.constant 1023 : i32
      %max3A_2104 = vector.broadcast %jit3A_2102 : i32 to vector<16xi32>
      %max3A_2105 = arith.maxsi %max3A_2104, %convert_element_type3A_2101 : vector<16xi32>
      %min3A_2106 = vector.broadcast %jit3A_2103 : i32 to vector<16xi32>
      %min3A_2107 = arith.minsi %min3A_2106, %max3A_2105 : vector<16xi32>
      %swap3A_2108 = arith.constant 192 : index
      %swap3A_2109 = tpu.vector_load %arg9[%swap3A_2108] {strides = array<i32>} : memref<256xi32, #tpu.memory_space<vmem>>, vector<16xi32>,
      %swap3A_2110 = vector.shape_cast %swap3A_2109 : vector<16xi32> to vector<16xi32>
      %swap3A_2111 = vector.shape_cast %min3A_2107 : vector<16xi32> to vector<16xi32>
      tpu.vector_store %arg9[%swap3A_2108], %swap3A_2111 {strides = array<i32>} : memref<256xi32, #tpu.memory_space<vmem>>, vector<16xi32>,
      %get3A_2112 = arith.constant 0 : i32
      %get3A_2113 = arith.index_cast %get3A_2112 : i32 to index
      %get3A_2114 = arith.constant 208 : index
      %get3A_2115 = tpu.vector_load %arg6[%get3A_2113, %get3A_2114] {strides = array<i32>} : memref<1x256xf32, #tpu.memory_space<vmem>>, vector<1x16xf32>,
      %get3A_2116 = vector.shape_cast %get3A_2115 : vector<1x16xf32> to vector<16xf32>
      %mul3A_2117 = arith.constant 1.024000e+03 : f32
      %mul3A_2118 = vector.broadcast %mul3A_2117 : f32 to vector<16xf32>
      %mul3A_2119 = arith.mulf %get3A_2116, %mul3A_2118 : vector<16xf32>
      %convert_element_type3A_2120 = arith.fptosi %mul3A_2119 : vector<16xf32> to vector<16xi32>
      %jit3A_2121 = arith.constant 0 : i32
      %jit3A_2122 = arith.constant 1023 : i32
      %max3A_2123 = vector.broadcast %jit3A_2121 : i32 to vector<16xi32>
      %max3A_2124 = arith.maxsi %max3A_2123, %convert_element_type3A_2120 : vector<16xi32>
      %min3A_2125 = vector.broadcast %jit3A_2122 : i32 to vector<16xi32>
      %min3A_2126 = arith.minsi %min3A_2125, %max3A_2124 : vector<16xi32>
      %swap3A_2127 = arith.constant 208 : index
      %swap3A_2128 = tpu.vector_load %arg9[%swap3A_2127] {strides = array<i32>} : memref<256xi32, #tpu.memory_space<vmem>>, vector<16xi32>,
      %swap3A_2129 = vector.shape_cast %swap3A_2128 : vector<16xi32> to vector<16xi32>
      %swap3A_2130 = vector.shape_cast %min3A_2126 : vector<16xi32> to vector<16xi32>
      tpu.vector_store %arg9[%swap3A_2127], %swap3A_2130 {strides = array<i32>} : memref<256xi32, #tpu.memory_space<vmem>>, vector<16xi32>,
      %get3A_2131 = arith.constant 0 : i32
      %get3A_2132 = arith.index_cast %get3A_2131 : i32 to index
      %get3A_2133 = arith.constant 224 : index
      %get3A_2134 = tpu.vector_load %arg6[%get3A_2132, %get3A_2133] {strides = array<i32>} : memref<1x256xf32, #tpu.memory_space<vmem>>, vector<1x16xf32>,
      %get3A_2135 = vector.shape_cast %get3A_2134 : vector<1x16xf32> to vector<16xf32>
      %mul3A_2136 = arith.constant 1.024000e+03 : f32
      %mul3A_2137 = vector.broadcast %mul3A_2136 : f32 to vector<16xf32>
      %mul3A_2138 = arith.mulf %get3A_2135, %mul3A_2137 : vector<16xf32>
      %convert_element_type3A_2139 = arith.fptosi %mul3A_2138 : vector<16xf32> to vector<16xi32>
      %jit3A_2140 = arith.constant 0 : i32
      %jit3A_2141 = arith.constant 1023 : i32
      %max3A_2142 = vector.broadcast %jit3A_2140 : i32 to vector<16xi32>
      %max3A_2143 = arith.maxsi %max3A_2142, %convert_element_type3A_2139 : vector<16xi32>
      %min3A_2144 = vector.broadcast %jit3A_2141 : i32 to vector<16xi32>
      %min3A_2145 = arith.minsi %min3A_2144, %max3A_2143 : vector<16xi32>
      %swap3A_2146 = arith.constant 224 : index
      %swap3A_2147 = tpu.vector_load %arg9[%swap3A_2146] {strides = array<i32>} : memref<256xi32, #tpu.memory_space<vmem>>, vector<16xi32>,
      %swap3A_2148 = vector.shape_cast %swap3A_2147 : vector<16xi32> to vector<16xi32>
      %swap3A_2149 = vector.shape_cast %min3A_2145 : vector<16xi32> to vector<16xi32>
      tpu.vector_store %arg9[%swap3A_2146], %swap3A_2149 {strides = array<i32>} : memref<256xi32, #tpu.memory_space<vmem>>, vector<16xi32>,
      %get3A_2150 = arith.constant 0 : i32
      %get3A_2151 = arith.index_cast %get3A_2150 : i32 to index
      %get3A_2152 = arith.constant 240 : index
      %get3A_2153 = tpu.vector_load %arg6[%get3A_2151, %get3A_2152] {strides = array<i32>} : memref<1x256xf32, #tpu.memory_space<vmem>>, vector<1x16xf32>,
      %get3A_2154 = vector.shape_cast %get3A_2153 : vector<1x16xf32> to vector<16xf32>
      %mul3A_2155 = arith.constant 1.024000e+03 : f32
      %mul3A_2156 = vector.broadcast %mul3A_2155 : f32 to vector<16xf32>
      %mul3A_2157 = arith.mulf %get3A_2154, %mul3A_2156 : vector<16xf32>
      %convert_element_type3A_2158 = arith.fptosi %mul3A_2157 : vector<16xf32> to vector<16xi32>
      %jit3A_2159 = arith.constant 0 : i32
      %jit3A_2160 = arith.constant 1023 : i32
      %max3A_2161 = vector.broadcast %jit3A_2159 : i32 to vector<16xi32>
      %max3A_2162 = arith.maxsi %max3A_2161, %convert_element_type3A_2158 : vector<16xi32>
      %min3A_2163 = vector.broadcast %jit3A_2160 : i32 to vector<16xi32>
      %min3A_2164 = arith.minsi %min3A_2163, %max3A_2162 : vector<16xi32>
      %swap3A_2165 = arith.constant 240 : index
      %swap3A_2166 = tpu.vector_load %arg9[%swap3A_2165] {strides = array<i32>} : memref<256xi32, #tpu.memory_space<vmem>>, vector<16xi32>,
      %swap3A_2167 = vector.shape_cast %swap3A_2166 : vector<16xi32> to vector<16xi32>
      %swap3A_2168 = vector.shape_cast %min3A_2164 : vector<16xi32> to vector<16xi32>
      tpu.vector_store %arg9[%swap3A_2165], %swap3A_2168 {strides = array<i32>} : memref<256xi32, #tpu.memory_space<vmem>>, vector<16xi32>,
      %add3A_2169 = arith.constant 1 : i32
      %add3A_2170 = arith.addi %add3A_1660, %add3A_2169 : i32
      %dma_start3A_2171 = arith.constant 0 : i32
      %dma_start3A_2172 = arith.constant 0 : i32
      %dma_start3A_2173 = tpu.memref_slice %arg12[%dma_start3A_2171, %dma_start3A_2172] : memref<256x128xf32, #tpu.memory_space<vmem>> -> memref<128x128xf32, #tpu.memory_space<vmem>>
      %dma_start3A_2174 = arith.constant 0 : i32
      %dma_start3A_2175 = tpu.memref_slice %arg9[%dma_start3A_2174] : memref<256xi32, #tpu.memory_space<vmem>> -> memref<128xi32, #tpu.memory_space<vmem>>
      %dma_start3A_2176 = arith.constant 0 : i32
      %dma_start3A_2177 = arith.constant 0 : i32
      %dma_start3A_2178 = tpu.memref_slice %arg5[%dma_start3A_2176, %dma_start3A_2177] : memref<1025x128xf32, #tpu.memory_space<vmem_shared>> -> memref<1025x128xf32, #tpu.memory_space<vmem_shared>>
      tpu.enqueue_indirect_dma source(%dma_start3A_2178 : memref<1025x128xf32, #tpu.memory_space<vmem_shared>>) target(%dma_start3A_2173 : memref<128x128xf32, #tpu.memory_space<vmem>>) offsets(%dma_start3A_2175 : memref<128xi32, #tpu.memory_space<vmem>>) semaphore(%arg18 : memref<!tpu.dma_semaphore, #tpu.memory_space<semaphore_mem>>)
      %dma_start3A_2179 = arith.constant 128 : i32
      %dma_start3A_2180 = arith.constant 0 : i32
      %dma_start3A_2181 = tpu.memref_slice %arg12[%dma_start3A_2179, %dma_start3A_2180] : memref<256x128xf32, #tpu.memory_space<vmem>> -> memref<128x128xf32, #tpu.memory_space<vmem>>
      %dma_start3A_2182 = arith.constant 128 : i32
      %dma_start3A_2183 = tpu.memref_slice %arg9[%dma_start3A_2182] : memref<256xi32, #tpu.memory_space<vmem>> -> memref<128xi32, #tpu.memory_space<vmem>>
      %dma_start3A_2184 = arith.constant 0 : i32
      %dma_start3A_2185 = arith.constant 0 : i32
      %dma_start3A_2186 = tpu.memref_slice %arg5[%dma_start3A_2184, %dma_start3A_2185] : memref<1025x128xf32, #tpu.memory_space<vmem_shared>> -> memref<1025x128xf32, #tpu.memory_space<vmem_shared>>
      tpu.enqueue_indirect_dma source(%dma_start3A_2186 : memref<1025x128xf32, #tpu.memory_space<vmem_shared>>) target(%dma_start3A_2181 : memref<128x128xf32, #tpu.memory_space<vmem>>) offsets(%dma_start3A_2183 : memref<128xi32, #tpu.memory_space<vmem>>) semaphore(%arg18 : memref<!tpu.dma_semaphore, #tpu.memory_space<semaphore_mem>>)
      %dma_wait3A_2187 = arith.constant 0 : i32
      %dma_wait3A_2188 = arith.constant 0 : i32
      %dma_wait3A_2189 = tpu.memref_slice %arg14[%dma_wait3A_2187, %dma_wait3A_2188] : memref<256x128xf32, #tpu.memory_space<vmem>> -> memref<128x128xf32, #tpu.memory_space<vmem>>
      %dma_wait3A_2190 = arith.constant 0 : i32
      %dma_wait3A_2191 = tpu.memref_slice %arg11[%dma_wait3A_2190] : memref<256xi32, #tpu.memory_space<vmem>> -> memref<128xi32, #tpu.memory_space<vmem>>
      %dma_wait3A_2192 = arith.constant 0 : i32
      %dma_wait3A_2193 = arith.constant 0 : i32
      %dma_wait3A_2194 = tpu.memref_slice %arg5[%dma_wait3A_2192, %dma_wait3A_2193] : memref<1025x128xf32, #tpu.memory_space<vmem_shared>> -> memref<1025x128xf32, #tpu.memory_space<vmem_shared>>
      tpu.wait_indirect_dma semaphore(%arg20 : memref<!tpu.dma_semaphore, #tpu.memory_space<semaphore_mem>>) src(%dma_wait3A_2194 : memref<1025x128xf32, #tpu.memory_space<vmem_shared>>) dst(%dma_wait3A_2189 : memref<128x128xf32, #tpu.memory_space<vmem>>)
      %dma_wait3A_2195 = arith.constant 128 : i32
      %dma_wait3A_2196 = arith.constant 0 : i32
      %dma_wait3A_2197 = tpu.memref_slice %arg14[%dma_wait3A_2195, %dma_wait3A_2196] : memref<256x128xf32, #tpu.memory_space<vmem>> -> memref<128x128xf32, #tpu.memory_space<vmem>>
      %dma_wait3A_2198 = arith.constant 128 : i32
      %dma_wait3A_2199 = tpu.memref_slice %arg11[%dma_wait3A_2198] : memref<256xi32, #tpu.memory_space<vmem>> -> memref<128xi32, #tpu.memory_space<vmem>>
      %dma_wait3A_2200 = arith.constant 0 : i32
      %dma_wait3A_2201 = arith.constant 0 : i32
      %dma_wait3A_2202 = tpu.memref_slice %arg5[%dma_wait3A_2200, %dma_wait3A_2201] : memref<1025x128xf32, #tpu.memory_space<vmem_shared>> -> memref<1025x128xf32, #tpu.memory_space<vmem_shared>>
      tpu.wait_indirect_dma semaphore(%arg20 : memref<!tpu.dma_semaphore, #tpu.memory_space<semaphore_mem>>) src(%dma_wait3A_2202 : memref<1025x128xf32, #tpu.memory_space<vmem_shared>>) dst(%dma_wait3A_2197 : memref<128x128xf32, #tpu.memory_space<vmem>>)
      %jit3A_2203 = arith.constant 2 : i32
      %div3A_2204 = arith.divsi %add3A_1660, %jit3A_2203 : i32
      %sign3A_2205 = arith.constant 0 : i32
      %sign3A_2206 = arith.cmpi sgt, %add3A_1660, %sign3A_2205 : i32
      %sign3A_2207 = arith.extui %sign3A_2206 : i1 to i32
      %sign3A_2208 = arith.constant 0 : i32
      %sign3A_2209 = arith.cmpi slt, %add3A_1660, %sign3A_2208 : i32
      %sign3A_2210 = arith.extui %sign3A_2209 : i1 to i32
      %sign3A_2211 = arith.subi %sign3A_2207, %sign3A_2210 : i32
      %sign3A_2212 = arith.constant 0 : i32
      %sign3A_2213 = arith.cmpi sgt, %jit3A_2203, %sign3A_2212 : i32
      %sign3A_2214 = arith.extui %sign3A_2213 : i1 to i32
      %sign3A_2215 = arith.constant 0 : i32
      %sign3A_2216 = arith.cmpi slt, %jit3A_2203, %sign3A_2215 : i32
      %sign3A_2217 = arith.extui %sign3A_2216 : i1 to i32
      %sign3A_2218 = arith.subi %sign3A_2214, %sign3A_2217 : i32
      %ne3A_2219 = arith.cmpi ne, %sign3A_2211, %sign3A_2218 : i32
      %rem3A_2220 = arith.remsi %add3A_1660, %jit3A_2203 : i32
      %ne3A_2221 = arith.constant 0 : i32
      %ne3A_2222 = arith.cmpi ne, %rem3A_2220, %ne3A_2221 : i32
      %and3A_2223 = arith.andi %ne3A_2219, %ne3A_2222 : i1
      %sub3A_2224 = arith.constant 1 : i32
      %sub3A_2225 = arith.subi %div3A_2204, %sub3A_2224 : i32
      %select_n3A_2226 = arith.select %and3A_2223, %sub3A_2225, %div3A_2204 : i32
      %mul3A_2227 = arith.constant 16384 : i32
      %mul3A_2228 = arith.muli %select_n3A_2226, %mul3A_2227 : i32
      %add3A_2229 = arith.addi %mul3A_2228, %mul3A_2 : i32
      %jit3A_2230 = arith.constant 2 : i32
      %eq3A_2231 = arith.constant 0 : i32
      %eq3A_2232 = arith.cmpi eq, %jit3A_2230, %eq3A_2231 : i32
      %jit3A_2233 = arith.constant 1 : i32
      %select_n3A_2234 = arith.select %eq3A_2232, %jit3A_2233, %jit3A_2230 : i32
      %rem3A_2235 = arith.remsi %add3A_1660, %select_n3A_2234 : i32
      %ne3A_2236 = arith.constant 0 : i32
      %ne3A_2237 = arith.cmpi ne, %rem3A_2235, %ne3A_2236 : i32
      %lt3A_2238 = arith.constant 0 : i32
      %lt3A_2239 = arith.cmpi slt, %rem3A_2235, %lt3A_2238 : i32
      %lt3A_2240 = arith.constant 0 : i32
      %lt3A_2241 = arith.cmpi slt, %select_n3A_2234, %lt3A_2240 : i32
      %ne3A_2242 = arith.xori %lt3A_2239, %lt3A_2241 : i1
      %and3A_2243 = arith.andi %ne3A_2242, %ne3A_2237 : i1
      %add3A_2244 = arith.addi %rem3A_2235, %select_n3A_2234 : i32
      %select_n3A_2245 = arith.select %and3A_2243, %add3A_2244, %rem3A_2235 : i32
      %mul3A_2246 = arith.constant 256 : i32
      %mul3A_2247 = arith.muli %select_n3A_2245, %mul3A_2246 : i32
      %add3A_2248 = arith.addi %add3A_2229, %mul3A_2247 : i32
      %add3A_2249 = arith.constant 0 : i32
      %add3A_2250 = arith.addi %add3A_2248, %add3A_2249 : i32
      %dma_start3A_2251 = arith.constant 0 : i32
      %dma_start3A_2252 = arith.constant 0 : i32
      %dma_start3A_2253 = tpu.memref_slice %arg14[%dma_start3A_2251, %dma_start3A_2252] : memref<256x128xf32, #tpu.memory_space<vmem>> -> memref<128x128xf32, #tpu.memory_space<vmem>>
      %dma_start3A_2254 = arith.constant 0 : i32
      %dma_start3A_2255 = tpu.memref_slice %arg4[%add3A_2250, %dma_start3A_2254] : memref<819200x128xf32, #tpu.memory_space<hbm>> -> memref<128x128xf32, #tpu.memory_space<hbm>>
      %dma_start3A_2256 = arith.constant 0 : i32
      %dma_start3A_2257 = tpu.memref_slice %arg4[%add3A_2250, %dma_start3A_2256] : memref<819200x128xf32, #tpu.memory_space<hbm>> -> memref<128x128xf32, #tpu.memory_space<hbm>>
      %dma_start3A_2258 = arith.constant 0 : i32
      %dma_start3A_2259 = arith.constant 0 : i32
      %dma_start3A_2260 = tpu.memref_slice %arg14[%dma_start3A_2258, %dma_start3A_2259] : memref<256x128xf32, #tpu.memory_space<vmem>> -> memref<128x128xf32, #tpu.memory_space<vmem>>
      tpu.enqueue_dma source(%dma_start3A_2260 : memref<128x128xf32, #tpu.memory_space<vmem>>) target(%dma_start3A_2257 : memref<128x128xf32, #tpu.memory_space<hbm>>) target_semaphore(%arg23 : memref<!tpu.dma_semaphore, #tpu.memory_space<semaphore_mem>>)
      %jit3A_2261 = arith.constant 2 : i32
      %div3A_2262 = arith.divsi %add3A_1660, %jit3A_2261 : i32
      %sign3A_2263 = arith.constant 0 : i32
      %sign3A_2264 = arith.cmpi sgt, %add3A_1660, %sign3A_2263 : i32
      %sign3A_2265 = arith.extui %sign3A_2264 : i1 to i32
      %sign3A_2266 = arith.constant 0 : i32
      %sign3A_2267 = arith.cmpi slt, %add3A_1660, %sign3A_2266 : i32
      %sign3A_2268 = arith.extui %sign3A_2267 : i1 to i32
      %sign3A_2269 = arith.subi %sign3A_2265, %sign3A_2268 : i32
      %sign3A_2270 = arith.constant 0 : i32
      %sign3A_2271 = arith.cmpi sgt, %jit3A_2261, %sign3A_2270 : i32
      %sign3A_2272 = arith.extui %sign3A_2271 : i1 to i32
      %sign3A_2273 = arith.constant 0 : i32
      %sign3A_2274 = arith.cmpi slt, %jit3A_2261, %sign3A_2273 : i32
      %sign3A_2275 = arith.extui %sign3A_2274 : i1 to i32
      %sign3A_2276 = arith.subi %sign3A_2272, %sign3A_2275 : i32
      %ne3A_2277 = arith.cmpi ne, %sign3A_2269, %sign3A_2276 : i32
      %rem3A_2278 = arith.remsi %add3A_1660, %jit3A_2261 : i32
      %ne3A_2279 = arith.constant 0 : i32
      %ne3A_2280 = arith.cmpi ne, %rem3A_2278, %ne3A_2279 : i32
      %and3A_2281 = arith.andi %ne3A_2277, %ne3A_2280 : i1
      %sub3A_2282 = arith.constant 1 : i32
      %sub3A_2283 = arith.subi %div3A_2262, %sub3A_2282 : i32
      %select_n3A_2284 = arith.select %and3A_2281, %sub3A_2283, %div3A_2262 : i32
      %mul3A_2285 = arith.constant 16384 : i32
      %mul3A_2286 = arith.muli %select_n3A_2284, %mul3A_2285 : i32
      %add3A_2287 = arith.addi %mul3A_2286, %mul3A_2 : i32
      %jit3A_2288 = arith.constant 2 : i32
      %eq3A_2289 = arith.constant 0 : i32
      %eq3A_2290 = arith.cmpi eq, %jit3A_2288, %eq3A_2289 : i32
      %jit3A_2291 = arith.constant 1 : i32
      %select_n3A_2292 = arith.select %eq3A_2290, %jit3A_2291, %jit3A_2288 : i32
      %rem3A_2293 = arith.remsi %add3A_1660, %select_n3A_2292 : i32
      %ne3A_2294 = arith.constant 0 : i32
      %ne3A_2295 = arith.cmpi ne, %rem3A_2293, %ne3A_2294 : i32
      %lt3A_2296 = arith.constant 0 : i32
      %lt3A_2297 = arith.cmpi slt, %rem3A_2293, %lt3A_2296 : i32
      %lt3A_2298 = arith.constant 0 : i32
      %lt3A_2299 = arith.cmpi slt, %select_n3A_2292, %lt3A_2298 : i32
      %ne3A_2300 = arith.xori %lt3A_2297, %lt3A_2299 : i1
      %and3A_2301 = arith.andi %ne3A_2300, %ne3A_2295 : i1
      %add3A_2302 = arith.addi %rem3A_2293, %select_n3A_2292 : i32
      %select_n3A_2303 = arith.select %and3A_2301, %add3A_2302, %rem3A_2293 : i32
      %mul3A_2304 = arith.constant 256 : i32
      %mul3A_2305 = arith.muli %select_n3A_2303, %mul3A_2304 : i32
      %add3A_2306 = arith.addi %add3A_2287, %mul3A_2305 : i32
      %add3A_2307 = arith.constant 128 : i32
      %add3A_2308 = arith.addi %add3A_2306, %add3A_2307 : i32
      %dma_start3A_2309 = arith.constant 128 : i32
      %dma_start3A_2310 = arith.constant 0 : i32
      %dma_start3A_2311 = tpu.memref_slice %arg14[%dma_start3A_2309, %dma_start3A_2310] : memref<256x128xf32, #tpu.memory_space<vmem>> -> memref<128x128xf32, #tpu.memory_space<vmem>>
      %dma_start3A_2312 = arith.constant 0 : i32
      %dma_start3A_2313 = tpu.memref_slice %arg4[%add3A_2308, %dma_start3A_2312] : memref<819200x128xf32, #tpu.memory_space<hbm>> -> memref<128x128xf32, #tpu.memory_space<hbm>>
      %dma_start3A_2314 = arith.constant 0 : i32
      %dma_start3A_2315 = tpu.memref_slice %arg4[%add3A_2308, %dma_start3A_2314] : memref<819200x128xf32, #tpu.memory_space<hbm>> -> memref<128x128xf32, #tpu.memory_space<hbm>>
      %dma_start3A_2316 = arith.constant 128 : i32
      %dma_start3A_2317 = arith.constant 0 : i32
      %dma_start3A_2318 = tpu.memref_slice %arg14[%dma_start3A_2316, %dma_start3A_2317] : memref<256x128xf32, #tpu.memory_space<vmem>> -> memref<128x128xf32, #tpu.memory_space<vmem>>
      tpu.enqueue_dma source(%dma_start3A_2318 : memref<128x128xf32, #tpu.memory_space<vmem>>) target(%dma_start3A_2315 : memref<128x128xf32, #tpu.memory_space<hbm>>) target_semaphore(%arg23 : memref<!tpu.dma_semaphore, #tpu.memory_space<semaphore_mem>>)
      %add3A_2319 = arith.constant 1 : i32
      %add3A_2320 = arith.addi %add3A_1658, %add3A_2319 : i32
      %sub3A_2321 = arith.constant 2 : i32
      %sub3A_2322 = arith.subi %add3A_2320, %sub3A_2321 : i32
      %jit3A_2323 = arith.constant 2 : i32
      %div3A_2324 = arith.divsi %sub3A_2322, %jit3A_2323 : i32
      %sign3A_2325 = arith.constant 0 : i32
      %sign3A_2326 = arith.cmpi sgt, %sub3A_2322, %sign3A_2325 : i32
      %sign3A_2327 = arith.extui %sign3A_2326 : i1 to i32
      %sign3A_2328 = arith.constant 0 : i32
      %sign3A_2329 = arith.cmpi slt, %sub3A_2322, %sign3A_2328 : i32
      %sign3A_2330 = arith.extui %sign3A_2329 : i1 to i32
      %sign3A_2331 = arith.subi %sign3A_2327, %sign3A_2330 : i32
      %sign3A_2332 = arith.constant 0 : i32
      %sign3A_2333 = arith.cmpi sgt, %jit3A_2323, %sign3A_2332 : i32
      %sign3A_2334 = arith.extui %sign3A_2333 : i1 to i32
      %sign3A_2335 = arith.constant 0 : i32
      %sign3A_2336 = arith.cmpi slt, %jit3A_2323, %sign3A_2335 : i32
      %sign3A_2337 = arith.extui %sign3A_2336 : i1 to i32
      %sign3A_2338 = arith.subi %sign3A_2334, %sign3A_2337 : i32
      %ne3A_2339 = arith.cmpi ne, %sign3A_2331, %sign3A_2338 : i32
      %rem3A_2340 = arith.remsi %sub3A_2322, %jit3A_2323 : i32
      %ne3A_2341 = arith.constant 0 : i32
      %ne3A_2342 = arith.cmpi ne, %rem3A_2340, %ne3A_2341 : i32
      %and3A_2343 = arith.andi %ne3A_2339, %ne3A_2342 : i1
      %sub3A_2344 = arith.constant 1 : i32
      %sub3A_2345 = arith.subi %div3A_2324, %sub3A_2344 : i32
      %select_n3A_2346 = arith.select %and3A_2343, %sub3A_2345, %div3A_2324 : i32
      %mul3A_2347 = arith.constant 16384 : i32
      %mul3A_2348 = arith.muli %select_n3A_2346, %mul3A_2347 : i32
      %add3A_2349 = arith.addi %mul3A_2348, %mul3A_2 : i32
      %jit3A_2350 = arith.constant 2 : i32
      %eq3A_2351 = arith.constant 0 : i32
      %eq3A_2352 = arith.cmpi eq, %jit3A_2350, %eq3A_2351 : i32
      %jit3A_2353 = arith.constant 1 : i32
      %select_n3A_2354 = arith.select %eq3A_2352, %jit3A_2353, %jit3A_2350 : i32
      %rem3A_2355 = arith.remsi %sub3A_2322, %select_n3A_2354 : i32
      %ne3A_2356 = arith.constant 0 : i32
      %ne3A_2357 = arith.cmpi ne, %rem3A_2355, %ne3A_2356 : i32
      %lt3A_2358 = arith.constant 0 : i32
      %lt3A_2359 = arith.cmpi slt, %rem3A_2355, %lt3A_2358 : i32
      %lt3A_2360 = arith.constant 0 : i32
      %lt3A_2361 = arith.cmpi slt, %select_n3A_2354, %lt3A_2360 : i32
      %ne3A_2362 = arith.xori %lt3A_2359, %lt3A_2361 : i1
      %and3A_2363 = arith.andi %ne3A_2362, %ne3A_2357 : i1
      %add3A_2364 = arith.addi %rem3A_2355, %select_n3A_2354 : i32
      %select_n3A_2365 = arith.select %and3A_2363, %add3A_2364, %rem3A_2355 : i32
      %mul3A_2366 = arith.constant 256 : i32
      %mul3A_2367 = arith.muli %select_n3A_2365, %mul3A_2366 : i32
      %add3A_2368 = arith.addi %add3A_2349, %mul3A_2367 : i32
      %add3A_2369 = arith.constant 0 : i32
      %add3A_2370 = arith.addi %add3A_2368, %add3A_2369 : i32
      %dma_wait3A_2371 = arith.constant 0 : i32
      %dma_wait3A_2372 = arith.constant 0 : i32
      %dma_wait3A_2373 = tpu.memref_slice %arg13[%dma_wait3A_2371, %dma_wait3A_2372] : memref<256x128xf32, #tpu.memory_space<vmem>> -> memref<128x128xf32, #tpu.memory_space<vmem>>
      %dma_wait3A_2374 = arith.constant 0 : i32
      %dma_wait3A_2375 = tpu.memref_slice %arg4[%add3A_2370, %dma_wait3A_2374] : memref<819200x128xf32, #tpu.memory_space<hbm>> -> memref<128x128xf32, #tpu.memory_space<hbm>>
      %dma_wait3A_2376 = arith.constant 0 : i32
      %dma_wait3A_2377 = tpu.memref_slice %arg4[%add3A_2370, %dma_wait3A_2376] : memref<819200x128xf32, #tpu.memory_space<hbm>> -> memref<128x128xf32, #tpu.memory_space<hbm>>
      %dma_wait3A_2378 = arith.constant 0 : i32
      %dma_wait3A_2379 = arith.constant 0 : i32
      %dma_wait3A_2380 = tpu.memref_slice %arg13[%dma_wait3A_2378, %dma_wait3A_2379] : memref<256x128xf32, #tpu.memory_space<vmem>> -> memref<128x128xf32, #tpu.memory_space<vmem>>
      tpu.wait_dma2 semaphore(%arg22 : memref<!tpu.dma_semaphore, #tpu.memory_space<semaphore_mem>>) src(%dma_wait3A_2380 : memref<128x128xf32, #tpu.memory_space<vmem>>) dst(%dma_wait3A_2377 : memref<128x128xf32, #tpu.memory_space<hbm>>)
      %jit3A_2381 = arith.constant 2 : i32
      %div3A_2382 = arith.divsi %sub3A_2322, %jit3A_2381 : i32
      %sign3A_2383 = arith.constant 0 : i32
      %sign3A_2384 = arith.cmpi sgt, %sub3A_2322, %sign3A_2383 : i32
      %sign3A_2385 = arith.extui %sign3A_2384 : i1 to i32
      %sign3A_2386 = arith.constant 0 : i32
      %sign3A_2387 = arith.cmpi slt, %sub3A_2322, %sign3A_2386 : i32
      %sign3A_2388 = arith.extui %sign3A_2387 : i1 to i32
      %sign3A_2389 = arith.subi %sign3A_2385, %sign3A_2388 : i32
      %sign3A_2390 = arith.constant 0 : i32
      %sign3A_2391 = arith.cmpi sgt, %jit3A_2381, %sign3A_2390 : i32
      %sign3A_2392 = arith.extui %sign3A_2391 : i1 to i32
      %sign3A_2393 = arith.constant 0 : i32
      %sign3A_2394 = arith.cmpi slt, %jit3A_2381, %sign3A_2393 : i32
      %sign3A_2395 = arith.extui %sign3A_2394 : i1 to i32
      %sign3A_2396 = arith.subi %sign3A_2392, %sign3A_2395 : i32
      %ne3A_2397 = arith.cmpi ne, %sign3A_2389, %sign3A_2396 : i32
      %rem3A_2398 = arith.remsi %sub3A_2322, %jit3A_2381 : i32
      %ne3A_2399 = arith.constant 0 : i32
      %ne3A_2400 = arith.cmpi ne, %rem3A_2398, %ne3A_2399 : i32
      %and3A_2401 = arith.andi %ne3A_2397, %ne3A_2400 : i1
      %sub3A_2402 = arith.constant 1 : i32
      %sub3A_2403 = arith.subi %div3A_2382, %sub3A_2402 : i32
      %select_n3A_2404 = arith.select %and3A_2401, %sub3A_2403, %div3A_2382 : i32
      %mul3A_2405 = arith.constant 16384 : i32
      %mul3A_2406 = arith.muli %select_n3A_2404, %mul3A_2405 : i32
      %add3A_2407 = arith.addi %mul3A_2406, %mul3A_2 : i32
      %jit3A_2408 = arith.constant 2 : i32
      %eq3A_2409 = arith.constant 0 : i32
      %eq3A_2410 = arith.cmpi eq, %jit3A_2408, %eq3A_2409 : i32
      %jit3A_2411 = arith.constant 1 : i32
      %select_n3A_2412 = arith.select %eq3A_2410, %jit3A_2411, %jit3A_2408 : i32
      %rem3A_2413 = arith.remsi %sub3A_2322, %select_n3A_2412 : i32
      %ne3A_2414 = arith.constant 0 : i32
      %ne3A_2415 = arith.cmpi ne, %rem3A_2413, %ne3A_2414 : i32
      %lt3A_2416 = arith.constant 0 : i32
      %lt3A_2417 = arith.cmpi slt, %rem3A_2413, %lt3A_2416 : i32
      %lt3A_2418 = arith.constant 0 : i32
      %lt3A_2419 = arith.cmpi slt, %select_n3A_2412, %lt3A_2418 : i32
      %ne3A_2420 = arith.xori %lt3A_2417, %lt3A_2419 : i1
      %and3A_2421 = arith.andi %ne3A_2420, %ne3A_2415 : i1
      %add3A_2422 = arith.addi %rem3A_2413, %select_n3A_2412 : i32
      %select_n3A_2423 = arith.select %and3A_2421, %add3A_2422, %rem3A_2413 : i32
      %mul3A_2424 = arith.constant 256 : i32
      %mul3A_2425 = arith.muli %select_n3A_2423, %mul3A_2424 : i32
      %add3A_2426 = arith.addi %add3A_2407, %mul3A_2425 : i32
      %add3A_2427 = arith.constant 128 : i32
      %add3A_2428 = arith.addi %add3A_2426, %add3A_2427 : i32
      %dma_wait3A_2429 = arith.constant 128 : i32
      %dma_wait3A_2430 = arith.constant 0 : i32
      %dma_wait3A_2431 = tpu.memref_slice %arg13[%dma_wait3A_2429, %dma_wait3A_2430] : memref<256x128xf32, #tpu.memory_space<vmem>> -> memref<128x128xf32, #tpu.memory_space<vmem>>
      %dma_wait3A_2432 = arith.constant 0 : i32
      %dma_wait3A_2433 = tpu.memref_slice %arg4[%add3A_2428, %dma_wait3A_2432] : memref<819200x128xf32, #tpu.memory_space<hbm>> -> memref<128x128xf32, #tpu.memory_space<hbm>>
      %dma_wait3A_2434 = arith.constant 0 : i32
      %dma_wait3A_2435 = tpu.memref_slice %arg4[%add3A_2428, %dma_wait3A_2434] : memref<819200x128xf32, #tpu.memory_space<hbm>> -> memref<128x128xf32, #tpu.memory_space<hbm>>
      %dma_wait3A_2436 = arith.constant 128 : i32
      %dma_wait3A_2437 = arith.constant 0 : i32
      %dma_wait3A_2438 = tpu.memref_slice %arg13[%dma_wait3A_2436, %dma_wait3A_2437] : memref<256x128xf32, #tpu.memory_space<vmem>> -> memref<128x128xf32, #tpu.memory_space<vmem>>
      tpu.wait_dma2 semaphore(%arg22 : memref<!tpu.dma_semaphore, #tpu.memory_space<semaphore_mem>>) src(%dma_wait3A_2438 : memref<128x128xf32, #tpu.memory_space<vmem>>) dst(%dma_wait3A_2435 : memref<128x128xf32, #tpu.memory_space<hbm>>)
      %add3A_2439 = arith.constant 2 : i32
      %add3A_2440 = arith.addi %add3A_2320, %add3A_2439 : i32
      %jit3A_2441 = arith.constant 2 : i32
      %div3A_2442 = arith.divsi %add3A_2440, %jit3A_2441 : i32
      %sign3A_2443 = arith.constant 0 : i32
      %sign3A_2444 = arith.cmpi sgt, %add3A_2440, %sign3A_2443 : i32
      %sign3A_2445 = arith.extui %sign3A_2444 : i1 to i32
      %sign3A_2446 = arith.constant 0 : i32
      %sign3A_2447 = arith.cmpi slt, %add3A_2440, %sign3A_2446 : i32
      %sign3A_2448 = arith.extui %sign3A_2447 : i1 to i32
      %sign3A_2449 = arith.subi %sign3A_2445, %sign3A_2448 : i32
      %sign3A_2450 = arith.constant 0 : i32
      %sign3A_2451 = arith.cmpi sgt, %jit3A_2441, %sign3A_2450 : i32
      %sign3A_2452 = arith.extui %sign3A_2451 : i1 to i32
      %sign3A_2453 = arith.constant 0 : i32
      %sign3A_2454 = arith.cmpi slt, %jit3A_2441, %sign3A_2453 : i32
      %sign3A_2455 = arith.extui %sign3A_2454 : i1 to i32
      %sign3A_2456 = arith.subi %sign3A_2452, %sign3A_2455 : i32
      %ne3A_2457 = arith.cmpi ne, %sign3A_2449, %sign3A_2456 : i32
      %rem3A_2458 = arith.remsi %add3A_2440, %jit3A_2441 : i32
      %ne3A_2459 = arith.constant 0 : i32
      %ne3A_2460 = arith.cmpi ne, %rem3A_2458, %ne3A_2459 : i32
      %and3A_2461 = arith.andi %ne3A_2457, %ne3A_2460 : i1
      %sub3A_2462 = arith.constant 1 : i32
      %sub3A_2463 = arith.subi %div3A_2442, %sub3A_2462 : i32
      %select_n3A_2464 = arith.select %and3A_2461, %sub3A_2463, %div3A_2442 : i32
      %jit3A_2465 = arith.constant 2 : i32
      %eq3A_2466 = arith.constant 0 : i32
      %eq3A_2467 = arith.cmpi eq, %jit3A_2465, %eq3A_2466 : i32
      %jit3A_2468 = arith.constant 1 : i32
      %select_n3A_2469 = arith.select %eq3A_2467, %jit3A_2468, %jit3A_2465 : i32
      %rem3A_2470 = arith.remsi %add3A_2440, %select_n3A_2469 : i32
      %ne3A_2471 = arith.constant 0 : i32
      %ne3A_2472 = arith.cmpi ne, %rem3A_2470, %ne3A_2471 : i32
      %lt3A_2473 = arith.constant 0 : i32
      %lt3A_2474 = arith.cmpi slt, %rem3A_2470, %lt3A_2473 : i32
      %lt3A_2475 = arith.constant 0 : i32
      %lt3A_2476 = arith.cmpi slt, %select_n3A_2469, %lt3A_2475 : i32
      %ne3A_2477 = arith.xori %lt3A_2474, %lt3A_2476 : i1
      %and3A_2478 = arith.andi %ne3A_2477, %ne3A_2472 : i1
      %add3A_2479 = arith.addi %rem3A_2470, %select_n3A_2469 : i32
      %select_n3A_2480 = arith.select %and3A_2478, %add3A_2479, %rem3A_2470 : i32
      %mul3A_2481 = arith.constant 256 : i32
      %mul3A_2482 = arith.muli %select_n3A_2480, %mul3A_2481 : i32
      %add3A_2483 = arith.addi %mul3A_2, %mul3A_2482 : i32
      %dma_start3A_2484 = tpu.memref_slice %arg2[%select_n3A_2464, %add3A_2483] : memref<50x16384xf32, #tpu.memory_space<hbm>> -> memref<1x256xf32, #tpu.memory_space<hbm>>
      %dma_start3A_2485 = tpu.memref_slice %arg2[%select_n3A_2464, %add3A_2483] : memref<50x16384xf32, #tpu.memory_space<hbm>> -> memref<1x256xf32, #tpu.memory_space<hbm>>
      tpu.enqueue_dma source(%dma_start3A_2485 : memref<1x256xf32, #tpu.memory_space<hbm>>) target(%arg8 : memref<1x256xf32, #tpu.memory_space<vmem>>) target_semaphore(%arg17 : memref<!tpu.dma_semaphore, #tpu.memory_space<semaphore_mem>>)
      %add3A_2486 = arith.constant 1 : i32
      %add3A_2487 = arith.addi %add3A_2320, %add3A_2486 : i32
      %jit3A_2488 = arith.constant 2 : i32
      %div3A_2489 = arith.divsi %add3A_2487, %jit3A_2488 : i32
      %sign3A_2490 = arith.constant 0 : i32
      %sign3A_2491 = arith.cmpi sgt, %add3A_2487, %sign3A_2490 : i32
      %sign3A_2492 = arith.extui %sign3A_2491 : i1 to i32
      %sign3A_2493 = arith.constant 0 : i32
      %sign3A_2494 = arith.cmpi slt, %add3A_2487, %sign3A_2493 : i32
      %sign3A_2495 = arith.extui %sign3A_2494 : i1 to i32
      %sign3A_2496 = arith.subi %sign3A_2492, %sign3A_2495 : i32
      %sign3A_2497 = arith.constant 0 : i32
      %sign3A_2498 = arith.cmpi sgt, %jit3A_2488, %sign3A_2497 : i32
      %sign3A_2499 = arith.extui %sign3A_2498 : i1 to i32
      %sign3A_2500 = arith.constant 0 : i32
      %sign3A_2501 = arith.cmpi slt, %jit3A_2488, %sign3A_2500 : i32
      %sign3A_2502 = arith.extui %sign3A_2501 : i1 to i32
      %sign3A_2503 = arith.subi %sign3A_2499, %sign3A_2502 : i32
      %ne3A_2504 = arith.cmpi ne, %sign3A_2496, %sign3A_2503 : i32
      %rem3A_2505 = arith.remsi %add3A_2487, %jit3A_2488 : i32
      %ne3A_2506 = arith.constant 0 : i32
      %ne3A_2507 = arith.cmpi ne, %rem3A_2505, %ne3A_2506 : i32
      %and3A_2508 = arith.andi %ne3A_2504, %ne3A_2507 : i1
      %sub3A_2509 = arith.constant 1 : i32
      %sub3A_2510 = arith.subi %div3A_2489, %sub3A_2509 : i32
      %select_n3A_2511 = arith.select %and3A_2508, %sub3A_2510, %div3A_2489 : i32
      %jit3A_2512 = arith.constant 2 : i32
      %eq3A_2513 = arith.constant 0 : i32
      %eq3A_2514 = arith.cmpi eq, %jit3A_2512, %eq3A_2513 : i32
      %jit3A_2515 = arith.constant 1 : i32
      %select_n3A_2516 = arith.select %eq3A_2514, %jit3A_2515, %jit3A_2512 : i32
      %rem3A_2517 = arith.remsi %add3A_2487, %select_n3A_2516 : i32
      %ne3A_2518 = arith.constant 0 : i32
      %ne3A_2519 = arith.cmpi ne, %rem3A_2517, %ne3A_2518 : i32
      %lt3A_2520 = arith.constant 0 : i32
      %lt3A_2521 = arith.cmpi slt, %rem3A_2517, %lt3A_2520 : i32
      %lt3A_2522 = arith.constant 0 : i32
      %lt3A_2523 = arith.cmpi slt, %select_n3A_2516, %lt3A_2522 : i32
      %ne3A_2524 = arith.xori %lt3A_2521, %lt3A_2523 : i1
      %and3A_2525 = arith.andi %ne3A_2524, %ne3A_2519 : i1
      %add3A_2526 = arith.addi %rem3A_2517, %select_n3A_2516 : i32
      %select_n3A_2527 = arith.select %and3A_2525, %add3A_2526, %rem3A_2517 : i32
      %mul3A_2528 = arith.constant 256 : i32
      %mul3A_2529 = arith.muli %select_n3A_2527, %mul3A_2528 : i32
      %add3A_2530 = arith.addi %mul3A_2, %mul3A_2529 : i32
      %dma_wait3A_2531 = tpu.memref_slice %arg2[%select_n3A_2511, %add3A_2530] : memref<50x16384xf32, #tpu.memory_space<hbm>> -> memref<1x256xf32, #tpu.memory_space<hbm>>
      %dma_wait3A_2532 = tpu.memref_slice %arg2[%select_n3A_2511, %add3A_2530] : memref<50x16384xf32, #tpu.memory_space<hbm>> -> memref<1x256xf32, #tpu.memory_space<hbm>>
      tpu.wait_dma2 semaphore(%arg16 : memref<!tpu.dma_semaphore, #tpu.memory_space<semaphore_mem>>) src(%dma_wait3A_2532 : memref<1x256xf32, #tpu.memory_space<hbm>>) dst(%arg7 : memref<1x256xf32, #tpu.memory_space<vmem>>)
      %get3A_2533 = arith.constant 0 : i32
      %get3A_2534 = arith.index_cast %get3A_2533 : i32 to index
      %get3A_2535 = arith.constant 0 : index
      %get3A_2536 = tpu.vector_load %arg7[%get3A_2534, %get3A_2535] {strides = array<i32>} : memref<1x256xf32, #tpu.memory_space<vmem>>, vector<1x16xf32>,
      %get3A_2537 = vector.shape_cast %get3A_2536 : vector<1x16xf32> to vector<16xf32>
      %mul3A_2538 = arith.constant 1.024000e+03 : f32
      %mul3A_2539 = vector.broadcast %mul3A_2538 : f32 to vector<16xf32>
      %mul3A_2540 = arith.mulf %get3A_2537, %mul3A_2539 : vector<16xf32>
      %convert_element_type3A_2541 = arith.fptosi %mul3A_2540 : vector<16xf32> to vector<16xi32>
      %jit3A_2542 = arith.constant 0 : i32
      %jit3A_2543 = arith.constant 1023 : i32
      %max3A_2544 = vector.broadcast %jit3A_2542 : i32 to vector<16xi32>
      %max3A_2545 = arith.maxsi %max3A_2544, %convert_element_type3A_2541 : vector<16xi32>
      %min3A_2546 = vector.broadcast %jit3A_2543 : i32 to vector<16xi32>
      %min3A_2547 = arith.minsi %min3A_2546, %max3A_2545 : vector<16xi32>
      %swap3A_2548 = arith.constant 0 : index
      %swap3A_2549 = tpu.vector_load %arg10[%swap3A_2548] {strides = array<i32>} : memref<256xi32, #tpu.memory_space<vmem>>, vector<16xi32>,
      %swap3A_2550 = vector.shape_cast %swap3A_2549 : vector<16xi32> to vector<16xi32>
      %swap3A_2551 = vector.shape_cast %min3A_2547 : vector<16xi32> to vector<16xi32>
      tpu.vector_store %arg10[%swap3A_2548], %swap3A_2551 {strides = array<i32>} : memref<256xi32, #tpu.memory_space<vmem>>, vector<16xi32>,
      %get3A_2552 = arith.constant 0 : i32
      %get3A_2553 = arith.index_cast %get3A_2552 : i32 to index
      %get3A_2554 = arith.constant 16 : index
      %get3A_2555 = tpu.vector_load %arg7[%get3A_2553, %get3A_2554] {strides = array<i32>} : memref<1x256xf32, #tpu.memory_space<vmem>>, vector<1x16xf32>,
      %get3A_2556 = vector.shape_cast %get3A_2555 : vector<1x16xf32> to vector<16xf32>
      %mul3A_2557 = arith.constant 1.024000e+03 : f32
      %mul3A_2558 = vector.broadcast %mul3A_2557 : f32 to vector<16xf32>
      %mul3A_2559 = arith.mulf %get3A_2556, %mul3A_2558 : vector<16xf32>
      %convert_element_type3A_2560 = arith.fptosi %mul3A_2559 : vector<16xf32> to vector<16xi32>
      %jit3A_2561 = arith.constant 0 : i32
      %jit3A_2562 = arith.constant 1023 : i32
      %max3A_2563 = vector.broadcast %jit3A_2561 : i32 to vector<16xi32>
      %max3A_2564 = arith.maxsi %max3A_2563, %convert_element_type3A_2560 : vector<16xi32>
      %min3A_2565 = vector.broadcast %jit3A_2562 : i32 to vector<16xi32>
      %min3A_2566 = arith.minsi %min3A_2565, %max3A_2564 : vector<16xi32>
      %swap3A_2567 = arith.constant 16 : index
      %swap3A_2568 = tpu.vector_load %arg10[%swap3A_2567] {strides = array<i32>} : memref<256xi32, #tpu.memory_space<vmem>>, vector<16xi32>,
      %swap3A_2569 = vector.shape_cast %swap3A_2568 : vector<16xi32> to vector<16xi32>
      %swap3A_2570 = vector.shape_cast %min3A_2566 : vector<16xi32> to vector<16xi32>
      tpu.vector_store %arg10[%swap3A_2567], %swap3A_2570 {strides = array<i32>} : memref<256xi32, #tpu.memory_space<vmem>>, vector<16xi32>,
      %get3A_2571 = arith.constant 0 : i32
      %get3A_2572 = arith.index_cast %get3A_2571 : i32 to index
      %get3A_2573 = arith.constant 32 : index
      %get3A_2574 = tpu.vector_load %arg7[%get3A_2572, %get3A_2573] {strides = array<i32>} : memref<1x256xf32, #tpu.memory_space<vmem>>, vector<1x16xf32>,
      %get3A_2575 = vector.shape_cast %get3A_2574 : vector<1x16xf32> to vector<16xf32>
      %mul3A_2576 = arith.constant 1.024000e+03 : f32
      %mul3A_2577 = vector.broadcast %mul3A_2576 : f32 to vector<16xf32>
      %mul3A_2578 = arith.mulf %get3A_2575, %mul3A_2577 : vector<16xf32>
      %convert_element_type3A_2579 = arith.fptosi %mul3A_2578 : vector<16xf32> to vector<16xi32>
      %jit3A_2580 = arith.constant 0 : i32
      %jit3A_2581 = arith.constant 1023 : i32
      %max3A_2582 = vector.broadcast %jit3A_2580 : i32 to vector<16xi32>
      %max3A_2583 = arith.maxsi %max3A_2582, %convert_element_type3A_2579 : vector<16xi32>
      %min3A_2584 = vector.broadcast %jit3A_2581 : i32 to vector<16xi32>
      %min3A_2585 = arith.minsi %min3A_2584, %max3A_2583 : vector<16xi32>
      %swap3A_2586 = arith.constant 32 : index
      %swap3A_2587 = tpu.vector_load %arg10[%swap3A_2586] {strides = array<i32>} : memref<256xi32, #tpu.memory_space<vmem>>, vector<16xi32>,
      %swap3A_2588 = vector.shape_cast %swap3A_2587 : vector<16xi32> to vector<16xi32>
      %swap3A_2589 = vector.shape_cast %min3A_2585 : vector<16xi32> to vector<16xi32>
      tpu.vector_store %arg10[%swap3A_2586], %swap3A_2589 {strides = array<i32>} : memref<256xi32, #tpu.memory_space<vmem>>, vector<16xi32>,
      %get3A_2590 = arith.constant 0 : i32
      %get3A_2591 = arith.index_cast %get3A_2590 : i32 to index
      %get3A_2592 = arith.constant 48 : index
      %get3A_2593 = tpu.vector_load %arg7[%get3A_2591, %get3A_2592] {strides = array<i32>} : memref<1x256xf32, #tpu.memory_space<vmem>>, vector<1x16xf32>,
      %get3A_2594 = vector.shape_cast %get3A_2593 : vector<1x16xf32> to vector<16xf32>
      %mul3A_2595 = arith.constant 1.024000e+03 : f32
      %mul3A_2596 = vector.broadcast %mul3A_2595 : f32 to vector<16xf32>
      %mul3A_2597 = arith.mulf %get3A_2594, %mul3A_2596 : vector<16xf32>
      %convert_element_type3A_2598 = arith.fptosi %mul3A_2597 : vector<16xf32> to vector<16xi32>
      %jit3A_2599 = arith.constant 0 : i32
      %jit3A_2600 = arith.constant 1023 : i32
      %max3A_2601 = vector.broadcast %jit3A_2599 : i32 to vector<16xi32>
      %max3A_2602 = arith.maxsi %max3A_2601, %convert_element_type3A_2598 : vector<16xi32>
      %min3A_2603 = vector.broadcast %jit3A_2600 : i32 to vector<16xi32>
      %min3A_2604 = arith.minsi %min3A_2603, %max3A_2602 : vector<16xi32>
      %swap3A_2605 = arith.constant 48 : index
      %swap3A_2606 = tpu.vector_load %arg10[%swap3A_2605] {strides = array<i32>} : memref<256xi32, #tpu.memory_space<vmem>>, vector<16xi32>,
      %swap3A_2607 = vector.shape_cast %swap3A_2606 : vector<16xi32> to vector<16xi32>
      %swap3A_2608 = vector.shape_cast %min3A_2604 : vector<16xi32> to vector<16xi32>
      tpu.vector_store %arg10[%swap3A_2605], %swap3A_2608 {strides = array<i32>} : memref<256xi32, #tpu.memory_space<vmem>>, vector<16xi32>,
      %get3A_2609 = arith.constant 0 : i32
      %get3A_2610 = arith.index_cast %get3A_2609 : i32 to index
      %get3A_2611 = arith.constant 64 : index
      %get3A_2612 = tpu.vector_load %arg7[%get3A_2610, %get3A_2611] {strides = array<i32>} : memref<1x256xf32, #tpu.memory_space<vmem>>, vector<1x16xf32>,
      %get3A_2613 = vector.shape_cast %get3A_2612 : vector<1x16xf32> to vector<16xf32>
      %mul3A_2614 = arith.constant 1.024000e+03 : f32
      %mul3A_2615 = vector.broadcast %mul3A_2614 : f32 to vector<16xf32>
      %mul3A_2616 = arith.mulf %get3A_2613, %mul3A_2615 : vector<16xf32>
      %convert_element_type3A_2617 = arith.fptosi %mul3A_2616 : vector<16xf32> to vector<16xi32>
      %jit3A_2618 = arith.constant 0 : i32
      %jit3A_2619 = arith.constant 1023 : i32
      %max3A_2620 = vector.broadcast %jit3A_2618 : i32 to vector<16xi32>
      %max3A_2621 = arith.maxsi %max3A_2620, %convert_element_type3A_2617 : vector<16xi32>
      %min3A_2622 = vector.broadcast %jit3A_2619 : i32 to vector<16xi32>
      %min3A_2623 = arith.minsi %min3A_2622, %max3A_2621 : vector<16xi32>
      %swap3A_2624 = arith.constant 64 : index
      %swap3A_2625 = tpu.vector_load %arg10[%swap3A_2624] {strides = array<i32>} : memref<256xi32, #tpu.memory_space<vmem>>, vector<16xi32>,
      %swap3A_2626 = vector.shape_cast %swap3A_2625 : vector<16xi32> to vector<16xi32>
      %swap3A_2627 = vector.shape_cast %min3A_2623 : vector<16xi32> to vector<16xi32>
      tpu.vector_store %arg10[%swap3A_2624], %swap3A_2627 {strides = array<i32>} : memref<256xi32, #tpu.memory_space<vmem>>, vector<16xi32>,
      %get3A_2628 = arith.constant 0 : i32
      %get3A_2629 = arith.index_cast %get3A_2628 : i32 to index
      %get3A_2630 = arith.constant 80 : index
      %get3A_2631 = tpu.vector_load %arg7[%get3A_2629, %get3A_2630] {strides = array<i32>} : memref<1x256xf32, #tpu.memory_space<vmem>>, vector<1x16xf32>,
      %get3A_2632 = vector.shape_cast %get3A_2631 : vector<1x16xf32> to vector<16xf32>
      %mul3A_2633 = arith.constant 1.024000e+03 : f32
      %mul3A_2634 = vector.broadcast %mul3A_2633 : f32 to vector<16xf32>
      %mul3A_2635 = arith.mulf %get3A_2632, %mul3A_2634 : vector<16xf32>
      %convert_element_type3A_2636 = arith.fptosi %mul3A_2635 : vector<16xf32> to vector<16xi32>
      %jit3A_2637 = arith.constant 0 : i32
      %jit3A_2638 = arith.constant 1023 : i32
      %max3A_2639 = vector.broadcast %jit3A_2637 : i32 to vector<16xi32>
      %max3A_2640 = arith.maxsi %max3A_2639, %convert_element_type3A_2636 : vector<16xi32>
      %min3A_2641 = vector.broadcast %jit3A_2638 : i32 to vector<16xi32>
      %min3A_2642 = arith.minsi %min3A_2641, %max3A_2640 : vector<16xi32>
      %swap3A_2643 = arith.constant 80 : index
      %swap3A_2644 = tpu.vector_load %arg10[%swap3A_2643] {strides = array<i32>} : memref<256xi32, #tpu.memory_space<vmem>>, vector<16xi32>,
      %swap3A_2645 = vector.shape_cast %swap3A_2644 : vector<16xi32> to vector<16xi32>
      %swap3A_2646 = vector.shape_cast %min3A_2642 : vector<16xi32> to vector<16xi32>
      tpu.vector_store %arg10[%swap3A_2643], %swap3A_2646 {strides = array<i32>} : memref<256xi32, #tpu.memory_space<vmem>>, vector<16xi32>,
      %get3A_2647 = arith.constant 0 : i32
      %get3A_2648 = arith.index_cast %get3A_2647 : i32 to index
      %get3A_2649 = arith.constant 96 : index
      %get3A_2650 = tpu.vector_load %arg7[%get3A_2648, %get3A_2649] {strides = array<i32>} : memref<1x256xf32, #tpu.memory_space<vmem>>, vector<1x16xf32>,
      %get3A_2651 = vector.shape_cast %get3A_2650 : vector<1x16xf32> to vector<16xf32>
      %mul3A_2652 = arith.constant 1.024000e+03 : f32
      %mul3A_2653 = vector.broadcast %mul3A_2652 : f32 to vector<16xf32>
      %mul3A_2654 = arith.mulf %get3A_2651, %mul3A_2653 : vector<16xf32>
      %convert_element_type3A_2655 = arith.fptosi %mul3A_2654 : vector<16xf32> to vector<16xi32>
      %jit3A_2656 = arith.constant 0 : i32
      %jit3A_2657 = arith.constant 1023 : i32
      %max3A_2658 = vector.broadcast %jit3A_2656 : i32 to vector<16xi32>
      %max3A_2659 = arith.maxsi %max3A_2658, %convert_element_type3A_2655 : vector<16xi32>
      %min3A_2660 = vector.broadcast %jit3A_2657 : i32 to vector<16xi32>
      %min3A_2661 = arith.minsi %min3A_2660, %max3A_2659 : vector<16xi32>
      %swap3A_2662 = arith.constant 96 : index
      %swap3A_2663 = tpu.vector_load %arg10[%swap3A_2662] {strides = array<i32>} : memref<256xi32, #tpu.memory_space<vmem>>, vector<16xi32>,
      %swap3A_2664 = vector.shape_cast %swap3A_2663 : vector<16xi32> to vector<16xi32>
      %swap3A_2665 = vector.shape_cast %min3A_2661 : vector<16xi32> to vector<16xi32>
      tpu.vector_store %arg10[%swap3A_2662], %swap3A_2665 {strides = array<i32>} : memref<256xi32, #tpu.memory_space<vmem>>, vector<16xi32>,
      %get3A_2666 = arith.constant 0 : i32
      %get3A_2667 = arith.index_cast %get3A_2666 : i32 to index
      %get3A_2668 = arith.constant 112 : index
      %get3A_2669 = tpu.vector_load %arg7[%get3A_2667, %get3A_2668] {strides = array<i32>} : memref<1x256xf32, #tpu.memory_space<vmem>>, vector<1x16xf32>,
      %get3A_2670 = vector.shape_cast %get3A_2669 : vector<1x16xf32> to vector<16xf32>
      %mul3A_2671 = arith.constant 1.024000e+03 : f32
      %mul3A_2672 = vector.broadcast %mul3A_2671 : f32 to vector<16xf32>
      %mul3A_2673 = arith.mulf %get3A_2670, %mul3A_2672 : vector<16xf32>
      %convert_element_type3A_2674 = arith.fptosi %mul3A_2673 : vector<16xf32> to vector<16xi32>
      %jit3A_2675 = arith.constant 0 : i32
      %jit3A_2676 = arith.constant 1023 : i32
      %max3A_2677 = vector.broadcast %jit3A_2675 : i32 to vector<16xi32>
      %max3A_2678 = arith.maxsi %max3A_2677, %convert_element_type3A_2674 : vector<16xi32>
      %min3A_2679 = vector.broadcast %jit3A_2676 : i32 to vector<16xi32>
      %min3A_2680 = arith.minsi %min3A_2679, %max3A_2678 : vector<16xi32>
      %swap3A_2681 = arith.constant 112 : index
      %swap3A_2682 = tpu.vector_load %arg10[%swap3A_2681] {strides = array<i32>} : memref<256xi32, #tpu.memory_space<vmem>>, vector<16xi32>,
      %swap3A_2683 = vector.shape_cast %swap3A_2682 : vector<16xi32> to vector<16xi32>
      %swap3A_2684 = vector.shape_cast %min3A_2680 : vector<16xi32> to vector<16xi32>
      tpu.vector_store %arg10[%swap3A_2681], %swap3A_2684 {strides = array<i32>} : memref<256xi32, #tpu.memory_space<vmem>>, vector<16xi32>,
      %get3A_2685 = arith.constant 0 : i32
      %get3A_2686 = arith.index_cast %get3A_2685 : i32 to index
      %get3A_2687 = arith.constant 128 : index
      %get3A_2688 = tpu.vector_load %arg7[%get3A_2686, %get3A_2687] {strides = array<i32>} : memref<1x256xf32, #tpu.memory_space<vmem>>, vector<1x16xf32>,
      %get3A_2689 = vector.shape_cast %get3A_2688 : vector<1x16xf32> to vector<16xf32>
      %mul3A_2690 = arith.constant 1.024000e+03 : f32
      %mul3A_2691 = vector.broadcast %mul3A_2690 : f32 to vector<16xf32>
      %mul3A_2692 = arith.mulf %get3A_2689, %mul3A_2691 : vector<16xf32>
      %convert_element_type3A_2693 = arith.fptosi %mul3A_2692 : vector<16xf32> to vector<16xi32>
      %jit3A_2694 = arith.constant 0 : i32
      %jit3A_2695 = arith.constant 1023 : i32
      %max3A_2696 = vector.broadcast %jit3A_2694 : i32 to vector<16xi32>
      %max3A_2697 = arith.maxsi %max3A_2696, %convert_element_type3A_2693 : vector<16xi32>
      %min3A_2698 = vector.broadcast %jit3A_2695 : i32 to vector<16xi32>
      %min3A_2699 = arith.minsi %min3A_2698, %max3A_2697 : vector<16xi32>
      %swap3A_2700 = arith.constant 128 : index
      %swap3A_2701 = tpu.vector_load %arg10[%swap3A_2700] {strides = array<i32>} : memref<256xi32, #tpu.memory_space<vmem>>, vector<16xi32>,
      %swap3A_2702 = vector.shape_cast %swap3A_2701 : vector<16xi32> to vector<16xi32>
      %swap3A_2703 = vector.shape_cast %min3A_2699 : vector<16xi32> to vector<16xi32>
      tpu.vector_store %arg10[%swap3A_2700], %swap3A_2703 {strides = array<i32>} : memref<256xi32, #tpu.memory_space<vmem>>, vector<16xi32>,
      %get3A_2704 = arith.constant 0 : i32
      %get3A_2705 = arith.index_cast %get3A_2704 : i32 to index
      %get3A_2706 = arith.constant 144 : index
      %get3A_2707 = tpu.vector_load %arg7[%get3A_2705, %get3A_2706] {strides = array<i32>} : memref<1x256xf32, #tpu.memory_space<vmem>>, vector<1x16xf32>,
      %get3A_2708 = vector.shape_cast %get3A_2707 : vector<1x16xf32> to vector<16xf32>
      %mul3A_2709 = arith.constant 1.024000e+03 : f32
      %mul3A_2710 = vector.broadcast %mul3A_2709 : f32 to vector<16xf32>
      %mul3A_2711 = arith.mulf %get3A_2708, %mul3A_2710 : vector<16xf32>
      %convert_element_type3A_2712 = arith.fptosi %mul3A_2711 : vector<16xf32> to vector<16xi32>
      %jit3A_2713 = arith.constant 0 : i32
      %jit3A_2714 = arith.constant 1023 : i32
      %max3A_2715 = vector.broadcast %jit3A_2713 : i32 to vector<16xi32>
      %max3A_2716 = arith.maxsi %max3A_2715, %convert_element_type3A_2712 : vector<16xi32>
      %min3A_2717 = vector.broadcast %jit3A_2714 : i32 to vector<16xi32>
      %min3A_2718 = arith.minsi %min3A_2717, %max3A_2716 : vector<16xi32>
      %swap3A_2719 = arith.constant 144 : index
      %swap3A_2720 = tpu.vector_load %arg10[%swap3A_2719] {strides = array<i32>} : memref<256xi32, #tpu.memory_space<vmem>>, vector<16xi32>,
      %swap3A_2721 = vector.shape_cast %swap3A_2720 : vector<16xi32> to vector<16xi32>
      %swap3A_2722 = vector.shape_cast %min3A_2718 : vector<16xi32> to vector<16xi32>
      tpu.vector_store %arg10[%swap3A_2719], %swap3A_2722 {strides = array<i32>} : memref<256xi32, #tpu.memory_space<vmem>>, vector<16xi32>,
      %get3A_2723 = arith.constant 0 : i32
      %get3A_2724 = arith.index_cast %get3A_2723 : i32 to index
      %get3A_2725 = arith.constant 160 : index
      %get3A_2726 = tpu.vector_load %arg7[%get3A_2724, %get3A_2725] {strides = array<i32>} : memref<1x256xf32, #tpu.memory_space<vmem>>, vector<1x16xf32>,
      %get3A_2727 = vector.shape_cast %get3A_2726 : vector<1x16xf32> to vector<16xf32>
      %mul3A_2728 = arith.constant 1.024000e+03 : f32
      %mul3A_2729 = vector.broadcast %mul3A_2728 : f32 to vector<16xf32>
      %mul3A_2730 = arith.mulf %get3A_2727, %mul3A_2729 : vector<16xf32>
      %convert_element_type3A_2731 = arith.fptosi %mul3A_2730 : vector<16xf32> to vector<16xi32>
      %jit3A_2732 = arith.constant 0 : i32
      %jit3A_2733 = arith.constant 1023 : i32
      %max3A_2734 = vector.broadcast %jit3A_2732 : i32 to vector<16xi32>
      %max3A_2735 = arith.maxsi %max3A_2734, %convert_element_type3A_2731 : vector<16xi32>
      %min3A_2736 = vector.broadcast %jit3A_2733 : i32 to vector<16xi32>
      %min3A_2737 = arith.minsi %min3A_2736, %max3A_2735 : vector<16xi32>
      %swap3A_2738 = arith.constant 160 : index
      %swap3A_2739 = tpu.vector_load %arg10[%swap3A_2738] {strides = array<i32>} : memref<256xi32, #tpu.memory_space<vmem>>, vector<16xi32>,
      %swap3A_2740 = vector.shape_cast %swap3A_2739 : vector<16xi32> to vector<16xi32>
      %swap3A_2741 = vector.shape_cast %min3A_2737 : vector<16xi32> to vector<16xi32>
      tpu.vector_store %arg10[%swap3A_2738], %swap3A_2741 {strides = array<i32>} : memref<256xi32, #tpu.memory_space<vmem>>, vector<16xi32>,
      %get3A_2742 = arith.constant 0 : i32
      %get3A_2743 = arith.index_cast %get3A_2742 : i32 to index
      %get3A_2744 = arith.constant 176 : index
      %get3A_2745 = tpu.vector_load %arg7[%get3A_2743, %get3A_2744] {strides = array<i32>} : memref<1x256xf32, #tpu.memory_space<vmem>>, vector<1x16xf32>,
      %get3A_2746 = vector.shape_cast %get3A_2745 : vector<1x16xf32> to vector<16xf32>
      %mul3A_2747 = arith.constant 1.024000e+03 : f32
      %mul3A_2748 = vector.broadcast %mul3A_2747 : f32 to vector<16xf32>
      %mul3A_2749 = arith.mulf %get3A_2746, %mul3A_2748 : vector<16xf32>
      %convert_element_type3A_2750 = arith.fptosi %mul3A_2749 : vector<16xf32> to vector<16xi32>
      %jit3A_2751 = arith.constant 0 : i32
      %jit3A_2752 = arith.constant 1023 : i32
      %max3A_2753 = vector.broadcast %jit3A_2751 : i32 to vector<16xi32>
      %max3A_2754 = arith.maxsi %max3A_2753, %convert_element_type3A_2750 : vector<16xi32>
      %min3A_2755 = vector.broadcast %jit3A_2752 : i32 to vector<16xi32>
      %min3A_2756 = arith.minsi %min3A_2755, %max3A_2754 : vector<16xi32>
      %swap3A_2757 = arith.constant 176 : index
      %swap3A_2758 = tpu.vector_load %arg10[%swap3A_2757] {strides = array<i32>} : memref<256xi32, #tpu.memory_space<vmem>>, vector<16xi32>,
      %swap3A_2759 = vector.shape_cast %swap3A_2758 : vector<16xi32> to vector<16xi32>
      %swap3A_2760 = vector.shape_cast %min3A_2756 : vector<16xi32> to vector<16xi32>
      tpu.vector_store %arg10[%swap3A_2757], %swap3A_2760 {strides = array<i32>} : memref<256xi32, #tpu.memory_space<vmem>>, vector<16xi32>,
      %get3A_2761 = arith.constant 0 : i32
      %get3A_2762 = arith.index_cast %get3A_2761 : i32 to index
      %get3A_2763 = arith.constant 192 : index
      %get3A_2764 = tpu.vector_load %arg7[%get3A_2762, %get3A_2763] {strides = array<i32>} : memref<1x256xf32, #tpu.memory_space<vmem>>, vector<1x16xf32>,
      %get3A_2765 = vector.shape_cast %get3A_2764 : vector<1x16xf32> to vector<16xf32>
      %mul3A_2766 = arith.constant 1.024000e+03 : f32
      %mul3A_2767 = vector.broadcast %mul3A_2766 : f32 to vector<16xf32>
      %mul3A_2768 = arith.mulf %get3A_2765, %mul3A_2767 : vector<16xf32>
      %convert_element_type3A_2769 = arith.fptosi %mul3A_2768 : vector<16xf32> to vector<16xi32>
      %jit3A_2770 = arith.constant 0 : i32
      %jit3A_2771 = arith.constant 1023 : i32
      %max3A_2772 = vector.broadcast %jit3A_2770 : i32 to vector<16xi32>
      %max3A_2773 = arith.maxsi %max3A_2772, %convert_element_type3A_2769 : vector<16xi32>
      %min3A_2774 = vector.broadcast %jit3A_2771 : i32 to vector<16xi32>
      %min3A_2775 = arith.minsi %min3A_2774, %max3A_2773 : vector<16xi32>
      %swap3A_2776 = arith.constant 192 : index
      %swap3A_2777 = tpu.vector_load %arg10[%swap3A_2776] {strides = array<i32>} : memref<256xi32, #tpu.memory_space<vmem>>, vector<16xi32>,
      %swap3A_2778 = vector.shape_cast %swap3A_2777 : vector<16xi32> to vector<16xi32>
      %swap3A_2779 = vector.shape_cast %min3A_2775 : vector<16xi32> to vector<16xi32>
      tpu.vector_store %arg10[%swap3A_2776], %swap3A_2779 {strides = array<i32>} : memref<256xi32, #tpu.memory_space<vmem>>, vector<16xi32>,
      %get3A_2780 = arith.constant 0 : i32
      %get3A_2781 = arith.index_cast %get3A_2780 : i32 to index
      %get3A_2782 = arith.constant 208 : index
      %get3A_2783 = tpu.vector_load %arg7[%get3A_2781, %get3A_2782] {strides = array<i32>} : memref<1x256xf32, #tpu.memory_space<vmem>>, vector<1x16xf32>,
      %get3A_2784 = vector.shape_cast %get3A_2783 : vector<1x16xf32> to vector<16xf32>
      %mul3A_2785 = arith.constant 1.024000e+03 : f32
      %mul3A_2786 = vector.broadcast %mul3A_2785 : f32 to vector<16xf32>
      %mul3A_2787 = arith.mulf %get3A_2784, %mul3A_2786 : vector<16xf32>
      %convert_element_type3A_2788 = arith.fptosi %mul3A_2787 : vector<16xf32> to vector<16xi32>
      %jit3A_2789 = arith.constant 0 : i32
      %jit3A_2790 = arith.constant 1023 : i32
      %max3A_2791 = vector.broadcast %jit3A_2789 : i32 to vector<16xi32>
      %max3A_2792 = arith.maxsi %max3A_2791, %convert_element_type3A_2788 : vector<16xi32>
      %min3A_2793 = vector.broadcast %jit3A_2790 : i32 to vector<16xi32>
      %min3A_2794 = arith.minsi %min3A_2793, %max3A_2792 : vector<16xi32>
      %swap3A_2795 = arith.constant 208 : index
      %swap3A_2796 = tpu.vector_load %arg10[%swap3A_2795] {strides = array<i32>} : memref<256xi32, #tpu.memory_space<vmem>>, vector<16xi32>,
      %swap3A_2797 = vector.shape_cast %swap3A_2796 : vector<16xi32> to vector<16xi32>
      %swap3A_2798 = vector.shape_cast %min3A_2794 : vector<16xi32> to vector<16xi32>
      tpu.vector_store %arg10[%swap3A_2795], %swap3A_2798 {strides = array<i32>} : memref<256xi32, #tpu.memory_space<vmem>>, vector<16xi32>,
      %get3A_2799 = arith.constant 0 : i32
      %get3A_2800 = arith.index_cast %get3A_2799 : i32 to index
      %get3A_2801 = arith.constant 224 : index
      %get3A_2802 = tpu.vector_load %arg7[%get3A_2800, %get3A_2801] {strides = array<i32>} : memref<1x256xf32, #tpu.memory_space<vmem>>, vector<1x16xf32>,
      %get3A_2803 = vector.shape_cast %get3A_2802 : vector<1x16xf32> to vector<16xf32>
      %mul3A_2804 = arith.constant 1.024000e+03 : f32
      %mul3A_2805 = vector.broadcast %mul3A_2804 : f32 to vector<16xf32>
      %mul3A_2806 = arith.mulf %get3A_2803, %mul3A_2805 : vector<16xf32>
      %convert_element_type3A_2807 = arith.fptosi %mul3A_2806 : vector<16xf32> to vector<16xi32>
      %jit3A_2808 = arith.constant 0 : i32
      %jit3A_2809 = arith.constant 1023 : i32
      %max3A_2810 = vector.broadcast %jit3A_2808 : i32 to vector<16xi32>
      %max3A_2811 = arith.maxsi %max3A_2810, %convert_element_type3A_2807 : vector<16xi32>
      %min3A_2812 = vector.broadcast %jit3A_2809 : i32 to vector<16xi32>
      %min3A_2813 = arith.minsi %min3A_2812, %max3A_2811 : vector<16xi32>
      %swap3A_2814 = arith.constant 224 : index
      %swap3A_2815 = tpu.vector_load %arg10[%swap3A_2814] {strides = array<i32>} : memref<256xi32, #tpu.memory_space<vmem>>, vector<16xi32>,
      %swap3A_2816 = vector.shape_cast %swap3A_2815 : vector<16xi32> to vector<16xi32>
      %swap3A_2817 = vector.shape_cast %min3A_2813 : vector<16xi32> to vector<16xi32>
      tpu.vector_store %arg10[%swap3A_2814], %swap3A_2817 {strides = array<i32>} : memref<256xi32, #tpu.memory_space<vmem>>, vector<16xi32>,
      %get3A_2818 = arith.constant 0 : i32
      %get3A_2819 = arith.index_cast %get3A_2818 : i32 to index
      %get3A_2820 = arith.constant 240 : index
      %get3A_2821 = tpu.vector_load %arg7[%get3A_2819, %get3A_2820] {strides = array<i32>} : memref<1x256xf32, #tpu.memory_space<vmem>>, vector<1x16xf32>,
      %get3A_2822 = vector.shape_cast %get3A_2821 : vector<1x16xf32> to vector<16xf32>
      %mul3A_2823 = arith.constant 1.024000e+03 : f32
      %mul3A_2824 = vector.broadcast %mul3A_2823 : f32 to vector<16xf32>
      %mul3A_2825 = arith.mulf %get3A_2822, %mul3A_2824 : vector<16xf32>
      %convert_element_type3A_2826 = arith.fptosi %mul3A_2825 : vector<16xf32> to vector<16xi32>
      %jit3A_2827 = arith.constant 0 : i32
      %jit3A_2828 = arith.constant 1023 : i32
      %max3A_2829 = vector.broadcast %jit3A_2827 : i32 to vector<16xi32>
      %max3A_2830 = arith.maxsi %max3A_2829, %convert_element_type3A_2826 : vector<16xi32>
      %min3A_2831 = vector.broadcast %jit3A_2828 : i32 to vector<16xi32>
      %min3A_2832 = arith.minsi %min3A_2831, %max3A_2830 : vector<16xi32>
      %swap3A_2833 = arith.constant 240 : index
      %swap3A_2834 = tpu.vector_load %arg10[%swap3A_2833] {strides = array<i32>} : memref<256xi32, #tpu.memory_space<vmem>>, vector<16xi32>,
      %swap3A_2835 = vector.shape_cast %swap3A_2834 : vector<16xi32> to vector<16xi32>
      %swap3A_2836 = vector.shape_cast %min3A_2832 : vector<16xi32> to vector<16xi32>
      tpu.vector_store %arg10[%swap3A_2833], %swap3A_2836 {strides = array<i32>} : memref<256xi32, #tpu.memory_space<vmem>>, vector<16xi32>,
      %add3A_2837 = arith.constant 1 : i32
      %add3A_2838 = arith.addi %add3A_2320, %add3A_2837 : i32
      %dma_start3A_2839 = arith.constant 0 : i32
      %dma_start3A_2840 = arith.constant 0 : i32
      %dma_start3A_2841 = tpu.memref_slice %arg13[%dma_start3A_2839, %dma_start3A_2840] : memref<256x128xf32, #tpu.memory_space<vmem>> -> memref<128x128xf32, #tpu.memory_space<vmem>>
      %dma_start3A_2842 = arith.constant 0 : i32
      %dma_start3A_2843 = tpu.memref_slice %arg10[%dma_start3A_2842] : memref<256xi32, #tpu.memory_space<vmem>> -> memref<128xi32, #tpu.memory_space<vmem>>
      %dma_start3A_2844 = arith.constant 0 : i32
      %dma_start3A_2845 = arith.constant 0 : i32
      %dma_start3A_2846 = tpu.memref_slice %arg5[%dma_start3A_2844, %dma_start3A_2845] : memref<1025x128xf32, #tpu.memory_space<vmem_shared>> -> memref<1025x128xf32, #tpu.memory_space<vmem_shared>>
      tpu.enqueue_indirect_dma source(%dma_start3A_2846 : memref<1025x128xf32, #tpu.memory_space<vmem_shared>>) target(%dma_start3A_2841 : memref<128x128xf32, #tpu.memory_space<vmem>>) offsets(%dma_start3A_2843 : memref<128xi32, #tpu.memory_space<vmem>>) semaphore(%arg19 : memref<!tpu.dma_semaphore, #tpu.memory_space<semaphore_mem>>)
      %dma_start3A_2847 = arith.constant 128 : i32
      %dma_start3A_2848 = arith.constant 0 : i32
      %dma_start3A_2849 = tpu.memref_slice %arg13[%dma_start3A_2847, %dma_start3A_2848] : memref<256x128xf32, #tpu.memory_space<vmem>> -> memref<128x128xf32, #tpu.memory_space<vmem>>
      %dma_start3A_2850 = arith.constant 128 : i32
      %dma_start3A_2851 = tpu.memref_slice %arg10[%dma_start3A_2850] : memref<256xi32, #tpu.memory_space<vmem>> -> memref<128xi32, #tpu.memory_space<vmem>>
      %dma_start3A_2852 = arith.constant 0 : i32
      %dma_start3A_2853 = arith.constant 0 : i32
      %dma_start3A_2854 = tpu.memref_slice %arg5[%dma_start3A_2852, %dma_start3A_2853] : memref<1025x128xf32, #tpu.memory_space<vmem_shared>> -> memref<1025x128xf32, #tpu.memory_space<vmem_shared>>
      tpu.enqueue_indirect_dma source(%dma_start3A_2854 : memref<1025x128xf32, #tpu.memory_space<vmem_shared>>) target(%dma_start3A_2849 : memref<128x128xf32, #tpu.memory_space<vmem>>) offsets(%dma_start3A_2851 : memref<128xi32, #tpu.memory_space<vmem>>) semaphore(%arg19 : memref<!tpu.dma_semaphore, #tpu.memory_space<semaphore_mem>>)
      %dma_wait3A_2855 = arith.constant 0 : i32
      %dma_wait3A_2856 = arith.constant 0 : i32
      %dma_wait3A_2857 = tpu.memref_slice %arg12[%dma_wait3A_2855, %dma_wait3A_2856] : memref<256x128xf32, #tpu.memory_space<vmem>> -> memref<128x128xf32, #tpu.memory_space<vmem>>
      %dma_wait3A_2858 = arith.constant 0 : i32
      %dma_wait3A_2859 = tpu.memref_slice %arg9[%dma_wait3A_2858] : memref<256xi32, #tpu.memory_space<vmem>> -> memref<128xi32, #tpu.memory_space<vmem>>
      %dma_wait3A_2860 = arith.constant 0 : i32
      %dma_wait3A_2861 = arith.constant 0 : i32
      %dma_wait3A_2862 = tpu.memref_slice %arg5[%dma_wait3A_2860, %dma_wait3A_2861] : memref<1025x128xf32, #tpu.memory_space<vmem_shared>> -> memref<1025x128xf32, #tpu.memory_space<vmem_shared>>
      tpu.wait_indirect_dma semaphore(%arg18 : memref<!tpu.dma_semaphore, #tpu.memory_space<semaphore_mem>>) src(%dma_wait3A_2862 : memref<1025x128xf32, #tpu.memory_space<vmem_shared>>) dst(%dma_wait3A_2857 : memref<128x128xf32, #tpu.memory_space<vmem>>)
      %dma_wait3A_2863 = arith.constant 128 : i32
      %dma_wait3A_2864 = arith.constant 0 : i32
      %dma_wait3A_2865 = tpu.memref_slice %arg12[%dma_wait3A_2863, %dma_wait3A_2864] : memref<256x128xf32, #tpu.memory_space<vmem>> -> memref<128x128xf32, #tpu.memory_space<vmem>>
      %dma_wait3A_2866 = arith.constant 128 : i32
      %dma_wait3A_2867 = tpu.memref_slice %arg9[%dma_wait3A_2866] : memref<256xi32, #tpu.memory_space<vmem>> -> memref<128xi32, #tpu.memory_space<vmem>>
      %dma_wait3A_2868 = arith.constant 0 : i32
      %dma_wait3A_2869 = arith.constant 0 : i32
      %dma_wait3A_2870 = tpu.memref_slice %arg5[%dma_wait3A_2868, %dma_wait3A_2869] : memref<1025x128xf32, #tpu.memory_space<vmem_shared>> -> memref<1025x128xf32, #tpu.memory_space<vmem_shared>>
      tpu.wait_indirect_dma semaphore(%arg18 : memref<!tpu.dma_semaphore, #tpu.memory_space<semaphore_mem>>) src(%dma_wait3A_2870 : memref<1025x128xf32, #tpu.memory_space<vmem_shared>>) dst(%dma_wait3A_2865 : memref<128x128xf32, #tpu.memory_space<vmem>>)
      %jit3A_2871 = arith.constant 2 : i32
      %div3A_2872 = arith.divsi %add3A_2320, %jit3A_2871 : i32
      %sign3A_2873 = arith.constant 0 : i32
      %sign3A_2874 = arith.cmpi sgt, %add3A_2320, %sign3A_2873 : i32
      %sign3A_2875 = arith.extui %sign3A_2874 : i1 to i32
      %sign3A_2876 = arith.constant 0 : i32
      %sign3A_2877 = arith.cmpi slt, %add3A_2320, %sign3A_2876 : i32
      %sign3A_2878 = arith.extui %sign3A_2877 : i1 to i32
      %sign3A_2879 = arith.subi %sign3A_2875, %sign3A_2878 : i32
      %sign3A_2880 = arith.constant 0 : i32
      %sign3A_2881 = arith.cmpi sgt, %jit3A_2871, %sign3A_2880 : i32
      %sign3A_2882 = arith.extui %sign3A_2881 : i1 to i32
      %sign3A_2883 = arith.constant 0 : i32
      %sign3A_2884 = arith.cmpi slt, %jit3A_2871, %sign3A_2883 : i32
      %sign3A_2885 = arith.extui %sign3A_2884 : i1 to i32
      %sign3A_2886 = arith.subi %sign3A_2882, %sign3A_2885 : i32
      %ne3A_2887 = arith.cmpi ne, %sign3A_2879, %sign3A_2886 : i32
      %rem3A_2888 = arith.remsi %add3A_2320, %jit3A_2871 : i32
      %ne3A_2889 = arith.constant 0 : i32
      %ne3A_2890 = arith.cmpi ne, %rem3A_2888, %ne3A_2889 : i32
      %and3A_2891 = arith.andi %ne3A_2887, %ne3A_2890 : i1
      %sub3A_2892 = arith.constant 1 : i32
      %sub3A_2893 = arith.subi %div3A_2872, %sub3A_2892 : i32
      %select_n3A_2894 = arith.select %and3A_2891, %sub3A_2893, %div3A_2872 : i32
      %mul3A_2895 = arith.constant 16384 : i32
      %mul3A_2896 = arith.muli %select_n3A_2894, %mul3A_2895 : i32
      %add3A_2897 = arith.addi %mul3A_2896, %mul3A_2 : i32
      %jit3A_2898 = arith.constant 2 : i32
      %eq3A_2899 = arith.constant 0 : i32
      %eq3A_2900 = arith.cmpi eq, %jit3A_2898, %eq3A_2899 : i32
      %jit3A_2901 = arith.constant 1 : i32
      %select_n3A_2902 = arith.select %eq3A_2900, %jit3A_2901, %jit3A_2898 : i32
      %rem3A_2903 = arith.remsi %add3A_2320, %select_n3A_2902 : i32
      %ne3A_2904 = arith.constant 0 : i32
      %ne3A_2905 = arith.cmpi ne, %rem3A_2903, %ne3A_2904 : i32
      %lt3A_2906 = arith.constant 0 : i32
      %lt3A_2907 = arith.cmpi slt, %rem3A_2903, %lt3A_2906 : i32
      %lt3A_2908 = arith.constant 0 : i32
      %lt3A_2909 = arith.cmpi slt, %select_n3A_2902, %lt3A_2908 : i32
      %ne3A_2910 = arith.xori %lt3A_2907, %lt3A_2909 : i1
      %and3A_2911 = arith.andi %ne3A_2910, %ne3A_2905 : i1
      %add3A_2912 = arith.addi %rem3A_2903, %select_n3A_2902 : i32
      %select_n3A_2913 = arith.select %and3A_2911, %add3A_2912, %rem3A_2903 : i32
      %mul3A_2914 = arith.constant 256 : i32
      %mul3A_2915 = arith.muli %select_n3A_2913, %mul3A_2914 : i32
      %add3A_2916 = arith.addi %add3A_2897, %mul3A_2915 : i32
      %add3A_2917 = arith.constant 0 : i32
      %add3A_2918 = arith.addi %add3A_2916, %add3A_2917 : i32
      %dma_start3A_2919 = arith.constant 0 : i32
      %dma_start3A_2920 = arith.constant 0 : i32
      %dma_start3A_2921 = tpu.memref_slice %arg12[%dma_start3A_2919, %dma_start3A_2920] : memref<256x128xf32, #tpu.memory_space<vmem>> -> memref<128x128xf32, #tpu.memory_space<vmem>>
      %dma_start3A_2922 = arith.constant 0 : i32
      %dma_start3A_2923 = tpu.memref_slice %arg4[%add3A_2918, %dma_start3A_2922] : memref<819200x128xf32, #tpu.memory_space<hbm>> -> memref<128x128xf32, #tpu.memory_space<hbm>>
      %dma_start3A_2924 = arith.constant 0 : i32
      %dma_start3A_2925 = tpu.memref_slice %arg4[%add3A_2918, %dma_start3A_2924] : memref<819200x128xf32, #tpu.memory_space<hbm>> -> memref<128x128xf32, #tpu.memory_space<hbm>>
      %dma_start3A_2926 = arith.constant 0 : i32
      %dma_start3A_2927 = arith.constant 0 : i32
      %dma_start3A_2928 = tpu.memref_slice %arg12[%dma_start3A_2926, %dma_start3A_2927] : memref<256x128xf32, #tpu.memory_space<vmem>> -> memref<128x128xf32, #tpu.memory_space<vmem>>
      tpu.enqueue_dma source(%dma_start3A_2928 : memref<128x128xf32, #tpu.memory_space<vmem>>) target(%dma_start3A_2925 : memref<128x128xf32, #tpu.memory_space<hbm>>) target_semaphore(%arg21 : memref<!tpu.dma_semaphore, #tpu.memory_space<semaphore_mem>>)
      %jit3A_2929 = arith.constant 2 : i32
      %div3A_2930 = arith.divsi %add3A_2320, %jit3A_2929 : i32
      %sign3A_2931 = arith.constant 0 : i32
      %sign3A_2932 = arith.cmpi sgt, %add3A_2320, %sign3A_2931 : i32
      %sign3A_2933 = arith.extui %sign3A_2932 : i1 to i32
      %sign3A_2934 = arith.constant 0 : i32
      %sign3A_2935 = arith.cmpi slt, %add3A_2320, %sign3A_2934 : i32
      %sign3A_2936 = arith.extui %sign3A_2935 : i1 to i32
      %sign3A_2937 = arith.subi %sign3A_2933, %sign3A_2936 : i32
      %sign3A_2938 = arith.constant 0 : i32
      %sign3A_2939 = arith.cmpi sgt, %jit3A_2929, %sign3A_2938 : i32
      %sign3A_2940 = arith.extui %sign3A_2939 : i1 to i32
      %sign3A_2941 = arith.constant 0 : i32
      %sign3A_2942 = arith.cmpi slt, %jit3A_2929, %sign3A_2941 : i32
      %sign3A_2943 = arith.extui %sign3A_2942 : i1 to i32
      %sign3A_2944 = arith.subi %sign3A_2940, %sign3A_2943 : i32
      %ne3A_2945 = arith.cmpi ne, %sign3A_2937, %sign3A_2944 : i32
      %rem3A_2946 = arith.remsi %add3A_2320, %jit3A_2929 : i32
      %ne3A_2947 = arith.constant 0 : i32
      %ne3A_2948 = arith.cmpi ne, %rem3A_2946, %ne3A_2947 : i32
      %and3A_2949 = arith.andi %ne3A_2945, %ne3A_2948 : i1
      %sub3A_2950 = arith.constant 1 : i32
      %sub3A_2951 = arith.subi %div3A_2930, %sub3A_2950 : i32
      %select_n3A_2952 = arith.select %and3A_2949, %sub3A_2951, %div3A_2930 : i32
      %mul3A_2953 = arith.constant 16384 : i32
      %mul3A_2954 = arith.muli %select_n3A_2952, %mul3A_2953 : i32
      %add3A_2955 = arith.addi %mul3A_2954, %mul3A_2 : i32
      %jit3A_2956 = arith.constant 2 : i32
      %eq3A_2957 = arith.constant 0 : i32
      %eq3A_2958 = arith.cmpi eq, %jit3A_2956, %eq3A_2957 : i32
      %jit3A_2959 = arith.constant 1 : i32
      %select_n3A_2960 = arith.select %eq3A_2958, %jit3A_2959, %jit3A_2956 : i32
      %rem3A_2961 = arith.remsi %add3A_2320, %select_n3A_2960 : i32
      %ne3A_2962 = arith.constant 0 : i32
      %ne3A_2963 = arith.cmpi ne, %rem3A_2961, %ne3A_2962 : i32
      %lt3A_2964 = arith.constant 0 : i32
      %lt3A_2965 = arith.cmpi slt, %rem3A_2961, %lt3A_2964 : i32
      %lt3A_2966 = arith.constant 0 : i32
      %lt3A_2967 = arith.cmpi slt, %select_n3A_2960, %lt3A_2966 : i32
      %ne3A_2968 = arith.xori %lt3A_2965, %lt3A_2967 : i1
      %and3A_2969 = arith.andi %ne3A_2968, %ne3A_2963 : i1
      %add3A_2970 = arith.addi %rem3A_2961, %select_n3A_2960 : i32
      %select_n3A_2971 = arith.select %and3A_2969, %add3A_2970, %rem3A_2961 : i32
      %mul3A_2972 = arith.constant 256 : i32
      %mul3A_2973 = arith.muli %select_n3A_2971, %mul3A_2972 : i32
      %add3A_2974 = arith.addi %add3A_2955, %mul3A_2973 : i32
      %add3A_2975 = arith.constant 128 : i32
      %add3A_2976 = arith.addi %add3A_2974, %add3A_2975 : i32
      %dma_start3A_2977 = arith.constant 128 : i32
      %dma_start3A_2978 = arith.constant 0 : i32
      %dma_start3A_2979 = tpu.memref_slice %arg12[%dma_start3A_2977, %dma_start3A_2978] : memref<256x128xf32, #tpu.memory_space<vmem>> -> memref<128x128xf32, #tpu.memory_space<vmem>>
      %dma_start3A_2980 = arith.constant 0 : i32
      %dma_start3A_2981 = tpu.memref_slice %arg4[%add3A_2976, %dma_start3A_2980] : memref<819200x128xf32, #tpu.memory_space<hbm>> -> memref<128x128xf32, #tpu.memory_space<hbm>>
      %dma_start3A_2982 = arith.constant 0 : i32
      %dma_start3A_2983 = tpu.memref_slice %arg4[%add3A_2976, %dma_start3A_2982] : memref<819200x128xf32, #tpu.memory_space<hbm>> -> memref<128x128xf32, #tpu.memory_space<hbm>>
      %dma_start3A_2984 = arith.constant 128 : i32
      %dma_start3A_2985 = arith.constant 0 : i32
      %dma_start3A_2986 = tpu.memref_slice %arg12[%dma_start3A_2984, %dma_start3A_2985] : memref<256x128xf32, #tpu.memory_space<vmem>> -> memref<128x128xf32, #tpu.memory_space<vmem>>
      tpu.enqueue_dma source(%dma_start3A_2986 : memref<128x128xf32, #tpu.memory_space<vmem>>) target(%dma_start3A_2983 : memref<128x128xf32, #tpu.memory_space<hbm>>) target_semaphore(%arg21 : memref<!tpu.dma_semaphore, #tpu.memory_space<semaphore_mem>>)
      %add3A_2987 = arith.constant 2 : i32
      %add3A_2988 = arith.addi %add3A_1658, %add3A_2987 : i32
      %sub3A_2989 = arith.constant 2 : i32
      %sub3A_2990 = arith.subi %add3A_2988, %sub3A_2989 : i32
      %jit3A_2991 = arith.constant 2 : i32
      %div3A_2992 = arith.divsi %sub3A_2990, %jit3A_2991 : i32
      %sign3A_2993 = arith.constant 0 : i32
      %sign3A_2994 = arith.cmpi sgt, %sub3A_2990, %sign3A_2993 : i32
      %sign3A_2995 = arith.extui %sign3A_2994 : i1 to i32
      %sign3A_2996 = arith.constant 0 : i32
      %sign3A_2997 = arith.cmpi slt, %sub3A_2990, %sign3A_2996 : i32
      %sign3A_2998 = arith.extui %sign3A_2997 : i1 to i32
      %sign3A_2999 = arith.subi %sign3A_2995, %sign3A_2998 : i32
      %sign3A_3000 = arith.constant 0 : i32
      %sign3A_3001 = arith.cmpi sgt, %jit3A_2991, %sign3A_3000 : i32
      %sign3A_3002 = arith.extui %sign3A_3001 : i1 to i32
      %sign3A_3003 = arith.constant 0 : i32
      %sign3A_3004 = arith.cmpi slt, %jit3A_2991, %sign3A_3003 : i32
      %sign3A_3005 = arith.extui %sign3A_3004 : i1 to i32
      %sign3A_3006 = arith.subi %sign3A_3002, %sign3A_3005 : i32
      %ne3A_3007 = arith.cmpi ne, %sign3A_2999, %sign3A_3006 : i32
      %rem3A_3008 = arith.remsi %sub3A_2990, %jit3A_2991 : i32
      %ne3A_3009 = arith.constant 0 : i32
      %ne3A_3010 = arith.cmpi ne, %rem3A_3008, %ne3A_3009 : i32
      %and3A_3011 = arith.andi %ne3A_3007, %ne3A_3010 : i1
      %sub3A_3012 = arith.constant 1 : i32
      %sub3A_3013 = arith.subi %div3A_2992, %sub3A_3012 : i32
      %select_n3A_3014 = arith.select %and3A_3011, %sub3A_3013, %div3A_2992 : i32
      %mul3A_3015 = arith.constant 16384 : i32
      %mul3A_3016 = arith.muli %select_n3A_3014, %mul3A_3015 : i32
      %add3A_3017 = arith.addi %mul3A_3016, %mul3A_2 : i32
      %jit3A_3018 = arith.constant 2 : i32
      %eq3A_3019 = arith.constant 0 : i32
      %eq3A_3020 = arith.cmpi eq, %jit3A_3018, %eq3A_3019 : i32
      %jit3A_3021 = arith.constant 1 : i32
      %select_n3A_3022 = arith.select %eq3A_3020, %jit3A_3021, %jit3A_3018 : i32
      %rem3A_3023 = arith.remsi %sub3A_2990, %select_n3A_3022 : i32
      %ne3A_3024 = arith.constant 0 : i32
      %ne3A_3025 = arith.cmpi ne, %rem3A_3023, %ne3A_3024 : i32
      %lt3A_3026 = arith.constant 0 : i32
      %lt3A_3027 = arith.cmpi slt, %rem3A_3023, %lt3A_3026 : i32
      %lt3A_3028 = arith.constant 0 : i32
      %lt3A_3029 = arith.cmpi slt, %select_n3A_3022, %lt3A_3028 : i32
      %ne3A_3030 = arith.xori %lt3A_3027, %lt3A_3029 : i1
      %and3A_3031 = arith.andi %ne3A_3030, %ne3A_3025 : i1
      %add3A_3032 = arith.addi %rem3A_3023, %select_n3A_3022 : i32
      %select_n3A_3033 = arith.select %and3A_3031, %add3A_3032, %rem3A_3023 : i32
      %mul3A_3034 = arith.constant 256 : i32
      %mul3A_3035 = arith.muli %select_n3A_3033, %mul3A_3034 : i32
      %add3A_3036 = arith.addi %add3A_3017, %mul3A_3035 : i32
      %add3A_3037 = arith.constant 0 : i32
      %add3A_3038 = arith.addi %add3A_3036, %add3A_3037 : i32
      %dma_wait3A_3039 = arith.constant 0 : i32
      %dma_wait3A_3040 = arith.constant 0 : i32
      %dma_wait3A_3041 = tpu.memref_slice %arg14[%dma_wait3A_3039, %dma_wait3A_3040] : memref<256x128xf32, #tpu.memory_space<vmem>> -> memref<128x128xf32, #tpu.memory_space<vmem>>
      %dma_wait3A_3042 = arith.constant 0 : i32
      %dma_wait3A_3043 = tpu.memref_slice %arg4[%add3A_3038, %dma_wait3A_3042] : memref<819200x128xf32, #tpu.memory_space<hbm>> -> memref<128x128xf32, #tpu.memory_space<hbm>>
      %dma_wait3A_3044 = arith.constant 0 : i32
      %dma_wait3A_3045 = tpu.memref_slice %arg4[%add3A_3038, %dma_wait3A_3044] : memref<819200x128xf32, #tpu.memory_space<hbm>> -> memref<128x128xf32, #tpu.memory_space<hbm>>
      %dma_wait3A_3046 = arith.constant 0 : i32
      %dma_wait3A_3047 = arith.constant 0 : i32
      %dma_wait3A_3048 = tpu.memref_slice %arg14[%dma_wait3A_3046, %dma_wait3A_3047] : memref<256x128xf32, #tpu.memory_space<vmem>> -> memref<128x128xf32, #tpu.memory_space<vmem>>
      tpu.wait_dma2 semaphore(%arg23 : memref<!tpu.dma_semaphore, #tpu.memory_space<semaphore_mem>>) src(%dma_wait3A_3048 : memref<128x128xf32, #tpu.memory_space<vmem>>) dst(%dma_wait3A_3045 : memref<128x128xf32, #tpu.memory_space<hbm>>)
      %jit3A_3049 = arith.constant 2 : i32
      %div3A_3050 = arith.divsi %sub3A_2990, %jit3A_3049 : i32
      %sign3A_3051 = arith.constant 0 : i32
      %sign3A_3052 = arith.cmpi sgt, %sub3A_2990, %sign3A_3051 : i32
      %sign3A_3053 = arith.extui %sign3A_3052 : i1 to i32
      %sign3A_3054 = arith.constant 0 : i32
      %sign3A_3055 = arith.cmpi slt, %sub3A_2990, %sign3A_3054 : i32
      %sign3A_3056 = arith.extui %sign3A_3055 : i1 to i32
      %sign3A_3057 = arith.subi %sign3A_3053, %sign3A_3056 : i32
      %sign3A_3058 = arith.constant 0 : i32
      %sign3A_3059 = arith.cmpi sgt, %jit3A_3049, %sign3A_3058 : i32
      %sign3A_3060 = arith.extui %sign3A_3059 : i1 to i32
      %sign3A_3061 = arith.constant 0 : i32
      %sign3A_3062 = arith.cmpi slt, %jit3A_3049, %sign3A_3061 : i32
      %sign3A_3063 = arith.extui %sign3A_3062 : i1 to i32
      %sign3A_3064 = arith.subi %sign3A_3060, %sign3A_3063 : i32
      %ne3A_3065 = arith.cmpi ne, %sign3A_3057, %sign3A_3064 : i32
      %rem3A_3066 = arith.remsi %sub3A_2990, %jit3A_3049 : i32
      %ne3A_3067 = arith.constant 0 : i32
      %ne3A_3068 = arith.cmpi ne, %rem3A_3066, %ne3A_3067 : i32
      %and3A_3069 = arith.andi %ne3A_3065, %ne3A_3068 : i1
      %sub3A_3070 = arith.constant 1 : i32
      %sub3A_3071 = arith.subi %div3A_3050, %sub3A_3070 : i32
      %select_n3A_3072 = arith.select %and3A_3069, %sub3A_3071, %div3A_3050 : i32
      %mul3A_3073 = arith.constant 16384 : i32
      %mul3A_3074 = arith.muli %select_n3A_3072, %mul3A_3073 : i32
      %add3A_3075 = arith.addi %mul3A_3074, %mul3A_2 : i32
      %jit3A_3076 = arith.constant 2 : i32
      %eq3A_3077 = arith.constant 0 : i32
      %eq3A_3078 = arith.cmpi eq, %jit3A_3076, %eq3A_3077 : i32
      %jit3A_3079 = arith.constant 1 : i32
      %select_n3A_3080 = arith.select %eq3A_3078, %jit3A_3079, %jit3A_3076 : i32
      %rem3A_3081 = arith.remsi %sub3A_2990, %select_n3A_3080 : i32
      %ne3A_3082 = arith.constant 0 : i32
      %ne3A_3083 = arith.cmpi ne, %rem3A_3081, %ne3A_3082 : i32
      %lt3A_3084 = arith.constant 0 : i32
      %lt3A_3085 = arith.cmpi slt, %rem3A_3081, %lt3A_3084 : i32
      %lt3A_3086 = arith.constant 0 : i32
      %lt3A_3087 = arith.cmpi slt, %select_n3A_3080, %lt3A_3086 : i32
      %ne3A_3088 = arith.xori %lt3A_3085, %lt3A_3087 : i1
      %and3A_3089 = arith.andi %ne3A_3088, %ne3A_3083 : i1
      %add3A_3090 = arith.addi %rem3A_3081, %select_n3A_3080 : i32
      %select_n3A_3091 = arith.select %and3A_3089, %add3A_3090, %rem3A_3081 : i32
      %mul3A_3092 = arith.constant 256 : i32
      %mul3A_3093 = arith.muli %select_n3A_3091, %mul3A_3092 : i32
      %add3A_3094 = arith.addi %add3A_3075, %mul3A_3093 : i32
      %add3A_3095 = arith.constant 128 : i32
      %add3A_3096 = arith.addi %add3A_3094, %add3A_3095 : i32
      %dma_wait3A_3097 = arith.constant 128 : i32
      %dma_wait3A_3098 = arith.constant 0 : i32
      %dma_wait3A_3099 = tpu.memref_slice %arg14[%dma_wait3A_3097, %dma_wait3A_3098] : memref<256x128xf32, #tpu.memory_space<vmem>> -> memref<128x128xf32, #tpu.memory_space<vmem>>
      %dma_wait3A_3100 = arith.constant 0 : i32
      %dma_wait3A_3101 = tpu.memref_slice %arg4[%add3A_3096, %dma_wait3A_3100] : memref<819200x128xf32, #tpu.memory_space<hbm>> -> memref<128x128xf32, #tpu.memory_space<hbm>>
      %dma_wait3A_3102 = arith.constant 0 : i32
      %dma_wait3A_3103 = tpu.memref_slice %arg4[%add3A_3096, %dma_wait3A_3102] : memref<819200x128xf32, #tpu.memory_space<hbm>> -> memref<128x128xf32, #tpu.memory_space<hbm>>
      %dma_wait3A_3104 = arith.constant 128 : i32
      %dma_wait3A_3105 = arith.constant 0 : i32
      %dma_wait3A_3106 = tpu.memref_slice %arg14[%dma_wait3A_3104, %dma_wait3A_3105] : memref<256x128xf32, #tpu.memory_space<vmem>> -> memref<128x128xf32, #tpu.memory_space<vmem>>
      tpu.wait_dma2 semaphore(%arg23 : memref<!tpu.dma_semaphore, #tpu.memory_space<semaphore_mem>>) src(%dma_wait3A_3106 : memref<128x128xf32, #tpu.memory_space<vmem>>) dst(%dma_wait3A_3103 : memref<128x128xf32, #tpu.memory_space<hbm>>)
      %add3A_3107 = arith.constant 2 : i32
      %add3A_3108 = arith.addi %add3A_2988, %add3A_3107 : i32
      %jit3A_3109 = arith.constant 2 : i32
      %div3A_3110 = arith.divsi %add3A_3108, %jit3A_3109 : i32
      %sign3A_3111 = arith.constant 0 : i32
      %sign3A_3112 = arith.cmpi sgt, %add3A_3108, %sign3A_3111 : i32
      %sign3A_3113 = arith.extui %sign3A_3112 : i1 to i32
      %sign3A_3114 = arith.constant 0 : i32
      %sign3A_3115 = arith.cmpi slt, %add3A_3108, %sign3A_3114 : i32
      %sign3A_3116 = arith.extui %sign3A_3115 : i1 to i32
      %sign3A_3117 = arith.subi %sign3A_3113, %sign3A_3116 : i32
      %sign3A_3118 = arith.constant 0 : i32
      %sign3A_3119 = arith.cmpi sgt, %jit3A_3109, %sign3A_3118 : i32
      %sign3A_3120 = arith.extui %sign3A_3119 : i1 to i32
      %sign3A_3121 = arith.constant 0 : i32
      %sign3A_3122 = arith.cmpi slt, %jit3A_3109, %sign3A_3121 : i32
      %sign3A_3123 = arith.extui %sign3A_3122 : i1 to i32
      %sign3A_3124 = arith.subi %sign3A_3120, %sign3A_3123 : i32
      %ne3A_3125 = arith.cmpi ne, %sign3A_3117, %sign3A_3124 : i32
      %rem3A_3126 = arith.remsi %add3A_3108, %jit3A_3109 : i32
      %ne3A_3127 = arith.constant 0 : i32
      %ne3A_3128 = arith.cmpi ne, %rem3A_3126, %ne3A_3127 : i32
      %and3A_3129 = arith.andi %ne3A_3125, %ne3A_3128 : i1
      %sub3A_3130 = arith.constant 1 : i32
      %sub3A_3131 = arith.subi %div3A_3110, %sub3A_3130 : i32
      %select_n3A_3132 = arith.select %and3A_3129, %sub3A_3131, %div3A_3110 : i32
      %jit3A_3133 = arith.constant 2 : i32
      %eq3A_3134 = arith.constant 0 : i32
      %eq3A_3135 = arith.cmpi eq, %jit3A_3133, %eq3A_3134 : i32
      %jit3A_3136 = arith.constant 1 : i32
      %select_n3A_3137 = arith.select %eq3A_3135, %jit3A_3136, %jit3A_3133 : i32
      %rem3A_3138 = arith.remsi %add3A_3108, %select_n3A_3137 : i32
      %ne3A_3139 = arith.constant 0 : i32
      %ne3A_3140 = arith.cmpi ne, %rem3A_3138, %ne3A_3139 : i32
      %lt3A_3141 = arith.constant 0 : i32
      %lt3A_3142 = arith.cmpi slt, %rem3A_3138, %lt3A_3141 : i32
      %lt3A_3143 = arith.constant 0 : i32
      %lt3A_3144 = arith.cmpi slt, %select_n3A_3137, %lt3A_3143 : i32
      %ne3A_3145 = arith.xori %lt3A_3142, %lt3A_3144 : i1
      %and3A_3146 = arith.andi %ne3A_3145, %ne3A_3140 : i1
      %add3A_3147 = arith.addi %rem3A_3138, %select_n3A_3137 : i32
      %select_n3A_3148 = arith.select %and3A_3146, %add3A_3147, %rem3A_3138 : i32
      %mul3A_3149 = arith.constant 256 : i32
      %mul3A_3150 = arith.muli %select_n3A_3148, %mul3A_3149 : i32
      %add3A_3151 = arith.addi %mul3A_2, %mul3A_3150 : i32
      %dma_start3A_3152 = tpu.memref_slice %arg2[%select_n3A_3132, %add3A_3151] : memref<50x16384xf32, #tpu.memory_space<hbm>> -> memref<1x256xf32, #tpu.memory_space<hbm>>
      %dma_start3A_3153 = tpu.memref_slice %arg2[%select_n3A_3132, %add3A_3151] : memref<50x16384xf32, #tpu.memory_space<hbm>> -> memref<1x256xf32, #tpu.memory_space<hbm>>
      tpu.enqueue_dma source(%dma_start3A_3153 : memref<1x256xf32, #tpu.memory_space<hbm>>) target(%arg6 : memref<1x256xf32, #tpu.memory_space<vmem>>) target_semaphore(%arg15 : memref<!tpu.dma_semaphore, #tpu.memory_space<semaphore_mem>>)
      %add3A_3154 = arith.constant 1 : i32
      %add3A_3155 = arith.addi %add3A_2988, %add3A_3154 : i32
      %jit3A_3156 = arith.constant 2 : i32
      %div3A_3157 = arith.divsi %add3A_3155, %jit3A_3156 : i32
      %sign3A_3158 = arith.constant 0 : i32
      %sign3A_3159 = arith.cmpi sgt, %add3A_3155, %sign3A_3158 : i32
      %sign3A_3160 = arith.extui %sign3A_3159 : i1 to i32
      %sign3A_3161 = arith.constant 0 : i32
      %sign3A_3162 = arith.cmpi slt, %add3A_3155, %sign3A_3161 : i32
      %sign3A_3163 = arith.extui %sign3A_3162 : i1 to i32
      %sign3A_3164 = arith.subi %sign3A_3160, %sign3A_3163 : i32
      %sign3A_3165 = arith.constant 0 : i32
      %sign3A_3166 = arith.cmpi sgt, %jit3A_3156, %sign3A_3165 : i32
      %sign3A_3167 = arith.extui %sign3A_3166 : i1 to i32
      %sign3A_3168 = arith.constant 0 : i32
      %sign3A_3169 = arith.cmpi slt, %jit3A_3156, %sign3A_3168 : i32
      %sign3A_3170 = arith.extui %sign3A_3169 : i1 to i32
      %sign3A_3171 = arith.subi %sign3A_3167, %sign3A_3170 : i32
      %ne3A_3172 = arith.cmpi ne, %sign3A_3164, %sign3A_3171 : i32
      %rem3A_3173 = arith.remsi %add3A_3155, %jit3A_3156 : i32
      %ne3A_3174 = arith.constant 0 : i32
      %ne3A_3175 = arith.cmpi ne, %rem3A_3173, %ne3A_3174 : i32
      %and3A_3176 = arith.andi %ne3A_3172, %ne3A_3175 : i1
      %sub3A_3177 = arith.constant 1 : i32
      %sub3A_3178 = arith.subi %div3A_3157, %sub3A_3177 : i32
      %select_n3A_3179 = arith.select %and3A_3176, %sub3A_3178, %div3A_3157 : i32
      %jit3A_3180 = arith.constant 2 : i32
      %eq3A_3181 = arith.constant 0 : i32
      %eq3A_3182 = arith.cmpi eq, %jit3A_3180, %eq3A_3181 : i32
      %jit3A_3183 = arith.constant 1 : i32
      %select_n3A_3184 = arith.select %eq3A_3182, %jit3A_3183, %jit3A_3180 : i32
      %rem3A_3185 = arith.remsi %add3A_3155, %select_n3A_3184 : i32
      %ne3A_3186 = arith.constant 0 : i32
      %ne3A_3187 = arith.cmpi ne, %rem3A_3185, %ne3A_3186 : i32
      %lt3A_3188 = arith.constant 0 : i32
      %lt3A_3189 = arith.cmpi slt, %rem3A_3185, %lt3A_3188 : i32
      %lt3A_3190 = arith.constant 0 : i32
      %lt3A_3191 = arith.cmpi slt, %select_n3A_3184, %lt3A_3190 : i32
      %ne3A_3192 = arith.xori %lt3A_3189, %lt3A_3191 : i1
      %and3A_3193 = arith.andi %ne3A_3192, %ne3A_3187 : i1
      %add3A_3194 = arith.addi %rem3A_3185, %select_n3A_3184 : i32
      %select_n3A_3195 = arith.select %and3A_3193, %add3A_3194, %rem3A_3185 : i32
      %mul3A_3196 = arith.constant 256 : i32
      %mul3A_3197 = arith.muli %select_n3A_3195, %mul3A_3196 : i32
      %add3A_3198 = arith.addi %mul3A_2, %mul3A_3197 : i32
      %dma_wait3A_3199 = tpu.memref_slice %arg2[%select_n3A_3179, %add3A_3198] : memref<50x16384xf32, #tpu.memory_space<hbm>> -> memref<1x256xf32, #tpu.memory_space<hbm>>
      %dma_wait3A_3200 = tpu.memref_slice %arg2[%select_n3A_3179, %add3A_3198] : memref<50x16384xf32, #tpu.memory_space<hbm>> -> memref<1x256xf32, #tpu.memory_space<hbm>>
      tpu.wait_dma2 semaphore(%arg17 : memref<!tpu.dma_semaphore, #tpu.memory_space<semaphore_mem>>) src(%dma_wait3A_3200 : memref<1x256xf32, #tpu.memory_space<hbm>>) dst(%arg8 : memref<1x256xf32, #tpu.memory_space<vmem>>)
      %get3A_3201 = arith.constant 0 : i32
      %get3A_3202 = arith.index_cast %get3A_3201 : i32 to index
      %get3A_3203 = arith.constant 0 : index
      %get3A_3204 = tpu.vector_load %arg8[%get3A_3202, %get3A_3203] {strides = array<i32>} : memref<1x256xf32, #tpu.memory_space<vmem>>, vector<1x16xf32>,
      %get3A_3205 = vector.shape_cast %get3A_3204 : vector<1x16xf32> to vector<16xf32>
      %mul3A_3206 = arith.constant 1.024000e+03 : f32
      %mul3A_3207 = vector.broadcast %mul3A_3206 : f32 to vector<16xf32>
      %mul3A_3208 = arith.mulf %get3A_3205, %mul3A_3207 : vector<16xf32>
      %convert_element_type3A_3209 = arith.fptosi %mul3A_3208 : vector<16xf32> to vector<16xi32>
      %jit3A_3210 = arith.constant 0 : i32
      %jit3A_3211 = arith.constant 1023 : i32
      %max3A_3212 = vector.broadcast %jit3A_3210 : i32 to vector<16xi32>
      %max3A_3213 = arith.maxsi %max3A_3212, %convert_element_type3A_3209 : vector<16xi32>
      %min3A_3214 = vector.broadcast %jit3A_3211 : i32 to vector<16xi32>
      %min3A_3215 = arith.minsi %min3A_3214, %max3A_3213 : vector<16xi32>
      %swap3A_3216 = arith.constant 0 : index
      %swap3A_3217 = tpu.vector_load %arg11[%swap3A_3216] {strides = array<i32>} : memref<256xi32, #tpu.memory_space<vmem>>, vector<16xi32>,
      %swap3A_3218 = vector.shape_cast %swap3A_3217 : vector<16xi32> to vector<16xi32>
      %swap3A_3219 = vector.shape_cast %min3A_3215 : vector<16xi32> to vector<16xi32>
      tpu.vector_store %arg11[%swap3A_3216], %swap3A_3219 {strides = array<i32>} : memref<256xi32, #tpu.memory_space<vmem>>, vector<16xi32>,
      %get3A_3220 = arith.constant 0 : i32
      %get3A_3221 = arith.index_cast %get3A_3220 : i32 to index
      %get3A_3222 = arith.constant 16 : index
      %get3A_3223 = tpu.vector_load %arg8[%get3A_3221, %get3A_3222] {strides = array<i32>} : memref<1x256xf32, #tpu.memory_space<vmem>>, vector<1x16xf32>,
      %get3A_3224 = vector.shape_cast %get3A_3223 : vector<1x16xf32> to vector<16xf32>
      %mul3A_3225 = arith.constant 1.024000e+03 : f32
      %mul3A_3226 = vector.broadcast %mul3A_3225 : f32 to vector<16xf32>
      %mul3A_3227 = arith.mulf %get3A_3224, %mul3A_3226 : vector<16xf32>
      %convert_element_type3A_3228 = arith.fptosi %mul3A_3227 : vector<16xf32> to vector<16xi32>
      %jit3A_3229 = arith.constant 0 : i32
      %jit3A_3230 = arith.constant 1023 : i32
      %max3A_3231 = vector.broadcast %jit3A_3229 : i32 to vector<16xi32>
      %max3A_3232 = arith.maxsi %max3A_3231, %convert_element_type3A_3228 : vector<16xi32>
      %min3A_3233 = vector.broadcast %jit3A_3230 : i32 to vector<16xi32>
      %min3A_3234 = arith.minsi %min3A_3233, %max3A_3232 : vector<16xi32>
      %swap3A_3235 = arith.constant 16 : index
      %swap3A_3236 = tpu.vector_load %arg11[%swap3A_3235] {strides = array<i32>} : memref<256xi32, #tpu.memory_space<vmem>>, vector<16xi32>,
      %swap3A_3237 = vector.shape_cast %swap3A_3236 : vector<16xi32> to vector<16xi32>
      %swap3A_3238 = vector.shape_cast %min3A_3234 : vector<16xi32> to vector<16xi32>
      tpu.vector_store %arg11[%swap3A_3235], %swap3A_3238 {strides = array<i32>} : memref<256xi32, #tpu.memory_space<vmem>>, vector<16xi32>,
      %get3A_3239 = arith.constant 0 : i32
      %get3A_3240 = arith.index_cast %get3A_3239 : i32 to index
      %get3A_3241 = arith.constant 32 : index
      %get3A_3242 = tpu.vector_load %arg8[%get3A_3240, %get3A_3241] {strides = array<i32>} : memref<1x256xf32, #tpu.memory_space<vmem>>, vector<1x16xf32>,
      %get3A_3243 = vector.shape_cast %get3A_3242 : vector<1x16xf32> to vector<16xf32>
      %mul3A_3244 = arith.constant 1.024000e+03 : f32
      %mul3A_3245 = vector.broadcast %mul3A_3244 : f32 to vector<16xf32>
      %mul3A_3246 = arith.mulf %get3A_3243, %mul3A_3245 : vector<16xf32>
      %convert_element_type3A_3247 = arith.fptosi %mul3A_3246 : vector<16xf32> to vector<16xi32>
      %jit3A_3248 = arith.constant 0 : i32
      %jit3A_3249 = arith.constant 1023 : i32
      %max3A_3250 = vector.broadcast %jit3A_3248 : i32 to vector<16xi32>
      %max3A_3251 = arith.maxsi %max3A_3250, %convert_element_type3A_3247 : vector<16xi32>
      %min3A_3252 = vector.broadcast %jit3A_3249 : i32 to vector<16xi32>
      %min3A_3253 = arith.minsi %min3A_3252, %max3A_3251 : vector<16xi32>
      %swap3A_3254 = arith.constant 32 : index
      %swap3A_3255 = tpu.vector_load %arg11[%swap3A_3254] {strides = array<i32>} : memref<256xi32, #tpu.memory_space<vmem>>, vector<16xi32>,
      %swap3A_3256 = vector.shape_cast %swap3A_3255 : vector<16xi32> to vector<16xi32>
      %swap3A_3257 = vector.shape_cast %min3A_3253 : vector<16xi32> to vector<16xi32>
      tpu.vector_store %arg11[%swap3A_3254], %swap3A_3257 {strides = array<i32>} : memref<256xi32, #tpu.memory_space<vmem>>, vector<16xi32>,
      %get3A_3258 = arith.constant 0 : i32
      %get3A_3259 = arith.index_cast %get3A_3258 : i32 to index
      %get3A_3260 = arith.constant 48 : index
      %get3A_3261 = tpu.vector_load %arg8[%get3A_3259, %get3A_3260] {strides = array<i32>} : memref<1x256xf32, #tpu.memory_space<vmem>>, vector<1x16xf32>,
      %get3A_3262 = vector.shape_cast %get3A_3261 : vector<1x16xf32> to vector<16xf32>
      %mul3A_3263 = arith.constant 1.024000e+03 : f32
      %mul3A_3264 = vector.broadcast %mul3A_3263 : f32 to vector<16xf32>
      %mul3A_3265 = arith.mulf %get3A_3262, %mul3A_3264 : vector<16xf32>
      %convert_element_type3A_3266 = arith.fptosi %mul3A_3265 : vector<16xf32> to vector<16xi32>
      %jit3A_3267 = arith.constant 0 : i32
      %jit3A_3268 = arith.constant 1023 : i32
      %max3A_3269 = vector.broadcast %jit3A_3267 : i32 to vector<16xi32>
      %max3A_3270 = arith.maxsi %max3A_3269, %convert_element_type3A_3266 : vector<16xi32>
      %min3A_3271 = vector.broadcast %jit3A_3268 : i32 to vector<16xi32>
      %min3A_3272 = arith.minsi %min3A_3271, %max3A_3270 : vector<16xi32>
      %swap3A_3273 = arith.constant 48 : index
      %swap3A_3274 = tpu.vector_load %arg11[%swap3A_3273] {strides = array<i32>} : memref<256xi32, #tpu.memory_space<vmem>>, vector<16xi32>,
      %swap3A_3275 = vector.shape_cast %swap3A_3274 : vector<16xi32> to vector<16xi32>
      %swap3A_3276 = vector.shape_cast %min3A_3272 : vector<16xi32> to vector<16xi32>
      tpu.vector_store %arg11[%swap3A_3273], %swap3A_3276 {strides = array<i32>} : memref<256xi32, #tpu.memory_space<vmem>>, vector<16xi32>,
      %get3A_3277 = arith.constant 0 : i32
      %get3A_3278 = arith.index_cast %get3A_3277 : i32 to index
      %get3A_3279 = arith.constant 64 : index
      %get3A_3280 = tpu.vector_load %arg8[%get3A_3278, %get3A_3279] {strides = array<i32>} : memref<1x256xf32, #tpu.memory_space<vmem>>, vector<1x16xf32>,
      %get3A_3281 = vector.shape_cast %get3A_3280 : vector<1x16xf32> to vector<16xf32>
      %mul3A_3282 = arith.constant 1.024000e+03 : f32
      %mul3A_3283 = vector.broadcast %mul3A_3282 : f32 to vector<16xf32>
      %mul3A_3284 = arith.mulf %get3A_3281, %mul3A_3283 : vector<16xf32>
      %convert_element_type3A_3285 = arith.fptosi %mul3A_3284 : vector<16xf32> to vector<16xi32>
      %jit3A_3286 = arith.constant 0 : i32
      %jit3A_3287 = arith.constant 1023 : i32
      %max3A_3288 = vector.broadcast %jit3A_3286 : i32 to vector<16xi32>
      %max3A_3289 = arith.maxsi %max3A_3288, %convert_element_type3A_3285 : vector<16xi32>
      %min3A_3290 = vector.broadcast %jit3A_3287 : i32 to vector<16xi32>
      %min3A_3291 = arith.minsi %min3A_3290, %max3A_3289 : vector<16xi32>
      %swap3A_3292 = arith.constant 64 : index
      %swap3A_3293 = tpu.vector_load %arg11[%swap3A_3292] {strides = array<i32>} : memref<256xi32, #tpu.memory_space<vmem>>, vector<16xi32>,
      %swap3A_3294 = vector.shape_cast %swap3A_3293 : vector<16xi32> to vector<16xi32>
      %swap3A_3295 = vector.shape_cast %min3A_3291 : vector<16xi32> to vector<16xi32>
      tpu.vector_store %arg11[%swap3A_3292], %swap3A_3295 {strides = array<i32>} : memref<256xi32, #tpu.memory_space<vmem>>, vector<16xi32>,
      %get3A_3296 = arith.constant 0 : i32
      %get3A_3297 = arith.index_cast %get3A_3296 : i32 to index
      %get3A_3298 = arith.constant 80 : index
      %get3A_3299 = tpu.vector_load %arg8[%get3A_3297, %get3A_3298] {strides = array<i32>} : memref<1x256xf32, #tpu.memory_space<vmem>>, vector<1x16xf32>,
      %get3A_3300 = vector.shape_cast %get3A_3299 : vector<1x16xf32> to vector<16xf32>
      %mul3A_3301 = arith.constant 1.024000e+03 : f32
      %mul3A_3302 = vector.broadcast %mul3A_3301 : f32 to vector<16xf32>
      %mul3A_3303 = arith.mulf %get3A_3300, %mul3A_3302 : vector<16xf32>
      %convert_element_type3A_3304 = arith.fptosi %mul3A_3303 : vector<16xf32> to vector<16xi32>
      %jit3A_3305 = arith.constant 0 : i32
      %jit3A_3306 = arith.constant 1023 : i32
      %max3A_3307 = vector.broadcast %jit3A_3305 : i32 to vector<16xi32>
      %max3A_3308 = arith.maxsi %max3A_3307, %convert_element_type3A_3304 : vector<16xi32>
      %min3A_3309 = vector.broadcast %jit3A_3306 : i32 to vector<16xi32>
      %min3A_3310 = arith.minsi %min3A_3309, %max3A_3308 : vector<16xi32>
      %swap3A_3311 = arith.constant 80 : index
      %swap3A_3312 = tpu.vector_load %arg11[%swap3A_3311] {strides = array<i32>} : memref<256xi32, #tpu.memory_space<vmem>>, vector<16xi32>,
      %swap3A_3313 = vector.shape_cast %swap3A_3312 : vector<16xi32> to vector<16xi32>
      %swap3A_3314 = vector.shape_cast %min3A_3310 : vector<16xi32> to vector<16xi32>
      tpu.vector_store %arg11[%swap3A_3311], %swap3A_3314 {strides = array<i32>} : memref<256xi32, #tpu.memory_space<vmem>>, vector<16xi32>,
      %get3A_3315 = arith.constant 0 : i32
      %get3A_3316 = arith.index_cast %get3A_3315 : i32 to index
      %get3A_3317 = arith.constant 96 : index
      %get3A_3318 = tpu.vector_load %arg8[%get3A_3316, %get3A_3317] {strides = array<i32>} : memref<1x256xf32, #tpu.memory_space<vmem>>, vector<1x16xf32>,
      %get3A_3319 = vector.shape_cast %get3A_3318 : vector<1x16xf32> to vector<16xf32>
      %mul3A_3320 = arith.constant 1.024000e+03 : f32
      %mul3A_3321 = vector.broadcast %mul3A_3320 : f32 to vector<16xf32>
      %mul3A_3322 = arith.mulf %get3A_3319, %mul3A_3321 : vector<16xf32>
      %convert_element_type3A_3323 = arith.fptosi %mul3A_3322 : vector<16xf32> to vector<16xi32>
      %jit3A_3324 = arith.constant 0 : i32
      %jit3A_3325 = arith.constant 1023 : i32
      %max3A_3326 = vector.broadcast %jit3A_3324 : i32 to vector<16xi32>
      %max3A_3327 = arith.maxsi %max3A_3326, %convert_element_type3A_3323 : vector<16xi32>
      %min3A_3328 = vector.broadcast %jit3A_3325 : i32 to vector<16xi32>
      %min3A_3329 = arith.minsi %min3A_3328, %max3A_3327 : vector<16xi32>
      %swap3A_3330 = arith.constant 96 : index
      %swap3A_3331 = tpu.vector_load %arg11[%swap3A_3330] {strides = array<i32>} : memref<256xi32, #tpu.memory_space<vmem>>, vector<16xi32>,
      %swap3A_3332 = vector.shape_cast %swap3A_3331 : vector<16xi32> to vector<16xi32>
      %swap3A_3333 = vector.shape_cast %min3A_3329 : vector<16xi32> to vector<16xi32>
      tpu.vector_store %arg11[%swap3A_3330], %swap3A_3333 {strides = array<i32>} : memref<256xi32, #tpu.memory_space<vmem>>, vector<16xi32>,
      %get3A_3334 = arith.constant 0 : i32
      %get3A_3335 = arith.index_cast %get3A_3334 : i32 to index
      %get3A_3336 = arith.constant 112 : index
      %get3A_3337 = tpu.vector_load %arg8[%get3A_3335, %get3A_3336] {strides = array<i32>} : memref<1x256xf32, #tpu.memory_space<vmem>>, vector<1x16xf32>,
      %get3A_3338 = vector.shape_cast %get3A_3337 : vector<1x16xf32> to vector<16xf32>
      %mul3A_3339 = arith.constant 1.024000e+03 : f32
      %mul3A_3340 = vector.broadcast %mul3A_3339 : f32 to vector<16xf32>
      %mul3A_3341 = arith.mulf %get3A_3338, %mul3A_3340 : vector<16xf32>
      %convert_element_type3A_3342 = arith.fptosi %mul3A_3341 : vector<16xf32> to vector<16xi32>
      %jit3A_3343 = arith.constant 0 : i32
      %jit3A_3344 = arith.constant 1023 : i32
      %max3A_3345 = vector.broadcast %jit3A_3343 : i32 to vector<16xi32>
      %max3A_3346 = arith.maxsi %max3A_3345, %convert_element_type3A_3342 : vector<16xi32>
      %min3A_3347 = vector.broadcast %jit3A_3344 : i32 to vector<16xi32>
      %min3A_3348 = arith.minsi %min3A_3347, %max3A_3346 : vector<16xi32>
      %swap3A_3349 = arith.constant 112 : index
      %swap3A_3350 = tpu.vector_load %arg11[%swap3A_3349] {strides = array<i32>} : memref<256xi32, #tpu.memory_space<vmem>>, vector<16xi32>,
      %swap3A_3351 = vector.shape_cast %swap3A_3350 : vector<16xi32> to vector<16xi32>
      %swap3A_3352 = vector.shape_cast %min3A_3348 : vector<16xi32> to vector<16xi32>
      tpu.vector_store %arg11[%swap3A_3349], %swap3A_3352 {strides = array<i32>} : memref<256xi32, #tpu.memory_space<vmem>>, vector<16xi32>,
      %get3A_3353 = arith.constant 0 : i32
      %get3A_3354 = arith.index_cast %get3A_3353 : i32 to index
      %get3A_3355 = arith.constant 128 : index
      %get3A_3356 = tpu.vector_load %arg8[%get3A_3354, %get3A_3355] {strides = array<i32>} : memref<1x256xf32, #tpu.memory_space<vmem>>, vector<1x16xf32>,
      %get3A_3357 = vector.shape_cast %get3A_3356 : vector<1x16xf32> to vector<16xf32>
      %mul3A_3358 = arith.constant 1.024000e+03 : f32
      %mul3A_3359 = vector.broadcast %mul3A_3358 : f32 to vector<16xf32>
      %mul3A_3360 = arith.mulf %get3A_3357, %mul3A_3359 : vector<16xf32>
      %convert_element_type3A_3361 = arith.fptosi %mul3A_3360 : vector<16xf32> to vector<16xi32>
      %jit3A_3362 = arith.constant 0 : i32
      %jit3A_3363 = arith.constant 1023 : i32
      %max3A_3364 = vector.broadcast %jit3A_3362 : i32 to vector<16xi32>
      %max3A_3365 = arith.maxsi %max3A_3364, %convert_element_type3A_3361 : vector<16xi32>
      %min3A_3366 = vector.broadcast %jit3A_3363 : i32 to vector<16xi32>
      %min3A_3367 = arith.minsi %min3A_3366, %max3A_3365 : vector<16xi32>
      %swap3A_3368 = arith.constant 128 : index
      %swap3A_3369 = tpu.vector_load %arg11[%swap3A_3368] {strides = array<i32>} : memref<256xi32, #tpu.memory_space<vmem>>, vector<16xi32>,
      %swap3A_3370 = vector.shape_cast %swap3A_3369 : vector<16xi32> to vector<16xi32>
      %swap3A_3371 = vector.shape_cast %min3A_3367 : vector<16xi32> to vector<16xi32>
      tpu.vector_store %arg11[%swap3A_3368], %swap3A_3371 {strides = array<i32>} : memref<256xi32, #tpu.memory_space<vmem>>, vector<16xi32>,
      %get3A_3372 = arith.constant 0 : i32
      %get3A_3373 = arith.index_cast %get3A_3372 : i32 to index
      %get3A_3374 = arith.constant 144 : index
      %get3A_3375 = tpu.vector_load %arg8[%get3A_3373, %get3A_3374] {strides = array<i32>} : memref<1x256xf32, #tpu.memory_space<vmem>>, vector<1x16xf32>,
      %get3A_3376 = vector.shape_cast %get3A_3375 : vector<1x16xf32> to vector<16xf32>
      %mul3A_3377 = arith.constant 1.024000e+03 : f32
      %mul3A_3378 = vector.broadcast %mul3A_3377 : f32 to vector<16xf32>
      %mul3A_3379 = arith.mulf %get3A_3376, %mul3A_3378 : vector<16xf32>
      %convert_element_type3A_3380 = arith.fptosi %mul3A_3379 : vector<16xf32> to vector<16xi32>
      %jit3A_3381 = arith.constant 0 : i32
      %jit3A_3382 = arith.constant 1023 : i32
      %max3A_3383 = vector.broadcast %jit3A_3381 : i32 to vector<16xi32>
      %max3A_3384 = arith.maxsi %max3A_3383, %convert_element_type3A_3380 : vector<16xi32>
      %min3A_3385 = vector.broadcast %jit3A_3382 : i32 to vector<16xi32>
      %min3A_3386 = arith.minsi %min3A_3385, %max3A_3384 : vector<16xi32>
      %swap3A_3387 = arith.constant 144 : index
      %swap3A_3388 = tpu.vector_load %arg11[%swap3A_3387] {strides = array<i32>} : memref<256xi32, #tpu.memory_space<vmem>>, vector<16xi32>,
      %swap3A_3389 = vector.shape_cast %swap3A_3388 : vector<16xi32> to vector<16xi32>
      %swap3A_3390 = vector.shape_cast %min3A_3386 : vector<16xi32> to vector<16xi32>
      tpu.vector_store %arg11[%swap3A_3387], %swap3A_3390 {strides = array<i32>} : memref<256xi32, #tpu.memory_space<vmem>>, vector<16xi32>,
      %get3A_3391 = arith.constant 0 : i32
      %get3A_3392 = arith.index_cast %get3A_3391 : i32 to index
      %get3A_3393 = arith.constant 160 : index
      %get3A_3394 = tpu.vector_load %arg8[%get3A_3392, %get3A_3393] {strides = array<i32>} : memref<1x256xf32, #tpu.memory_space<vmem>>, vector<1x16xf32>,
      %get3A_3395 = vector.shape_cast %get3A_3394 : vector<1x16xf32> to vector<16xf32>
      %mul3A_3396 = arith.constant 1.024000e+03 : f32
      %mul3A_3397 = vector.broadcast %mul3A_3396 : f32 to vector<16xf32>
      %mul3A_3398 = arith.mulf %get3A_3395, %mul3A_3397 : vector<16xf32>
      %convert_element_type3A_3399 = arith.fptosi %mul3A_3398 : vector<16xf32> to vector<16xi32>
      %jit3A_3400 = arith.constant 0 : i32
      %jit3A_3401 = arith.constant 1023 : i32
      %max3A_3402 = vector.broadcast %jit3A_3400 : i32 to vector<16xi32>
      %max3A_3403 = arith.maxsi %max3A_3402, %convert_element_type3A_3399 : vector<16xi32>
      %min3A_3404 = vector.broadcast %jit3A_3401 : i32 to vector<16xi32>
      %min3A_3405 = arith.minsi %min3A_3404, %max3A_3403 : vector<16xi32>
      %swap3A_3406 = arith.constant 160 : index
      %swap3A_3407 = tpu.vector_load %arg11[%swap3A_3406] {strides = array<i32>} : memref<256xi32, #tpu.memory_space<vmem>>, vector<16xi32>,
      %swap3A_3408 = vector.shape_cast %swap3A_3407 : vector<16xi32> to vector<16xi32>
      %swap3A_3409 = vector.shape_cast %min3A_3405 : vector<16xi32> to vector<16xi32>
      tpu.vector_store %arg11[%swap3A_3406], %swap3A_3409 {strides = array<i32>} : memref<256xi32, #tpu.memory_space<vmem>>, vector<16xi32>,
      %get3A_3410 = arith.constant 0 : i32
      %get3A_3411 = arith.index_cast %get3A_3410 : i32 to index
      %get3A_3412 = arith.constant 176 : index
      %get3A_3413 = tpu.vector_load %arg8[%get3A_3411, %get3A_3412] {strides = array<i32>} : memref<1x256xf32, #tpu.memory_space<vmem>>, vector<1x16xf32>,
      %get3A_3414 = vector.shape_cast %get3A_3413 : vector<1x16xf32> to vector<16xf32>
      %mul3A_3415 = arith.constant 1.024000e+03 : f32
      %mul3A_3416 = vector.broadcast %mul3A_3415 : f32 to vector<16xf32>
      %mul3A_3417 = arith.mulf %get3A_3414, %mul3A_3416 : vector<16xf32>
      %convert_element_type3A_3418 = arith.fptosi %mul3A_3417 : vector<16xf32> to vector<16xi32>
      %jit3A_3419 = arith.constant 0 : i32
      %jit3A_3420 = arith.constant 1023 : i32
      %max3A_3421 = vector.broadcast %jit3A_3419 : i32 to vector<16xi32>
      %max3A_3422 = arith.maxsi %max3A_3421, %convert_element_type3A_3418 : vector<16xi32>
      %min3A_3423 = vector.broadcast %jit3A_3420 : i32 to vector<16xi32>
      %min3A_3424 = arith.minsi %min3A_3423, %max3A_3422 : vector<16xi32>
      %swap3A_3425 = arith.constant 176 : index
      %swap3A_3426 = tpu.vector_load %arg11[%swap3A_3425] {strides = array<i32>} : memref<256xi32, #tpu.memory_space<vmem>>, vector<16xi32>,
      %swap3A_3427 = vector.shape_cast %swap3A_3426 : vector<16xi32> to vector<16xi32>
      %swap3A_3428 = vector.shape_cast %min3A_3424 : vector<16xi32> to vector<16xi32>
      tpu.vector_store %arg11[%swap3A_3425], %swap3A_3428 {strides = array<i32>} : memref<256xi32, #tpu.memory_space<vmem>>, vector<16xi32>,
      %get3A_3429 = arith.constant 0 : i32
      %get3A_3430 = arith.index_cast %get3A_3429 : i32 to index
      %get3A_3431 = arith.constant 192 : index
      %get3A_3432 = tpu.vector_load %arg8[%get3A_3430, %get3A_3431] {strides = array<i32>} : memref<1x256xf32, #tpu.memory_space<vmem>>, vector<1x16xf32>,
      %get3A_3433 = vector.shape_cast %get3A_3432 : vector<1x16xf32> to vector<16xf32>
      %mul3A_3434 = arith.constant 1.024000e+03 : f32
      %mul3A_3435 = vector.broadcast %mul3A_3434 : f32 to vector<16xf32>
      %mul3A_3436 = arith.mulf %get3A_3433, %mul3A_3435 : vector<16xf32>
      %convert_element_type3A_3437 = arith.fptosi %mul3A_3436 : vector<16xf32> to vector<16xi32>
      %jit3A_3438 = arith.constant 0 : i32
      %jit3A_3439 = arith.constant 1023 : i32
      %max3A_3440 = vector.broadcast %jit3A_3438 : i32 to vector<16xi32>
      %max3A_3441 = arith.maxsi %max3A_3440, %convert_element_type3A_3437 : vector<16xi32>
      %min3A_3442 = vector.broadcast %jit3A_3439 : i32 to vector<16xi32>
      %min3A_3443 = arith.minsi %min3A_3442, %max3A_3441 : vector<16xi32>
      %swap3A_3444 = arith.constant 192 : index
      %swap3A_3445 = tpu.vector_load %arg11[%swap3A_3444] {strides = array<i32>} : memref<256xi32, #tpu.memory_space<vmem>>, vector<16xi32>,
      %swap3A_3446 = vector.shape_cast %swap3A_3445 : vector<16xi32> to vector<16xi32>
      %swap3A_3447 = vector.shape_cast %min3A_3443 : vector<16xi32> to vector<16xi32>
      tpu.vector_store %arg11[%swap3A_3444], %swap3A_3447 {strides = array<i32>} : memref<256xi32, #tpu.memory_space<vmem>>, vector<16xi32>,
      %get3A_3448 = arith.constant 0 : i32
      %get3A_3449 = arith.index_cast %get3A_3448 : i32 to index
      %get3A_3450 = arith.constant 208 : index
      %get3A_3451 = tpu.vector_load %arg8[%get3A_3449, %get3A_3450] {strides = array<i32>} : memref<1x256xf32, #tpu.memory_space<vmem>>, vector<1x16xf32>,
      %get3A_3452 = vector.shape_cast %get3A_3451 : vector<1x16xf32> to vector<16xf32>
      %mul3A_3453 = arith.constant 1.024000e+03 : f32
      %mul3A_3454 = vector.broadcast %mul3A_3453 : f32 to vector<16xf32>
      %mul3A_3455 = arith.mulf %get3A_3452, %mul3A_3454 : vector<16xf32>
      %convert_element_type3A_3456 = arith.fptosi %mul3A_3455 : vector<16xf32> to vector<16xi32>
      %jit3A_3457 = arith.constant 0 : i32
      %jit3A_3458 = arith.constant 1023 : i32
      %max3A_3459 = vector.broadcast %jit3A_3457 : i32 to vector<16xi32>
      %max3A_3460 = arith.maxsi %max3A_3459, %convert_element_type3A_3456 : vector<16xi32>
      %min3A_3461 = vector.broadcast %jit3A_3458 : i32 to vector<16xi32>
      %min3A_3462 = arith.minsi %min3A_3461, %max3A_3460 : vector<16xi32>
      %swap3A_3463 = arith.constant 208 : index
      %swap3A_3464 = tpu.vector_load %arg11[%swap3A_3463] {strides = array<i32>} : memref<256xi32, #tpu.memory_space<vmem>>, vector<16xi32>,
      %swap3A_3465 = vector.shape_cast %swap3A_3464 : vector<16xi32> to vector<16xi32>
      %swap3A_3466 = vector.shape_cast %min3A_3462 : vector<16xi32> to vector<16xi32>
      tpu.vector_store %arg11[%swap3A_3463], %swap3A_3466 {strides = array<i32>} : memref<256xi32, #tpu.memory_space<vmem>>, vector<16xi32>,
      %get3A_3467 = arith.constant 0 : i32
      %get3A_3468 = arith.index_cast %get3A_3467 : i32 to index
      %get3A_3469 = arith.constant 224 : index
      %get3A_3470 = tpu.vector_load %arg8[%get3A_3468, %get3A_3469] {strides = array<i32>} : memref<1x256xf32, #tpu.memory_space<vmem>>, vector<1x16xf32>,
      %get3A_3471 = vector.shape_cast %get3A_3470 : vector<1x16xf32> to vector<16xf32>
      %mul3A_3472 = arith.constant 1.024000e+03 : f32
      %mul3A_3473 = vector.broadcast %mul3A_3472 : f32 to vector<16xf32>
      %mul3A_3474 = arith.mulf %get3A_3471, %mul3A_3473 : vector<16xf32>
      %convert_element_type3A_3475 = arith.fptosi %mul3A_3474 : vector<16xf32> to vector<16xi32>
      %jit3A_3476 = arith.constant 0 : i32
      %jit3A_3477 = arith.constant 1023 : i32
      %max3A_3478 = vector.broadcast %jit3A_3476 : i32 to vector<16xi32>
      %max3A_3479 = arith.maxsi %max3A_3478, %convert_element_type3A_3475 : vector<16xi32>
      %min3A_3480 = vector.broadcast %jit3A_3477 : i32 to vector<16xi32>
      %min3A_3481 = arith.minsi %min3A_3480, %max3A_3479 : vector<16xi32>
      %swap3A_3482 = arith.constant 224 : index
      %swap3A_3483 = tpu.vector_load %arg11[%swap3A_3482] {strides = array<i32>} : memref<256xi32, #tpu.memory_space<vmem>>, vector<16xi32>,
      %swap3A_3484 = vector.shape_cast %swap3A_3483 : vector<16xi32> to vector<16xi32>
      %swap3A_3485 = vector.shape_cast %min3A_3481 : vector<16xi32> to vector<16xi32>
      tpu.vector_store %arg11[%swap3A_3482], %swap3A_3485 {strides = array<i32>} : memref<256xi32, #tpu.memory_space<vmem>>, vector<16xi32>,
      %get3A_3486 = arith.constant 0 : i32
      %get3A_3487 = arith.index_cast %get3A_3486 : i32 to index
      %get3A_3488 = arith.constant 240 : index
      %get3A_3489 = tpu.vector_load %arg8[%get3A_3487, %get3A_3488] {strides = array<i32>} : memref<1x256xf32, #tpu.memory_space<vmem>>, vector<1x16xf32>,
      %get3A_3490 = vector.shape_cast %get3A_3489 : vector<1x16xf32> to vector<16xf32>
      %mul3A_3491 = arith.constant 1.024000e+03 : f32
      %mul3A_3492 = vector.broadcast %mul3A_3491 : f32 to vector<16xf32>
      %mul3A_3493 = arith.mulf %get3A_3490, %mul3A_3492 : vector<16xf32>
      %convert_element_type3A_3494 = arith.fptosi %mul3A_3493 : vector<16xf32> to vector<16xi32>
      %jit3A_3495 = arith.constant 0 : i32
      %jit3A_3496 = arith.constant 1023 : i32
      %max3A_3497 = vector.broadcast %jit3A_3495 : i32 to vector<16xi32>
      %max3A_3498 = arith.maxsi %max3A_3497, %convert_element_type3A_3494 : vector<16xi32>
      %min3A_3499 = vector.broadcast %jit3A_3496 : i32 to vector<16xi32>
      %min3A_3500 = arith.minsi %min3A_3499, %max3A_3498 : vector<16xi32>
      %swap3A_3501 = arith.constant 240 : index
      %swap3A_3502 = tpu.vector_load %arg11[%swap3A_3501] {strides = array<i32>} : memref<256xi32, #tpu.memory_space<vmem>>, vector<16xi32>,
      %swap3A_3503 = vector.shape_cast %swap3A_3502 : vector<16xi32> to vector<16xi32>
      %swap3A_3504 = vector.shape_cast %min3A_3500 : vector<16xi32> to vector<16xi32>
      tpu.vector_store %arg11[%swap3A_3501], %swap3A_3504 {strides = array<i32>} : memref<256xi32, #tpu.memory_space<vmem>>, vector<16xi32>,
      %add3A_3505 = arith.constant 1 : i32
      %add3A_3506 = arith.addi %add3A_2988, %add3A_3505 : i32
      %dma_start3A_3507 = arith.constant 0 : i32
      %dma_start3A_3508 = arith.constant 0 : i32
      %dma_start3A_3509 = tpu.memref_slice %arg14[%dma_start3A_3507, %dma_start3A_3508] : memref<256x128xf32, #tpu.memory_space<vmem>> -> memref<128x128xf32, #tpu.memory_space<vmem>>
      %dma_start3A_3510 = arith.constant 0 : i32
      %dma_start3A_3511 = tpu.memref_slice %arg11[%dma_start3A_3510] : memref<256xi32, #tpu.memory_space<vmem>> -> memref<128xi32, #tpu.memory_space<vmem>>
      %dma_start3A_3512 = arith.constant 0 : i32
      %dma_start3A_3513 = arith.constant 0 : i32
      %dma_start3A_3514 = tpu.memref_slice %arg5[%dma_start3A_3512, %dma_start3A_3513] : memref<1025x128xf32, #tpu.memory_space<vmem_shared>> -> memref<1025x128xf32, #tpu.memory_space<vmem_shared>>
      tpu.enqueue_indirect_dma source(%dma_start3A_3514 : memref<1025x128xf32, #tpu.memory_space<vmem_shared>>) target(%dma_start3A_3509 : memref<128x128xf32, #tpu.memory_space<vmem>>) offsets(%dma_start3A_3511 : memref<128xi32, #tpu.memory_space<vmem>>) semaphore(%arg20 : memref<!tpu.dma_semaphore, #tpu.memory_space<semaphore_mem>>)
      %dma_start3A_3515 = arith.constant 128 : i32
      %dma_start3A_3516 = arith.constant 0 : i32
      %dma_start3A_3517 = tpu.memref_slice %arg14[%dma_start3A_3515, %dma_start3A_3516] : memref<256x128xf32, #tpu.memory_space<vmem>> -> memref<128x128xf32, #tpu.memory_space<vmem>>
      %dma_start3A_3518 = arith.constant 128 : i32
      %dma_start3A_3519 = tpu.memref_slice %arg11[%dma_start3A_3518] : memref<256xi32, #tpu.memory_space<vmem>> -> memref<128xi32, #tpu.memory_space<vmem>>
      %dma_start3A_3520 = arith.constant 0 : i32
      %dma_start3A_3521 = arith.constant 0 : i32
      %dma_start3A_3522 = tpu.memref_slice %arg5[%dma_start3A_3520, %dma_start3A_3521] : memref<1025x128xf32, #tpu.memory_space<vmem_shared>> -> memref<1025x128xf32, #tpu.memory_space<vmem_shared>>
      tpu.enqueue_indirect_dma source(%dma_start3A_3522 : memref<1025x128xf32, #tpu.memory_space<vmem_shared>>) target(%dma_start3A_3517 : memref<128x128xf32, #tpu.memory_space<vmem>>) offsets(%dma_start3A_3519 : memref<128xi32, #tpu.memory_space<vmem>>) semaphore(%arg20 : memref<!tpu.dma_semaphore, #tpu.memory_space<semaphore_mem>>)
      %dma_wait3A_3523 = arith.constant 0 : i32
      %dma_wait3A_3524 = arith.constant 0 : i32
      %dma_wait3A_3525 = tpu.memref_slice %arg13[%dma_wait3A_3523, %dma_wait3A_3524] : memref<256x128xf32, #tpu.memory_space<vmem>> -> memref<128x128xf32, #tpu.memory_space<vmem>>
      %dma_wait3A_3526 = arith.constant 0 : i32
      %dma_wait3A_3527 = tpu.memref_slice %arg10[%dma_wait3A_3526] : memref<256xi32, #tpu.memory_space<vmem>> -> memref<128xi32, #tpu.memory_space<vmem>>
      %dma_wait3A_3528 = arith.constant 0 : i32
      %dma_wait3A_3529 = arith.constant 0 : i32
      %dma_wait3A_3530 = tpu.memref_slice %arg5[%dma_wait3A_3528, %dma_wait3A_3529] : memref<1025x128xf32, #tpu.memory_space<vmem_shared>> -> memref<1025x128xf32, #tpu.memory_space<vmem_shared>>
      tpu.wait_indirect_dma semaphore(%arg19 : memref<!tpu.dma_semaphore, #tpu.memory_space<semaphore_mem>>) src(%dma_wait3A_3530 : memref<1025x128xf32, #tpu.memory_space<vmem_shared>>) dst(%dma_wait3A_3525 : memref<128x128xf32, #tpu.memory_space<vmem>>)
      %dma_wait3A_3531 = arith.constant 128 : i32
      %dma_wait3A_3532 = arith.constant 0 : i32
      %dma_wait3A_3533 = tpu.memref_slice %arg13[%dma_wait3A_3531, %dma_wait3A_3532] : memref<256x128xf32, #tpu.memory_space<vmem>> -> memref<128x128xf32, #tpu.memory_space<vmem>>
      %dma_wait3A_3534 = arith.constant 128 : i32
      %dma_wait3A_3535 = tpu.memref_slice %arg10[%dma_wait3A_3534] : memref<256xi32, #tpu.memory_space<vmem>> -> memref<128xi32, #tpu.memory_space<vmem>>
      %dma_wait3A_3536 = arith.constant 0 : i32
      %dma_wait3A_3537 = arith.constant 0 : i32
      %dma_wait3A_3538 = tpu.memref_slice %arg5[%dma_wait3A_3536, %dma_wait3A_3537] : memref<1025x128xf32, #tpu.memory_space<vmem_shared>> -> memref<1025x128xf32, #tpu.memory_space<vmem_shared>>
      tpu.wait_indirect_dma semaphore(%arg19 : memref<!tpu.dma_semaphore, #tpu.memory_space<semaphore_mem>>) src(%dma_wait3A_3538 : memref<1025x128xf32, #tpu.memory_space<vmem_shared>>) dst(%dma_wait3A_3533 : memref<128x128xf32, #tpu.memory_space<vmem>>)
      %jit3A_3539 = arith.constant 2 : i32
      %div3A_3540 = arith.divsi %add3A_2988, %jit3A_3539 : i32
      %sign3A_3541 = arith.constant 0 : i32
      %sign3A_3542 = arith.cmpi sgt, %add3A_2988, %sign3A_3541 : i32
      %sign3A_3543 = arith.extui %sign3A_3542 : i1 to i32
      %sign3A_3544 = arith.constant 0 : i32
      %sign3A_3545 = arith.cmpi slt, %add3A_2988, %sign3A_3544 : i32
      %sign3A_3546 = arith.extui %sign3A_3545 : i1 to i32
      %sign3A_3547 = arith.subi %sign3A_3543, %sign3A_3546 : i32
      %sign3A_3548 = arith.constant 0 : i32
      %sign3A_3549 = arith.cmpi sgt, %jit3A_3539, %sign3A_3548 : i32
      %sign3A_3550 = arith.extui %sign3A_3549 : i1 to i32
      %sign3A_3551 = arith.constant 0 : i32
      %sign3A_3552 = arith.cmpi slt, %jit3A_3539, %sign3A_3551 : i32
      %sign3A_3553 = arith.extui %sign3A_3552 : i1 to i32
      %sign3A_3554 = arith.subi %sign3A_3550, %sign3A_3553 : i32
      %ne3A_3555 = arith.cmpi ne, %sign3A_3547, %sign3A_3554 : i32
      %rem3A_3556 = arith.remsi %add3A_2988, %jit3A_3539 : i32
      %ne3A_3557 = arith.constant 0 : i32
      %ne3A_3558 = arith.cmpi ne, %rem3A_3556, %ne3A_3557 : i32
      %and3A_3559 = arith.andi %ne3A_3555, %ne3A_3558 : i1
      %sub3A_3560 = arith.constant 1 : i32
      %sub3A_3561 = arith.subi %div3A_3540, %sub3A_3560 : i32
      %select_n3A_3562 = arith.select %and3A_3559, %sub3A_3561, %div3A_3540 : i32
      %mul3A_3563 = arith.constant 16384 : i32
      %mul3A_3564 = arith.muli %select_n3A_3562, %mul3A_3563 : i32
      %add3A_3565 = arith.addi %mul3A_3564, %mul3A_2 : i32
      %jit3A_3566 = arith.constant 2 : i32
      %eq3A_3567 = arith.constant 0 : i32
      %eq3A_3568 = arith.cmpi eq, %jit3A_3566, %eq3A_3567 : i32
      %jit3A_3569 = arith.constant 1 : i32
      %select_n3A_3570 = arith.select %eq3A_3568, %jit3A_3569, %jit3A_3566 : i32
      %rem3A_3571 = arith.remsi %add3A_2988, %select_n3A_3570 : i32
      %ne3A_3572 = arith.constant 0 : i32
      %ne3A_3573 = arith.cmpi ne, %rem3A_3571, %ne3A_3572 : i32
      %lt3A_3574 = arith.constant 0 : i32
      %lt3A_3575 = arith.cmpi slt, %rem3A_3571, %lt3A_3574 : i32
      %lt3A_3576 = arith.constant 0 : i32
      %lt3A_3577 = arith.cmpi slt, %select_n3A_3570, %lt3A_3576 : i32
      %ne3A_3578 = arith.xori %lt3A_3575, %lt3A_3577 : i1
      %and3A_3579 = arith.andi %ne3A_3578, %ne3A_3573 : i1
      %add3A_3580 = arith.addi %rem3A_3571, %select_n3A_3570 : i32
      %select_n3A_3581 = arith.select %and3A_3579, %add3A_3580, %rem3A_3571 : i32
      %mul3A_3582 = arith.constant 256 : i32
      %mul3A_3583 = arith.muli %select_n3A_3581, %mul3A_3582 : i32
      %add3A_3584 = arith.addi %add3A_3565, %mul3A_3583 : i32
      %add3A_3585 = arith.constant 0 : i32
      %add3A_3586 = arith.addi %add3A_3584, %add3A_3585 : i32
      %dma_start3A_3587 = arith.constant 0 : i32
      %dma_start3A_3588 = arith.constant 0 : i32
      %dma_start3A_3589 = tpu.memref_slice %arg13[%dma_start3A_3587, %dma_start3A_3588] : memref<256x128xf32, #tpu.memory_space<vmem>> -> memref<128x128xf32, #tpu.memory_space<vmem>>
      %dma_start3A_3590 = arith.constant 0 : i32
      %dma_start3A_3591 = tpu.memref_slice %arg4[%add3A_3586, %dma_start3A_3590] : memref<819200x128xf32, #tpu.memory_space<hbm>> -> memref<128x128xf32, #tpu.memory_space<hbm>>
      %dma_start3A_3592 = arith.constant 0 : i32
      %dma_start3A_3593 = tpu.memref_slice %arg4[%add3A_3586, %dma_start3A_3592] : memref<819200x128xf32, #tpu.memory_space<hbm>> -> memref<128x128xf32, #tpu.memory_space<hbm>>
      %dma_start3A_3594 = arith.constant 0 : i32
      %dma_start3A_3595 = arith.constant 0 : i32
      %dma_start3A_3596 = tpu.memref_slice %arg13[%dma_start3A_3594, %dma_start3A_3595] : memref<256x128xf32, #tpu.memory_space<vmem>> -> memref<128x128xf32, #tpu.memory_space<vmem>>
      tpu.enqueue_dma source(%dma_start3A_3596 : memref<128x128xf32, #tpu.memory_space<vmem>>) target(%dma_start3A_3593 : memref<128x128xf32, #tpu.memory_space<hbm>>) target_semaphore(%arg22 : memref<!tpu.dma_semaphore, #tpu.memory_space<semaphore_mem>>)
      %jit3A_3597 = arith.constant 2 : i32
      %div3A_3598 = arith.divsi %add3A_2988, %jit3A_3597 : i32
      %sign3A_3599 = arith.constant 0 : i32
      %sign3A_3600 = arith.cmpi sgt, %add3A_2988, %sign3A_3599 : i32
      %sign3A_3601 = arith.extui %sign3A_3600 : i1 to i32
      %sign3A_3602 = arith.constant 0 : i32
      %sign3A_3603 = arith.cmpi slt, %add3A_2988, %sign3A_3602 : i32
      %sign3A_3604 = arith.extui %sign3A_3603 : i1 to i32
      %sign3A_3605 = arith.subi %sign3A_3601, %sign3A_3604 : i32
      %sign3A_3606 = arith.constant 0 : i32
      %sign3A_3607 = arith.cmpi sgt, %jit3A_3597, %sign3A_3606 : i32
      %sign3A_3608 = arith.extui %sign3A_3607 : i1 to i32
      %sign3A_3609 = arith.constant 0 : i32
      %sign3A_3610 = arith.cmpi slt, %jit3A_3597, %sign3A_3609 : i32
      %sign3A_3611 = arith.extui %sign3A_3610 : i1 to i32
      %sign3A_3612 = arith.subi %sign3A_3608, %sign3A_3611 : i32
      %ne3A_3613 = arith.cmpi ne, %sign3A_3605, %sign3A_3612 : i32
      %rem3A_3614 = arith.remsi %add3A_2988, %jit3A_3597 : i32
      %ne3A_3615 = arith.constant 0 : i32
      %ne3A_3616 = arith.cmpi ne, %rem3A_3614, %ne3A_3615 : i32
      %and3A_3617 = arith.andi %ne3A_3613, %ne3A_3616 : i1
      %sub3A_3618 = arith.constant 1 : i32
      %sub3A_3619 = arith.subi %div3A_3598, %sub3A_3618 : i32
      %select_n3A_3620 = arith.select %and3A_3617, %sub3A_3619, %div3A_3598 : i32
      %mul3A_3621 = arith.constant 16384 : i32
      %mul3A_3622 = arith.muli %select_n3A_3620, %mul3A_3621 : i32
      %add3A_3623 = arith.addi %mul3A_3622, %mul3A_2 : i32
      %jit3A_3624 = arith.constant 2 : i32
      %eq3A_3625 = arith.constant 0 : i32
      %eq3A_3626 = arith.cmpi eq, %jit3A_3624, %eq3A_3625 : i32
      %jit3A_3627 = arith.constant 1 : i32
      %select_n3A_3628 = arith.select %eq3A_3626, %jit3A_3627, %jit3A_3624 : i32
      %rem3A_3629 = arith.remsi %add3A_2988, %select_n3A_3628 : i32
      %ne3A_3630 = arith.constant 0 : i32
      %ne3A_3631 = arith.cmpi ne, %rem3A_3629, %ne3A_3630 : i32
      %lt3A_3632 = arith.constant 0 : i32
      %lt3A_3633 = arith.cmpi slt, %rem3A_3629, %lt3A_3632 : i32
      %lt3A_3634 = arith.constant 0 : i32
      %lt3A_3635 = arith.cmpi slt, %select_n3A_3628, %lt3A_3634 : i32
      %ne3A_3636 = arith.xori %lt3A_3633, %lt3A_3635 : i1
      %and3A_3637 = arith.andi %ne3A_3636, %ne3A_3631 : i1
      %add3A_3638 = arith.addi %rem3A_3629, %select_n3A_3628 : i32
      %select_n3A_3639 = arith.select %and3A_3637, %add3A_3638, %rem3A_3629 : i32
      %mul3A_3640 = arith.constant 256 : i32
      %mul3A_3641 = arith.muli %select_n3A_3639, %mul3A_3640 : i32
      %add3A_3642 = arith.addi %add3A_3623, %mul3A_3641 : i32
      %add3A_3643 = arith.constant 128 : i32
      %add3A_3644 = arith.addi %add3A_3642, %add3A_3643 : i32
      %dma_start3A_3645 = arith.constant 128 : i32
      %dma_start3A_3646 = arith.constant 0 : i32
      %dma_start3A_3647 = tpu.memref_slice %arg13[%dma_start3A_3645, %dma_start3A_3646] : memref<256x128xf32, #tpu.memory_space<vmem>> -> memref<128x128xf32, #tpu.memory_space<vmem>>
      %dma_start3A_3648 = arith.constant 0 : i32
      %dma_start3A_3649 = tpu.memref_slice %arg4[%add3A_3644, %dma_start3A_3648] : memref<819200x128xf32, #tpu.memory_space<hbm>> -> memref<128x128xf32, #tpu.memory_space<hbm>>
      %dma_start3A_3650 = arith.constant 0 : i32
      %dma_start3A_3651 = tpu.memref_slice %arg4[%add3A_3644, %dma_start3A_3650] : memref<819200x128xf32, #tpu.memory_space<hbm>> -> memref<128x128xf32, #tpu.memory_space<hbm>>
      %dma_start3A_3652 = arith.constant 128 : i32
      %dma_start3A_3653 = arith.constant 0 : i32
      %dma_start3A_3654 = tpu.memref_slice %arg13[%dma_start3A_3652, %dma_start3A_3653] : memref<256x128xf32, #tpu.memory_space<vmem>> -> memref<128x128xf32, #tpu.memory_space<vmem>>
      tpu.enqueue_dma source(%dma_start3A_3654 : memref<128x128xf32, #tpu.memory_space<vmem>>) target(%dma_start3A_3651 : memref<128x128xf32, #tpu.memory_space<hbm>>) target_semaphore(%arg22 : memref<!tpu.dma_semaphore, #tpu.memory_space<semaphore_mem>>)
    }
    %scan3A_1103 = arith.constant 32 : i32
    %add3A_1104 = arith.constant 786432 : i32
    %add3A_1105 = arith.addi %add3A_1104, %mul3A_2 : i32
    %add3A_1106 = arith.constant 0 : i32
    %add3A_1107 = arith.addi %add3A_1105, %add3A_1106 : i32
    %add3A_1108 = arith.constant 0 : i32
    %add3A_1109 = arith.addi %add3A_1107, %add3A_1108 : i32
    %dma_wait3A_1110 = arith.constant 0 : i32
    %dma_wait3A_1111 = arith.constant 0 : i32
    %dma_wait3A_1112 = tpu.memref_slice %arg12[%dma_wait3A_1110, %dma_wait3A_1111] : memref<256x128xf32, #tpu.memory_space<vmem>> -> memref<128x128xf32, #tpu.memory_space<vmem>>
    %dma_wait3A_1113 = arith.constant 0 : i32
    %dma_wait3A_1114 = tpu.memref_slice %arg4[%add3A_1109, %dma_wait3A_1113] : memref<819200x128xf32, #tpu.memory_space<hbm>> -> memref<128x128xf32, #tpu.memory_space<hbm>>
    %dma_wait3A_1115 = arith.constant 0 : i32
    %dma_wait3A_1116 = tpu.memref_slice %arg4[%add3A_1109, %dma_wait3A_1115] : memref<819200x128xf32, #tpu.memory_space<hbm>> -> memref<128x128xf32, #tpu.memory_space<hbm>>
    %dma_wait3A_1117 = arith.constant 0 : i32
    %dma_wait3A_1118 = arith.constant 0 : i32
    %dma_wait3A_1119 = tpu.memref_slice %arg12[%dma_wait3A_1117, %dma_wait3A_1118] : memref<256x128xf32, #tpu.memory_space<vmem>> -> memref<128x128xf32, #tpu.memory_space<vmem>>
    tpu.wait_dma2 semaphore(%arg21 : memref<!tpu.dma_semaphore, #tpu.memory_space<semaphore_mem>>) src(%dma_wait3A_1119 : memref<128x128xf32, #tpu.memory_space<vmem>>) dst(%dma_wait3A_1116 : memref<128x128xf32, #tpu.memory_space<hbm>>)
    %add3A_1120 = arith.constant 786432 : i32
    %add3A_1121 = arith.addi %add3A_1120, %mul3A_2 : i32
    %add3A_1122 = arith.constant 0 : i32
    %add3A_1123 = arith.addi %add3A_1121, %add3A_1122 : i32
    %add3A_1124 = arith.constant 128 : i32
    %add3A_1125 = arith.addi %add3A_1123, %add3A_1124 : i32
    %dma_wait3A_1126 = arith.constant 128 : i32
    %dma_wait3A_1127 = arith.constant 0 : i32
    %dma_wait3A_1128 = tpu.memref_slice %arg12[%dma_wait3A_1126, %dma_wait3A_1127] : memref<256x128xf32, #tpu.memory_space<vmem>> -> memref<128x128xf32, #tpu.memory_space<vmem>>
    %dma_wait3A_1129 = arith.constant 0 : i32
    %dma_wait3A_1130 = tpu.memref_slice %arg4[%add3A_1125, %dma_wait3A_1129] : memref<819200x128xf32, #tpu.memory_space<hbm>> -> memref<128x128xf32, #tpu.memory_space<hbm>>
    %dma_wait3A_1131 = arith.constant 0 : i32
    %dma_wait3A_1132 = tpu.memref_slice %arg4[%add3A_1125, %dma_wait3A_1131] : memref<819200x128xf32, #tpu.memory_space<hbm>> -> memref<128x128xf32, #tpu.memory_space<hbm>>
    %dma_wait3A_1133 = arith.constant 128 : i32
    %dma_wait3A_1134 = arith.constant 0 : i32
    %dma_wait3A_1135 = tpu.memref_slice %arg12[%dma_wait3A_1133, %dma_wait3A_1134] : memref<256x128xf32, #tpu.memory_space<vmem>> -> memref<128x128xf32, #tpu.memory_space<vmem>>
    tpu.wait_dma2 semaphore(%arg21 : memref<!tpu.dma_semaphore, #tpu.memory_space<semaphore_mem>>) src(%dma_wait3A_1135 : memref<128x128xf32, #tpu.memory_space<vmem>>) dst(%dma_wait3A_1132 : memref<128x128xf32, #tpu.memory_space<hbm>>)
    %add3A_1136 = arith.constant 256 : i32
    %add3A_1137 = arith.addi %mul3A_2, %add3A_1136 : i32
    %dma_wait3A_1138 = arith.constant 49 : i32
    %dma_wait3A_1139 = tpu.memref_slice %arg2[%dma_wait3A_1138, %add3A_1137] : memref<50x16384xf32, #tpu.memory_space<hbm>> -> memref<1x256xf32, #tpu.memory_space<hbm>>
    %dma_wait3A_1140 = arith.constant 49 : i32
    %dma_wait3A_1141 = tpu.memref_slice %arg2[%dma_wait3A_1140, %add3A_1137] : memref<50x16384xf32, #tpu.memory_space<hbm>> -> memref<1x256xf32, #tpu.memory_space<hbm>>
    tpu.wait_dma2 semaphore(%arg15 : memref<!tpu.dma_semaphore, #tpu.memory_space<semaphore_mem>>) src(%dma_wait3A_1141 : memref<1x256xf32, #tpu.memory_space<hbm>>) dst(%arg6 : memref<1x256xf32, #tpu.memory_space<vmem>>)
    %get3A_1142 = arith.constant 0 : i32
    %get3A_1143 = arith.index_cast %get3A_1142 : i32 to index
    %get3A_1144 = arith.constant 0 : index
    %get3A_1145 = tpu.vector_load %arg6[%get3A_1143, %get3A_1144] {strides = array<i32>} : memref<1x256xf32, #tpu.memory_space<vmem>>, vector<1x16xf32>,
    %get3A_1146 = vector.shape_cast %get3A_1145 : vector<1x16xf32> to vector<16xf32>
    %mul3A_1147 = arith.constant 1.024000e+03 : f32
    %mul3A_1148 = vector.broadcast %mul3A_1147 : f32 to vector<16xf32>
    %mul3A_1149 = arith.mulf %get3A_1146, %mul3A_1148 : vector<16xf32>
    %convert_element_type3A_1150 = arith.fptosi %mul3A_1149 : vector<16xf32> to vector<16xi32>
    %jit3A_1151 = arith.constant 0 : i32
    %jit3A_1152 = arith.constant 1023 : i32
    %max3A_1153 = vector.broadcast %jit3A_1151 : i32 to vector<16xi32>
    %max3A_1154 = arith.maxsi %max3A_1153, %convert_element_type3A_1150 : vector<16xi32>
    %min3A_1155 = vector.broadcast %jit3A_1152 : i32 to vector<16xi32>
    %min3A_1156 = arith.minsi %min3A_1155, %max3A_1154 : vector<16xi32>
    %swap3A_1157 = arith.constant 0 : index
    %swap3A_1158 = tpu.vector_load %arg9[%swap3A_1157] {strides = array<i32>} : memref<256xi32, #tpu.memory_space<vmem>>, vector<16xi32>,
    %swap3A_1159 = vector.shape_cast %swap3A_1158 : vector<16xi32> to vector<16xi32>
    %swap3A_1160 = vector.shape_cast %min3A_1156 : vector<16xi32> to vector<16xi32>
    tpu.vector_store %arg9[%swap3A_1157], %swap3A_1160 {strides = array<i32>} : memref<256xi32, #tpu.memory_space<vmem>>, vector<16xi32>,
    %get3A_1161 = arith.constant 0 : i32
    %get3A_1162 = arith.index_cast %get3A_1161 : i32 to index
    %get3A_1163 = arith.constant 16 : index
    %get3A_1164 = tpu.vector_load %arg6[%get3A_1162, %get3A_1163] {strides = array<i32>} : memref<1x256xf32, #tpu.memory_space<vmem>>, vector<1x16xf32>,
    %get3A_1165 = vector.shape_cast %get3A_1164 : vector<1x16xf32> to vector<16xf32>
    %mul3A_1166 = arith.constant 1.024000e+03 : f32
    %mul3A_1167 = vector.broadcast %mul3A_1166 : f32 to vector<16xf32>
    %mul3A_1168 = arith.mulf %get3A_1165, %mul3A_1167 : vector<16xf32>
    %convert_element_type3A_1169 = arith.fptosi %mul3A_1168 : vector<16xf32> to vector<16xi32>
    %jit3A_1170 = arith.constant 0 : i32
    %jit3A_1171 = arith.constant 1023 : i32
    %max3A_1172 = vector.broadcast %jit3A_1170 : i32 to vector<16xi32>
    %max3A_1173 = arith.maxsi %max3A_1172, %convert_element_type3A_1169 : vector<16xi32>
    %min3A_1174 = vector.broadcast %jit3A_1171 : i32 to vector<16xi32>
    %min3A_1175 = arith.minsi %min3A_1174, %max3A_1173 : vector<16xi32>
    %swap3A_1176 = arith.constant 16 : index
    %swap3A_1177 = tpu.vector_load %arg9[%swap3A_1176] {strides = array<i32>} : memref<256xi32, #tpu.memory_space<vmem>>, vector<16xi32>,
    %swap3A_1178 = vector.shape_cast %swap3A_1177 : vector<16xi32> to vector<16xi32>
    %swap3A_1179 = vector.shape_cast %min3A_1175 : vector<16xi32> to vector<16xi32>
    tpu.vector_store %arg9[%swap3A_1176], %swap3A_1179 {strides = array<i32>} : memref<256xi32, #tpu.memory_space<vmem>>, vector<16xi32>,
    %get3A_1180 = arith.constant 0 : i32
    %get3A_1181 = arith.index_cast %get3A_1180 : i32 to index
    %get3A_1182 = arith.constant 32 : index
    %get3A_1183 = tpu.vector_load %arg6[%get3A_1181, %get3A_1182] {strides = array<i32>} : memref<1x256xf32, #tpu.memory_space<vmem>>, vector<1x16xf32>,
    %get3A_1184 = vector.shape_cast %get3A_1183 : vector<1x16xf32> to vector<16xf32>
    %mul3A_1185 = arith.constant 1.024000e+03 : f32
    %mul3A_1186 = vector.broadcast %mul3A_1185 : f32 to vector<16xf32>
    %mul3A_1187 = arith.mulf %get3A_1184, %mul3A_1186 : vector<16xf32>
    %convert_element_type3A_1188 = arith.fptosi %mul3A_1187 : vector<16xf32> to vector<16xi32>
    %jit3A_1189 = arith.constant 0 : i32
    %jit3A_1190 = arith.constant 1023 : i32
    %max3A_1191 = vector.broadcast %jit3A_1189 : i32 to vector<16xi32>
    %max3A_1192 = arith.maxsi %max3A_1191, %convert_element_type3A_1188 : vector<16xi32>
    %min3A_1193 = vector.broadcast %jit3A_1190 : i32 to vector<16xi32>
    %min3A_1194 = arith.minsi %min3A_1193, %max3A_1192 : vector<16xi32>
    %swap3A_1195 = arith.constant 32 : index
    %swap3A_1196 = tpu.vector_load %arg9[%swap3A_1195] {strides = array<i32>} : memref<256xi32, #tpu.memory_space<vmem>>, vector<16xi32>,
    %swap3A_1197 = vector.shape_cast %swap3A_1196 : vector<16xi32> to vector<16xi32>
    %swap3A_1198 = vector.shape_cast %min3A_1194 : vector<16xi32> to vector<16xi32>
    tpu.vector_store %arg9[%swap3A_1195], %swap3A_1198 {strides = array<i32>} : memref<256xi32, #tpu.memory_space<vmem>>, vector<16xi32>,
    %get3A_1199 = arith.constant 0 : i32
    %get3A_1200 = arith.index_cast %get3A_1199 : i32 to index
    %get3A_1201 = arith.constant 48 : index
    %get3A_1202 = tpu.vector_load %arg6[%get3A_1200, %get3A_1201] {strides = array<i32>} : memref<1x256xf32, #tpu.memory_space<vmem>>, vector<1x16xf32>,
    %get3A_1203 = vector.shape_cast %get3A_1202 : vector<1x16xf32> to vector<16xf32>
    %mul3A_1204 = arith.constant 1.024000e+03 : f32
    %mul3A_1205 = vector.broadcast %mul3A_1204 : f32 to vector<16xf32>
    %mul3A_1206 = arith.mulf %get3A_1203, %mul3A_1205 : vector<16xf32>
    %convert_element_type3A_1207 = arith.fptosi %mul3A_1206 : vector<16xf32> to vector<16xi32>
    %jit3A_1208 = arith.constant 0 : i32
    %jit3A_1209 = arith.constant 1023 : i32
    %max3A_1210 = vector.broadcast %jit3A_1208 : i32 to vector<16xi32>
    %max3A_1211 = arith.maxsi %max3A_1210, %convert_element_type3A_1207 : vector<16xi32>
    %min3A_1212 = vector.broadcast %jit3A_1209 : i32 to vector<16xi32>
    %min3A_1213 = arith.minsi %min3A_1212, %max3A_1211 : vector<16xi32>
    %swap3A_1214 = arith.constant 48 : index
    %swap3A_1215 = tpu.vector_load %arg9[%swap3A_1214] {strides = array<i32>} : memref<256xi32, #tpu.memory_space<vmem>>, vector<16xi32>,
    %swap3A_1216 = vector.shape_cast %swap3A_1215 : vector<16xi32> to vector<16xi32>
    %swap3A_1217 = vector.shape_cast %min3A_1213 : vector<16xi32> to vector<16xi32>
    tpu.vector_store %arg9[%swap3A_1214], %swap3A_1217 {strides = array<i32>} : memref<256xi32, #tpu.memory_space<vmem>>, vector<16xi32>,
    %get3A_1218 = arith.constant 0 : i32
    %get3A_1219 = arith.index_cast %get3A_1218 : i32 to index
    %get3A_1220 = arith.constant 64 : index
    %get3A_1221 = tpu.vector_load %arg6[%get3A_1219, %get3A_1220] {strides = array<i32>} : memref<1x256xf32, #tpu.memory_space<vmem>>, vector<1x16xf32>,
    %get3A_1222 = vector.shape_cast %get3A_1221 : vector<1x16xf32> to vector<16xf32>
    %mul3A_1223 = arith.constant 1.024000e+03 : f32
    %mul3A_1224 = vector.broadcast %mul3A_1223 : f32 to vector<16xf32>
    %mul3A_1225 = arith.mulf %get3A_1222, %mul3A_1224 : vector<16xf32>
    %convert_element_type3A_1226 = arith.fptosi %mul3A_1225 : vector<16xf32> to vector<16xi32>
    %jit3A_1227 = arith.constant 0 : i32
    %jit3A_1228 = arith.constant 1023 : i32
    %max3A_1229 = vector.broadcast %jit3A_1227 : i32 to vector<16xi32>
    %max3A_1230 = arith.maxsi %max3A_1229, %convert_element_type3A_1226 : vector<16xi32>
    %min3A_1231 = vector.broadcast %jit3A_1228 : i32 to vector<16xi32>
    %min3A_1232 = arith.minsi %min3A_1231, %max3A_1230 : vector<16xi32>
    %swap3A_1233 = arith.constant 64 : index
    %swap3A_1234 = tpu.vector_load %arg9[%swap3A_1233] {strides = array<i32>} : memref<256xi32, #tpu.memory_space<vmem>>, vector<16xi32>,
    %swap3A_1235 = vector.shape_cast %swap3A_1234 : vector<16xi32> to vector<16xi32>
    %swap3A_1236 = vector.shape_cast %min3A_1232 : vector<16xi32> to vector<16xi32>
    tpu.vector_store %arg9[%swap3A_1233], %swap3A_1236 {strides = array<i32>} : memref<256xi32, #tpu.memory_space<vmem>>, vector<16xi32>,
    %get3A_1237 = arith.constant 0 : i32
    %get3A_1238 = arith.index_cast %get3A_1237 : i32 to index
    %get3A_1239 = arith.constant 80 : index
    %get3A_1240 = tpu.vector_load %arg6[%get3A_1238, %get3A_1239] {strides = array<i32>} : memref<1x256xf32, #tpu.memory_space<vmem>>, vector<1x16xf32>,
    %get3A_1241 = vector.shape_cast %get3A_1240 : vector<1x16xf32> to vector<16xf32>
    %mul3A_1242 = arith.constant 1.024000e+03 : f32
    %mul3A_1243 = vector.broadcast %mul3A_1242 : f32 to vector<16xf32>
    %mul3A_1244 = arith.mulf %get3A_1241, %mul3A_1243 : vector<16xf32>
    %convert_element_type3A_1245 = arith.fptosi %mul3A_1244 : vector<16xf32> to vector<16xi32>
    %jit3A_1246 = arith.constant 0 : i32
    %jit3A_1247 = arith.constant 1023 : i32
    %max3A_1248 = vector.broadcast %jit3A_1246 : i32 to vector<16xi32>
    %max3A_1249 = arith.maxsi %max3A_1248, %convert_element_type3A_1245 : vector<16xi32>
    %min3A_1250 = vector.broadcast %jit3A_1247 : i32 to vector<16xi32>
    %min3A_1251 = arith.minsi %min3A_1250, %max3A_1249 : vector<16xi32>
    %swap3A_1252 = arith.constant 80 : index
    %swap3A_1253 = tpu.vector_load %arg9[%swap3A_1252] {strides = array<i32>} : memref<256xi32, #tpu.memory_space<vmem>>, vector<16xi32>,
    %swap3A_1254 = vector.shape_cast %swap3A_1253 : vector<16xi32> to vector<16xi32>
    %swap3A_1255 = vector.shape_cast %min3A_1251 : vector<16xi32> to vector<16xi32>
    tpu.vector_store %arg9[%swap3A_1252], %swap3A_1255 {strides = array<i32>} : memref<256xi32, #tpu.memory_space<vmem>>, vector<16xi32>,
    %get3A_1256 = arith.constant 0 : i32
    %get3A_1257 = arith.index_cast %get3A_1256 : i32 to index
    %get3A_1258 = arith.constant 96 : index
    %get3A_1259 = tpu.vector_load %arg6[%get3A_1257, %get3A_1258] {strides = array<i32>} : memref<1x256xf32, #tpu.memory_space<vmem>>, vector<1x16xf32>,
    %get3A_1260 = vector.shape_cast %get3A_1259 : vector<1x16xf32> to vector<16xf32>
    %mul3A_1261 = arith.constant 1.024000e+03 : f32
    %mul3A_1262 = vector.broadcast %mul3A_1261 : f32 to vector<16xf32>
    %mul3A_1263 = arith.mulf %get3A_1260, %mul3A_1262 : vector<16xf32>
    %convert_element_type3A_1264 = arith.fptosi %mul3A_1263 : vector<16xf32> to vector<16xi32>
    %jit3A_1265 = arith.constant 0 : i32
    %jit3A_1266 = arith.constant 1023 : i32
    %max3A_1267 = vector.broadcast %jit3A_1265 : i32 to vector<16xi32>
    %max3A_1268 = arith.maxsi %max3A_1267, %convert_element_type3A_1264 : vector<16xi32>
    %min3A_1269 = vector.broadcast %jit3A_1266 : i32 to vector<16xi32>
    %min3A_1270 = arith.minsi %min3A_1269, %max3A_1268 : vector<16xi32>
    %swap3A_1271 = arith.constant 96 : index
    %swap3A_1272 = tpu.vector_load %arg9[%swap3A_1271] {strides = array<i32>} : memref<256xi32, #tpu.memory_space<vmem>>, vector<16xi32>,
    %swap3A_1273 = vector.shape_cast %swap3A_1272 : vector<16xi32> to vector<16xi32>
    %swap3A_1274 = vector.shape_cast %min3A_1270 : vector<16xi32> to vector<16xi32>
    tpu.vector_store %arg9[%swap3A_1271], %swap3A_1274 {strides = array<i32>} : memref<256xi32, #tpu.memory_space<vmem>>, vector<16xi32>,
    %get3A_1275 = arith.constant 0 : i32
    %get3A_1276 = arith.index_cast %get3A_1275 : i32 to index
    %get3A_1277 = arith.constant 112 : index
    %get3A_1278 = tpu.vector_load %arg6[%get3A_1276, %get3A_1277] {strides = array<i32>} : memref<1x256xf32, #tpu.memory_space<vmem>>, vector<1x16xf32>,
    %get3A_1279 = vector.shape_cast %get3A_1278 : vector<1x16xf32> to vector<16xf32>
    %mul3A_1280 = arith.constant 1.024000e+03 : f32
    %mul3A_1281 = vector.broadcast %mul3A_1280 : f32 to vector<16xf32>
    %mul3A_1282 = arith.mulf %get3A_1279, %mul3A_1281 : vector<16xf32>
    %convert_element_type3A_1283 = arith.fptosi %mul3A_1282 : vector<16xf32> to vector<16xi32>
    %jit3A_1284 = arith.constant 0 : i32
    %jit3A_1285 = arith.constant 1023 : i32
    %max3A_1286 = vector.broadcast %jit3A_1284 : i32 to vector<16xi32>
    %max3A_1287 = arith.maxsi %max3A_1286, %convert_element_type3A_1283 : vector<16xi32>
    %min3A_1288 = vector.broadcast %jit3A_1285 : i32 to vector<16xi32>
    %min3A_1289 = arith.minsi %min3A_1288, %max3A_1287 : vector<16xi32>
    %swap3A_1290 = arith.constant 112 : index
    %swap3A_1291 = tpu.vector_load %arg9[%swap3A_1290] {strides = array<i32>} : memref<256xi32, #tpu.memory_space<vmem>>, vector<16xi32>,
    %swap3A_1292 = vector.shape_cast %swap3A_1291 : vector<16xi32> to vector<16xi32>
    %swap3A_1293 = vector.shape_cast %min3A_1289 : vector<16xi32> to vector<16xi32>
    tpu.vector_store %arg9[%swap3A_1290], %swap3A_1293 {strides = array<i32>} : memref<256xi32, #tpu.memory_space<vmem>>, vector<16xi32>,
    %get3A_1294 = arith.constant 0 : i32
    %get3A_1295 = arith.index_cast %get3A_1294 : i32 to index
    %get3A_1296 = arith.constant 128 : index
    %get3A_1297 = tpu.vector_load %arg6[%get3A_1295, %get3A_1296] {strides = array<i32>} : memref<1x256xf32, #tpu.memory_space<vmem>>, vector<1x16xf32>,
    %get3A_1298 = vector.shape_cast %get3A_1297 : vector<1x16xf32> to vector<16xf32>
    %mul3A_1299 = arith.constant 1.024000e+03 : f32
    %mul3A_1300 = vector.broadcast %mul3A_1299 : f32 to vector<16xf32>
    %mul3A_1301 = arith.mulf %get3A_1298, %mul3A_1300 : vector<16xf32>
    %convert_element_type3A_1302 = arith.fptosi %mul3A_1301 : vector<16xf32> to vector<16xi32>
    %jit3A_1303 = arith.constant 0 : i32
    %jit3A_1304 = arith.constant 1023 : i32
    %max3A_1305 = vector.broadcast %jit3A_1303 : i32 to vector<16xi32>
    %max3A_1306 = arith.maxsi %max3A_1305, %convert_element_type3A_1302 : vector<16xi32>
    %min3A_1307 = vector.broadcast %jit3A_1304 : i32 to vector<16xi32>
    %min3A_1308 = arith.minsi %min3A_1307, %max3A_1306 : vector<16xi32>
    %swap3A_1309 = arith.constant 128 : index
    %swap3A_1310 = tpu.vector_load %arg9[%swap3A_1309] {strides = array<i32>} : memref<256xi32, #tpu.memory_space<vmem>>, vector<16xi32>,
    %swap3A_1311 = vector.shape_cast %swap3A_1310 : vector<16xi32> to vector<16xi32>
    %swap3A_1312 = vector.shape_cast %min3A_1308 : vector<16xi32> to vector<16xi32>
    tpu.vector_store %arg9[%swap3A_1309], %swap3A_1312 {strides = array<i32>} : memref<256xi32, #tpu.memory_space<vmem>>, vector<16xi32>,
    %get3A_1313 = arith.constant 0 : i32
    %get3A_1314 = arith.index_cast %get3A_1313 : i32 to index
    %get3A_1315 = arith.constant 144 : index
    %get3A_1316 = tpu.vector_load %arg6[%get3A_1314, %get3A_1315] {strides = array<i32>} : memref<1x256xf32, #tpu.memory_space<vmem>>, vector<1x16xf32>,
    %get3A_1317 = vector.shape_cast %get3A_1316 : vector<1x16xf32> to vector<16xf32>
    %mul3A_1318 = arith.constant 1.024000e+03 : f32
    %mul3A_1319 = vector.broadcast %mul3A_1318 : f32 to vector<16xf32>
    %mul3A_1320 = arith.mulf %get3A_1317, %mul3A_1319 : vector<16xf32>
    %convert_element_type3A_1321 = arith.fptosi %mul3A_1320 : vector<16xf32> to vector<16xi32>
    %jit3A_1322 = arith.constant 0 : i32
    %jit3A_1323 = arith.constant 1023 : i32
    %max3A_1324 = vector.broadcast %jit3A_1322 : i32 to vector<16xi32>
    %max3A_1325 = arith.maxsi %max3A_1324, %convert_element_type3A_1321 : vector<16xi32>
    %min3A_1326 = vector.broadcast %jit3A_1323 : i32 to vector<16xi32>
    %min3A_1327 = arith.minsi %min3A_1326, %max3A_1325 : vector<16xi32>
    %swap3A_1328 = arith.constant 144 : index
    %swap3A_1329 = tpu.vector_load %arg9[%swap3A_1328] {strides = array<i32>} : memref<256xi32, #tpu.memory_space<vmem>>, vector<16xi32>,
    %swap3A_1330 = vector.shape_cast %swap3A_1329 : vector<16xi32> to vector<16xi32>
    %swap3A_1331 = vector.shape_cast %min3A_1327 : vector<16xi32> to vector<16xi32>
    tpu.vector_store %arg9[%swap3A_1328], %swap3A_1331 {strides = array<i32>} : memref<256xi32, #tpu.memory_space<vmem>>, vector<16xi32>,
    %get3A_1332 = arith.constant 0 : i32
    %get3A_1333 = arith.index_cast %get3A_1332 : i32 to index
    %get3A_1334 = arith.constant 160 : index
    %get3A_1335 = tpu.vector_load %arg6[%get3A_1333, %get3A_1334] {strides = array<i32>} : memref<1x256xf32, #tpu.memory_space<vmem>>, vector<1x16xf32>,
    %get3A_1336 = vector.shape_cast %get3A_1335 : vector<1x16xf32> to vector<16xf32>
    %mul3A_1337 = arith.constant 1.024000e+03 : f32
    %mul3A_1338 = vector.broadcast %mul3A_1337 : f32 to vector<16xf32>
    %mul3A_1339 = arith.mulf %get3A_1336, %mul3A_1338 : vector<16xf32>
    %convert_element_type3A_1340 = arith.fptosi %mul3A_1339 : vector<16xf32> to vector<16xi32>
    %jit3A_1341 = arith.constant 0 : i32
    %jit3A_1342 = arith.constant 1023 : i32
    %max3A_1343 = vector.broadcast %jit3A_1341 : i32 to vector<16xi32>
    %max3A_1344 = arith.maxsi %max3A_1343, %convert_element_type3A_1340 : vector<16xi32>
    %min3A_1345 = vector.broadcast %jit3A_1342 : i32 to vector<16xi32>
    %min3A_1346 = arith.minsi %min3A_1345, %max3A_1344 : vector<16xi32>
    %swap3A_1347 = arith.constant 160 : index
    %swap3A_1348 = tpu.vector_load %arg9[%swap3A_1347] {strides = array<i32>} : memref<256xi32, #tpu.memory_space<vmem>>, vector<16xi32>,
    %swap3A_1349 = vector.shape_cast %swap3A_1348 : vector<16xi32> to vector<16xi32>
    %swap3A_1350 = vector.shape_cast %min3A_1346 : vector<16xi32> to vector<16xi32>
    tpu.vector_store %arg9[%swap3A_1347], %swap3A_1350 {strides = array<i32>} : memref<256xi32, #tpu.memory_space<vmem>>, vector<16xi32>,
    %get3A_1351 = arith.constant 0 : i32
    %get3A_1352 = arith.index_cast %get3A_1351 : i32 to index
    %get3A_1353 = arith.constant 176 : index
    %get3A_1354 = tpu.vector_load %arg6[%get3A_1352, %get3A_1353] {strides = array<i32>} : memref<1x256xf32, #tpu.memory_space<vmem>>, vector<1x16xf32>,
    %get3A_1355 = vector.shape_cast %get3A_1354 : vector<1x16xf32> to vector<16xf32>
    %mul3A_1356 = arith.constant 1.024000e+03 : f32
    %mul3A_1357 = vector.broadcast %mul3A_1356 : f32 to vector<16xf32>
    %mul3A_1358 = arith.mulf %get3A_1355, %mul3A_1357 : vector<16xf32>
    %convert_element_type3A_1359 = arith.fptosi %mul3A_1358 : vector<16xf32> to vector<16xi32>
    %jit3A_1360 = arith.constant 0 : i32
    %jit3A_1361 = arith.constant 1023 : i32
    %max3A_1362 = vector.broadcast %jit3A_1360 : i32 to vector<16xi32>
    %max3A_1363 = arith.maxsi %max3A_1362, %convert_element_type3A_1359 : vector<16xi32>
    %min3A_1364 = vector.broadcast %jit3A_1361 : i32 to vector<16xi32>
    %min3A_1365 = arith.minsi %min3A_1364, %max3A_1363 : vector<16xi32>
    %swap3A_1366 = arith.constant 176 : index
    %swap3A_1367 = tpu.vector_load %arg9[%swap3A_1366] {strides = array<i32>} : memref<256xi32, #tpu.memory_space<vmem>>, vector<16xi32>,
    %swap3A_1368 = vector.shape_cast %swap3A_1367 : vector<16xi32> to vector<16xi32>
    %swap3A_1369 = vector.shape_cast %min3A_1365 : vector<16xi32> to vector<16xi32>
    tpu.vector_store %arg9[%swap3A_1366], %swap3A_1369 {strides = array<i32>} : memref<256xi32, #tpu.memory_space<vmem>>, vector<16xi32>,
    %get3A_1370 = arith.constant 0 : i32
    %get3A_1371 = arith.index_cast %get3A_1370 : i32 to index
    %get3A_1372 = arith.constant 192 : index
    %get3A_1373 = tpu.vector_load %arg6[%get3A_1371, %get3A_1372] {strides = array<i32>} : memref<1x256xf32, #tpu.memory_space<vmem>>, vector<1x16xf32>,
    %get3A_1374 = vector.shape_cast %get3A_1373 : vector<1x16xf32> to vector<16xf32>
    %mul3A_1375 = arith.constant 1.024000e+03 : f32
    %mul3A_1376 = vector.broadcast %mul3A_1375 : f32 to vector<16xf32>
    %mul3A_1377 = arith.mulf %get3A_1374, %mul3A_1376 : vector<16xf32>
    %convert_element_type3A_1378 = arith.fptosi %mul3A_1377 : vector<16xf32> to vector<16xi32>
    %jit3A_1379 = arith.constant 0 : i32
    %jit3A_1380 = arith.constant 1023 : i32
    %max3A_1381 = vector.broadcast %jit3A_1379 : i32 to vector<16xi32>
    %max3A_1382 = arith.maxsi %max3A_1381, %convert_element_type3A_1378 : vector<16xi32>
    %min3A_1383 = vector.broadcast %jit3A_1380 : i32 to vector<16xi32>
    %min3A_1384 = arith.minsi %min3A_1383, %max3A_1382 : vector<16xi32>
    %swap3A_1385 = arith.constant 192 : index
    %swap3A_1386 = tpu.vector_load %arg9[%swap3A_1385] {strides = array<i32>} : memref<256xi32, #tpu.memory_space<vmem>>, vector<16xi32>,
    %swap3A_1387 = vector.shape_cast %swap3A_1386 : vector<16xi32> to vector<16xi32>
    %swap3A_1388 = vector.shape_cast %min3A_1384 : vector<16xi32> to vector<16xi32>
    tpu.vector_store %arg9[%swap3A_1385], %swap3A_1388 {strides = array<i32>} : memref<256xi32, #tpu.memory_space<vmem>>, vector<16xi32>,
    %get3A_1389 = arith.constant 0 : i32
    %get3A_1390 = arith.index_cast %get3A_1389 : i32 to index
    %get3A_1391 = arith.constant 208 : index
    %get3A_1392 = tpu.vector_load %arg6[%get3A_1390, %get3A_1391] {strides = array<i32>} : memref<1x256xf32, #tpu.memory_space<vmem>>, vector<1x16xf32>,
    %get3A_1393 = vector.shape_cast %get3A_1392 : vector<1x16xf32> to vector<16xf32>
    %mul3A_1394 = arith.constant 1.024000e+03 : f32
    %mul3A_1395 = vector.broadcast %mul3A_1394 : f32 to vector<16xf32>
    %mul3A_1396 = arith.mulf %get3A_1393, %mul3A_1395 : vector<16xf32>
    %convert_element_type3A_1397 = arith.fptosi %mul3A_1396 : vector<16xf32> to vector<16xi32>
    %jit3A_1398 = arith.constant 0 : i32
    %jit3A_1399 = arith.constant 1023 : i32
    %max3A_1400 = vector.broadcast %jit3A_1398 : i32 to vector<16xi32>
    %max3A_1401 = arith.maxsi %max3A_1400, %convert_element_type3A_1397 : vector<16xi32>
    %min3A_1402 = vector.broadcast %jit3A_1399 : i32 to vector<16xi32>
    %min3A_1403 = arith.minsi %min3A_1402, %max3A_1401 : vector<16xi32>
    %swap3A_1404 = arith.constant 208 : index
    %swap3A_1405 = tpu.vector_load %arg9[%swap3A_1404] {strides = array<i32>} : memref<256xi32, #tpu.memory_space<vmem>>, vector<16xi32>,
    %swap3A_1406 = vector.shape_cast %swap3A_1405 : vector<16xi32> to vector<16xi32>
    %swap3A_1407 = vector.shape_cast %min3A_1403 : vector<16xi32> to vector<16xi32>
    tpu.vector_store %arg9[%swap3A_1404], %swap3A_1407 {strides = array<i32>} : memref<256xi32, #tpu.memory_space<vmem>>, vector<16xi32>,
    %get3A_1408 = arith.constant 0 : i32
    %get3A_1409 = arith.index_cast %get3A_1408 : i32 to index
    %get3A_1410 = arith.constant 224 : index
    %get3A_1411 = tpu.vector_load %arg6[%get3A_1409, %get3A_1410] {strides = array<i32>} : memref<1x256xf32, #tpu.memory_space<vmem>>, vector<1x16xf32>,
    %get3A_1412 = vector.shape_cast %get3A_1411 : vector<1x16xf32> to vector<16xf32>
    %mul3A_1413 = arith.constant 1.024000e+03 : f32
    %mul3A_1414 = vector.broadcast %mul3A_1413 : f32 to vector<16xf32>
    %mul3A_1415 = arith.mulf %get3A_1412, %mul3A_1414 : vector<16xf32>
    %convert_element_type3A_1416 = arith.fptosi %mul3A_1415 : vector<16xf32> to vector<16xi32>
    %jit3A_1417 = arith.constant 0 : i32
    %jit3A_1418 = arith.constant 1023 : i32
    %max3A_1419 = vector.broadcast %jit3A_1417 : i32 to vector<16xi32>
    %max3A_1420 = arith.maxsi %max3A_1419, %convert_element_type3A_1416 : vector<16xi32>
    %min3A_1421 = vector.broadcast %jit3A_1418 : i32 to vector<16xi32>
    %min3A_1422 = arith.minsi %min3A_1421, %max3A_1420 : vector<16xi32>
    %swap3A_1423 = arith.constant 224 : index
    %swap3A_1424 = tpu.vector_load %arg9[%swap3A_1423] {strides = array<i32>} : memref<256xi32, #tpu.memory_space<vmem>>, vector<16xi32>,
    %swap3A_1425 = vector.shape_cast %swap3A_1424 : vector<16xi32> to vector<16xi32>
    %swap3A_1426 = vector.shape_cast %min3A_1422 : vector<16xi32> to vector<16xi32>
    tpu.vector_store %arg9[%swap3A_1423], %swap3A_1426 {strides = array<i32>} : memref<256xi32, #tpu.memory_space<vmem>>, vector<16xi32>,
    %get3A_1427 = arith.constant 0 : i32
    %get3A_1428 = arith.index_cast %get3A_1427 : i32 to index
    %get3A_1429 = arith.constant 240 : index
    %get3A_1430 = tpu.vector_load %arg6[%get3A_1428, %get3A_1429] {strides = array<i32>} : memref<1x256xf32, #tpu.memory_space<vmem>>, vector<1x16xf32>,
    %get3A_1431 = vector.shape_cast %get3A_1430 : vector<1x16xf32> to vector<16xf32>
    %mul3A_1432 = arith.constant 1.024000e+03 : f32
    %mul3A_1433 = vector.broadcast %mul3A_1432 : f32 to vector<16xf32>
    %mul3A_1434 = arith.mulf %get3A_1431, %mul3A_1433 : vector<16xf32>
    %convert_element_type3A_1435 = arith.fptosi %mul3A_1434 : vector<16xf32> to vector<16xi32>
    %jit3A_1436 = arith.constant 0 : i32
    %jit3A_1437 = arith.constant 1023 : i32
    %max3A_1438 = vector.broadcast %jit3A_1436 : i32 to vector<16xi32>
    %max3A_1439 = arith.maxsi %max3A_1438, %convert_element_type3A_1435 : vector<16xi32>
    %min3A_1440 = vector.broadcast %jit3A_1437 : i32 to vector<16xi32>
    %min3A_1441 = arith.minsi %min3A_1440, %max3A_1439 : vector<16xi32>
    %swap3A_1442 = arith.constant 240 : index
    %swap3A_1443 = tpu.vector_load %arg9[%swap3A_1442] {strides = array<i32>} : memref<256xi32, #tpu.memory_space<vmem>>, vector<16xi32>,
    %swap3A_1444 = vector.shape_cast %swap3A_1443 : vector<16xi32> to vector<16xi32>
    %swap3A_1445 = vector.shape_cast %min3A_1441 : vector<16xi32> to vector<16xi32>
    tpu.vector_store %arg9[%swap3A_1442], %swap3A_1445 {strides = array<i32>} : memref<256xi32, #tpu.memory_space<vmem>>, vector<16xi32>,
    %dma_start3A_1446 = arith.constant 0 : i32
    %dma_start3A_1447 = arith.constant 0 : i32
    %dma_start3A_1448 = tpu.memref_slice %arg12[%dma_start3A_1446, %dma_start3A_1447] : memref<256x128xf32, #tpu.memory_space<vmem>> -> memref<128x128xf32, #tpu.memory_space<vmem>>
    %dma_start3A_1449 = arith.constant 0 : i32
    %dma_start3A_1450 = tpu.memref_slice %arg9[%dma_start3A_1449] : memref<256xi32, #tpu.memory_space<vmem>> -> memref<128xi32, #tpu.memory_space<vmem>>
    %dma_start3A_1451 = arith.constant 0 : i32
    %dma_start3A_1452 = arith.constant 0 : i32
    %dma_start3A_1453 = tpu.memref_slice %arg5[%dma_start3A_1451, %dma_start3A_1452] : memref<1025x128xf32, #tpu.memory_space<vmem_shared>> -> memref<1025x128xf32, #tpu.memory_space<vmem_shared>>
    tpu.enqueue_indirect_dma source(%dma_start3A_1453 : memref<1025x128xf32, #tpu.memory_space<vmem_shared>>) target(%dma_start3A_1448 : memref<128x128xf32, #tpu.memory_space<vmem>>) offsets(%dma_start3A_1450 : memref<128xi32, #tpu.memory_space<vmem>>) semaphore(%arg18 : memref<!tpu.dma_semaphore, #tpu.memory_space<semaphore_mem>>)
    %dma_start3A_1454 = arith.constant 128 : i32
    %dma_start3A_1455 = arith.constant 0 : i32
    %dma_start3A_1456 = tpu.memref_slice %arg12[%dma_start3A_1454, %dma_start3A_1455] : memref<256x128xf32, #tpu.memory_space<vmem>> -> memref<128x128xf32, #tpu.memory_space<vmem>>
    %dma_start3A_1457 = arith.constant 128 : i32
    %dma_start3A_1458 = tpu.memref_slice %arg9[%dma_start3A_1457] : memref<256xi32, #tpu.memory_space<vmem>> -> memref<128xi32, #tpu.memory_space<vmem>>
    %dma_start3A_1459 = arith.constant 0 : i32
    %dma_start3A_1460 = arith.constant 0 : i32
    %dma_start3A_1461 = tpu.memref_slice %arg5[%dma_start3A_1459, %dma_start3A_1460] : memref<1025x128xf32, #tpu.memory_space<vmem_shared>> -> memref<1025x128xf32, #tpu.memory_space<vmem_shared>>
    tpu.enqueue_indirect_dma source(%dma_start3A_1461 : memref<1025x128xf32, #tpu.memory_space<vmem_shared>>) target(%dma_start3A_1456 : memref<128x128xf32, #tpu.memory_space<vmem>>) offsets(%dma_start3A_1458 : memref<128xi32, #tpu.memory_space<vmem>>) semaphore(%arg18 : memref<!tpu.dma_semaphore, #tpu.memory_space<semaphore_mem>>)
    %dma_wait3A_1462 = arith.constant 0 : i32
    %dma_wait3A_1463 = arith.constant 0 : i32
    %dma_wait3A_1464 = tpu.memref_slice %arg14[%dma_wait3A_1462, %dma_wait3A_1463] : memref<256x128xf32, #tpu.memory_space<vmem>> -> memref<128x128xf32, #tpu.memory_space<vmem>>
    %dma_wait3A_1465 = arith.constant 0 : i32
    %dma_wait3A_1466 = tpu.memref_slice %arg11[%dma_wait3A_1465] : memref<256xi32, #tpu.memory_space<vmem>> -> memref<128xi32, #tpu.memory_space<vmem>>
    %dma_wait3A_1467 = arith.constant 0 : i32
    %dma_wait3A_1468 = arith.constant 0 : i32
    %dma_wait3A_1469 = tpu.memref_slice %arg5[%dma_wait3A_1467, %dma_wait3A_1468] : memref<1025x128xf32, #tpu.memory_space<vmem_shared>> -> memref<1025x128xf32, #tpu.memory_space<vmem_shared>>
    tpu.wait_indirect_dma semaphore(%arg20 : memref<!tpu.dma_semaphore, #tpu.memory_space<semaphore_mem>>) src(%dma_wait3A_1469 : memref<1025x128xf32, #tpu.memory_space<vmem_shared>>) dst(%dma_wait3A_1464 : memref<128x128xf32, #tpu.memory_space<vmem>>)
    %dma_wait3A_1470 = arith.constant 128 : i32
    %dma_wait3A_1471 = arith.constant 0 : i32
    %dma_wait3A_1472 = tpu.memref_slice %arg14[%dma_wait3A_1470, %dma_wait3A_1471] : memref<256x128xf32, #tpu.memory_space<vmem>> -> memref<128x128xf32, #tpu.memory_space<vmem>>
    %dma_wait3A_1473 = arith.constant 128 : i32
    %dma_wait3A_1474 = tpu.memref_slice %arg11[%dma_wait3A_1473] : memref<256xi32, #tpu.memory_space<vmem>> -> memref<128xi32, #tpu.memory_space<vmem>>
    %dma_wait3A_1475 = arith.constant 0 : i32
    %dma_wait3A_1476 = arith.constant 0 : i32
    %dma_wait3A_1477 = tpu.memref_slice %arg5[%dma_wait3A_1475, %dma_wait3A_1476] : memref<1025x128xf32, #tpu.memory_space<vmem_shared>> -> memref<1025x128xf32, #tpu.memory_space<vmem_shared>>
    tpu.wait_indirect_dma semaphore(%arg20 : memref<!tpu.dma_semaphore, #tpu.memory_space<semaphore_mem>>) src(%dma_wait3A_1477 : memref<1025x128xf32, #tpu.memory_space<vmem_shared>>) dst(%dma_wait3A_1472 : memref<128x128xf32, #tpu.memory_space<vmem>>)
    %add3A_1478 = arith.constant 802816 : i32
    %add3A_1479 = arith.addi %add3A_1478, %mul3A_2 : i32
    %add3A_1480 = arith.constant 0 : i32
    %add3A_1481 = arith.addi %add3A_1479, %add3A_1480 : i32
    %add3A_1482 = arith.constant 0 : i32
    %add3A_1483 = arith.addi %add3A_1481, %add3A_1482 : i32
    %dma_start3A_1484 = arith.constant 0 : i32
    %dma_start3A_1485 = arith.constant 0 : i32
    %dma_start3A_1486 = tpu.memref_slice %arg14[%dma_start3A_1484, %dma_start3A_1485] : memref<256x128xf32, #tpu.memory_space<vmem>> -> memref<128x128xf32, #tpu.memory_space<vmem>>
    %dma_start3A_1487 = arith.constant 0 : i32
    %dma_start3A_1488 = tpu.memref_slice %arg4[%add3A_1483, %dma_start3A_1487] : memref<819200x128xf32, #tpu.memory_space<hbm>> -> memref<128x128xf32, #tpu.memory_space<hbm>>
    %dma_start3A_1489 = arith.constant 0 : i32
    %dma_start3A_1490 = tpu.memref_slice %arg4[%add3A_1483, %dma_start3A_1489] : memref<819200x128xf32, #tpu.memory_space<hbm>> -> memref<128x128xf32, #tpu.memory_space<hbm>>
    %dma_start3A_1491 = arith.constant 0 : i32
    %dma_start3A_1492 = arith.constant 0 : i32
    %dma_start3A_1493 = tpu.memref_slice %arg14[%dma_start3A_1491, %dma_start3A_1492] : memref<256x128xf32, #tpu.memory_space<vmem>> -> memref<128x128xf32, #tpu.memory_space<vmem>>
    tpu.enqueue_dma source(%dma_start3A_1493 : memref<128x128xf32, #tpu.memory_space<vmem>>) target(%dma_start3A_1490 : memref<128x128xf32, #tpu.memory_space<hbm>>) target_semaphore(%arg23 : memref<!tpu.dma_semaphore, #tpu.memory_space<semaphore_mem>>)
    %add3A_1494 = arith.constant 802816 : i32
    %add3A_1495 = arith.addi %add3A_1494, %mul3A_2 : i32
    %add3A_1496 = arith.constant 0 : i32
    %add3A_1497 = arith.addi %add3A_1495, %add3A_1496 : i32
    %add3A_1498 = arith.constant 128 : i32
    %add3A_1499 = arith.addi %add3A_1497, %add3A_1498 : i32
    %dma_start3A_1500 = arith.constant 128 : i32
    %dma_start3A_1501 = arith.constant 0 : i32
    %dma_start3A_1502 = tpu.memref_slice %arg14[%dma_start3A_1500, %dma_start3A_1501] : memref<256x128xf32, #tpu.memory_space<vmem>> -> memref<128x128xf32, #tpu.memory_space<vmem>>
    %dma_start3A_1503 = arith.constant 0 : i32
    %dma_start3A_1504 = tpu.memref_slice %arg4[%add3A_1499, %dma_start3A_1503] : memref<819200x128xf32, #tpu.memory_space<hbm>> -> memref<128x128xf32, #tpu.memory_space<hbm>>
    %dma_start3A_1505 = arith.constant 0 : i32
    %dma_start3A_1506 = tpu.memref_slice %arg4[%add3A_1499, %dma_start3A_1505] : memref<819200x128xf32, #tpu.memory_space<hbm>> -> memref<128x128xf32, #tpu.memory_space<hbm>>
    %dma_start3A_1507 = arith.constant 128 : i32
    %dma_start3A_1508 = arith.constant 0 : i32
    %dma_start3A_1509 = tpu.memref_slice %arg14[%dma_start3A_1507, %dma_start3A_1508] : memref<256x128xf32, #tpu.memory_space<vmem>> -> memref<128x128xf32, #tpu.memory_space<vmem>>
    tpu.enqueue_dma source(%dma_start3A_1509 : memref<128x128xf32, #tpu.memory_space<vmem>>) target(%dma_start3A_1506 : memref<128x128xf32, #tpu.memory_space<hbm>>) target_semaphore(%arg23 : memref<!tpu.dma_semaphore, #tpu.memory_space<semaphore_mem>>)
    %add3A_1510 = arith.constant 786432 : i32
    %add3A_1511 = arith.addi %add3A_1510, %mul3A_2 : i32
    %add3A_1512 = arith.constant 256 : i32
    %add3A_1513 = arith.addi %add3A_1511, %add3A_1512 : i32
    %add3A_1514 = arith.constant 0 : i32
    %add3A_1515 = arith.addi %add3A_1513, %add3A_1514 : i32
    %dma_wait3A_1516 = arith.constant 0 : i32
    %dma_wait3A_1517 = arith.constant 0 : i32
    %dma_wait3A_1518 = tpu.memref_slice %arg13[%dma_wait3A_1516, %dma_wait3A_1517] : memref<256x128xf32, #tpu.memory_space<vmem>> -> memref<128x128xf32, #tpu.memory_space<vmem>>
    %dma_wait3A_1519 = arith.constant 0 : i32
    %dma_wait3A_1520 = tpu.memref_slice %arg4[%add3A_1515, %dma_wait3A_1519] : memref<819200x128xf32, #tpu.memory_space<hbm>> -> memref<128x128xf32, #tpu.memory_space<hbm>>
    %dma_wait3A_1521 = arith.constant 0 : i32
    %dma_wait3A_1522 = tpu.memref_slice %arg4[%add3A_1515, %dma_wait3A_1521] : memref<819200x128xf32, #tpu.memory_space<hbm>> -> memref<128x128xf32, #tpu.memory_space<hbm>>
    %dma_wait3A_1523 = arith.constant 0 : i32
    %dma_wait3A_1524 = arith.constant 0 : i32
    %dma_wait3A_1525 = tpu.memref_slice %arg13[%dma_wait3A_1523, %dma_wait3A_1524] : memref<256x128xf32, #tpu.memory_space<vmem>> -> memref<128x128xf32, #tpu.memory_space<vmem>>
    tpu.wait_dma2 semaphore(%arg22 : memref<!tpu.dma_semaphore, #tpu.memory_space<semaphore_mem>>) src(%dma_wait3A_1525 : memref<128x128xf32, #tpu.memory_space<vmem>>) dst(%dma_wait3A_1522 : memref<128x128xf32, #tpu.memory_space<hbm>>)
    %add3A_1526 = arith.constant 786432 : i32
    %add3A_1527 = arith.addi %add3A_1526, %mul3A_2 : i32
    %add3A_1528 = arith.constant 256 : i32
    %add3A_1529 = arith.addi %add3A_1527, %add3A_1528 : i32
    %add3A_1530 = arith.constant 128 : i32
    %add3A_1531 = arith.addi %add3A_1529, %add3A_1530 : i32
    %dma_wait3A_1532 = arith.constant 128 : i32
    %dma_wait3A_1533 = arith.constant 0 : i32
    %dma_wait3A_1534 = tpu.memref_slice %arg13[%dma_wait3A_1532, %dma_wait3A_1533] : memref<256x128xf32, #tpu.memory_space<vmem>> -> memref<128x128xf32, #tpu.memory_space<vmem>>
    %dma_wait3A_1535 = arith.constant 0 : i32
    %dma_wait3A_1536 = tpu.memref_slice %arg4[%add3A_1531, %dma_wait3A_1535] : memref<819200x128xf32, #tpu.memory_space<hbm>> -> memref<128x128xf32, #tpu.memory_space<hbm>>
    %dma_wait3A_1537 = arith.constant 0 : i32
    %dma_wait3A_1538 = tpu.memref_slice %arg4[%add3A_1531, %dma_wait3A_1537] : memref<819200x128xf32, #tpu.memory_space<hbm>> -> memref<128x128xf32, #tpu.memory_space<hbm>>
    %dma_wait3A_1539 = arith.constant 128 : i32
    %dma_wait3A_1540 = arith.constant 0 : i32
    %dma_wait3A_1541 = tpu.memref_slice %arg13[%dma_wait3A_1539, %dma_wait3A_1540] : memref<256x128xf32, #tpu.memory_space<vmem>> -> memref<128x128xf32, #tpu.memory_space<vmem>>
    tpu.wait_dma2 semaphore(%arg22 : memref<!tpu.dma_semaphore, #tpu.memory_space<semaphore_mem>>) src(%dma_wait3A_1541 : memref<128x128xf32, #tpu.memory_space<vmem>>) dst(%dma_wait3A_1538 : memref<128x128xf32, #tpu.memory_space<hbm>>)
    %dma_wait3A_1542 = arith.constant 0 : i32
    %dma_wait3A_1543 = arith.constant 0 : i32
    %dma_wait3A_1544 = tpu.memref_slice %arg12[%dma_wait3A_1542, %dma_wait3A_1543] : memref<256x128xf32, #tpu.memory_space<vmem>> -> memref<128x128xf32, #tpu.memory_space<vmem>>
    %dma_wait3A_1545 = arith.constant 0 : i32
    %dma_wait3A_1546 = tpu.memref_slice %arg9[%dma_wait3A_1545] : memref<256xi32, #tpu.memory_space<vmem>> -> memref<128xi32, #tpu.memory_space<vmem>>
    %dma_wait3A_1547 = arith.constant 0 : i32
    %dma_wait3A_1548 = arith.constant 0 : i32
    %dma_wait3A_1549 = tpu.memref_slice %arg5[%dma_wait3A_1547, %dma_wait3A_1548] : memref<1025x128xf32, #tpu.memory_space<vmem_shared>> -> memref<1025x128xf32, #tpu.memory_space<vmem_shared>>
    tpu.wait_indirect_dma semaphore(%arg18 : memref<!tpu.dma_semaphore, #tpu.memory_space<semaphore_mem>>) src(%dma_wait3A_1549 : memref<1025x128xf32, #tpu.memory_space<vmem_shared>>) dst(%dma_wait3A_1544 : memref<128x128xf32, #tpu.memory_space<vmem>>)
    %dma_wait3A_1550 = arith.constant 128 : i32
    %dma_wait3A_1551 = arith.constant 0 : i32
    %dma_wait3A_1552 = tpu.memref_slice %arg12[%dma_wait3A_1550, %dma_wait3A_1551] : memref<256x128xf32, #tpu.memory_space<vmem>> -> memref<128x128xf32, #tpu.memory_space<vmem>>
    %dma_wait3A_1553 = arith.constant 128 : i32
    %dma_wait3A_1554 = tpu.memref_slice %arg9[%dma_wait3A_1553] : memref<256xi32, #tpu.memory_space<vmem>> -> memref<128xi32, #tpu.memory_space<vmem>>
    %dma_wait3A_1555 = arith.constant 0 : i32
    %dma_wait3A_1556 = arith.constant 0 : i32
    %dma_wait3A_1557 = tpu.memref_slice %arg5[%dma_wait3A_1555, %dma_wait3A_1556] : memref<1025x128xf32, #tpu.memory_space<vmem_shared>> -> memref<1025x128xf32, #tpu.memory_space<vmem_shared>>
    tpu.wait_indirect_dma semaphore(%arg18 : memref<!tpu.dma_semaphore, #tpu.memory_space<semaphore_mem>>) src(%dma_wait3A_1557 : memref<1025x128xf32, #tpu.memory_space<vmem_shared>>) dst(%dma_wait3A_1552 : memref<128x128xf32, #tpu.memory_space<vmem>>)
    %add3A_1558 = arith.constant 802816 : i32
    %add3A_1559 = arith.addi %add3A_1558, %mul3A_2 : i32
    %add3A_1560 = arith.constant 256 : i32
    %add3A_1561 = arith.addi %add3A_1559, %add3A_1560 : i32
    %add3A_1562 = arith.constant 0 : i32
    %add3A_1563 = arith.addi %add3A_1561, %add3A_1562 : i32
    %dma_start3A_1564 = arith.constant 0 : i32
    %dma_start3A_1565 = arith.constant 0 : i32
    %dma_start3A_1566 = tpu.memref_slice %arg12[%dma_start3A_1564, %dma_start3A_1565] : memref<256x128xf32, #tpu.memory_space<vmem>> -> memref<128x128xf32, #tpu.memory_space<vmem>>
    %dma_start3A_1567 = arith.constant 0 : i32
    %dma_start3A_1568 = tpu.memref_slice %arg4[%add3A_1563, %dma_start3A_1567] : memref<819200x128xf32, #tpu.memory_space<hbm>> -> memref<128x128xf32, #tpu.memory_space<hbm>>
    %dma_start3A_1569 = arith.constant 0 : i32
    %dma_start3A_1570 = tpu.memref_slice %arg4[%add3A_1563, %dma_start3A_1569] : memref<819200x128xf32, #tpu.memory_space<hbm>> -> memref<128x128xf32, #tpu.memory_space<hbm>>
    %dma_start3A_1571 = arith.constant 0 : i32
    %dma_start3A_1572 = arith.constant 0 : i32
    %dma_start3A_1573 = tpu.memref_slice %arg12[%dma_start3A_1571, %dma_start3A_1572] : memref<256x128xf32, #tpu.memory_space<vmem>> -> memref<128x128xf32, #tpu.memory_space<vmem>>
    tpu.enqueue_dma source(%dma_start3A_1573 : memref<128x128xf32, #tpu.memory_space<vmem>>) target(%dma_start3A_1570 : memref<128x128xf32, #tpu.memory_space<hbm>>) target_semaphore(%arg21 : memref<!tpu.dma_semaphore, #tpu.memory_space<semaphore_mem>>)
    %add3A_1574 = arith.constant 802816 : i32
    %add3A_1575 = arith.addi %add3A_1574, %mul3A_2 : i32
    %add3A_1576 = arith.constant 256 : i32
    %add3A_1577 = arith.addi %add3A_1575, %add3A_1576 : i32
    %add3A_1578 = arith.constant 128 : i32
    %add3A_1579 = arith.addi %add3A_1577, %add3A_1578 : i32
    %dma_start3A_1580 = arith.constant 128 : i32
    %dma_start3A_1581 = arith.constant 0 : i32
    %dma_start3A_1582 = tpu.memref_slice %arg12[%dma_start3A_1580, %dma_start3A_1581] : memref<256x128xf32, #tpu.memory_space<vmem>> -> memref<128x128xf32, #tpu.memory_space<vmem>>
    %dma_start3A_1583 = arith.constant 0 : i32
    %dma_start3A_1584 = tpu.memref_slice %arg4[%add3A_1579, %dma_start3A_1583] : memref<819200x128xf32, #tpu.memory_space<hbm>> -> memref<128x128xf32, #tpu.memory_space<hbm>>
    %dma_start3A_1585 = arith.constant 0 : i32
    %dma_start3A_1586 = tpu.memref_slice %arg4[%add3A_1579, %dma_start3A_1585] : memref<819200x128xf32, #tpu.memory_space<hbm>> -> memref<128x128xf32, #tpu.memory_space<hbm>>
    %dma_start3A_1587 = arith.constant 128 : i32
    %dma_start3A_1588 = arith.constant 0 : i32
    %dma_start3A_1589 = tpu.memref_slice %arg12[%dma_start3A_1587, %dma_start3A_1588] : memref<256x128xf32, #tpu.memory_space<vmem>> -> memref<128x128xf32, #tpu.memory_space<vmem>>
    tpu.enqueue_dma source(%dma_start3A_1589 : memref<128x128xf32, #tpu.memory_space<vmem>>) target(%dma_start3A_1586 : memref<128x128xf32, #tpu.memory_space<hbm>>) target_semaphore(%arg21 : memref<!tpu.dma_semaphore, #tpu.memory_space<semaphore_mem>>)
    %add3A_1590 = arith.constant 802816 : i32
    %add3A_1591 = arith.addi %add3A_1590, %mul3A_2 : i32
    %add3A_1592 = arith.constant 0 : i32
    %add3A_1593 = arith.addi %add3A_1591, %add3A_1592 : i32
    %add3A_1594 = arith.constant 0 : i32
    %add3A_1595 = arith.addi %add3A_1593, %add3A_1594 : i32
    %dma_wait3A_1596 = arith.constant 0 : i32
    %dma_wait3A_1597 = arith.constant 0 : i32
    %dma_wait3A_1598 = tpu.memref_slice %arg14[%dma_wait3A_1596, %dma_wait3A_1597] : memref<256x128xf32, #tpu.memory_space<vmem>> -> memref<128x128xf32, #tpu.memory_space<vmem>>
    %dma_wait3A_1599 = arith.constant 0 : i32
    %dma_wait3A_1600 = tpu.memref_slice %arg4[%add3A_1595, %dma_wait3A_1599] : memref<819200x128xf32, #tpu.memory_space<hbm>> -> memref<128x128xf32, #tpu.memory_space<hbm>>
    %dma_wait3A_1601 = arith.constant 0 : i32
    %dma_wait3A_1602 = tpu.memref_slice %arg4[%add3A_1595, %dma_wait3A_1601] : memref<819200x128xf32, #tpu.memory_space<hbm>> -> memref<128x128xf32, #tpu.memory_space<hbm>>
    %dma_wait3A_1603 = arith.constant 0 : i32
    %dma_wait3A_1604 = arith.constant 0 : i32
    %dma_wait3A_1605 = tpu.memref_slice %arg14[%dma_wait3A_1603, %dma_wait3A_1604] : memref<256x128xf32, #tpu.memory_space<vmem>> -> memref<128x128xf32, #tpu.memory_space<vmem>>
    tpu.wait_dma2 semaphore(%arg23 : memref<!tpu.dma_semaphore, #tpu.memory_space<semaphore_mem>>) src(%dma_wait3A_1605 : memref<128x128xf32, #tpu.memory_space<vmem>>) dst(%dma_wait3A_1602 : memref<128x128xf32, #tpu.memory_space<hbm>>)
    %add3A_1606 = arith.constant 802816 : i32
    %add3A_1607 = arith.addi %add3A_1606, %mul3A_2 : i32
    %add3A_1608 = arith.constant 0 : i32
    %add3A_1609 = arith.addi %add3A_1607, %add3A_1608 : i32
    %add3A_1610 = arith.constant 128 : i32
    %add3A_1611 = arith.addi %add3A_1609, %add3A_1610 : i32
    %dma_wait3A_1612 = arith.constant 128 : i32
    %dma_wait3A_1613 = arith.constant 0 : i32
    %dma_wait3A_1614 = tpu.memref_slice %arg14[%dma_wait3A_1612, %dma_wait3A_1613] : memref<256x128xf32, #tpu.memory_space<vmem>> -> memref<128x128xf32, #tpu.memory_space<vmem>>
    %dma_wait3A_1615 = arith.constant 0 : i32
    %dma_wait3A_1616 = tpu.memref_slice %arg4[%add3A_1611, %dma_wait3A_1615] : memref<819200x128xf32, #tpu.memory_space<hbm>> -> memref<128x128xf32, #tpu.memory_space<hbm>>
    %dma_wait3A_1617 = arith.constant 0 : i32
    %dma_wait3A_1618 = tpu.memref_slice %arg4[%add3A_1611, %dma_wait3A_1617] : memref<819200x128xf32, #tpu.memory_space<hbm>> -> memref<128x128xf32, #tpu.memory_space<hbm>>
    %dma_wait3A_1619 = arith.constant 128 : i32
    %dma_wait3A_1620 = arith.constant 0 : i32
    %dma_wait3A_1621 = tpu.memref_slice %arg14[%dma_wait3A_1619, %dma_wait3A_1620] : memref<256x128xf32, #tpu.memory_space<vmem>> -> memref<128x128xf32, #tpu.memory_space<vmem>>
    tpu.wait_dma2 semaphore(%arg23 : memref<!tpu.dma_semaphore, #tpu.memory_space<semaphore_mem>>) src(%dma_wait3A_1621 : memref<128x128xf32, #tpu.memory_space<vmem>>) dst(%dma_wait3A_1618 : memref<128x128xf32, #tpu.memory_space<hbm>>)
    %add3A_1622 = arith.constant 802816 : i32
    %add3A_1623 = arith.addi %add3A_1622, %mul3A_2 : i32
    %add3A_1624 = arith.constant 256 : i32
    %add3A_1625 = arith.addi %add3A_1623, %add3A_1624 : i32
    %add3A_1626 = arith.constant 0 : i32
    %add3A_1627 = arith.addi %add3A_1625, %add3A_1626 : i32
    %dma_wait3A_1628 = arith.constant 0 : i32
    %dma_wait3A_1629 = arith.constant 0 : i32
    %dma_wait3A_1630 = tpu.memref_slice %arg12[%dma_wait3A_1628, %dma_wait3A_1629] : memref<256x128xf32, #tpu.memory_space<vmem>> -> memref<128x128xf32, #tpu.memory_space<vmem>>
    %dma_wait3A_1631 = arith.constant 0 : i32
    %dma_wait3A_1632 = tpu.memref_slice %arg4[%add3A_1627, %dma_wait3A_1631] : memref<819200x128xf32, #tpu.memory_space<hbm>> -> memref<128x128xf32, #tpu.memory_space<hbm>>
    %dma_wait3A_1633 = arith.constant 0 : i32
    %dma_wait3A_1634 = tpu.memref_slice %arg4[%add3A_1627, %dma_wait3A_1633] : memref<819200x128xf32, #tpu.memory_space<hbm>> -> memref<128x128xf32, #tpu.memory_space<hbm>>
    %dma_wait3A_1635 = arith.constant 0 : i32
    %dma_wait3A_1636 = arith.constant 0 : i32
    %dma_wait3A_1637 = tpu.memref_slice %arg12[%dma_wait3A_1635, %dma_wait3A_1636] : memref<256x128xf32, #tpu.memory_space<vmem>> -> memref<128x128xf32, #tpu.memory_space<vmem>>
    tpu.wait_dma2 semaphore(%arg21 : memref<!tpu.dma_semaphore, #tpu.memory_space<semaphore_mem>>) src(%dma_wait3A_1637 : memref<128x128xf32, #tpu.memory_space<vmem>>) dst(%dma_wait3A_1634 : memref<128x128xf32, #tpu.memory_space<hbm>>)
    %add3A_1638 = arith.constant 802816 : i32
    %add3A_1639 = arith.addi %add3A_1638, %mul3A_2 : i32
    %add3A_1640 = arith.constant 256 : i32
    %add3A_1641 = arith.addi %add3A_1639, %add3A_1640 : i32
    %add3A_1642 = arith.constant 128 : i32
    %add3A_1643 = arith.addi %add3A_1641, %add3A_1642 : i32
    %dma_wait3A_1644 = arith.constant 128 : i32
    %dma_wait3A_1645 = arith.constant 0 : i32
    %dma_wait3A_1646 = tpu.memref_slice %arg12[%dma_wait3A_1644, %dma_wait3A_1645] : memref<256x128xf32, #tpu.memory_space<vmem>> -> memref<128x128xf32, #tpu.memory_space<vmem>>
    %dma_wait3A_1647 = arith.constant 0 : i32
    %dma_wait3A_1648 = tpu.memref_slice %arg4[%add3A_1643, %dma_wait3A_1647] : memref<819200x128xf32, #tpu.memory_space<hbm>> -> memref<128x128xf32, #tpu.memory_space<hbm>>
    %dma_wait3A_1649 = arith.constant 0 : i32
    %dma_wait3A_1650 = tpu.memref_slice %arg4[%add3A_1643, %dma_wait3A_1649] : memref<819200x128xf32, #tpu.memory_space<hbm>> -> memref<128x128xf32, #tpu.memory_space<hbm>>
    %dma_wait3A_1651 = arith.constant 128 : i32
    %dma_wait3A_1652 = arith.constant 0 : i32
    %dma_wait3A_1653 = tpu.memref_slice %arg12[%dma_wait3A_1651, %dma_wait3A_1652] : memref<256x128xf32, #tpu.memory_space<vmem>> -> memref<128x128xf32, #tpu.memory_space<vmem>>
    tpu.wait_dma2 semaphore(%arg21 : memref<!tpu.dma_semaphore, #tpu.memory_space<semaphore_mem>>) src(%dma_wait3A_1653 : memref<128x128xf32, #tpu.memory_space<vmem>>) dst(%dma_wait3A_1650 : memref<128x128xf32, #tpu.memory_space<hbm>>)
    return
  }
}

</mosaic_0001>

<sc_bundles>
// kernel: kernel.3.cloned.1.call-start
scs
__scs_entry_jumppad:
0x0: {  	(pc) =	sbr.rel $0x88, $3  }
0x1: {  	(tag) =	ssettag $0x0;
	lr =	simm.s32 $0x1  }
0x2: {  	[smem:$0x3F9F] =	sst lr;
	_ =	strace $0xD0000000  }
0x3: {  	_ = 	snop  }
0x4: {  	_ = 	snop  }
0x5: {  	_ = 	snop  }
0x6: {  	_ = 	snop  }
0x7: {  	_ = 	snop  }
__scs_overlays_trampoline_lowered:
0x8: {  	[smem:$0x3FAE] =	sst s0  }
0x9: {  	[smem:$0x3FAF] =	sst s1  }
0xa: {  	[smem:$0x3FB0] =	sst s2  }
0xb: {  	[smem:$0x3FB1] =	sst s3  }
0xc: {  	[smem:$0x3FB2] =	sst s4  }
0xd: {  	[smem:$0x3FB3] =	sst s5  }
0xe: {  	[smem:$0x3FB4] =	sst s6  }
0xf: {  	[smem:$0x3FB5] =	sst s7  }
0x10: {  	[smem:$0x3FB6] =	sst s8  }
0x11: {  	[smem:$0x3FB7] =	sst s9;
	s0 =	simm.s32 @!p0 $0x0  }
0x12: {  	s1 =	sld [smem:$0x3F9D];
	s0 =	simm.s32 @p0 $0x1  }
0x13: {  	[smem:$0x3FB8] =	sst s0;
	s0 =	simm.s32 @!p1 $0x0  }
0x14: {  	s2 =	sld [smem:$0x3F9C];
	s0 =	simm.s32 @p1 $0x1  }
0x15: {  	[smem:$0x3FB9] =	sst s0;
	s0 =	simm.s32 @!p2 $0x0  }
0x16: {  	s3 =	sld [smem:$0x3FDB];
	s0 =	simm.s32 @p2 $0x1  }
0x17: {  	s4 =	simm.s32 $0x1BF5;
	[smem:$0x3FBB] =	sst s0  }
0x18: {  	s0 =	sld [smem:$0x3F9E];
	_ =	swait.ge [sflag:s4], $0x0  }
0x19: {  	s7 =	sld [smem:$0x3F9F]  }
0x1a: {  	s8 =	sadd.s32 $0xFFFFE003, lr  }
0x1b: {  	s9 =	sadd.s32 $0xFFFFFEF7, lr;
	s5 =	simm.s32 $0xFFFFFFFF;
	p2 =	slt.u32 s8, $0xFFFFF086  }
0x1c: {  	p1 =	slt.u32 s9, $0xF7A;
	s5 =	simm.s32 @!p2 $0x0  }
0x1d: {  	s5 =	simm.s32 @p1 $0x1;
	p0 =	seq.s32 s7, s2  }
0x1e: {  	s7 =	smul.u32 @!p0 $0xF7A, s2;
	p2 =	seq.s32 @!p0 s5, $0x0  }
0x1f: {  	s9 =	smul.u32 $0xF7A, s1;
	s8 =	simm.s32 @!p0 $0x1BF5;
	p2 =	por !p2, p0  }
0x20: {  	[sflag:s8] =	ssyncset.s32 @!p0 $0xFFFFF086;
	s6 =	sadd.s32 @!p0 s3, s7;
	s7 =	simm.s32 @!p0 $0x108  }
0x21: {  	s3 =	sadd.s32 s3, s9;
	s6 =	sadd.s32 @!p0 $0x88, s6;
	s7 =	simm.s32 @p2 $0x1082  }
0x22: {  	[simem:s7], [sflag:s8] =	dma.local @!p0 [hbm:s6], $0xF7A  }
0x23: {  	s9 =	sor.u32 $0xD0000000, s2;
	s6 =	simm.s32 $0x108;
	_ =	swait.ge @!p0 [sflag:s8], $0x0  }
0x24: {  	s3 =	sadd.s32 $0x88, s3;
	s6 =	simm.s32 @!p1 $0x1082;
	[sflag:s4] =	ssyncset.s32 $0xFFFFF086  }
0x25: {  	[simem:s6], [sflag:s4] =	dma.local [hbm:s3], $0xF7A  }
0x26: {  	[smem:$0x3F9F] =	sst s1;
	(tag) =	ssettag s2;
	_ =	strace s9  }
0x27: {  	s1 =	sld [smem:$0x3FAF]  }
0x28: {  	s2 =	sld [smem:$0x3FB0]  }
0x29: {  	s4 =	sld [smem:$0x3FB2]  }
0x2a: {  	p0 =	seq.s32 s5, $0x0;
	s5 =	sld [smem:$0x3FB3]  }
0x2b: {  	s6 =	sld [smem:$0x3FB4]  }
0x2c: {  	s7 =	sld [smem:$0x3FB5]  }
0x2d: {  	s3 =	simm.s32 $0x108;
	s8 =	sld [smem:$0x3FB6]  }
0x2e: {  	s3 =	simm.s32 @!p0 $0x1082;
	s9 =	sld [smem:$0x3FB7]  }
0x2f: {  	lr =	sadd.s32 s0, s3;
	s0 =	sld [smem:$0x3FAE]  }
0x30: {  	s3 =	sld [smem:$0x3FB1]  }
0x31: {  	[smem:$0x3FBA] =	sst s10  }
0x32: {  	s10 =	sld [smem:$0x3FB8];
	_ =	sdelay $0x3  }
0x33: {  	p0 =	seq.s32 s10, $0x1;
	s10 =	sld [smem:$0x3FBA];
	_ =	sdelay $0x3  }
0x34: {  	[smem:$0x3FBA] =	sst s10  }
0x35: {  	s10 =	sld [smem:$0x3FB9];
	_ =	sdelay $0x3  }
0x36: {  	p1 =	seq.s32 s10, $0x1;
	s10 =	sld [smem:$0x3FBA];
	_ =	sdelay $0x3  }
0x37: {  	[smem:$0x3FBA] =	sst s10  }
0x38: {  	s10 =	sld [smem:$0x3FBB]  }
0x39: {  	_ = 	snop;
	(pc) =	sbr.ind lr, $3  }
0x3a: {  	_ = 	snop  }
0x3b: {  	_ = 	snop  }
0x3c: {  	p2 =	seq.s32 s10, $0x1;
	s10 =	sld [smem:$0x3FBA]  }
0x3d: {  	_ =	shalt  }
0x3e: {  	_ =	shalt  }
0x3f: {  	_ =	shalt  }
0x40: {  	_ =	shalt  }
0x41: {  	_ =	shalt  }
0x42: {  	_ =	shalt  }
0x43: {  	_ =	shalt  }
0x44: {  	_ =	shalt  }
0x45: {  	_ =	shalt  }
0x46: {  	_ =	shalt  }
0x47: {  	_ =	shalt  }
0x48: {  	_ =	shalt  }
0x49: {  	_ =	shalt  }
0x4a: {  	_ =	shalt  }
0x4b: {  	_ =	shalt  }
0x4c: {  	_ =	shalt  }
0x4d: {  	_ =	shalt  }
0x4e: {  	_ =	shalt  }
0x4f: {  	_ =	shalt  }
0x50: {  	_ =	shalt  }
0x51: {  	_ =	shalt  }
0x52: {  	_ =	shalt  }
0x53: {  	_ =	shalt  }
0x54: {  	_ =	shalt  }
0x55: {  	_ =	shalt  }
0x56: {  	_ =	shalt  }
0x57: {  	_ =	shalt  }
0x58: {  	_ =	shalt  }
0x59: {  	_ =	shalt  }
0x5a: {  	_ =	shalt  }
0x5b: {  	_ =	shalt  }
0x5c: {  	_ =	shalt  }
0x5d: {  	_ =	shalt  }
0x5e: {  	_ =	shalt  }
0x5f: {  	_ =	shalt  }
0x60: {  	_ =	shalt  }
0x61: {  	_ =	shalt  }
0x62: {  	_ =	shalt  }
0x63: {  	_ =	shalt  }
0x64: {  	_ =	shalt  }
0x65: {  	_ =	shalt  }
0x66: {  	_ =	shalt  }
0x67: {  	_ =	shalt  }
0x68: {  	_ =	shalt  }
0x69: {  	_ =	shalt  }
0x6a: {  	_ =	shalt  }
0x6b: {  	_ =	shalt  }
0x6c: {  	_ =	shalt  }
0x6d: {  	_ =	shalt  }
0x6e: {  	_ =	shalt  }
0x6f: {  	_ =	shalt  }
0x70: {  	_ =	shalt  }
0x71: {  	_ =	shalt  }
0x72: {  	_ =	shalt  }
0x73: {  	_ =	shalt  }
0x74: {  	_ =	shalt  }
0x75: {  	_ =	shalt  }
0x76: {  	_ =	shalt  }
0x77: {  	_ =	shalt  }
0x78: {  	_ =	shalt  }
0x79: {  	_ =	shalt  }
0x7a: {  	_ =	shalt  }
0x7b: {  	_ =	shalt  }
0x7c: {  	_ =	shalt  }
0x7d: {  	_ =	shalt  }
0x7e: {  	_ =	shalt  }
0x7f: {  	_ =	shalt  }
0x80: {  	_ =	shalt  }
0x81: {  	_ =	shalt  }
0x82: {  	_ =	shalt  }
0x83: {  	_ =	shalt  }
0x84: {  	_ =	shalt  }
0x85: {  	_ =	shalt  }
0x86: {  	_ =	shalt  }
0x87: {  	_ =	shalt  }
.Lfunc_end0:
.L_simem_size_0:
called_computation_lowered:
.L_overlay_start_0:
0x88: {  	s2 =	sld [smem:$0x3FD9]  }
0x89: {  	s3 =	sld [smem:$0x3FFE];
	_ =	sdelay $0x1  }
0x8a: {  	s1 =	srdreg.scid  }
0x8b: {  	s0 =	sand.u32 $0x1, s1  }
0x8c: {  	s18 =	sshll.u32 s0, $0xA;
	s2 =	sadd.s32 s3, s2  }
0x8d: {  	s2 =	sadd.s32 s2, s18  }
0x8e: {  	[smem:$0x3FC6] =	sst s2  }
0x8f: {  	_ = 	snop  }
0x90: {  	s2 =	sld [smem:$0x3FC9]  }
0x91: {  	s19 =	sld [smem:$0x3FC8]  }
0x92: {  	s4 =	sld [smem:$0x3FD0];
	(tm) =	ssettm $0x1  }
0x93: {  	s5 =	sld [smem:$0x3FFB];
	_ =	sdelay $0x3  }
0x94: {  	_ =	strace s5  }
0x95: {  	s5 =	sld [smem:$0x3FFC];
	_ =	sdelay $0x3  }
0x96: {  	_ =	strace s5  }
0x97: {  	s5 =	sld [smem:$0x3FFD];
	_ =	sdelay $0x3  }
0x98: {  	_ =	strace s5  }
0x99: {  	_ =	strace $0x8FFFFFFF  }
0x9a: {  	s20 =	sld [smem:$0x3FDB];
	_ =	sdelay $0x1  }
0x9b: {  	s6 =	simm.s32 $_scs_section_size  }
0x9c: {  	s7 =	simm.s32 $_size__tile_overlayer_lowered;
	s8 =	simm.s32 $_tile_overlayer_lowered  }
0x9d: {  	s23 =	simm.s32 $0x1BFF;
	s22 =	sshll.u32 s8, $0x1;
	s5 =	sadd.s32 s6, s20  }
0x9e: {  	s9 =	simm.s32 $0x0;
	s21 =	sshll.u32 s7, $0x1;
	s7 =	sadd.s32 s22, s5  }
0x9f: {  	[timem:s9], [sflag:s23] =	dma.local [hbm:s7], s21  }
0xa0: {  	_ =	swait.ge [sflag:s23], s21  }
0xa1: {  	s6 =	ssub.s32 $0x0, s21;
	[sflag:s23] =	ssyncset.done $0x0  }
0xa2: {  	[sflag:s23] =	ssyncadd.s32 s6;
	_ =	sdelay $0x1  }
0xa3: {  	s24 =	simm.s32 $0x1B8B  }
0xa4: {  	_ =	swait.ge [sflag:s24], $0x1  }
0xa5: {  	[sflag:s24] =	ssyncset.done $0x0  }
0xa6: {  	s25 =	simm.s32 $0x1B8E;
	[sflag:s24] =	ssyncadd.s32 $0xFFFFFFFF  }
0xa7: {  	s26 =	simm.s32 $execute0_lowered;
	[smem:$0x3FD2] =	sst s25  }
0xa8: {  	s6 =	sshll.u32 s26, $0x1;
	_ =	strace $0x80000046;
	[dreg:$0x1] =	wrdreg $0xFFFFFFFF  }
0xa9: {  	s28 =	simm.s32 $_size_execute0_lowered;
	s5 =	sadd.s32 s5, s6;
	[dreg:$0x0] =	wrdreg $0x0  }
0xaa: {  	s6 =	sshll.u32 s28, $0x1;
	[dreg:$0x2] =	wrdreg s5  }
0xab: {  	[dreg:$0x3] =	wrdreg s6  }
0xac: {  	[dreg:$0x4] =	wrdreg $0xC0  }
0xad: {  	_ =	task [dreg:s9], $0x5FFFF  }
0xae: {  	[dreg:$0x1] =	wrdreg $0xFFFFFFFF  }
0xaf: {  	[dreg:$0x0] =	wrdreg $0x60  }
0xb0: {  	[dreg:$0x2] =	wrdreg s2  }
0xb1: {  	[dreg:$0x3] =	wrdreg s19  }
0xb2: {  	[dreg:$0x4] =	wrdreg s4  }
0xb3: {  	[dreg:$0x5] =	wrdreg $0x0  }
0xb4: {  	[dreg:$0x6] =	wrdreg $0x9  }
0xb5: {  	_ =	task.clear_ibuf [dreg:s9], $0x7FFFF;
	_ =	strace $0x90000046  }
0xb6: {  	s29 =	simm.s32 $0x9;
	_ =	strace $0x80000048  }
0xb7: {  	_ =	swait.ge [sflag:s29], $0x1  }
0xb8: {  	[sflag:s29] =	ssyncadd.s32 $0xFFFFFFFF  }
0xb9: {  	_ =	strace $0x90000048  }
0xba: {  	_ =	sfence  }
0xbb: {  	s30 =	sld [smem:$0x0];
	_ =	sdelay $0x2  }
0xbc: {  	s31 =	sshll.u32 s1, $0xD;
	s1 =	sshrl.u32 s1, $0x2  }
0xbd: {  	s3 =	sand.u32 $0x4000, s31;
	s1 =	sadd.s32 s1, s30  }
0xbe: {  	s0 =	sor.u32 s3, s0;
	s1 =	sshll.u32 s1, $0x11  }
0xbf: {  	s0 =	sor.u32 s1, s0  }
0xc0: {  	s0 =	sadd.s32 $0x8F2B, s0  }
0xc1: {  	[sflag:s0] =	ssyncadd.remote.s32 $0x1  }
0xc2: {  	_ =	sfence.sel $0xFFFF  }
0xc3: {  	[dreg:$0x0] =	wrdreg $0xFFFFFFFF;
	(pc) =	sbr.abs _section_cstart, $3  }
0xc4: {  	[dreg:$0x1] =	wrdreg $0xFFFFFFFF  }
0xc5: {  	_ =	task.clear_ibuf [dreg:s9], $0x2FFFF;
	_ =	strace $0x9FFFFFFF  }
0xc6: {  	(tm) =	ssettm $0x7FFFFFFF  }
0xc7: {  	_ =	shalt  }
tec
execute0_lowered:
.L_overlay_start_1:
0x0: {  	(tag) =	ssettag $0x1  }
0x1: {  	s0 =	rddreg [dreg:$0x0]  }
0x2: {  	s5 =	rddreg [dreg:$0x1]  }
0x3: {  	s1 =	rddreg [dreg:$0x2]  }
0x4: {  	s2 =	rddreg [dreg:$0x3];
	s3 =	simm.s32 $0x0  }
0x5: {  	s4 =	srdreg.scid;
	s6 =	stileid.u32;
	s28 =	simm.s32 $0x2408  }
0x6: {  	s31 =	simm.s32 $0x12608;
	s29 =	simm.s32 $0x9;
	[smem:$0x7FF] =	sst s3  }
0x7: {  	s4 =	sand.u32 $0x1, s4;
	s9 =	sshll.u32 s6, $0xA;
	s12 =	sshll.u32 s6, $0xD  }
0x8: {  	s14 =	sshll.u32 s6, $0x6;
	s11 =	sadd.s32 $0x800, s1;
	p0 =	sne.s32 s6, $0x0  }
0x9: {  	s6 =	simm.s32 $0x8;
	_ =	strace $0x80000047;
	s7 =	ssub.s32 $0x2, s4  }
0xa: {  	s4 =	sshll.u32 s4, $0x9;
	s10 =	sadd.s32 s12, s2;
	s13 =	sadd.s32 s5, s9  }
0xb: {  	s5 =	sadd.s32 $0x4000, s5;
	s8 =	sshrl.u32 s7, $0x1;
	[dreg:$0x5] =	wrdreg s13  }
0xc: {  	s4 =	sor.u32 s4, s9;
	s9 =	sadd.s32 $0x20000, s2;
	[dreg:$0x7] =	wrdreg s5  }
0xd: {  	s26 =	sshrl.u32 s10, $0x3;
	s10 =	simm.s32 $0x2;
	s7 =	ssub.s32 s7, s8  }
0xe: {  	s8 =	sor.u32 $0x1C0A, s14;
	s12 =	sor.u32 $0x100, s4;
	[dreg:$0x17] =	wrdreg s4  }
0xf: {  	s30 =	sadd.s32 s0, s4;
	s16 =	sshll.u32 s4, $0x4;
	[dreg:$0x14] =	wrdreg s26  }
0x10: {  	s14 =	simm.s32 $0x2108;
	[dreg:$0x6] =	wrdreg s8;
	s0 =	sadd.s32 s0, s12  }
0x11: {  	s26 =	simm.s32 $0x3;
	s15 =	sadd.s32 $0x10, s30;
	[dreg:$0x8] =	wrdreg s0  }
0x12: {  	s4 =	simm.s32 $0x2588;
	s19 =	sadd.s32 $0x110, s30;
	[dreg:$0x9] =	wrdreg s15  }
0x13: {  	s17 =	sadd.s32 s1, s16;
	s18 =	sshll.u32 s12, $0x4;
	[dreg:$0xc] =	wrdreg s19  }
0x14: {  	s25 =	smax.u32 s7, $0x1;
	s8 =	simm.s32 $0x2488;
	[dreg:$0xa] =	wrdreg s17  }
0x15: {  	s12 =	simm.s32 $0x7;
	s0 =	sadd.s32 s16, s11;
	[dreg:$0x13] =	wrdreg s25  }
0x16: {  	s7 =	simm.s32 $0x0;
	s20 =	sadd.s32 $0x1800, s17;
	[dreg:$0xb] =	wrdreg s0  }
0x17: {  	s21 =	sadd.s32 $0xC40000, s17;
	s22 =	sadd.s32 $0xC40800, s17;
	[dreg:$0xe] =	wrdreg s20  }
0x18: {  	s23 =	sadd.s32 $0xC41000, s17;
	s24 =	sadd.s32 $0xC41800, s17;
	[dreg:$0xf] =	wrdreg s21  }
0x19: {  	s25 =	simm.s32 $0x80;
	s16 =	simm.s32 $0x2008;
	[dreg:$0x10] =	wrdreg s22  }
0x1a: {  	s15 =	simm.s32 $0x2208;
	s19 =	simm.s32 $0xA608;
	[dreg:$0x11] =	wrdreg s23  }
0x1b: {  	s17 =	simm.s32 $0x4;
	s0 =	sadd.s32 s1, s18;
	[dreg:$0x12] =	wrdreg s24  }
0x1c: {  	s18 =	simm.s32 $0x400;
	s21 =	simm.s32 $0xE608;
	s22 =	simm.s32 $0x2508  }
0x1d: {  	s20 =	simm.s32 $0x16608;
	[dreg:$0xd] =	wrdreg s0;
	s0 =	sshrl.u32 @!p0 s9, $0x3  }
0x1e: {  	s24 =	simm.s32 $0x5;
	s23 =	simm.s32 $0x6;
	[dreg:$0x15] =	wrdreg s0  }
.LBB2_1:
0x1f: {  	[dreg:$0x16] =	wrdreg s7  }
0x20: {  	s5 =	rddreg [dreg:$0x5]  }
0x21: {  	s9 =	rddreg [dreg:$0x6]  }
0x22: {  	s13 =	rddreg [dreg:$0x14];
	s0 =	simm.s32 $0xA  }
0x23: {  	[spmem:s13], [sflag:s9] =	dma.local [hbm:s5], $0x400  }
0x24: {  	_ =	swait.ge [sflag:s0], $0x400  }
0x25: {  	[sflag:s0] =	ssyncset.done $0x0;
	s5 =	rddreg [dreg:$0x7]  }
0x26: {  	s13 =	rddreg [dreg:$0x15];
	[sflag:s0] =	ssyncadd.s32 $0xFFFFFC00  }
0x27: {  	[spmem:s13], [sflag:s9] =	dma.local @!p0 [hbm:s5], $0x10  }
0x28: {  	s9 =	simm.s32 @!p0 $0xA  }
0x29: {  	_ =	swait.ge @!p0 [sflag:s9], $0x10  }
0x2a: {  	[sflag:s9] =	ssyncset.done @!p0 $0x0  }
0x2b: {  	[sflag:s9] =	ssyncadd.s32 @!p0 $0xFFFFFFF0  }
0x2c: {  	[tilespmem:s16], [sflag:$0x1] =	stream.strided.gather [hbm4b:s30+s25], $0x100, s18, s25, $0x38;
	[tilespmem:$0x1A608] =	vst v63  }
0x2d: {  	s7 =	rddreg [dreg:$0x8];
	s9 =	simm.s32 $0x1  }
0x2e: {  	[tilespmem:s14], [sflag:$0x2] =	stream.strided.gather [hbm4b:s7+s25], $0x100, s18, s25, $0x38;
	[tilespmem:$0x1A608] =	vst v63  }
0x2f: {  	_ =	swait.ge [sflag:s9], $0x100  }
0x30: {  	[sflag:s9] =	ssyncset.done $0x0  }
0x31: {  	[sflag:s9] =	ssyncadd.s32 $0xFFFFFF00  }
0x32: {  	v0 =	vld [tilespmem:$0x2008]  }
0x33: {  	v1 =	vld [tilespmem:$0x2018]  }
0x34: {  	v2 =	vld [tilespmem:$0x2028]  }
0x35: {  	v3 =	vld [tilespmem:$0x2038]  }
0x36: {  	v4 =	vld [tilespmem:$0x2048]  }
0x37: {  	v5 =	vld [tilespmem:$0x2058]  }
0x38: {  	v6 =	vld [tilespmem:$0x2068]  }
0x39: {  	v7 =	vld [tilespmem:$0x2078]  }
0x3a: {  	v8 =	vld [tilespmem:$0x2088]  }
0x3b: {  	v9 =	vld [tilespmem:$0x2098]  }
0x3c: {  	v10 =	vld [tilespmem:$0x20A8]  }
0x3d: {  	v11 =	vld [tilespmem:$0x20B8]  }
0x3e: {  	v12 =	vld [tilespmem:$0x20C8]  }
0x3f: {  	v57 =	vld [tilespmem:$0x20D8];
	v0 =	vmul.f32 $1.024000000e+03, v0;
	v1 =	vmul.f32 $1.024000000e+03, v1  }
0x40: {  	v60 =	vld [tilespmem:$0x20E8];
	v2 =	vmul.f32 $1.024000000e+03, v2;
	v3 =	vmul.f32 $1.024000000e+03, v3  }
0x41: {  	v63 =	vld [tilespmem:$0x20F8];
	v4 =	vmul.f32 $1.024000000e+03, v4;
	v5 =	vmul.f32 $1.024000000e+03, v5  }
0x42: {  	v6 =	vmul.f32 $1.024000000e+03, v6;
	v7 =	vmul.f32 $1.024000000e+03, v7  }
0x43: {  	v8 =	vmul.f32 $1.024000000e+03, v8;
	v9 =	vmul.f32 $1.024000000e+03, v9  }
0x44: {  	v10 =	vmul.f32 $1.024000000e+03, v10;
	v59 =	vmul.f32 $1.024000000e+03, v11  }
0x45: {  	v14 =	vmul.f32 $1.024000000e+03, v12;
	v17 =	vmul.f32 $1.024000000e+03, v57  }
0x46: {  	v18 =	vmul.f32 $1.024000000e+03, v60;
	v21 =	vmul.f32 $1.024000000e+03, v63  }
0x47: {  	v0 =	vtrunc.f32 v0;
	v1 =	vtrunc.f32 v1  }
0x48: {  	v2 =	vtrunc.f32 v2;
	v3 =	vtrunc.f32 v3  }
0x49: {  	v4 =	vtrunc.f32 v4;
	v5 =	vtrunc.f32 v5  }
0x4a: {  	v6 =	vtrunc.f32 v6;
	v7 =	vtrunc.f32 v7  }
0x4b: {  	v8 =	vtrunc.f32 v8;
	v9 =	vtrunc.f32 v9  }
0x4c: {  	v56 =	vtrunc.f32 v10;
	v13 =	vtrunc.f32 v59  }
0x4d: {  	v16 =	vtrunc.f32 v14;
	v20 =	vtrunc.f32 v17  }
0x4e: {  	v23 =	vtrunc.f32 v18;
	v24 =	vtrunc.f32 v21  }
0x4f: {  	v0 =	vcvt.f32.s32 v0;
	v1 =	vcvt.f32.s32 v1  }
0x50: {  	v2 =	vcvt.f32.s32 v2;
	v3 =	vcvt.f32.s32 v3  }
0x51: {  	v4 =	vcvt.f32.s32 v4;
	v5 =	vcvt.f32.s32 v5  }
0x52: {  	v6 =	vcvt.f32.s32 v6;
	v7 =	vcvt.f32.s32 v7  }
0x53: {  	v8 =	vcvt.f32.s32 v8;
	v9 =	vcvt.f32.s32 v9  }
0x54: {  	v58 =	vcvt.f32.s32 v56;
	v22 =	vcvt.f32.s32 v20;
	vm0 =	vgt.s32 v0, $0x0  }
0x55: {  	vm6 =	vgt.s32 v1, $0x0;
	vm7 =	vgt.s32 v2, $0x0;
	vm1 =	vgt.s32 v3, $0x0  }
0x56: {  	vm8 =	vgt.s32 v4, $0x0;
	vm9 =	vgt.s32 v5, $0x0;
	v0 =	vnsel vm0, $0x0, v0  }
0x57: {  	vm10 =	vgt.s32 v6, $0x0;
	v1 =	vnsel vm6, $0x0, v1;
	v0 =	vmin.u32 v0, $0x3FF  }
0x58: {  	vm11 =	vgt.s32 v7, $0x0;
	v2 =	vnsel vm7, $0x0, v2;
	v1 =	vmin.u32 v1, $0x3FF;
	[tilespmem:$0x2308] =	vst v0  }
0x59: {  	vm12 =	vgt.s32 v8, $0x0;
	v3 =	vnsel vm1, $0x0, v3;
	v2 =	vmin.u32 v2, $0x3FF;
	[tilespmem:$0x2318] =	vst v1  }
0x5a: {  	vm13 =	vgt.s32 v9, $0x0;
	v4 =	vnsel vm8, $0x0, v4;
	v3 =	vmin.u32 v3, $0x3FF;
	[tilespmem:$0x2328] =	vst v2  }
0x5b: {  	vm14 =	vgt.s32 v58, $0x0;
	v5 =	vnsel vm9, $0x0, v5;
	v4 =	vmin.u32 v4, $0x3FF;
	[tilespmem:$0x2338] =	vst v3  }
0x5c: {  	vm5 =	vgt.s32 v22, $0x0;
	v6 =	vnsel vm10, $0x0, v6;
	v5 =	vmin.u32 v5, $0x3FF;
	[tilespmem:$0x2348] =	vst v4  }
0x5d: {  	v54 =	vnsel vm11, $0x0, v7;
	v55 =	vnsel vm12, $0x0, v8;
	v6 =	vmin.u32 v6, $0x3FF;
	[tilespmem:$0x2358] =	vst v5  }
0x5e: {  	v62 =	vnsel vm13, $0x0, v9;
	v27 =	vnsel vm5, $0x0, v22;
	v61 =	vmin.u32 v55, $0x3FF;
	[tilespmem:$0x2368] =	vst v6  }
0x5f: {  	v15 =	vmin.u32 v62, $0x3FF;
	v28 =	vmin.u32 v27, $0x3FF;
	v3 =	vcvt.f32.s32 v13;
	[tilespmem:$0x2388] =	vst v61  }
0x60: {  	v0 =	vmin.u32 v54, $0x3FF;
	v1 =	vnsel vm14, $0x0, v58;
	v5 =	vcvt.f32.s32 v16;
	[tilespmem:$0x2398] =	vst v15  }
0x61: {  	v4 =	vcvt.f32.s32 v24;
	[tilespmem:$0x23D8] =	vst v28;
	v1 =	vmin.u32 v1, $0x3FF;
	vm15 =	vgt.s32 v3, $0x0  }
0x62: {  	[tilespmem:$0x2378] =	vst v0;
	vm4 =	vgt.s32 v5, $0x0;
	v19 =	vnsel vm15, $0x0, v3;
	v3 =	vcvt.f32.s32 v23  }
0x63: {  	[tilespmem:$0x23A8] =	vst v1;
	vm7 =	vgt.s32 v4, $0x0;
	v25 =	vnsel vm4, $0x0, v5;
	v0 =	vmin.u32 v19, $0x3FF  }
0x64: {  	v31 =	vnsel vm7, $0x0, v4;
	v26 =	vmin.u32 v25, $0x3FF;
	[tilespmem:$0x23B8] =	vst v0;
	vm6 =	vgt.s32 v3, $0x0  }
0x65: {  	v32 =	vmin.u32 v31, $0x3FF;
	[tilespmem:$0x23C8] =	vst v26;
	v29 =	vnsel vm6, $0x0, v3  }
0x66: {  	[tilespmem:$0x23F8] =	vst v32;
	v30 =	vmin.u32 v29, $0x3FF  }
0x67: {  	[tilespmem:$0x23E8] =	vst v30  }
0x68: {  	s13 =	simm.s32 $0x2308;
	s7 =	simm.s32 $0x2608;
	[bflag:$0x0] =	sbarrier.arrive $0xFFFF  }
0x69: {  	[tilespmem:s7], [sflag:$0x4] =	stream.indirect.gather [spmem:s2], $0x80, s13, s25, $0xb8;
	[tilespmem:$0x1A608] =	vst v63  }
0x6a: {  	s14 =	simm.s32 $0x2388;
	s9 =	simm.s32 $0x6608  }
0x6b: {  	[tilespmem:s9], [sflag:$0x4] =	stream.indirect.gather [spmem:s2], $0x80, s14, s25, $0xb8;
	[tilespmem:$0x1A608] =	vst v63  }
0x6c: {  	s0 =	rddreg [dreg:$0x9]  }
0x6d: {  	[tilespmem:s15], [sflag:$0x3] =	stream.strided.gather [hbm4b:s0+s25], $0x100, s18, s25, $0x38;
	[tilespmem:$0x1A608] =	vst v63  }
0x6e: {  	_ =	swait.ge [sflag:s10], $0x100  }
0x6f: {  	[sflag:s10] =	ssyncset.done $0x0  }
0x70: {  	[sflag:s10] =	ssyncadd.s32 $0xFFFFFF00  }
0x71: {  	v33 =	vld [tilespmem:$0x2108]  }
0x72: {  	v34 =	vld [tilespmem:$0x2118]  }
0x73: {  	v35 =	vld [tilespmem:$0x2128]  }
0x74: {  	v36 =	vld [tilespmem:$0x2138]  }
0x75: {  	v37 =	vld [tilespmem:$0x2148]  }
0x76: {  	v38 =	vld [tilespmem:$0x2158]  }
0x77: {  	v39 =	vld [tilespmem:$0x2168]  }
0x78: {  	v40 =	vld [tilespmem:$0x2178]  }
0x79: {  	v41 =	vld [tilespmem:$0x2188]  }
0x7a: {  	v42 =	vld [tilespmem:$0x2198]  }
0x7b: {  	v43 =	vld [tilespmem:$0x21A8]  }
0x7c: {  	v44 =	vld [tilespmem:$0x21B8]  }
0x7d: {  	v45 =	vld [tilespmem:$0x21C8];
	v0 =	vmul.f32 $1.024000000e+03, v33;
	v1 =	vmul.f32 $1.024000000e+03, v34  }
0x7e: {  	v49 =	vld [tilespmem:$0x21D8];
	v2 =	vmul.f32 $1.024000000e+03, v35;
	v3 =	vmul.f32 $1.024000000e+03, v36  }
0x7f: {  	v52 =	vld [tilespmem:$0x21E8];
	v4 =	vmul.f32 $1.024000000e+03, v37;
	v5 =	vmul.f32 $1.024000000e+03, v38  }
0x80: {  	v6 =	vmul.f32 $1.024000000e+03, v39;
	v7 =	vmul.f32 $1.024000000e+03, v40  }
0x81: {  	v8 =	vmul.f32 $1.024000000e+03, v41;
	v9 =	vmul.f32 $1.024000000e+03, v42  }
0x82: {  	v10 =	vmul.f32 $1.024000000e+03, v43;
	v51 =	vmul.f32 $1.024000000e+03, v44  }
0x83: {  	v57 =	vmul.f32 $1.024000000e+03, v45;
	v60 =	vmul.f32 $1.024000000e+03, v49  }
0x84: {  	v61 =	vmul.f32 $1.024000000e+03, v52;
	v0 =	vtrunc.f32 v0  }
0x85: {  	v1 =	vtrunc.f32 v1;
	v2 =	vtrunc.f32 v2  }
0x86: {  	v55 =	vld [tilespmem:$0x21F8];
	v3 =	vtrunc.f32 v3;
	v4 =	vtrunc.f32 v4  }
0x87: {  	v5 =	vtrunc.f32 v5;
	v6 =	vtrunc.f32 v6  }
0x88: {  	v7 =	vtrunc.f32 v7;
	v8 =	vtrunc.f32 v8  }
0x89: {  	v9 =	vtrunc.f32 v9;
	v48 =	vtrunc.f32 v10  }
0x8a: {  	v56 =	vtrunc.f32 v51;
	v59 =	vtrunc.f32 v57  }
0x8b: {  	v63 =	vtrunc.f32 v60;
	v10 =	vmul.f32 $1.024000000e+03, v55  }
0x8c: {  	v12 =	vtrunc.f32 v61;
	v0 =	vcvt.f32.s32 v0  }
0x8d: {  	v1 =	vcvt.f32.s32 v1;
	v2 =	vcvt.f32.s32 v2  }
0x8e: {  	v3 =	vcvt.f32.s32 v3;
	v4 =	vcvt.f32.s32 v4  }
0x8f: {  	v5 =	vcvt.f32.s32 v5;
	v6 =	vcvt.f32.s32 v6  }
0x90: {  	v7 =	vcvt.f32.s32 v7;
	v8 =	vcvt.f32.s32 v8  }
0x91: {  	v9 =	vcvt.f32.s32 v9;
	v50 =	vcvt.f32.s32 v48  }
0x92: {  	v11 =	vcvt.f32.s32 v63;
	v13 =	vtrunc.f32 v10;
	vm8 =	vgt.s32 v0, $0x0  }
0x93: {  	vm9 =	vgt.s32 v1, $0x0;
	vm10 =	vgt.s32 v2, $0x0;
	vm11 =	vgt.s32 v3, $0x0  }
0x94: {  	vm12 =	vgt.s32 v4, $0x0;
	vm13 =	vgt.s32 v5, $0x0;
	v0 =	vnsel vm8, $0x0, v0  }
0x95: {  	vm14 =	vgt.s32 v6, $0x0;
	v1 =	vnsel vm9, $0x0, v1;
	v0 =	vmin.u32 v0, $0x3FF  }
0x96: {  	vm15 =	vgt.s32 v7, $0x0;
	v2 =	vnsel vm10, $0x0, v2;
	v1 =	vmin.u32 v1, $0x3FF;
	[tilespmem:$0x2408] =	vst v0  }
0x97: {  	vm4 =	vgt.s32 v8, $0x0;
	v3 =	vnsel vm11, $0x0, v3;
	v2 =	vmin.u32 v2, $0x3FF;
	[tilespmem:$0x2418] =	vst v1  }
0x98: {  	vm5 =	vgt.s32 v9, $0x0;
	v4 =	vnsel vm12, $0x0, v4;
	v3 =	vmin.u32 v3, $0x3FF;
	[tilespmem:$0x2428] =	vst v2  }
0x99: {  	vm6 =	vgt.s32 v50, $0x0;
	v5 =	vnsel vm13, $0x0, v5;
	v4 =	vmin.u32 v4, $0x3FF;
	[tilespmem:$0x2438] =	vst v3  }
0x9a: {  	v6 =	vnsel vm14, $0x0, v6;
	v46 =	vnsel vm15, $0x0, v7;
	v5 =	vmin.u32 v5, $0x3FF;
	[tilespmem:$0x2448] =	vst v4  }
0x9b: {  	v47 =	vnsel vm4, $0x0, v8;
	v54 =	vnsel vm5, $0x0, v9;
	v6 =	vmin.u32 v6, $0x3FF;
	[tilespmem:$0x2458] =	vst v5  }
0x9c: {  	vm9 =	vgt.s32 v11, $0x0;
	v53 =	vmin.u32 v47, $0x3FF;
	v58 =	vmin.u32 v54, $0x3FF;
	[tilespmem:$0x2468] =	vst v6  }
0x9d: {  	v16 =	vnsel vm9, $0x0, v11;
	v0 =	vmin.u32 v46, $0x3FF;
	v3 =	vcvt.f32.s32 v56;
	[tilespmem:$0x2488] =	vst v53  }
0x9e: {  	v1 =	vnsel vm6, $0x0, v50;
	v5 =	vcvt.f32.s32 v59;
	[tilespmem:$0x2498] =	vst v58;
	v4 =	vcvt.f32.s32 v13  }
0x9f: {  	v17 =	vmin.u32 v16, $0x3FF;
	v1 =	vmin.u32 v1, $0x3FF;
	[tilespmem:$0x2478] =	vst v0;
	vm7 =	vgt.s32 v3, $0x0  }
0xa0: {  	[tilespmem:$0x24D8] =	vst v17;
	vm8 =	vgt.s32 v5, $0x0;
	v62 =	vnsel vm7, $0x0, v3;
	v3 =	vcvt.f32.s32 v12  }
0xa1: {  	[tilespmem:$0x24A8] =	vst v1;
	vm11 =	vgt.s32 v4, $0x0;
	v14 =	vnsel vm8, $0x0, v5;
	v0 =	vmin.u32 v62, $0x3FF  }
0xa2: {  	v20 =	vnsel vm11, $0x0, v4;
	v15 =	vmin.u32 v14, $0x3FF;
	[tilespmem:$0x24B8] =	vst v0;
	vm10 =	vgt.s32 v3, $0x0  }
0xa3: {  	v21 =	vmin.u32 v20, $0x3FF;
	[tilespmem:$0x24C8] =	vst v15;
	v18 =	vnsel vm10, $0x0, v3  }
0xa4: {  	[tilespmem:$0x24F8] =	vst v21;
	v19 =	vmin.u32 v18, $0x3FF  }
0xa5: {  	[tilespmem:$0x24E8] =	vst v19  }
0xa6: {  	[tilespmem:s19], [sflag:$0x5] =	stream.indirect.gather [spmem:s2], $0x80, s28, s25, $0xb8;
	[tilespmem:$0x1A608] =	vst v63  }
0xa7: {  	_ = 	snop  }
0xa8: {  	[tilespmem:s21], [sflag:$0x5] =	stream.indirect.gather [spmem:s2], $0x80, s8, s25, $0xb8;
	[tilespmem:$0x1A608] =	vst v63  }
0xa9: {  	_ =	swait.ge [sflag:s17], $0x4000  }
0xaa: {  	[sflag:s17] =	ssyncset.done $0x0  }
0xab: {  	[sflag:s17] =	ssyncadd.s32 $0xFFFFC000  }
0xac: {  	_ =	swait.ge [sflag:s17], $0x4000  }
0xad: {  	[sflag:s17] =	ssyncset.done $0x0  }
0xae: {  	s13 =	rddreg [dreg:$0xa];
	[sflag:s17] =	ssyncadd.s32 $0xFFFFC000  }
0xaf: {  	[hbm4b:s13+s3] =	stream.linear.scatter [tilespmem:s7], [sflag:$0x7], $0x4000, $0x38;
	[tilespmem:$0x1A608] =	vst v63  }
0xb0: {  	s14 =	rddreg [dreg:$0xb]  }
0xb1: {  	[hbm4b:s14+s3] =	stream.linear.scatter [tilespmem:s9], [sflag:$0x7], $0x4000, $0x38;
	[tilespmem:$0x1A608] =	vst v63  }
0xb2: {  	s15 =	rddreg [dreg:$0xc]  }
0xb3: {  	[tilespmem:s16], [sflag:$0x1] =	stream.strided.gather [hbm4b:s15+s25], $0x100, s18, s25, $0x38;
	[tilespmem:$0x1A608] =	vst v63  }
0xb4: {  	_ =	swait.ge [sflag:s26], $0x100  }
0xb5: {  	[sflag:s26] =	ssyncset.done $0x0  }
0xb6: {  	[sflag:s26] =	ssyncadd.s32 $0xFFFFFF00  }
0xb7: {  	v22 =	vld [tilespmem:$0x2208]  }
0xb8: {  	v23 =	vld [tilespmem:$0x2218]  }
0xb9: {  	v24 =	vld [tilespmem:$0x2228]  }
0xba: {  	v25 =	vld [tilespmem:$0x2238]  }
0xbb: {  	v26 =	vld [tilespmem:$0x2248]  }
0xbc: {  	v27 =	vld [tilespmem:$0x2258]  }
0xbd: {  	v28 =	vld [tilespmem:$0x2268]  }
0xbe: {  	v29 =	vld [tilespmem:$0x2278]  }
0xbf: {  	v30 =	vld [tilespmem:$0x2288]  }
0xc0: {  	v31 =	vld [tilespmem:$0x2298]  }
0xc1: {  	v32 =	vld [tilespmem:$0x22A8]  }
0xc2: {  	v33 =	vld [tilespmem:$0x22B8]  }
0xc3: {  	v34 =	vld [tilespmem:$0x22C8];
	v0 =	vmul.f32 $1.024000000e+03, v22  }
0xc4: {  	v37 =	vld [tilespmem:$0x22D8];
	v1 =	vmul.f32 $1.024000000e+03, v23;
	v2 =	vmul.f32 $1.024000000e+03, v24  }
0xc5: {  	v40 =	vld [tilespmem:$0x22E8];
	v3 =	vmul.f32 $1.024000000e+03, v25;
	v4 =	vmul.f32 $1.024000000e+03, v26  }
0xc6: {  	v43 =	vld [tilespmem:$0x22F8];
	v5 =	vmul.f32 $1.024000000e+03, v27;
	v6 =	vmul.f32 $1.024000000e+03, v28  }
0xc7: {  	v7 =	vmul.f32 $1.024000000e+03, v29;
	v8 =	vmul.f32 $1.024000000e+03, v30  }
0xc8: {  	v9 =	vmul.f32 $1.024000000e+03, v31;
	v10 =	vmul.f32 $1.024000000e+03, v32  }
0xc9: {  	v11 =	vmul.f32 $1.024000000e+03, v33;
	v45 =	vmul.f32 $1.024000000e+03, v34  }
0xca: {  	v50 =	vmul.f32 $1.024000000e+03, v37;
	v51 =	vmul.f32 $1.024000000e+03, v40  }
0xcb: {  	v53 =	vmul.f32 $1.024000000e+03, v43;
	v0 =	vtrunc.f32 v0  }
0xcc: {  	v1 =	vtrunc.f32 v1;
	v2 =	vtrunc.f32 v2  }
0xcd: {  	v3 =	vtrunc.f32 v3;
	v4 =	vtrunc.f32 v4  }
0xce: {  	v5 =	vtrunc.f32 v5;
	v6 =	vtrunc.f32 v6  }
0xcf: {  	v7 =	vtrunc.f32 v7;
	v8 =	vtrunc.f32 v8  }
0xd0: {  	v9 =	vtrunc.f32 v9;
	v10 =	vtrunc.f32 v10  }
0xd1: {  	v11 =	vtrunc.f32 v11;
	v49 =	vtrunc.f32 v45  }
0xd2: {  	v52 =	vtrunc.f32 v50;
	v57 =	vtrunc.f32 v53  }
0xd3: {  	v0 =	vcvt.f32.s32 v0;
	v1 =	vcvt.f32.s32 v1  }
0xd4: {  	v2 =	vcvt.f32.s32 v2;
	v3 =	vcvt.f32.s32 v3  }
0xd5: {  	v4 =	vcvt.f32.s32 v4;
	v5 =	vcvt.f32.s32 v5  }
0xd6: {  	v6 =	vcvt.f32.s32 v6;
	v7 =	vcvt.f32.s32 v7  }
0xd7: {  	v8 =	vcvt.f32.s32 v8;
	v9 =	vcvt.f32.s32 v9  }
0xd8: {  	v10 =	vcvt.f32.s32 v10;
	v36 =	vcvt.f32.s32 v11  }
0xd9: {  	v55 =	vcvt.f32.s32 v52;
	v59 =	vcvt.f32.s32 v57  }
0xda: {  	vm12 =	vgt.s32 v0, $0x0;
	vm13 =	vgt.s32 v1, $0x0;
	vm14 =	vgt.s32 v2, $0x0  }
0xdb: {  	vm15 =	vgt.s32 v3, $0x0;
	vm4 =	vgt.s32 v4, $0x0;
	v0 =	vnsel vm12, $0x0, v0  }
0xdc: {  	vm5 =	vgt.s32 v5, $0x0;
	v1 =	vnsel vm13, $0x0, v1;
	v0 =	vmin.u32 v0, $0x3FF  }
0xdd: {  	vm6 =	vgt.s32 v6, $0x0;
	v2 =	vnsel vm14, $0x0, v2;
	v1 =	vmin.u32 v1, $0x3FF;
	[tilespmem:$0x2508] =	vst v0  }
0xde: {  	vm7 =	vgt.s32 v7, $0x0;
	v3 =	vnsel vm15, $0x0, v3;
	v38 =	vmin.u32 v2, $0x3FF;
	[tilespmem:$0x2518] =	vst v1  }
0xdf: {  	vm8 =	vgt.s32 v8, $0x0;
	v4 =	vnsel vm4, $0x0, v4;
	v41 =	vmin.u32 v3, $0x3FF;
	[tilespmem:$0x2528] =	vst v38  }
0xe0: {  	vm9 =	vgt.s32 v9, $0x0;
	v5 =	vnsel vm5, $0x0, v5;
	v4 =	vmin.u32 v4, $0x3FF;
	[tilespmem:$0x2538] =	vst v41  }
0xe1: {  	vm10 =	vgt.s32 v10, $0x0;
	v6 =	vnsel vm6, $0x0, v6;
	v46 =	vmin.u32 v5, $0x3FF;
	[tilespmem:$0x2548] =	vst v4  }
0xe2: {  	vm11 =	vgt.s32 v36, $0x0;
	v7 =	vnsel vm7, $0x0, v7;
	v47 =	vmin.u32 v6, $0x3FF;
	[tilespmem:$0x2558] =	vst v46  }
0xe3: {  	v35 =	vnsel vm8, $0x0, v8;
	v39 =	vnsel vm9, $0x0, v9;
	v48 =	vmin.u32 v7, $0x3FF;
	[tilespmem:$0x2568] =	vst v47  }
0xe4: {  	v42 =	vnsel vm10, $0x0, v10;
	v44 =	vnsel vm11, $0x0, v36;
	v2 =	vmin.u32 v39, $0x3FF;
	[tilespmem:$0x2578] =	vst v48  }
0xe5: {  	vm13 =	vgt.s32 v55, $0x0;
	vm15 =	vgt.s32 v59, $0x0;
	v3 =	vmin.u32 v42, $0x3FF;
	[tilespmem:$0x2598] =	vst v2  }
0xe6: {  	v54 =	vmin.u32 v44, $0x3FF;
	v5 =	vtrunc.f32 v51;
	v4 =	vcvt.f32.s32 v49;
	[tilespmem:$0x25A8] =	vst v3  }
0xe7: {  	v0 =	vmin.u32 v35, $0x3FF;
	v56 =	vcvt.f32.s32 v5;
	[tilespmem:$0x25B8] =	vst v54;
	v1 =	vnsel vm13, $0x0, v55  }
0xe8: {  	v63 =	vnsel vm15, $0x0, v59;
	[tilespmem:$0x2588] =	vst v0;
	v61 =	vmin.u32 v1, $0x3FF;
	vm12 =	vgt.s32 v4, $0x0  }
0xe9: {  	v0 =	vmin.u32 v63, $0x3FF;
	vm14 =	vgt.s32 v56, $0x0;
	[tilespmem:$0x25D8] =	vst v61;
	v58 =	vnsel vm12, $0x0, v4  }
0xea: {  	[tilespmem:$0x25F8] =	vst v0;
	v62 =	vnsel vm14, $0x0, v56;
	v60 =	vmin.u32 v58, $0x3FF  }
0xeb: {  	v1 =	vmin.u32 v62, $0x3FF;
	[tilespmem:$0x25C8] =	vst v60  }
0xec: {  	[tilespmem:$0x25E8] =	vst v1  }
0xed: {  	[tilespmem:s31], [sflag:$0x6] =	stream.indirect.gather [spmem:s2], $0x80, s22, s25, $0xb8;
	[tilespmem:$0x1A608] =	vst v63  }
0xee: {  	_ = 	snop  }
0xef: {  	[tilespmem:s20], [sflag:$0x6] =	stream.indirect.gather [spmem:s2], $0x80, s4, s25, $0xb8;
	[tilespmem:$0x1A608] =	vst v63  }
0xf0: {  	_ =	swait.ge [sflag:s24], $0x4000  }
0xf1: {  	[sflag:s24] =	ssyncset.done $0x0  }
0xf2: {  	s0 =	smov.u32 s30;
	s30 =	simm.s32 $0x3;
	[sflag:s24] =	ssyncadd.s32 $0xFFFFC000  }
0xf3: {  	s13 =	simm.s32 $0x6000;
	s9 =	simm.s32 $0x500;
	_ =	swait.ge [sflag:s24], $0x4000  }
0xf4: {  	s15 =	simm.s32 $0x0;
	[sflag:s24] =	ssyncset.done $0x0;
	s28 =	rddreg [dreg:$0xd]  }
0xf5: {  	s18 =	simm.s32 $0x400;
	s31 =	rddreg [dreg:$0xe];
	[sflag:s24] =	ssyncadd.s32 $0xFFFFC000  }
0xf6: {  	[hbm4b:s28+s3] =	stream.linear.scatter [tilespmem:s19], [sflag:$0x8], $0x4000, $0x38;
	[tilespmem:$0x1A608] =	vst v63  }
0xf7: {  	s26 =	simm.s32 $0x2;
	s8 =	rddreg [dreg:$0x17];
	s19 =	simm.s32 $0x6  }
0xf8: {  	[hbm4b:s31+s3] =	stream.linear.scatter [tilespmem:s21], [sflag:$0x8], $0x4000, $0x38;
	[tilespmem:$0x1A608] =	vst v63  }
.LBB2_2:
0xf9: {  	_ =	swait.ge [sflag:s12], $0x4000;
	s28 =	sadd.s32 $0xFFFFFFFE, s19  }
0xfa: {  	s21 =	sand.u32 $0x100, s15;
	s4 =	simm.s32 $0x2108;
	[sflag:s12] =	ssyncset.done $0x0  }
0xfb: {  	s31 =	sshll.u32 s28, $0x3;
	s5 =	sshll.u32 s28, $0xA;
	[sflag:s12] =	ssyncadd.s32 $0xFFFFC000  }
0xfc: {  	s14 =	sand.u32 $0x70, s31;
	s31 =	sadd.s32 s21, s0;
	_ =	swait.ge [sflag:s12], $0x4000  }
0xfd: {  	s5 =	sand.u32 $0x3C000, s5;
	s14 =	sadd.s32 s14, s31;
	[sflag:s12] =	ssyncset.done $0x0  }
0xfe: {  	s22 =	simm.s32 $0x1;
	s5 =	sadd.s32 s5, s14;
	[sflag:s12] =	ssyncadd.s32 $0xFFFFC000  }
0xff: {  	[tilespmem:s4], [sflag:$0x2] =	stream.strided.gather [hbm4b:s5+s25], $0x100, s18, s25, $0x38;
	[tilespmem:$0x1A608] =	vst v63  }
0x100: {  	_ =	swait.ge [sflag:s22], $0x100  }
0x101: {  	[sflag:s22] =	ssyncset.done $0x0  }
0x102: {  	[sflag:s22] =	ssyncadd.s32 $0xFFFFFF00  }
0x103: {  	v0 =	vld [tilespmem:$0x2008]  }
0x104: {  	v1 =	vld [tilespmem:$0x2018]  }
0x105: {  	v2 =	vld [tilespmem:$0x2028]  }
0x106: {  	v3 =	vld [tilespmem:$0x2038]  }
0x107: {  	v4 =	vld [tilespmem:$0x2048]  }
0x108: {  	v5 =	vld [tilespmem:$0x2058]  }
0x109: {  	v6 =	vld [tilespmem:$0x2068]  }
0x10a: {  	v7 =	vld [tilespmem:$0x2078]  }
0x10b: {  	v8 =	vld [tilespmem:$0x2088]  }
0x10c: {  	v9 =	vld [tilespmem:$0x2098]  }
0x10d: {  	v10 =	vld [tilespmem:$0x20A8]  }
0x10e: {  	v11 =	vld [tilespmem:$0x20B8]  }
0x10f: {  	v12 =	vld [tilespmem:$0x20C8]  }
0x110: {  	v57 =	vld [tilespmem:$0x20D8];
	v0 =	vmul.f32 $1.024000000e+03, v0;
	v1 =	vmul.f32 $1.024000000e+03, v1  }
0x111: {  	v60 =	vld [tilespmem:$0x20E8];
	v2 =	vmul.f32 $1.024000000e+03, v2;
	v3 =	vmul.f32 $1.024000000e+03, v3  }
0x112: {  	v63 =	vld [tilespmem:$0x20F8];
	v4 =	vmul.f32 $1.024000000e+03, v4;
	v5 =	vmul.f32 $1.024000000e+03, v5  }
0x113: {  	v6 =	vmul.f32 $1.024000000e+03, v6;
	v7 =	vmul.f32 $1.024000000e+03, v7  }
0x114: {  	v8 =	vmul.f32 $1.024000000e+03, v8;
	v9 =	vmul.f32 $1.024000000e+03, v9  }
0x115: {  	v10 =	vmul.f32 $1.024000000e+03, v10;
	v59 =	vmul.f32 $1.024000000e+03, v11  }
0x116: {  	v14 =	vmul.f32 $1.024000000e+03, v12;
	v17 =	vmul.f32 $1.024000000e+03, v57  }
0x117: {  	v18 =	vmul.f32 $1.024000000e+03, v60;
	v21 =	vmul.f32 $1.024000000e+03, v63  }
0x118: {  	v0 =	vtrunc.f32 v0;
	v1 =	vtrunc.f32 v1  }
0x119: {  	v2 =	vtrunc.f32 v2;
	v3 =	vtrunc.f32 v3  }
0x11a: {  	v4 =	vtrunc.f32 v4;
	v5 =	vtrunc.f32 v5  }
0x11b: {  	v6 =	vtrunc.f32 v6;
	v7 =	vtrunc.f32 v7  }
0x11c: {  	v8 =	vtrunc.f32 v8;
	v9 =	vtrunc.f32 v9  }
0x11d: {  	v56 =	vtrunc.f32 v10;
	v13 =	vtrunc.f32 v59  }
0x11e: {  	v16 =	vtrunc.f32 v14;
	v20 =	vtrunc.f32 v17  }
0x11f: {  	v23 =	vtrunc.f32 v18;
	v24 =	vtrunc.f32 v21  }
0x120: {  	v0 =	vcvt.f32.s32 v0;
	v1 =	vcvt.f32.s32 v1  }
0x121: {  	v2 =	vcvt.f32.s32 v2;
	v3 =	vcvt.f32.s32 v3  }
0x122: {  	v4 =	vcvt.f32.s32 v4;
	v5 =	vcvt.f32.s32 v5  }
0x123: {  	v6 =	vcvt.f32.s32 v6;
	v7 =	vcvt.f32.s32 v7  }
0x124: {  	v8 =	vcvt.f32.s32 v8;
	v9 =	vcvt.f32.s32 v9  }
0x125: {  	v58 =	vcvt.f32.s32 v56;
	v22 =	vcvt.f32.s32 v20;
	vm0 =	vgt.s32 v0, $0x0  }
0x126: {  	vm6 =	vgt.s32 v1, $0x0;
	vm7 =	vgt.s32 v2, $0x0;
	vm1 =	vgt.s32 v3, $0x0  }
0x127: {  	vm8 =	vgt.s32 v4, $0x0;
	vm9 =	vgt.s32 v5, $0x0;
	v0 =	vnsel vm0, $0x0, v0  }
0x128: {  	vm10 =	vgt.s32 v6, $0x0;
	v1 =	vnsel vm6, $0x0, v1;
	v0 =	vmin.u32 v0, $0x3FF  }
0x129: {  	vm11 =	vgt.s32 v7, $0x0;
	v2 =	vnsel vm7, $0x0, v2;
	v1 =	vmin.u32 v1, $0x3FF;
	[tilespmem:$0x2308] =	vst v0  }
0x12a: {  	vm12 =	vgt.s32 v8, $0x0;
	v3 =	vnsel vm1, $0x0, v3;
	v2 =	vmin.u32 v2, $0x3FF;
	[tilespmem:$0x2318] =	vst v1  }
0x12b: {  	vm13 =	vgt.s32 v9, $0x0;
	v4 =	vnsel vm8, $0x0, v4;
	v3 =	vmin.u32 v3, $0x3FF;
	[tilespmem:$0x2328] =	vst v2  }
0x12c: {  	vm14 =	vgt.s32 v58, $0x0;
	v5 =	vnsel vm9, $0x0, v5;
	v4 =	vmin.u32 v4, $0x3FF;
	[tilespmem:$0x2338] =	vst v3  }
0x12d: {  	vm5 =	vgt.s32 v22, $0x0;
	v6 =	vnsel vm10, $0x0, v6;
	v5 =	vmin.u32 v5, $0x3FF;
	[tilespmem:$0x2348] =	vst v4  }
0x12e: {  	v54 =	vnsel vm11, $0x0, v7;
	v55 =	vnsel vm12, $0x0, v8;
	v6 =	vmin.u32 v6, $0x3FF;
	[tilespmem:$0x2358] =	vst v5  }
0x12f: {  	v62 =	vnsel vm13, $0x0, v9;
	v27 =	vnsel vm5, $0x0, v22;
	v61 =	vmin.u32 v55, $0x3FF;
	[tilespmem:$0x2368] =	vst v6  }
0x130: {  	v15 =	vmin.u32 v62, $0x3FF;
	v28 =	vmin.u32 v27, $0x3FF;
	v3 =	vcvt.f32.s32 v13;
	[tilespmem:$0x2388] =	vst v61  }
0x131: {  	v0 =	vmin.u32 v54, $0x3FF;
	v1 =	vnsel vm14, $0x0, v58;
	v5 =	vcvt.f32.s32 v16;
	[tilespmem:$0x2398] =	vst v15  }
0x132: {  	v4 =	vcvt.f32.s32 v24;
	[tilespmem:$0x23D8] =	vst v28;
	v1 =	vmin.u32 v1, $0x3FF;
	vm15 =	vgt.s32 v3, $0x0  }
0x133: {  	[tilespmem:$0x2378] =	vst v0;
	vm4 =	vgt.s32 v5, $0x0;
	v19 =	vnsel vm15, $0x0, v3;
	v3 =	vcvt.f32.s32 v23  }
0x134: {  	[tilespmem:$0x23A8] =	vst v1;
	vm7 =	vgt.s32 v4, $0x0;
	v25 =	vnsel vm4, $0x0, v5;
	v0 =	vmin.u32 v19, $0x3FF  }
0x135: {  	v31 =	vnsel vm7, $0x0, v4;
	v26 =	vmin.u32 v25, $0x3FF;
	[tilespmem:$0x23B8] =	vst v0;
	vm6 =	vgt.s32 v3, $0x0  }
0x136: {  	v32 =	vmin.u32 v31, $0x3FF;
	[tilespmem:$0x23C8] =	vst v26;
	v29 =	vnsel vm6, $0x0, v3  }
0x137: {  	[tilespmem:$0x23F8] =	vst v32;
	v30 =	vmin.u32 v29, $0x3FF  }
0x138: {  	s7 =	simm.s32 $0x2608;
	s4 =	simm.s32 $0x2308;
	[tilespmem:$0x23E8] =	vst v30  }
0x139: {  	[tilespmem:s7], [sflag:$0x4] =	stream.indirect.gather [spmem:s2], $0x80, s4, s25, $0xb8;
	[tilespmem:$0x1A608] =	vst v63  }
0x13a: {  	s10 =	simm.s32 $0x2388;
	s22 =	simm.s32 $0x6608  }
0x13b: {  	[tilespmem:s22], [sflag:$0x4] =	stream.indirect.gather [spmem:s2], $0x80, s10, s25, $0xb8;
	[tilespmem:$0x1A608] =	vst v63  }
0x13c: {  	s14 =	sadd.s32 $0xFFFFE000, s13;
	_ =	swait.ge [sflag:s23], $0x4000  }
0x13d: {  	s5 =	sand.u32 $0x1FC000, s14;
	[sflag:s23] =	ssyncset.done $0x0  }
0x13e: {  	s5 =	sor.u32 s5, s8;
	[sflag:s23] =	ssyncadd.s32 $0xFFFFC000  }
0x13f: {  	s5 =	sor.u32 s21, s5;
	_ =	swait.ge [sflag:s23], $0x4000  }
0x140: {  	s5 =	sshll.u32 s5, $0x4;
	[sflag:s23] =	ssyncset.done $0x0  }
0x141: {  	s16 =	sadd.s32 s1, s5;
	s10 =	simm.s32 $0x12608;
	[sflag:s23] =	ssyncadd.s32 $0xFFFFC000  }
0x142: {  	[hbm4b:s16+s3] =	stream.linear.scatter [tilespmem:s10], [sflag:$0x9], $0x4000, $0x38;
	[tilespmem:$0x1A608] =	vst v63  }
0x143: {  	s8 =	simm.s32 $0x16608;
	s5 =	sadd.s32 s5, s11  }
0x144: {  	[hbm4b:s5+s3] =	stream.linear.scatter [tilespmem:s8], [sflag:$0x9], $0x4000, $0x38;
	[tilespmem:$0x1A608] =	vst v63  }
0x145: {  	_ =	swait.ge [sflag:s6], $0x4000  }
0x146: {  	s16 =	sand.u32 $0x100, s9;
	s5 =	sadd.s32 $0xFFFFFFFF, s19;
	[sflag:s6] =	ssyncset.done $0x0  }
0x147: {  	s16 =	sadd.s32 s16, s0;
	s4 =	sshll.u32 s5, $0xA;
	[sflag:s6] =	ssyncadd.s32 $0xFFFFC000  }
0x148: {  	s5 =	sshll.u32 s5, $0x3;
	s14 =	sand.u32 $0x3C000, s4;
	_ =	swait.ge [sflag:s6], $0x4000  }
0x149: {  	s5 =	sand.u32 $0x70, s5;
	s14 =	sadd.s32 s14, s16;
	[sflag:s6] =	ssyncset.done $0x0  }
0x14a: {  	s4 =	simm.s32 $0x2208;
	s5 =	sadd.s32 s5, s14;
	[sflag:s6] =	ssyncadd.s32 $0xFFFFC000  }
0x14b: {  	[tilespmem:s4], [sflag:$0x3] =	stream.strided.gather [hbm4b:s5+s25], $0x100, s18, s25, $0x38;
	[tilespmem:$0x1A608] =	vst v63  }
0x14c: {  	_ =	swait.ge [sflag:s26], $0x100  }
0x14d: {  	[sflag:s26] =	ssyncset.done $0x0  }
0x14e: {  	[sflag:s26] =	ssyncadd.s32 $0xFFFFFF00  }
0x14f: {  	v33 =	vld [tilespmem:$0x2108]  }
0x150: {  	v34 =	vld [tilespmem:$0x2118]  }
0x151: {  	v35 =	vld [tilespmem:$0x2128]  }
0x152: {  	v36 =	vld [tilespmem:$0x2138]  }
0x153: {  	v37 =	vld [tilespmem:$0x2148]  }
0x154: {  	v38 =	vld [tilespmem:$0x2158]  }
0x155: {  	v39 =	vld [tilespmem:$0x2168]  }
0x156: {  	v40 =	vld [tilespmem:$0x2178]  }
0x157: {  	v41 =	vld [tilespmem:$0x2188]  }
0x158: {  	v42 =	vld [tilespmem:$0x2198]  }
0x159: {  	v43 =	vld [tilespmem:$0x21A8]  }
0x15a: {  	v44 =	vld [tilespmem:$0x21B8]  }
0x15b: {  	v45 =	vld [tilespmem:$0x21C8];
	v0 =	vmul.f32 $1.024000000e+03, v33;
	v1 =	vmul.f32 $1.024000000e+03, v34  }
0x15c: {  	v49 =	vld [tilespmem:$0x21D8];
	v2 =	vmul.f32 $1.024000000e+03, v35;
	v3 =	vmul.f32 $1.024000000e+03, v36  }
0x15d: {  	v52 =	vld [tilespmem:$0x21E8];
	v4 =	vmul.f32 $1.024000000e+03, v37;
	v5 =	vmul.f32 $1.024000000e+03, v38  }
0x15e: {  	v6 =	vmul.f32 $1.024000000e+03, v39;
	v7 =	vmul.f32 $1.024000000e+03, v40  }
0x15f: {  	v8 =	vmul.f32 $1.024000000e+03, v41;
	v9 =	vmul.f32 $1.024000000e+03, v42  }
0x160: {  	v10 =	vmul.f32 $1.024000000e+03, v43;
	v51 =	vmul.f32 $1.024000000e+03, v44  }
0x161: {  	v57 =	vmul.f32 $1.024000000e+03, v45;
	v60 =	vmul.f32 $1.024000000e+03, v49  }
0x162: {  	v61 =	vmul.f32 $1.024000000e+03, v52;
	v0 =	vtrunc.f32 v0  }
0x163: {  	v1 =	vtrunc.f32 v1;
	v2 =	vtrunc.f32 v2  }
0x164: {  	v55 =	vld [tilespmem:$0x21F8];
	v3 =	vtrunc.f32 v3;
	v4 =	vtrunc.f32 v4  }
0x165: {  	v5 =	vtrunc.f32 v5;
	v6 =	vtrunc.f32 v6  }
0x166: {  	v7 =	vtrunc.f32 v7;
	v8 =	vtrunc.f32 v8  }
0x167: {  	v9 =	vtrunc.f32 v9;
	v48 =	vtrunc.f32 v10  }
0x168: {  	v56 =	vtrunc.f32 v51;
	v59 =	vtrunc.f32 v57  }
0x169: {  	v63 =	vtrunc.f32 v60;
	v10 =	vmul.f32 $1.024000000e+03, v55  }
0x16a: {  	v12 =	vtrunc.f32 v61;
	v0 =	vcvt.f32.s32 v0  }
0x16b: {  	v1 =	vcvt.f32.s32 v1;
	v2 =	vcvt.f32.s32 v2  }
0x16c: {  	v3 =	vcvt.f32.s32 v3;
	v4 =	vcvt.f32.s32 v4  }
0x16d: {  	v5 =	vcvt.f32.s32 v5;
	v6 =	vcvt.f32.s32 v6  }
0x16e: {  	v7 =	vcvt.f32.s32 v7;
	v8 =	vcvt.f32.s32 v8  }
0x16f: {  	v9 =	vcvt.f32.s32 v9;
	v50 =	vcvt.f32.s32 v48  }
0x170: {  	v11 =	vcvt.f32.s32 v63;
	v13 =	vtrunc.f32 v10;
	vm8 =	vgt.s32 v0, $0x0  }
0x171: {  	vm9 =	vgt.s32 v1, $0x0;
	vm10 =	vgt.s32 v2, $0x0;
	vm11 =	vgt.s32 v3, $0x0  }
0x172: {  	vm12 =	vgt.s32 v4, $0x0;
	vm13 =	vgt.s32 v5, $0x0;
	v0 =	vnsel vm8, $0x0, v0  }
0x173: {  	vm14 =	vgt.s32 v6, $0x0;
	v1 =	vnsel vm9, $0x0, v1;
	v0 =	vmin.u32 v0, $0x3FF  }
0x174: {  	vm15 =	vgt.s32 v7, $0x0;
	v2 =	vnsel vm10, $0x0, v2;
	v1 =	vmin.u32 v1, $0x3FF;
	[tilespmem:$0x2408] =	vst v0  }
0x175: {  	vm4 =	vgt.s32 v8, $0x0;
	v3 =	vnsel vm11, $0x0, v3;
	v2 =	vmin.u32 v2, $0x3FF;
	[tilespmem:$0x2418] =	vst v1  }
0x176: {  	vm5 =	vgt.s32 v9, $0x0;
	v4 =	vnsel vm12, $0x0, v4;
	v3 =	vmin.u32 v3, $0x3FF;
	[tilespmem:$0x2428] =	vst v2  }
0x177: {  	vm6 =	vgt.s32 v50, $0x0;
	v5 =	vnsel vm13, $0x0, v5;
	v4 =	vmin.u32 v4, $0x3FF;
	[tilespmem:$0x2438] =	vst v3  }
0x178: {  	v6 =	vnsel vm14, $0x0, v6;
	v46 =	vnsel vm15, $0x0, v7;
	v5 =	vmin.u32 v5, $0x3FF;
	[tilespmem:$0x2448] =	vst v4  }
0x179: {  	v47 =	vnsel vm4, $0x0, v8;
	v54 =	vnsel vm5, $0x0, v9;
	v6 =	vmin.u32 v6, $0x3FF;
	[tilespmem:$0x2458] =	vst v5  }
0x17a: {  	vm9 =	vgt.s32 v11, $0x0;
	v53 =	vmin.u32 v47, $0x3FF;
	v58 =	vmin.u32 v54, $0x3FF;
	[tilespmem:$0x2468] =	vst v6  }
0x17b: {  	v16 =	vnsel vm9, $0x0, v11;
	v0 =	vmin.u32 v46, $0x3FF;
	v3 =	vcvt.f32.s32 v56;
	[tilespmem:$0x2488] =	vst v53  }
0x17c: {  	v1 =	vnsel vm6, $0x0, v50;
	v5 =	vcvt.f32.s32 v59;
	[tilespmem:$0x2498] =	vst v58;
	v4 =	vcvt.f32.s32 v13  }
0x17d: {  	v17 =	vmin.u32 v16, $0x3FF;
	v1 =	vmin.u32 v1, $0x3FF;
	[tilespmem:$0x2478] =	vst v0;
	vm7 =	vgt.s32 v3, $0x0  }
0x17e: {  	[tilespmem:$0x24D8] =	vst v17;
	vm8 =	vgt.s32 v5, $0x0;
	v62 =	vnsel vm7, $0x0, v3;
	v3 =	vcvt.f32.s32 v12  }
0x17f: {  	[tilespmem:$0x24A8] =	vst v1;
	vm11 =	vgt.s32 v4, $0x0;
	v14 =	vnsel vm8, $0x0, v5;
	v0 =	vmin.u32 v62, $0x3FF  }
0x180: {  	v20 =	vnsel vm11, $0x0, v4;
	v15 =	vmin.u32 v14, $0x3FF;
	[tilespmem:$0x24B8] =	vst v0;
	vm10 =	vgt.s32 v3, $0x0  }
0x181: {  	v21 =	vmin.u32 v20, $0x3FF;
	[tilespmem:$0x24C8] =	vst v15;
	v18 =	vnsel vm10, $0x0, v3  }
0x182: {  	[tilespmem:$0x24F8] =	vst v21;
	v19 =	vmin.u32 v18, $0x3FF  }
0x183: {  	s14 =	simm.s32 $0x2408;
	s4 =	simm.s32 $0xA608;
	[tilespmem:$0x24E8] =	vst v19  }
0x184: {  	[tilespmem:s4], [sflag:$0x5] =	stream.indirect.gather [spmem:s2], $0x80, s14, s25, $0xb8;
	[tilespmem:$0x1A608] =	vst v63  }
0x185: {  	s20 =	simm.s32 $0xE608;
	s14 =	simm.s32 $0x2488  }
0x186: {  	[tilespmem:s20], [sflag:$0x5] =	stream.indirect.gather [spmem:s2], $0x80, s14, s25, $0xb8;
	[tilespmem:$0x1A608] =	vst v63  }
0x187: {  	_ =	swait.ge [sflag:s17], $0x4000  }
0x188: {  	[sflag:s17] =	ssyncset.done $0x0  }
0x189: {  	s14 =	sadd.s32 $0xFFFFFE00, s9;
	[sflag:s17] =	ssyncadd.s32 $0xFFFFC000  }
0x18a: {  	s20 =	sand.u32 $0x1FC000, s13;
	s5 =	sand.u32 $0x100, s14;
	_ =	swait.ge [sflag:s17], $0x4000  }
0x18b: {  	s5 =	sor.u32 s20, s5;
	s20 =	rddreg [dreg:$0x17]  }
0x18c: {  	s5 =	sor.u32 s20, s5  }
0x18d: {  	[sflag:s17] =	ssyncset.done $0x0;
	s5 =	sshll.u32 s5, $0x4  }
0x18e: {  	[sflag:s17] =	ssyncadd.s32 $0xFFFFC000;
	s20 =	sadd.s32 s1, s5  }
0x18f: {  	[hbm4b:s20+s3] =	stream.linear.scatter [tilespmem:s7], [sflag:$0x7], $0x4000, $0x38;
	[tilespmem:$0x1A608] =	vst v63  }
0x190: {  	s5 =	sadd.s32 s5, s11  }
0x191: {  	[hbm4b:s5+s3] =	stream.linear.scatter [tilespmem:s22], [sflag:$0x7], $0x4000, $0x38;
	[tilespmem:$0x1A608] =	vst v63  }
0x192: {  	_ =	swait.ge [sflag:s29], $0x4000  }
0x193: {  	[sflag:s29] =	ssyncset.done $0x0  }
0x194: {  	s20 =	sshll.u32 s19, $0x3;
	[sflag:s29] =	ssyncadd.s32 $0xFFFFC000  }
0x195: {  	s7 =	sshll.u32 s19, $0xA;
	s5 =	sand.u32 $0x70, s20;
	_ =	swait.ge [sflag:s29], $0x4000  }
0x196: {  	s14 =	sand.u32 $0x3C000, s7;
	s5 =	sadd.s32 s5, s31;
	[sflag:s29] =	ssyncset.done $0x0  }
0x197: {  	s16 =	simm.s32 $0x2008;
	s5 =	sadd.s32 s14, s5;
	[sflag:s29] =	ssyncadd.s32 $0xFFFFC000  }
0x198: {  	[tilespmem:s16], [sflag:$0x1] =	stream.strided.gather [hbm4b:s5+s25], $0x100, s18, s25, $0x38;
	[tilespmem:$0x1A608] =	vst v63  }
0x199: {  	_ =	swait.ge [sflag:s30], $0x100  }
0x19a: {  	[sflag:s30] =	ssyncset.done $0x0  }
0x19b: {  	[sflag:s30] =	ssyncadd.s32 $0xFFFFFF00  }
0x19c: {  	v22 =	vld [tilespmem:$0x2208]  }
0x19d: {  	v23 =	vld [tilespmem:$0x2218]  }
0x19e: {  	v24 =	vld [tilespmem:$0x2228]  }
0x19f: {  	v25 =	vld [tilespmem:$0x2238]  }
0x1a0: {  	v26 =	vld [tilespmem:$0x2248]  }
0x1a1: {  	v27 =	vld [tilespmem:$0x2258]  }
0x1a2: {  	v28 =	vld [tilespmem:$0x2268]  }
0x1a3: {  	v29 =	vld [tilespmem:$0x2278]  }
0x1a4: {  	v30 =	vld [tilespmem:$0x2288]  }
0x1a5: {  	v31 =	vld [tilespmem:$0x2298]  }
0x1a6: {  	v32 =	vld [tilespmem:$0x22A8]  }
0x1a7: {  	v33 =	vld [tilespmem:$0x22B8]  }
0x1a8: {  	v34 =	vld [tilespmem:$0x22C8];
	v0 =	vmul.f32 $1.024000000e+03, v22  }
0x1a9: {  	v37 =	vld [tilespmem:$0x22D8];
	v1 =	vmul.f32 $1.024000000e+03, v23;
	v2 =	vmul.f32 $1.024000000e+03, v24  }
0x1aa: {  	v40 =	vld [tilespmem:$0x22E8];
	v3 =	vmul.f32 $1.024000000e+03, v25;
	v4 =	vmul.f32 $1.024000000e+03, v26  }
0x1ab: {  	v43 =	vld [tilespmem:$0x22F8];
	v5 =	vmul.f32 $1.024000000e+03, v27;
	v6 =	vmul.f32 $1.024000000e+03, v28  }
0x1ac: {  	v7 =	vmul.f32 $1.024000000e+03, v29;
	v8 =	vmul.f32 $1.024000000e+03, v30  }
0x1ad: {  	v9 =	vmul.f32 $1.024000000e+03, v31;
	v10 =	vmul.f32 $1.024000000e+03, v32  }
0x1ae: {  	v11 =	vmul.f32 $1.024000000e+03, v33;
	v45 =	vmul.f32 $1.024000000e+03, v34  }
0x1af: {  	v50 =	vmul.f32 $1.024000000e+03, v37;
	v51 =	vmul.f32 $1.024000000e+03, v40  }
0x1b0: {  	v53 =	vmul.f32 $1.024000000e+03, v43;
	v0 =	vtrunc.f32 v0  }
0x1b1: {  	v1 =	vtrunc.f32 v1;
	v2 =	vtrunc.f32 v2  }
0x1b2: {  	v3 =	vtrunc.f32 v3;
	v4 =	vtrunc.f32 v4  }
0x1b3: {  	v5 =	vtrunc.f32 v5;
	v6 =	vtrunc.f32 v6  }
0x1b4: {  	v7 =	vtrunc.f32 v7;
	v8 =	vtrunc.f32 v8  }
0x1b5: {  	v9 =	vtrunc.f32 v9;
	v10 =	vtrunc.f32 v10  }
0x1b6: {  	v11 =	vtrunc.f32 v11;
	v49 =	vtrunc.f32 v45  }
0x1b7: {  	v52 =	vtrunc.f32 v50;
	v57 =	vtrunc.f32 v53  }
0x1b8: {  	v0 =	vcvt.f32.s32 v0;
	v1 =	vcvt.f32.s32 v1  }
0x1b9: {  	v2 =	vcvt.f32.s32 v2;
	v3 =	vcvt.f32.s32 v3  }
0x1ba: {  	v4 =	vcvt.f32.s32 v4;
	v5 =	vcvt.f32.s32 v5  }
0x1bb: {  	v6 =	vcvt.f32.s32 v6;
	v7 =	vcvt.f32.s32 v7  }
0x1bc: {  	v8 =	vcvt.f32.s32 v8;
	v9 =	vcvt.f32.s32 v9  }
0x1bd: {  	v10 =	vcvt.f32.s32 v10;
	v36 =	vcvt.f32.s32 v11  }
0x1be: {  	v55 =	vcvt.f32.s32 v52;
	v59 =	vcvt.f32.s32 v57  }
0x1bf: {  	vm12 =	vgt.s32 v0, $0x0;
	vm13 =	vgt.s32 v1, $0x0;
	vm14 =	vgt.s32 v2, $0x0  }
0x1c0: {  	vm15 =	vgt.s32 v3, $0x0;
	vm4 =	vgt.s32 v4, $0x0;
	v0 =	vnsel vm12, $0x0, v0  }
0x1c1: {  	vm5 =	vgt.s32 v5, $0x0;
	v1 =	vnsel vm13, $0x0, v1;
	v0 =	vmin.u32 v0, $0x3FF  }
0x1c2: {  	vm6 =	vgt.s32 v6, $0x0;
	v2 =	vnsel vm14, $0x0, v2;
	v1 =	vmin.u32 v1, $0x3FF;
	[tilespmem:$0x2508] =	vst v0  }
0x1c3: {  	vm7 =	vgt.s32 v7, $0x0;
	v3 =	vnsel vm15, $0x0, v3;
	v38 =	vmin.u32 v2, $0x3FF;
	[tilespmem:$0x2518] =	vst v1  }
0x1c4: {  	vm8 =	vgt.s32 v8, $0x0;
	v4 =	vnsel vm4, $0x0, v4;
	v41 =	vmin.u32 v3, $0x3FF;
	[tilespmem:$0x2528] =	vst v38  }
0x1c5: {  	vm9 =	vgt.s32 v9, $0x0;
	v5 =	vnsel vm5, $0x0, v5;
	v4 =	vmin.u32 v4, $0x3FF;
	[tilespmem:$0x2538] =	vst v41  }
0x1c6: {  	vm10 =	vgt.s32 v10, $0x0;
	v6 =	vnsel vm6, $0x0, v6;
	v46 =	vmin.u32 v5, $0x3FF;
	[tilespmem:$0x2548] =	vst v4  }
0x1c7: {  	vm11 =	vgt.s32 v36, $0x0;
	v7 =	vnsel vm7, $0x0, v7;
	v47 =	vmin.u32 v6, $0x3FF;
	[tilespmem:$0x2558] =	vst v46  }
0x1c8: {  	v35 =	vnsel vm8, $0x0, v8;
	v39 =	vnsel vm9, $0x0, v9;
	v48 =	vmin.u32 v7, $0x3FF;
	[tilespmem:$0x2568] =	vst v47  }
0x1c9: {  	v42 =	vnsel vm10, $0x0, v10;
	v44 =	vnsel vm11, $0x0, v36;
	v2 =	vmin.u32 v39, $0x3FF;
	[tilespmem:$0x2578] =	vst v48  }
0x1ca: {  	vm13 =	vgt.s32 v55, $0x0;
	vm15 =	vgt.s32 v59, $0x0;
	v3 =	vmin.u32 v42, $0x3FF;
	[tilespmem:$0x2598] =	vst v2  }
0x1cb: {  	v54 =	vmin.u32 v44, $0x3FF;
	v5 =	vtrunc.f32 v51;
	v4 =	vcvt.f32.s32 v49;
	[tilespmem:$0x25A8] =	vst v3  }
0x1cc: {  	v0 =	vmin.u32 v35, $0x3FF;
	v56 =	vcvt.f32.s32 v5;
	[tilespmem:$0x25B8] =	vst v54;
	v1 =	vnsel vm13, $0x0, v55  }
0x1cd: {  	v63 =	vnsel vm15, $0x0, v59;
	[tilespmem:$0x2588] =	vst v0;
	v61 =	vmin.u32 v1, $0x3FF;
	vm12 =	vgt.s32 v4, $0x0  }
0x1ce: {  	v0 =	vmin.u32 v63, $0x3FF;
	vm14 =	vgt.s32 v56, $0x0;
	[tilespmem:$0x25D8] =	vst v61;
	v58 =	vnsel vm12, $0x0, v4  }
0x1cf: {  	[tilespmem:$0x25F8] =	vst v0;
	v62 =	vnsel vm14, $0x0, v56;
	v60 =	vmin.u32 v58, $0x3FF  }
0x1d0: {  	v1 =	vmin.u32 v62, $0x3FF;
	[tilespmem:$0x25C8] =	vst v60  }
0x1d1: {  	p1 =	sne.s32 s19, $0x63;
	s22 =	simm.s32 $0x2508;
	[tilespmem:$0x25E8] =	vst v1  }
0x1d2: {  	[tilespmem:s10], [sflag:$0x6] =	stream.indirect.gather [spmem:s2], $0x80, s22, s25, $0xb8;
	[tilespmem:$0x1A608] =	vst v63  }
0x1d3: {  	s15 =	sadd.s32 $0x100, s15;
	s9 =	sadd.s32 $0x300, s9;
	s10 =	simm.s32 $0x2588  }
0x1d4: {  	[tilespmem:s8], [sflag:$0x6] =	stream.indirect.gather [spmem:s2], $0x80, s10, s25, $0xb8;
	[tilespmem:$0x1A608] =	vst v63  }
0x1d5: {  	s14 =	sshll.u32 s28, $0xD;
	s8 =	rddreg [dreg:$0x17];
	_ =	swait.ge [sflag:s24], $0x4000  }
0x1d6: {  	s13 =	sadd.s32 $0x6000, s13;
	s5 =	sand.u32 $0xFFFC000, s14;
	[sflag:s24] =	ssyncset.done $0x0  }
0x1d7: {  	s19 =	sadd.s32 $0x3, s19;
	s5 =	sor.u32 s8, s5;
	[sflag:s24] =	ssyncadd.s32 $0xFFFFC000  }
0x1d8: {  	s20 =	simm.s32 $0x16608;
	s5 =	sor.u32 s21, s5;
	_ =	swait.ge [sflag:s24], $0x4000  }
.Ltmp0:
0x1d9: {  	s5 =	sshll.u32 s5, $0x4;
	[sflag:s24] =	ssyncset.done $0x0;
	(pc) =	sbr.rel @p1 .LBB2_2-.Ltmp0, $4  }
0x1da: {  	s28 =	sadd.s32 s1, s5;
	s5 =	sand.u32 $0x1FFFF000, s5;
	[sflag:s24] =	ssyncadd.s32 $0xFFFFC000  }
0x1db: {  	[hbm4b:s28+s3] =	stream.linear.scatter [tilespmem:s4], [sflag:$0x8], $0x4000, $0x38;
	[tilespmem:$0x1A608] =	vst v63  }
0x1dc: {  	s31 =	simm.s32 $0x12608;
	s21 =	simm.s32 $0xE608;
	s5 =	sadd.s32 s5, s11  }
0x1dd: {  	[hbm4b:s5+s3] =	stream.linear.scatter [tilespmem:s21], [sflag:$0x8], $0x4000, $0x38;
	[tilespmem:$0x1A608] =	vst v63  }
0x1de: {  	_ =	swait.ge [sflag:s12], $0x4000  }
0x1df: {  	[sflag:s12] =	ssyncset.done $0x0  }
0x1e0: {  	[sflag:s12] =	ssyncadd.s32 $0xFFFFC000  }
0x1e1: {  	_ =	swait.ge [sflag:s12], $0x4000  }
0x1e2: {  	[sflag:s12] =	ssyncset.done $0x0  }
0x1e3: {  	s5 =	simm.s32 $0x1;
	[sflag:s12] =	ssyncadd.s32 $0xFFFFC000  }
0x1e4: {  	_ =	swait.ge [sflag:s5], $0x100  }
0x1e5: {  	[sflag:s5] =	ssyncset.done $0x0  }
0x1e6: {  	[sflag:s5] =	ssyncadd.s32 $0xFFFFFF00  }
0x1e7: {  	v0 =	vld [tilespmem:$0x2008]  }
0x1e8: {  	v1 =	vld [tilespmem:$0x2018]  }
0x1e9: {  	v2 =	vld [tilespmem:$0x2028]  }
0x1ea: {  	v3 =	vld [tilespmem:$0x2038]  }
0x1eb: {  	v4 =	vld [tilespmem:$0x2048]  }
0x1ec: {  	v5 =	vld [tilespmem:$0x2058]  }
0x1ed: {  	v6 =	vld [tilespmem:$0x2068]  }
0x1ee: {  	v7 =	vld [tilespmem:$0x2078]  }
0x1ef: {  	v8 =	vld [tilespmem:$0x2088]  }
0x1f0: {  	v9 =	vld [tilespmem:$0x2098]  }
0x1f1: {  	v10 =	vld [tilespmem:$0x20A8]  }
0x1f2: {  	v11 =	vld [tilespmem:$0x20B8]  }
0x1f3: {  	v12 =	vld [tilespmem:$0x20C8];
	v0 =	vmul.f32 $1.024000000e+03, v0  }
0x1f4: {  	v37 =	vld [tilespmem:$0x20D8];
	v1 =	vmul.f32 $1.024000000e+03, v1;
	v2 =	vmul.f32 $1.024000000e+03, v2  }
0x1f5: {  	v40 =	vld [tilespmem:$0x20E8];
	v3 =	vmul.f32 $1.024000000e+03, v3;
	v4 =	vmul.f32 $1.024000000e+03, v4  }
0x1f6: {  	v43 =	vld [tilespmem:$0x20F8];
	v5 =	vmul.f32 $1.024000000e+03, v5;
	v6 =	vmul.f32 $1.024000000e+03, v6  }
0x1f7: {  	v7 =	vmul.f32 $1.024000000e+03, v7;
	v8 =	vmul.f32 $1.024000000e+03, v8  }
0x1f8: {  	v9 =	vmul.f32 $1.024000000e+03, v9;
	v10 =	vmul.f32 $1.024000000e+03, v10  }
0x1f9: {  	v11 =	vmul.f32 $1.024000000e+03, v11;
	v45 =	vmul.f32 $1.024000000e+03, v12  }
0x1fa: {  	v50 =	vmul.f32 $1.024000000e+03, v37;
	v51 =	vmul.f32 $1.024000000e+03, v40  }
0x1fb: {  	v53 =	vmul.f32 $1.024000000e+03, v43;
	v0 =	vtrunc.f32 v0  }
0x1fc: {  	v1 =	vtrunc.f32 v1;
	v2 =	vtrunc.f32 v2  }
0x1fd: {  	v3 =	vtrunc.f32 v3;
	v4 =	vtrunc.f32 v4  }
0x1fe: {  	v5 =	vtrunc.f32 v5;
	v6 =	vtrunc.f32 v6  }
0x1ff: {  	v7 =	vtrunc.f32 v7;
	v8 =	vtrunc.f32 v8  }
0x200: {  	v9 =	vtrunc.f32 v9;
	v10 =	vtrunc.f32 v10  }
0x201: {  	v11 =	vtrunc.f32 v11;
	v49 =	vtrunc.f32 v45  }
0x202: {  	v52 =	vtrunc.f32 v50;
	v57 =	vtrunc.f32 v53  }
0x203: {  	v0 =	vcvt.f32.s32 v0;
	v1 =	vcvt.f32.s32 v1  }
0x204: {  	v2 =	vcvt.f32.s32 v2;
	v3 =	vcvt.f32.s32 v3  }
0x205: {  	v4 =	vcvt.f32.s32 v4;
	v5 =	vcvt.f32.s32 v5  }
0x206: {  	v6 =	vcvt.f32.s32 v6;
	v7 =	vcvt.f32.s32 v7  }
0x207: {  	v8 =	vcvt.f32.s32 v8;
	v9 =	vcvt.f32.s32 v9  }
0x208: {  	v10 =	vcvt.f32.s32 v10;
	v36 =	vcvt.f32.s32 v11  }
0x209: {  	v55 =	vcvt.f32.s32 v52;
	v59 =	vcvt.f32.s32 v57  }
0x20a: {  	vm0 =	vgt.s32 v0, $0x0;
	vm14 =	vgt.s32 v1, $0x0;
	vm15 =	vgt.s32 v2, $0x0  }
0x20b: {  	vm1 =	vgt.s32 v3, $0x0;
	vm4 =	vgt.s32 v4, $0x0;
	v0 =	vnsel vm0, $0x0, v0  }
0x20c: {  	vm5 =	vgt.s32 v5, $0x0;
	v1 =	vnsel vm14, $0x0, v1;
	v0 =	vmin.u32 v0, $0x3FF  }
0x20d: {  	vm6 =	vgt.s32 v6, $0x0;
	v2 =	vnsel vm15, $0x0, v2;
	v1 =	vmin.u32 v1, $0x3FF;
	[tilespmem:$0x2308] =	vst v0  }
0x20e: {  	vm7 =	vgt.s32 v7, $0x0;
	v3 =	vnsel vm1, $0x0, v3;
	v38 =	vmin.u32 v2, $0x3FF;
	[tilespmem:$0x2318] =	vst v1  }
0x20f: {  	vm8 =	vgt.s32 v8, $0x0;
	v4 =	vnsel vm4, $0x0, v4;
	v41 =	vmin.u32 v3, $0x3FF;
	[tilespmem:$0x2328] =	vst v38  }
0x210: {  	vm9 =	vgt.s32 v9, $0x0;
	v5 =	vnsel vm5, $0x0, v5;
	v4 =	vmin.u32 v4, $0x3FF;
	[tilespmem:$0x2338] =	vst v41  }
0x211: {  	vm10 =	vgt.s32 v10, $0x0;
	v6 =	vnsel vm6, $0x0, v6;
	v46 =	vmin.u32 v5, $0x3FF;
	[tilespmem:$0x2348] =	vst v4  }
0x212: {  	vm11 =	vgt.s32 v36, $0x0;
	v7 =	vnsel vm7, $0x0, v7;
	v47 =	vmin.u32 v6, $0x3FF;
	[tilespmem:$0x2358] =	vst v46  }
0x213: {  	vm13 =	vgt.s32 v55, $0x0;
	v39 =	vnsel vm9, $0x0, v9;
	v48 =	vmin.u32 v7, $0x3FF;
	[tilespmem:$0x2368] =	vst v47  }
0x214: {  	v35 =	vnsel vm8, $0x0, v8;
	v42 =	vnsel vm10, $0x0, v10;
	v2 =	vmin.u32 v39, $0x3FF;
	[tilespmem:$0x2378] =	vst v48  }
0x215: {  	v44 =	vnsel vm11, $0x0, v36;
	vm15 =	vgt.s32 v59, $0x0;
	v3 =	vmin.u32 v42, $0x3FF;
	[tilespmem:$0x2398] =	vst v2  }
0x216: {  	v54 =	vmin.u32 v44, $0x3FF;
	v5 =	vtrunc.f32 v51;
	v4 =	vcvt.f32.s32 v49;
	[tilespmem:$0x23A8] =	vst v3  }
0x217: {  	v0 =	vmin.u32 v35, $0x3FF;
	v56 =	vcvt.f32.s32 v5;
	[tilespmem:$0x23B8] =	vst v54;
	v1 =	vnsel vm13, $0x0, v55  }
0x218: {  	v63 =	vnsel vm15, $0x0, v59;
	[tilespmem:$0x2388] =	vst v0;
	v61 =	vmin.u32 v1, $0x3FF;
	vm12 =	vgt.s32 v4, $0x0  }
0x219: {  	v0 =	vmin.u32 v63, $0x3FF;
	vm14 =	vgt.s32 v56, $0x0;
	[tilespmem:$0x23D8] =	vst v61;
	v58 =	vnsel vm12, $0x0, v4  }
0x21a: {  	[tilespmem:$0x23F8] =	vst v0;
	v62 =	vnsel vm14, $0x0, v56;
	v60 =	vmin.u32 v58, $0x3FF  }
0x21b: {  	v1 =	vmin.u32 v62, $0x3FF;
	[tilespmem:$0x23C8] =	vst v60  }
0x21c: {  	s9 =	simm.s32 $0x2308;
	s8 =	simm.s32 $0x2608;
	[tilespmem:$0x23E8] =	vst v1  }
0x21d: {  	[tilespmem:s8], [sflag:$0x4] =	stream.indirect.gather [spmem:s2], $0x80, s9, s25, $0xb8;
	[tilespmem:$0x1A608] =	vst v63  }
0x21e: {  	s10 =	simm.s32 $0x2388;
	s7 =	simm.s32 $0x6608  }
0x21f: {  	[tilespmem:s7], [sflag:$0x4] =	stream.indirect.gather [spmem:s2], $0x80, s10, s25, $0xb8;
	[tilespmem:$0x1A608] =	vst v63  }
0x220: {  	_ =	swait.ge [sflag:s23], $0x4000  }
0x221: {  	[sflag:s23] =	ssyncset.done $0x0  }
0x222: {  	[sflag:s23] =	ssyncadd.s32 $0xFFFFC000  }
0x223: {  	_ =	swait.ge [sflag:s23], $0x4000  }
0x224: {  	[sflag:s23] =	ssyncset.done $0x0  }
0x225: {  	s13 =	rddreg [dreg:$0xf];
	[sflag:s23] =	ssyncadd.s32 $0xFFFFC000  }
0x226: {  	[hbm4b:s13+s3] =	stream.linear.scatter [tilespmem:s31], [sflag:$0x9], $0x4000, $0x38;
	[tilespmem:$0x1A608] =	vst v63  }
0x227: {  	s14 =	rddreg [dreg:$0x10]  }
0x228: {  	[hbm4b:s14+s3] =	stream.linear.scatter [tilespmem:s20], [sflag:$0x9], $0x4000, $0x38;
	[tilespmem:$0x1A608] =	vst v63  }
0x229: {  	_ =	swait.ge [sflag:s6], $0x4000  }
0x22a: {  	[sflag:s6] =	ssyncset.done $0x0  }
0x22b: {  	[sflag:s6] =	ssyncadd.s32 $0xFFFFC000  }
0x22c: {  	_ =	swait.ge [sflag:s6], $0x4000  }
0x22d: {  	[sflag:s6] =	ssyncset.done $0x0  }
0x22e: {  	[sflag:s6] =	ssyncadd.s32 $0xFFFFC000  }
0x22f: {  	_ =	swait.ge [sflag:s17], $0x4000  }
0x230: {  	[sflag:s17] =	ssyncset.done $0x0  }
0x231: {  	[sflag:s17] =	ssyncadd.s32 $0xFFFFC000  }
0x232: {  	_ =	swait.ge [sflag:s17], $0x4000  }
0x233: {  	[sflag:s17] =	ssyncset.done $0x0  }
0x234: {  	s15 =	rddreg [dreg:$0x11];
	[sflag:s17] =	ssyncadd.s32 $0xFFFFC000  }
0x235: {  	[hbm4b:s15+s3] =	stream.linear.scatter [tilespmem:s8], [sflag:$0x7], $0x4000, $0x38;
	[tilespmem:$0x1A608] =	vst v63  }
0x236: {  	s18 =	rddreg [dreg:$0x12]  }
0x237: {  	[hbm4b:s18+s3] =	stream.linear.scatter [tilespmem:s7], [sflag:$0x7], $0x4000, $0x38;
	[tilespmem:$0x1A608] =	vst v63  }
0x238: {  	_ =	swait.ge [sflag:s29], $0x4000  }
0x239: {  	[sflag:s29] =	ssyncset.done $0x0  }
0x23a: {  	[sflag:s29] =	ssyncadd.s32 $0xFFFFC000  }
0x23b: {  	_ =	swait.ge [sflag:s29], $0x4000  }
0x23c: {  	[sflag:s29] =	ssyncset.done $0x0  }
0x23d: {  	[sflag:s29] =	ssyncadd.s32 $0xFFFFC000  }
0x23e: {  	_ =	swait.ge [sflag:s12], $0x4000  }
0x23f: {  	[sflag:s12] =	ssyncset.done $0x0  }
0x240: {  	[sflag:s12] =	ssyncadd.s32 $0xFFFFC000  }
0x241: {  	_ =	swait.ge [sflag:s12], $0x4000  }
0x242: {  	s19 =	rddreg [dreg:$0x16]  }
0x243: {  	s26 =	rddreg [dreg:$0x13];
	s7 =	sadd.s32 $0x1, s19  }
0x244: {  	p1 =	sne.s32 s7, s26  }
.Ltmp1:
0x245: {  	_ = 	snop;
	(pc) =	sbr.rel @p1 .LBB2_1-.Ltmp1, $4  }
0x246: {  	s28 =	simm.s32 $0x2408;
	s4 =	simm.s32 $0x2588;
	s30 =	smov.u32 s0  }
0x247: {  	s10 =	simm.s32 $0x2;
	s14 =	simm.s32 $0x2108;
	s15 =	simm.s32 $0x2208  }
0x248: {  	s8 =	simm.s32 $0x2488;
	s18 =	simm.s32 $0x400;
	[sflag:s12] =	ssyncset.done $0x0  }
0x249: {  	[sflag:s12] =	ssyncadd.s32 $0xFFFFC000;
	s19 =	simm.s32 $0xA608;
	s26 =	simm.s32 $0x3  }
0x24a: {  	_ =	sfence.sel $0x180000  }
0x24b: {  	[bflag:$0x0] =	sbarrier.arrive $0xFFFF  }
0x24c: {  	_ =	strace $0x90000047  }
0x24d: {  	[bflag:$0x2] =	sbarrier.arrive $0xFFFF  }
0x24e: {  	s0 =	rddreg [dreg:$0x4]  }
0x24f: {  	s0 =	sadd.s32 @!p0 $0x100000, s0  }
0x250: {  	[sflag:s0] =	ssyncadd.tile.s32 @!p0 $0x1;
	_ =	shalt  }
.Lfunc_end2:
_tile_overlayer_lowered:
.L_overlay_start_2:
0x251: {  	(tag) =	ssettag $0x2  }
0x252: {  	s0 =	rddreg [dreg:$0x0];
	s2 =	stileid.u32  }
0x253: {  	s1 =	rddreg [dreg:$0x1];
	p0 =	sne.s32 s2, $0x0  }
0x254: {  	s3 =	rddreg [dreg:$0x2];
	[bflag:$0x3] =	sbarrier.arrive $0xFFFF;
	s2 =	simm.s32 @!p0 $0x1C0A  }
0x255: {  	[timem:s3], [sflag:s2] =	dma.local @!p0 [hbm:s0], s1  }
0x256: {  	s0 =	simm.s32 @!p0 $0xA  }
0x257: {  	_ =	swait.ge @!p0 [sflag:s0], s1  }
0x258: {  	s1 =	ssub.s32 @!p0 $0x0, s1;
	[sflag:s0] =	ssyncset.done @!p0 $0x0  }
0x259: {  	[sflag:s0] =	ssyncadd.s32 @!p0 s1  }
0x25a: {  	[bflag:$0x3] =	sbarrier.arrive $0xFFFF  }
0x25b: {  	_ =	shalt  }

</sc_bundles>
